<compile_context>
chip_gen: v7x
topology: tpu7x:2x2x1
jax: 0.10.2.dev20260603
libtpu: 0.0.44.dev20260713+nightly
codegen_flags: <defaults>
</compile_context>

<pallas_src>
import functools

import jax
import jax.numpy as jnp
import numpy as np
from jax import lax
from jax.experimental import pallas as pl
from jax.experimental.pallas import tpu as pltpu
from jax.experimental.pallas import tpu_sc as plsc

_B, _C, _GD, _GH, _GW = 4, 12, 8, 16, 16
_H = _W = 512
_NIN = 3
_NOUT = 3
_NW = 32
_RPW = _H // _NW
_RPC = 8
_GSZ = _C * _GD * _GH * _GW
_ZS = 18
_CS = _GD * _ZS
_TSZ = _C * _CS
_OFF = _TSZ + 1


def _axis_tables(n_pix, n_grid):
    g = (np.arange(n_pix, dtype=np.float64) + 0.5) * n_grid / n_pix
    f = np.floor(g - 0.5)
    i0 = np.clip(f, 0, n_grid - 1).astype(np.int32)
    i1 = np.clip(f + 1, 0, n_grid - 1).astype(np.int32)
    d = (g - (f + 0.5)).astype(np.float32)
    return i0, i1, d


def _make_sc_kernel():
    mesh = plsc.VectorSubcoreMesh(core_axis_name="c", subcore_axis_name="s",
                                  num_cores=2, num_subcores=16)
    chunk_px = _RPC * _W
    n_chunks = _B * (_RPW // _RPC)

    @functools.partial(
        pl.kernel,
        out_type=jax.ShapeDtypeStruct((_B * _NOUT * _H, _W), jnp.float32),
        mesh=mesh,
        compiler_params=pltpu.CompilerParams(needs_layout_passes=False),
        scratch_types=[
            pltpu.VMEM((2 * _GSZ,), jnp.float32),
            pltpu.VMEM((_OFF + _TSZ,), jnp.float32),
            pltpu.VMEM((_RPC, _W), jnp.float32),
            pltpu.VMEM((_NIN, _RPC, _W), jnp.float32),
            pltpu.VMEM((_RPC, _W), jnp.float32),
            pltpu.VMEM((_NIN, _RPC, _W), jnp.float32),
            pltpu.VMEM((_NOUT, _RPC, _W), jnp.float32),
            pltpu.VMEM((_NOUT, _RPC, _W), jnp.float32),
            pltpu.VMEM((_W,), jnp.int32),
            pltpu.VMEM((_W,), jnp.int32),
            pltpu.VMEM((_W,), jnp.float32),
            pltpu.SemaphoreType.DMA,
            pltpu.SemaphoreType.DMA,
            pltpu.SemaphoreType.DMA,
            pltpu.SemaphoreType.DMA,
            pltpu.SemaphoreType.DMA,
        ],
    )
    def sc_apply(grid_hbm, guide_hbm, image_hbm, x0_hbm, x1_hbm, dx_hbm,
                 out_hbm, grid2, t_buf, g_a, i_a, g_b, i_b, o_a, o_b,
                 x0_buf, x1_buf, dx_buf, sem_a, sem_b, sem_g,
                 sem_oa, sem_ob):
        wid = lax.axis_index("s") * 2 + lax.axis_index("c")

        def grid_copy(b, slot):
            return pltpu.make_async_copy(
                grid_hbm.at[b], grid2.at[pl.ds(slot * _GSZ, _GSZ)], sem_g)

        def in_copies(chunk, g_d, i_d, sem):
            b = chunk // 2
            h0 = wid * _RPW + (chunk % 2) * _RPC
            cps = [pltpu.make_async_copy(
                guide_hbm.at[pl.ds(b * _H + h0, _RPC)], g_d, sem)]
            for i in range(_NIN):
                cps.append(pltpu.make_async_copy(
                    image_hbm.at[pl.ds((b * _NIN + i) * _H + h0, _RPC)],
                    i_d.at[i], sem))
            return cps

        def issue(chunk, g_d, i_d, sem):
            for cp in in_copies(chunk, g_d, i_d, sem):
                cp.start()

        def drain(chunk, g_d, i_d, sem):
            for cp in in_copies(chunk, g_d, i_d, sem):
                cp.wait()

        def out_copies(chunk, o_d, sem):
            b = chunk // 2
            h0 = wid * _RPW + (chunk % 2) * _RPC
            return [pltpu.make_async_copy(
                o_d.at[o],
                out_hbm.at[pl.ds((b * _NOUT + o) * _H + h0, _RPC)], sem)
                for o in range(_NOUT)]

        def compute(chunk, g_buf, i_buf, o_buf, sem_o, p):
            b = chunk // 2
            h0 = wid * _RPW + (chunk % 2) * _RPC

            @pl.when(chunk >= 2)
            def _():
                for cp in out_copies(chunk - 2, o_buf, sem_o):
                    cp.wait()
            for r in range(_RPC):
                h = h0 + r
                fy = lax.shift_right_arithmetic(h - _GH, 5)
                y0 = jnp.clip(fy, 0, _GH - 1)
                y1 = jnp.clip(fy + 1, 0, _GH - 1)
                hf = jnp.full((16,), h, dtype=jnp.int32).astype(jnp.float32)
                fyf = jnp.full((16,), fy, dtype=jnp.int32).astype(jnp.float32)
                dyv = (hf + np.float32(0.5)) * np.float32(1.0 / 32.0) \
                    - np.float32(0.5) - fyf

                def t_body(c, c2):
                    tb = c * _CS
                    s0 = p * _GSZ + c * (_GD * _GH * _GW) + y0 * _GW
                    s1 = p * _GSZ + c * (_GD * _GH * _GW) + y1 * _GW
                    g0s = [grid2[pl.ds(s0 + z * (_GH * _GW), 16)]
                           for z in range(_GD)]
                    g1s = [grid2[pl.ds(s1 + z * (_GH * _GW), 16)]
                           for z in range(_GD)]
                    for z in range(_GD):
                        tv = g0s[z] + dyv * (g1s[z] - g0s[z])
                        t_buf[pl.ds(tb + z * _ZS, 16)] = tv
                        t_buf[pl.ds(_OFF + tb + z * _ZS, 16)] = tv
                    return c2

                lax.fori_loop(0, _C, t_body, 0)

                @functools.partial(plsc.parallel_loop, 0, _W // 16)
                def vec_body(v, r=r):
                    g = g_buf[r, pl.ds(v * 16, 16)]
                    tz = g * np.float32(_GD) + np.float32(_GD - 0.5)
                    fzi = tz.astype(jnp.int32)
                    dz = tz - fzi.astype(jnp.float32)
                    z0 = jnp.clip(fzi - _GD, 0, _GD - 1) * _ZS
                    z1 = jnp.clip(fzi - (_GD - 1), 0, _GD - 1) * _ZS
                    x0 = x0_buf[pl.ds(v * 16, 16)]
                    x1 = x1_buf[pl.ds(v * 16, 16)]
                    dxv = dx_buf[pl.ds(v * 16, 16)]
                    i00 = x0 + z0
                    i01 = x1 + z0
                    i10 = x0 + z1
                    i11 = x1 + z1
                    ims = [i_buf[i, r, pl.ds(v * 16, 16)]
                           for i in range(_NIN)]
                    for o in range(_NOUT):
                        acc = None
                        for j in range(_NIN + 1):
                            cb = (o * (_NIN + 1) + j) * _CS
                            a00 = plsc.load_gather(t_buf, [i00 + cb])
                            a01 = plsc.load_gather(t_buf, [i01 + cb])
                            a10 = plsc.load_gather(t_buf, [i10 + cb])
                            a11 = plsc.load_gather(t_buf, [i11 + cb])
                            a0 = a00 + dxv * (a01 - a00)
                            a1 = a10 + dxv * (a11 - a10)
                            cf = a0 + dz * (a1 - a0)
                            term = cf * ims[j] if j < _NIN else cf
                            acc = term if acc is None else acc + term
                        o_buf[o, r, pl.ds(v * 16, 16)] = acc

            for cp in out_copies(chunk, o_buf, sem_o):
                cp.start()

        pltpu.sync_copy(x0_hbm, x0_buf)
        pltpu.sync_copy(x1_hbm, x1_buf)
        pltpu.sync_copy(dx_hbm, dx_buf)
        grid_copy(0, 0).start()
        issue(0, g_a, i_a, sem_a)

        def outer(gi, carry):
            c0 = gi * 2
            c1 = c0 + 1
            p = lax.rem(gi, 2)
            issue(c1, g_b, i_b, sem_b)
            grid_copy(gi, p).wait()

            @pl.when(gi + 1 < _B)
            def _():
                grid_copy(gi + 1, 1 - p).start()

            drain(c0, g_a, i_a, sem_a)
            compute(c0, g_a, i_a, o_a, sem_oa, p)

            @pl.when(c0 + 2 < n_chunks)
            def _():
                issue(c0 + 2, g_a, i_a, sem_a)

            drain(c1, g_b, i_b, sem_b)
            compute(c1, g_b, i_b, o_b, sem_ob, p)
            return carry

        lax.fori_loop(0, n_chunks // 2, outer, 0)
        for cp in out_copies(n_chunks - 2, o_a, sem_oa):
            cp.wait()
        for cp in out_copies(n_chunks - 1, o_b, sem_ob):
            cp.wait()

    return sc_apply


_SC_APPLY = functools.lru_cache(maxsize=None)(_make_sc_kernel)
_X0, _X1, _DX = _axis_tables(_W, _GW)


@jax.jit
def kernel(grid, guide, image):
    par = (np.arange(_W, dtype=np.int32) % 2) * _OFF
    out = _SC_APPLY()(
        grid.reshape(_B, _GSZ),
        guide.reshape(_B * _H, _W),
        image.reshape(_B * _NIN * _H, _W),
        jnp.asarray(_X0 + par), jnp.asarray(_X1 + par), jnp.asarray(_DX),
    )
    return out.reshape(_B, _NOUT, _H, _W)

# --- scband reference (transcript-rebuilt; emitter-appended) ---
"""Pipeline reference for scband-bilateral-slice-apply-75110388072939 (READ-ONLY COPY).

The authoritative reference and input builder live on the scoring server;
editing this copy changes nothing except your own understanding.
"""

import jax, jax.numpy as jnp
import numpy as np


def setup_inputs(seed: int = 0) -> dict:
    key = jax.random.key(seed)
    k1, k2, k3 = jax.random.split(key, 3)
    grid = jax.random.normal(k1, (4, 12, 8, 16, 16), dtype=jnp.float32)
    guide = jax.random.uniform(k2, (4, 512, 512), dtype=jnp.float32)
    image = jax.random.uniform(k3, (4, 3, 512, 512), dtype=jnp.float32)
    return {"grid": grid, "guide": guide, "image": image}


def _bilateral_slice_apply(grid, guide, image):
    # grid:  [B, C, gd, gh, gw] with C = (n_in+1)*n_out packed coeffs
    # guide: [B, H, W] in [0,1]
    # image: [B, n_in, H, W]
    B, C, gd, gh, gw = grid.shape
    _, n_in, H, W = image.shape
    cs = n_in + 1
    n_out = C // cs

    gx = (jnp.arange(W, dtype=jnp.float32) + 0.5) * gw / W   # [W]
    gy = (jnp.arange(H, dtype=jnp.float32) + 0.5) * gh / H   # [H]
    gz = guide * gd                                          # [B,H,W]

    fx = jnp.floor(gx - 0.5)
    fy = jnp.floor(gy - 0.5)
    fz = jnp.floor(gz - 0.5)

    def cl(v, n):
        return jnp.clip(v, 0, n - 1).astype(jnp.int32)

    xs = [(cl(fx, gw), jnp.maximum(1.0 - jnp.abs(fx + 0.5 - gx), 0.0)),
          (cl(fx + 1.0, gw), jnp.maximum(1.0 - jnp.abs(fx + 1.5 - gx), 0.0))]
    ys = [(cl(fy, gh), jnp.maximum(1.0 - jnp.abs(fy + 0.5 - gy), 0.0)),
          (cl(fy + 1.0, gh), jnp.maximum(1.0 - jnp.abs(fy + 1.5 - gy), 0.0))]
    zs = [(cl(fz, gd), jnp.maximum(1.0 - jnp.abs(fz + 0.5 - gz), 0.0)),
          (cl(fz + 1.0, gd), jnp.maximum(1.0 - jnp.abs(fz + 1.5 - gz), 0.0))]

    def gat(g_b, z, y, x):
        # g_b: [C, gd, gh, gw], z/y/x: [H, W] -> [C, H, W]
        return g_b[:, z, y, x]

    coeff = jnp.zeros((B, C, H, W), dtype=grid.dtype)
    for z_i, wz in zs:
        for y_i, wy in ys:
            for x_i, wx in xs:
                Z = z_i                                                  # [B,H,W]
                Y = jnp.broadcast_to(y_i[None, :, None], (B, H, W))
                X = jnp.broadcast_to(x_i[None, None, :], (B, H, W))
                g = jax.vmap(gat)(grid, Z, Y, X)                         # [B,C,H,W]
                w = wz * wy[None, :, None] * wx[None, None, :]           # [B,H,W]
                coeff = coeff + g * w[:, None, :, :]

    coeff = coeff.reshape(B, n_out, cs, H, W)
    out = jnp.einsum('boihw,bihw->bohw', coeff[:, :, :n_in], image) + coeff[:, :, n_in]
    return out


def reference(grid, guide, image):
    return _bilateral_slice_apply(grid, guide, image)

if __name__ == "__main__":
    import jax
    _d = setup_inputs()
    print(jax.jit(kernel)(*tuple(_d.values())))

</pallas_src>

<mosaic_0001>
#map = affine_map<(d0, d1) -> (0, 0)>
#map1 = affine_map<(d0, d1) -> (0)>
module attributes {stable_mosaic.version = 14 : i64} {
  func.func @sc_apply(%arg0: i32, %arg1: i32, %arg2: memref<4x24576xf32, #tpu.memory_space<hbm>>, %arg3: memref<2048x512xf32, #tpu.memory_space<hbm>>, %arg4: memref<6144x512xf32, #tpu.memory_space<hbm>>, %arg5: memref<512xi32, #tpu.memory_space<hbm>>, %arg6: memref<512xi32, #tpu.memory_space<hbm>>, %arg7: memref<512xf32, #tpu.memory_space<hbm>>, %arg8: memref<6144x512xf32, #tpu.memory_space<hbm>>, %arg9: memref<49152xf32, #tpu.memory_space<vmem>>, %arg10: memref<3457xf32, #tpu.memory_space<vmem>>, %arg11: memref<8x512xf32, #tpu.memory_space<vmem>>, %arg12: memref<3x8x512xf32, #tpu.memory_space<vmem>>, %arg13: memref<8x512xf32, #tpu.memory_space<vmem>>, %arg14: memref<3x8x512xf32, #tpu.memory_space<vmem>>, %arg15: memref<3x8x512xf32, #tpu.memory_space<vmem>>, %arg16: memref<3x8x512xf32, #tpu.memory_space<vmem>>, %arg17: memref<512xi32, #tpu.memory_space<vmem>>, %arg18: memref<512xi32, #tpu.memory_space<vmem>>, %arg19: memref<512xf32, #tpu.memory_space<vmem>>, %arg20: memref<!tpu.dma_semaphore, #tpu.memory_space<semaphore_mem>>, %arg21: memref<!tpu.dma_semaphore, #tpu.memory_space<semaphore_mem>>, %arg22: memref<!tpu.dma_semaphore, #tpu.memory_space<semaphore_mem>>, %arg23: memref<!tpu.dma_semaphore, #tpu.memory_space<semaphore_mem>>, %arg24: memref<!tpu.dma_semaphore, #tpu.memory_space<semaphore_mem>>) attributes {dimension_semantics = [#tpu.dimension_semantics<core_parallel>, #tpu.dimension_semantics<subcore_parallel>], iteration_bounds = array<i64: 2, 16>, scalar_prefetch = 0 : i64, scratch_operands = 16 : i64, tpu.core_type = #tpu.core_type<sc_vector_subcore>, window_params = [{transform_indices = #map}, {transform_indices = #map}, {transform_indices = #map}, {transform_indices = #map1}, {transform_indices = #map1}, {transform_indices = #map1}, {transform_indices = #map}]} {
    %mul3A = arith.constant 2 : i32
    %mul3A_0 = arith.muli %arg1, %mul3A : i32
    %add3A = arith.addi %mul3A_0, %arg0 : i32
    "tpu.region"() ({
      %run_scoped3A = tpu.sem_alloc : memref<!tpu.dma_semaphore, #tpu.memory_space<semaphore_mem>>
      tpu.enqueue_dma source(%arg5 : memref<512xi32, #tpu.memory_space<hbm>>) target(%arg17 : memref<512xi32, #tpu.memory_space<vmem>>) target_semaphore(%run_scoped3A : memref<!tpu.dma_semaphore, #tpu.memory_space<semaphore_mem>>)
      tpu.wait_dma2 semaphore(%run_scoped3A : memref<!tpu.dma_semaphore, #tpu.memory_space<semaphore_mem>>) src(%arg5 : memref<512xi32, #tpu.memory_space<hbm>>) dst(%arg17 : memref<512xi32, #tpu.memory_space<vmem>>)
      tpu.yield
    }) : () -> ()
    "tpu.region"() ({
      %run_scoped3A = tpu.sem_alloc : memref<!tpu.dma_semaphore, #tpu.memory_space<semaphore_mem>>
      tpu.enqueue_dma source(%arg6 : memref<512xi32, #tpu.memory_space<hbm>>) target(%arg18 : memref<512xi32, #tpu.memory_space<vmem>>) target_semaphore(%run_scoped3A : memref<!tpu.dma_semaphore, #tpu.memory_space<semaphore_mem>>)
      tpu.wait_dma2 semaphore(%run_scoped3A : memref<!tpu.dma_semaphore, #tpu.memory_space<semaphore_mem>>) src(%arg6 : memref<512xi32, #tpu.memory_space<hbm>>) dst(%arg18 : memref<512xi32, #tpu.memory_space<vmem>>)
      tpu.yield
    }) : () -> ()
    "tpu.region"() ({
      %run_scoped3A = tpu.sem_alloc : memref<!tpu.dma_semaphore, #tpu.memory_space<semaphore_mem>>
      tpu.enqueue_dma source(%arg7 : memref<512xf32, #tpu.memory_space<hbm>>) target(%arg19 : memref<512xf32, #tpu.memory_space<vmem>>) target_semaphore(%run_scoped3A : memref<!tpu.dma_semaphore, #tpu.memory_space<semaphore_mem>>)
      tpu.wait_dma2 semaphore(%run_scoped3A : memref<!tpu.dma_semaphore, #tpu.memory_space<semaphore_mem>>) src(%arg7 : memref<512xf32, #tpu.memory_space<hbm>>) dst(%arg19 : memref<512xf32, #tpu.memory_space<vmem>>)
      tpu.yield
    }) : () -> ()
    %dma_start3A = arith.constant 0 : i32
    %dma_start3A_1 = arith.constant 0 : i32
    %dma_start3A_2 = tpu.memref_slice %arg9[%dma_start3A_1] : memref<49152xf32, #tpu.memory_space<vmem>> -> memref<24576xf32, #tpu.memory_space<vmem>>
    %dma_start3A_3 = arith.constant 0 : i32
    %dma_start3A_4 = tpu.memref_slice %arg2[%dma_start3A, %dma_start3A_3] : memref<4x24576xf32, #tpu.memory_space<hbm>> -> memref<1x24576xf32, #tpu.memory_space<hbm>>
    %dma_start3A_5 = tpu.memref_squeeze %dma_start3A_4 : memref<1x24576xf32, #tpu.memory_space<hbm>> -> memref<24576xf32, #tpu.memory_space<hbm>>
    %dma_start3A_6 = arith.constant 0 : i32
    %dma_start3A_7 = tpu.memref_slice %arg9[%dma_start3A_6] : memref<49152xf32, #tpu.memory_space<vmem>> -> memref<24576xf32, #tpu.memory_space<vmem>>
    %dma_start3A_8 = arith.constant 0 : i32
    %dma_start3A_9 = tpu.memref_slice %arg2[%dma_start3A, %dma_start3A_8] : memref<4x24576xf32, #tpu.memory_space<hbm>> -> memref<1x24576xf32, #tpu.memory_space<hbm>>
    %dma_start3A_10 = tpu.memref_squeeze %dma_start3A_9 : memref<1x24576xf32, #tpu.memory_space<hbm>> -> memref<24576xf32, #tpu.memory_space<hbm>>
    tpu.enqueue_dma source(%dma_start3A_10 : memref<24576xf32, #tpu.memory_space<hbm>>) target(%dma_start3A_7 : memref<24576xf32, #tpu.memory_space<vmem>>) target_semaphore(%arg22 : memref<!tpu.dma_semaphore, #tpu.memory_space<semaphore_mem>>)
    %mul3A_11 = arith.constant 16 : i32
    %mul3A_12 = arith.muli %add3A, %mul3A_11 : i32
    %add3A_13 = arith.constant 0 : i32
    %add3A_14 = arith.addi %mul3A_12, %add3A_13 : i32
    %add3A_15 = arith.constant 0 : i32
    %add3A_16 = arith.addi %add3A_15, %add3A_14 : i32
    %add3A_17 = arith.constant 0 : i32
    %add3A_18 = arith.addi %add3A_17, %add3A_14 : i32
    %add3A_19 = arith.constant 512 : i32
    %add3A_20 = arith.addi %add3A_19, %add3A_14 : i32
    %add3A_21 = arith.constant 1024 : i32
    %add3A_22 = arith.addi %add3A_21, %add3A_14 : i32
    %dma_start3A_23 = arith.constant 0 : i32
    %dma_start3A_24 = tpu.memref_slice %arg3[%add3A_16, %dma_start3A_23] : memref<2048x512xf32, #tpu.memory_space<hbm>> -> memref<8x512xf32, #tpu.memory_space<hbm>>
    %dma_start3A_25 = arith.constant 0 : i32
    %dma_start3A_26 = tpu.memref_slice %arg3[%add3A_16, %dma_start3A_25] : memref<2048x512xf32, #tpu.memory_space<hbm>> -> memref<8x512xf32, #tpu.memory_space<hbm>>
    tpu.enqueue_dma source(%dma_start3A_26 : memref<8x512xf32, #tpu.memory_space<hbm>>) target(%arg11 : memref<8x512xf32, #tpu.memory_space<vmem>>) target_semaphore(%arg20 : memref<!tpu.dma_semaphore, #tpu.memory_space<semaphore_mem>>)
    %dma_start3A_27 = arith.constant 0 : i32
    %dma_start3A_28 = arith.constant 0 : i32
    %dma_start3A_29 = arith.constant 0 : i32
    %dma_start3A_30 = tpu.memref_slice %arg12[%dma_start3A_27, %dma_start3A_28, %dma_start3A_29] : memref<3x8x512xf32, #tpu.memory_space<vmem>> -> memref<1x8x512xf32, #tpu.memory_space<vmem>>
    %dma_start3A_31 = tpu.memref_squeeze %dma_start3A_30 : memref<1x8x512xf32, #tpu.memory_space<vmem>> -> memref<8x512xf32, #tpu.memory_space<vmem>>
    %dma_start3A_32 = arith.constant 0 : i32
    %dma_start3A_33 = tpu.memref_slice %arg4[%add3A_18, %dma_start3A_32] : memref<6144x512xf32, #tpu.memory_space<hbm>> -> memref<8x512xf32, #tpu.memory_space<hbm>>
    %dma_start3A_34 = arith.constant 0 : i32
    %dma_start3A_35 = arith.constant 0 : i32
    %dma_start3A_36 = tpu.memref_slice %arg12[%dma_start3A_27, %dma_start3A_34, %dma_start3A_35] : memref<3x8x512xf32, #tpu.memory_space<vmem>> -> memref<1x8x512xf32, #tpu.memory_space<vmem>>
    %dma_start3A_37 = tpu.memref_squeeze %dma_start3A_36 : memref<1x8x512xf32, #tpu.memory_space<vmem>> -> memref<8x512xf32, #tpu.memory_space<vmem>>
    %dma_start3A_38 = arith.constant 0 : i32
    %dma_start3A_39 = tpu.memref_slice %arg4[%add3A_18, %dma_start3A_38] : memref<6144x512xf32, #tpu.memory_space<hbm>> -> memref<8x512xf32, #tpu.memory_space<hbm>>
    tpu.enqueue_dma source(%dma_start3A_39 : memref<8x512xf32, #tpu.memory_space<hbm>>) target(%dma_start3A_37 : memref<8x512xf32, #tpu.memory_space<vmem>>) target_semaphore(%arg20 : memref<!tpu.dma_semaphore, #tpu.memory_space<semaphore_mem>>)
    %dma_start3A_40 = arith.constant 1 : i32
    %dma_start3A_41 = arith.constant 0 : i32
    %dma_start3A_42 = arith.constant 0 : i32
    %dma_start3A_43 = tpu.memref_slice %arg12[%dma_start3A_40, %dma_start3A_41, %dma_start3A_42] : memref<3x8x512xf32, #tpu.memory_space<vmem>> -> memref<1x8x512xf32, #tpu.memory_space<vmem>>
    %dma_start3A_44 = tpu.memref_squeeze %dma_start3A_43 : memref<1x8x512xf32, #tpu.memory_space<vmem>> -> memref<8x512xf32, #tpu.memory_space<vmem>>
    %dma_start3A_45 = arith.constant 0 : i32
    %dma_start3A_46 = tpu.memref_slice %arg4[%add3A_20, %dma_start3A_45] : memref<6144x512xf32, #tpu.memory_space<hbm>> -> memref<8x512xf32, #tpu.memory_space<hbm>>
    %dma_start3A_47 = arith.constant 0 : i32
    %dma_start3A_48 = arith.constant 0 : i32
    %dma_start3A_49 = tpu.memref_slice %arg12[%dma_start3A_40, %dma_start3A_47, %dma_start3A_48] : memref<3x8x512xf32, #tpu.memory_space<vmem>> -> memref<1x8x512xf32, #tpu.memory_space<vmem>>
    %dma_start3A_50 = tpu.memref_squeeze %dma_start3A_49 : memref<1x8x512xf32, #tpu.memory_space<vmem>> -> memref<8x512xf32, #tpu.memory_space<vmem>>
    %dma_start3A_51 = arith.constant 0 : i32
    %dma_start3A_52 = tpu.memref_slice %arg4[%add3A_20, %dma_start3A_51] : memref<6144x512xf32, #tpu.memory_space<hbm>> -> memref<8x512xf32, #tpu.memory_space<hbm>>
    tpu.enqueue_dma source(%dma_start3A_52 : memref<8x512xf32, #tpu.memory_space<hbm>>) target(%dma_start3A_50 : memref<8x512xf32, #tpu.memory_space<vmem>>) target_semaphore(%arg20 : memref<!tpu.dma_semaphore, #tpu.memory_space<semaphore_mem>>)
    %dma_start3A_53 = arith.constant 2 : i32
    %dma_start3A_54 = arith.constant 0 : i32
    %dma_start3A_55 = arith.constant 0 : i32
    %dma_start3A_56 = tpu.memref_slice %arg12[%dma_start3A_53, %dma_start3A_54, %dma_start3A_55] : memref<3x8x512xf32, #tpu.memory_space<vmem>> -> memref<1x8x512xf32, #tpu.memory_space<vmem>>
    %dma_start3A_57 = tpu.memref_squeeze %dma_start3A_56 : memref<1x8x512xf32, #tpu.memory_space<vmem>> -> memref<8x512xf32, #tpu.memory_space<vmem>>
    %dma_start3A_58 = arith.constant 0 : i32
    %dma_start3A_59 = tpu.memref_slice %arg4[%add3A_22, %dma_start3A_58] : memref<6144x512xf32, #tpu.memory_space<hbm>> -> memref<8x512xf32, #tpu.memory_space<hbm>>
    %dma_start3A_60 = arith.constant 0 : i32
    %dma_start3A_61 = arith.constant 0 : i32
    %dma_start3A_62 = tpu.memref_slice %arg12[%dma_start3A_53, %dma_start3A_60, %dma_start3A_61] : memref<3x8x512xf32, #tpu.memory_space<vmem>> -> memref<1x8x512xf32, #tpu.memory_space<vmem>>
    %dma_start3A_63 = tpu.memref_squeeze %dma_start3A_62 : memref<1x8x512xf32, #tpu.memory_space<vmem>> -> memref<8x512xf32, #tpu.memory_space<vmem>>
    %dma_start3A_64 = arith.constant 0 : i32
    %dma_start3A_65 = tpu.memref_slice %arg4[%add3A_22, %dma_start3A_64] : memref<6144x512xf32, #tpu.memory_space<hbm>> -> memref<8x512xf32, #tpu.memory_space<hbm>>
    tpu.enqueue_dma source(%dma_start3A_65 : memref<8x512xf32, #tpu.memory_space<hbm>>) target(%dma_start3A_63 : memref<8x512xf32, #tpu.memory_space<vmem>>) target_semaphore(%arg20 : memref<!tpu.dma_semaphore, #tpu.memory_space<semaphore_mem>>)
    %scan3A = arith.constant 0 : i32
    %scan3A_66 = arith.constant 0 : i32
    %scan3A_67 = arith.constant 4 : i32
    %scan3A_68 = arith.addi %scan3A_66, %scan3A_67 : i32
    %scan3A_69 = arith.constant 1 : i32
    scf.for %scan3A_168 = %scan3A_66 to %scan3A_68 step %scan3A_69  : i32 {
      %mul3A_169 = arith.constant 2 : i32
      %mul3A_170 = arith.muli %scan3A_168, %mul3A_169 : i32
      %add3A_171 = arith.constant 1 : i32
      %add3A_172 = arith.addi %mul3A_170, %add3A_171 : i32
      %rem3A = arith.constant 2 : i32
      %rem3A_173 = arith.remsi %scan3A_168, %rem3A : i32
      %jit3A = arith.constant 2 : i32
      %div3A = arith.divsi %add3A_172, %jit3A : i32
      %sign3A = arith.constant 0 : i32
      %sign3A_174 = arith.cmpi sgt, %add3A_172, %sign3A : i32
      %sign3A_175 = arith.extui %sign3A_174 : i1 to i32
      %sign3A_176 = arith.constant 0 : i32
      %sign3A_177 = arith.cmpi slt, %add3A_172, %sign3A_176 : i32
      %sign3A_178 = arith.extui %sign3A_177 : i1 to i32
      %sign3A_179 = arith.subi %sign3A_175, %sign3A_178 : i32
      %sign3A_180 = arith.constant 0 : i32
      %sign3A_181 = arith.cmpi sgt, %jit3A, %sign3A_180 : i32
      %sign3A_182 = arith.extui %sign3A_181 : i1 to i32
      %sign3A_183 = arith.constant 0 : i32
      %sign3A_184 = arith.cmpi slt, %jit3A, %sign3A_183 : i32
      %sign3A_185 = arith.extui %sign3A_184 : i1 to i32
      %sign3A_186 = arith.subi %sign3A_182, %sign3A_185 : i32
      %ne3A = arith.cmpi ne, %sign3A_179, %sign3A_186 : i32
      %rem3A_187 = arith.remsi %add3A_172, %jit3A : i32
      %ne3A_188 = arith.constant 0 : i32
      %ne3A_189 = arith.cmpi ne, %rem3A_187, %ne3A_188 : i32
      %and3A = arith.andi %ne3A, %ne3A_189 : i1
      %sub3A = arith.constant 1 : i32
      %sub3A_190 = arith.subi %div3A, %sub3A : i32
      %select_n3A = arith.select %and3A, %sub3A_190, %div3A : i32
      %mul3A_191 = arith.constant 16 : i32
      %mul3A_192 = arith.muli %add3A, %mul3A_191 : i32
      %jit3A_193 = arith.constant 2 : i32
      %eq3A = arith.constant 0 : i32
      %eq3A_194 = arith.cmpi eq, %jit3A_193, %eq3A : i32
      %jit3A_195 = arith.constant 1 : i32
      %select_n3A_196 = arith.select %eq3A_194, %jit3A_195, %jit3A_193 : i32
      %rem3A_197 = arith.remsi %add3A_172, %select_n3A_196 : i32
      %ne3A_198 = arith.constant 0 : i32
      %ne3A_199 = arith.cmpi ne, %rem3A_197, %ne3A_198 : i32
      %lt3A = arith.constant 0 : i32
      %lt3A_200 = arith.cmpi slt, %rem3A_197, %lt3A : i32
      %lt3A_201 = arith.constant 0 : i32
      %lt3A_202 = arith.cmpi slt, %select_n3A_196, %lt3A_201 : i32
      %ne3A_203 = arith.xori %lt3A_200, %lt3A_202 : i1
      %and3A_204 = arith.andi %ne3A_203, %ne3A_199 : i1
      %add3A_205 = arith.addi %rem3A_197, %select_n3A_196 : i32
      %select_n3A_206 = arith.select %and3A_204, %add3A_205, %rem3A_197 : i32
      %mul3A_207 = arith.constant 8 : i32
      %mul3A_208 = arith.muli %select_n3A_206, %mul3A_207 : i32
      %add3A_209 = arith.addi %mul3A_192, %mul3A_208 : i32
      %mul3A_210 = arith.constant 512 : i32
      %mul3A_211 = arith.muli %select_n3A, %mul3A_210 : i32
      %add3A_212 = arith.addi %mul3A_211, %add3A_209 : i32
      %mul3A_213 = arith.constant 3 : i32
      %mul3A_214 = arith.muli %select_n3A, %mul3A_213 : i32
      %add3A_215 = arith.constant 0 : i32
      %add3A_216 = arith.addi %mul3A_214, %add3A_215 : i32
      %mul3A_217 = arith.constant 512 : i32
      %mul3A_218 = arith.muli %add3A_216, %mul3A_217 : i32
      %add3A_219 = arith.addi %mul3A_218, %add3A_209 : i32
      %mul3A_220 = arith.constant 3 : i32
      %mul3A_221 = arith.muli %select_n3A, %mul3A_220 : i32
      %add3A_222 = arith.constant 1 : i32
      %add3A_223 = arith.addi %mul3A_221, %add3A_222 : i32
      %mul3A_224 = arith.constant 512 : i32
      %mul3A_225 = arith.muli %add3A_223, %mul3A_224 : i32
      %add3A_226 = arith.addi %mul3A_225, %add3A_209 : i32
      %mul3A_227 = arith.constant 3 : i32
      %mul3A_228 = arith.muli %select_n3A, %mul3A_227 : i32
      %add3A_229 = arith.constant 2 : i32
      %add3A_230 = arith.addi %mul3A_228, %add3A_229 : i32
      %mul3A_231 = arith.constant 512 : i32
      %mul3A_232 = arith.muli %add3A_230, %mul3A_231 : i32
      %add3A_233 = arith.addi %mul3A_232, %add3A_209 : i32
      %dma_start3A_234 = arith.constant 0 : i32
      %dma_start3A_235 = tpu.memref_slice %arg3[%add3A_212, %dma_start3A_234] : memref<2048x512xf32, #tpu.memory_space<hbm>> -> memref<8x512xf32, #tpu.memory_space<hbm>>
      %dma_start3A_236 = arith.constant 0 : i32
      %dma_start3A_237 = tpu.memref_slice %arg3[%add3A_212, %dma_start3A_236] : memref<2048x512xf32, #tpu.memory_space<hbm>> -> memref<8x512xf32, #tpu.memory_space<hbm>>
      tpu.enqueue_dma source(%dma_start3A_237 : memref<8x512xf32, #tpu.memory_space<hbm>>) target(%arg13 : memref<8x512xf32, #tpu.memory_space<vmem>>) target_semaphore(%arg21 : memref<!tpu.dma_semaphore, #tpu.memory_space<semaphore_mem>>)
      %dma_start3A_238 = arith.constant 0 : i32
      %dma_start3A_239 = arith.constant 0 : i32
      %dma_start3A_240 = arith.constant 0 : i32
      %dma_start3A_241 = tpu.memref_slice %arg14[%dma_start3A_238, %dma_start3A_239, %dma_start3A_240] : memref<3x8x512xf32, #tpu.memory_space<vmem>> -> memref<1x8x512xf32, #tpu.memory_space<vmem>>
      %dma_start3A_242 = tpu.memref_squeeze %dma_start3A_241 : memref<1x8x512xf32, #tpu.memory_space<vmem>> -> memref<8x512xf32, #tpu.memory_space<vmem>>
      %dma_start3A_243 = arith.constant 0 : i32
      %dma_start3A_244 = tpu.memref_slice %arg4[%add3A_219, %dma_start3A_243] : memref<6144x512xf32, #tpu.memory_space<hbm>> -> memref<8x512xf32, #tpu.memory_space<hbm>>
      %dma_start3A_245 = arith.constant 0 : i32
      %dma_start3A_246 = arith.constant 0 : i32
      %dma_start3A_247 = tpu.memref_slice %arg14[%dma_start3A_238, %dma_start3A_245, %dma_start3A_246] : memref<3x8x512xf32, #tpu.memory_space<vmem>> -> memref<1x8x512xf32, #tpu.memory_space<vmem>>
      %dma_start3A_248 = tpu.memref_squeeze %dma_start3A_247 : memref<1x8x512xf32, #tpu.memory_space<vmem>> -> memref<8x512xf32, #tpu.memory_space<vmem>>
      %dma_start3A_249 = arith.constant 0 : i32
      %dma_start3A_250 = tpu.memref_slice %arg4[%add3A_219, %dma_start3A_249] : memref<6144x512xf32, #tpu.memory_space<hbm>> -> memref<8x512xf32, #tpu.memory_space<hbm>>
      tpu.enqueue_dma source(%dma_start3A_250 : memref<8x512xf32, #tpu.memory_space<hbm>>) target(%dma_start3A_248 : memref<8x512xf32, #tpu.memory_space<vmem>>) target_semaphore(%arg21 : memref<!tpu.dma_semaphore, #tpu.memory_space<semaphore_mem>>)
      %dma_start3A_251 = arith.constant 1 : i32
      %dma_start3A_252 = arith.constant 0 : i32
      %dma_start3A_253 = arith.constant 0 : i32
      %dma_start3A_254 = tpu.memref_slice %arg14[%dma_start3A_251, %dma_start3A_252, %dma_start3A_253] : memref<3x8x512xf32, #tpu.memory_space<vmem>> -> memref<1x8x512xf32, #tpu.memory_space<vmem>>
      %dma_start3A_255 = tpu.memref_squeeze %dma_start3A_254 : memref<1x8x512xf32, #tpu.memory_space<vmem>> -> memref<8x512xf32, #tpu.memory_space<vmem>>
      %dma_start3A_256 = arith.constant 0 : i32
      %dma_start3A_257 = tpu.memref_slice %arg4[%add3A_226, %dma_start3A_256] : memref<6144x512xf32, #tpu.memory_space<hbm>> -> memref<8x512xf32, #tpu.memory_space<hbm>>
      %dma_start3A_258 = arith.constant 0 : i32
      %dma_start3A_259 = arith.constant 0 : i32
      %dma_start3A_260 = tpu.memref_slice %arg14[%dma_start3A_251, %dma_start3A_258, %dma_start3A_259] : memref<3x8x512xf32, #tpu.memory_space<vmem>> -> memref<1x8x512xf32, #tpu.memory_space<vmem>>
      %dma_start3A_261 = tpu.memref_squeeze %dma_start3A_260 : memref<1x8x512xf32, #tpu.memory_space<vmem>> -> memref<8x512xf32, #tpu.memory_space<vmem>>
      %dma_start3A_262 = arith.constant 0 : i32
      %dma_start3A_263 = tpu.memref_slice %arg4[%add3A_226, %dma_start3A_262] : memref<6144x512xf32, #tpu.memory_space<hbm>> -> memref<8x512xf32, #tpu.memory_space<hbm>>
      tpu.enqueue_dma source(%dma_start3A_263 : memref<8x512xf32, #tpu.memory_space<hbm>>) target(%dma_start3A_261 : memref<8x512xf32, #tpu.memory_space<vmem>>) target_semaphore(%arg21 : memref<!tpu.dma_semaphore, #tpu.memory_space<semaphore_mem>>)
      %dma_start3A_264 = arith.constant 2 : i32
      %dma_start3A_265 = arith.constant 0 : i32
      %dma_start3A_266 = arith.constant 0 : i32
      %dma_start3A_267 = tpu.memref_slice %arg14[%dma_start3A_264, %dma_start3A_265, %dma_start3A_266] : memref<3x8x512xf32, #tpu.memory_space<vmem>> -> memref<1x8x512xf32, #tpu.memory_space<vmem>>
      %dma_start3A_268 = tpu.memref_squeeze %dma_start3A_267 : memref<1x8x512xf32, #tpu.memory_space<vmem>> -> memref<8x512xf32, #tpu.memory_space<vmem>>
      %dma_start3A_269 = arith.constant 0 : i32
      %dma_start3A_270 = tpu.memref_slice %arg4[%add3A_233, %dma_start3A_269] : memref<6144x512xf32, #tpu.memory_space<hbm>> -> memref<8x512xf32, #tpu.memory_space<hbm>>
      %dma_start3A_271 = arith.constant 0 : i32
      %dma_start3A_272 = arith.constant 0 : i32
      %dma_start3A_273 = tpu.memref_slice %arg14[%dma_start3A_264, %dma_start3A_271, %dma_start3A_272] : memref<3x8x512xf32, #tpu.memory_space<vmem>> -> memref<1x8x512xf32, #tpu.memory_space<vmem>>
      %dma_start3A_274 = tpu.memref_squeeze %dma_start3A_273 : memref<1x8x512xf32, #tpu.memory_space<vmem>> -> memref<8x512xf32, #tpu.memory_space<vmem>>
      %dma_start3A_275 = arith.constant 0 : i32
      %dma_start3A_276 = tpu.memref_slice %arg4[%add3A_233, %dma_start3A_275] : memref<6144x512xf32, #tpu.memory_space<hbm>> -> memref<8x512xf32, #tpu.memory_space<hbm>>
      tpu.enqueue_dma source(%dma_start3A_276 : memref<8x512xf32, #tpu.memory_space<hbm>>) target(%dma_start3A_274 : memref<8x512xf32, #tpu.memory_space<vmem>>) target_semaphore(%arg21 : memref<!tpu.dma_semaphore, #tpu.memory_space<semaphore_mem>>)
      %mul3A_277 = arith.constant 24576 : i32
      %mul3A_278 = arith.muli %rem3A_173, %mul3A_277 : i32
      %dma_wait3A_279 = tpu.memref_slice %arg9[%mul3A_278] : memref<49152xf32, #tpu.memory_space<vmem>> -> memref<24576xf32, #tpu.memory_space<vmem>>
      %dma_wait3A_280 = arith.constant 0 : i32
      %dma_wait3A_281 = tpu.memref_slice %arg2[%scan3A_168, %dma_wait3A_280] : memref<4x24576xf32, #tpu.memory_space<hbm>> -> memref<1x24576xf32, #tpu.memory_space<hbm>>
      %dma_wait3A_282 = tpu.memref_squeeze %dma_wait3A_281 : memref<1x24576xf32, #tpu.memory_space<hbm>> -> memref<24576xf32, #tpu.memory_space<hbm>>
      %dma_wait3A_283 = tpu.memref_slice %arg9[%mul3A_278] : memref<49152xf32, #tpu.memory_space<vmem>> -> memref<24576xf32, #tpu.memory_space<vmem>>
      %dma_wait3A_284 = arith.constant 0 : i32
      %dma_wait3A_285 = tpu.memref_slice %arg2[%scan3A_168, %dma_wait3A_284] : memref<4x24576xf32, #tpu.memory_space<hbm>> -> memref<1x24576xf32, #tpu.memory_space<hbm>>
      %dma_wait3A_286 = tpu.memref_squeeze %dma_wait3A_285 : memref<1x24576xf32, #tpu.memory_space<hbm>> -> memref<24576xf32, #tpu.memory_space<hbm>>
      tpu.wait_dma2 semaphore(%arg22 : memref<!tpu.dma_semaphore, #tpu.memory_space<semaphore_mem>>) src(%dma_wait3A_286 : memref<24576xf32, #tpu.memory_space<hbm>>) dst(%dma_wait3A_283 : memref<24576xf32, #tpu.memory_space<vmem>>)
      %add3A_287 = arith.constant 1 : i32
      %add3A_288 = arith.addi %scan3A_168, %add3A_287 : i32
      %lt3A_289 = arith.constant 4 : i32
      %lt3A_290 = arith.cmpi slt, %add3A_288, %lt3A_289 : i32
      %convert_element_type3A = arith.extui %lt3A_290 : i1 to i32
      %cond3A = arith.constant 0 : i32
      %cond3A_291 = arith.cmpi ne, %convert_element_type3A, %cond3A : i32
      scf.if %cond3A_291 {
        %add3A_1404 = arith.constant 1 : i32
        %add3A_1405 = arith.addi %scan3A_168, %add3A_1404 : i32
        %sub3A_1406 = arith.constant 1 : i32
        %sub3A_1407 = arith.subi %sub3A_1406, %rem3A_173 : i32
        %mul3A_1408 = arith.constant 24576 : i32
        %mul3A_1409 = arith.muli %sub3A_1407, %mul3A_1408 : i32
        %dma_start3A_1410 = tpu.memref_slice %arg9[%mul3A_1409] : memref<49152xf32, #tpu.memory_space<vmem>> -> memref<24576xf32, #tpu.memory_space<vmem>>
        %dma_start3A_1411 = arith.constant 0 : i32
        %dma_start3A_1412 = tpu.memref_slice %arg2[%add3A_1405, %dma_start3A_1411] : memref<4x24576xf32, #tpu.memory_space<hbm>> -> memref<1x24576xf32, #tpu.memory_space<hbm>>
        %dma_start3A_1413 = tpu.memref_squeeze %dma_start3A_1412 : memref<1x24576xf32, #tpu.memory_space<hbm>> -> memref<24576xf32, #tpu.memory_space<hbm>>
        %dma_start3A_1414 = tpu.memref_slice %arg9[%mul3A_1409] : memref<49152xf32, #tpu.memory_space<vmem>> -> memref<24576xf32, #tpu.memory_space<vmem>>
        %dma_start3A_1415 = arith.constant 0 : i32
        %dma_start3A_1416 = tpu.memref_slice %arg2[%add3A_1405, %dma_start3A_1415] : memref<4x24576xf32, #tpu.memory_space<hbm>> -> memref<1x24576xf32, #tpu.memory_space<hbm>>
        %dma_start3A_1417 = tpu.memref_squeeze %dma_start3A_1416 : memref<1x24576xf32, #tpu.memory_space<hbm>> -> memref<24576xf32, #tpu.memory_space<hbm>>
        tpu.enqueue_dma source(%dma_start3A_1417 : memref<24576xf32, #tpu.memory_space<hbm>>) target(%dma_start3A_1414 : memref<24576xf32, #tpu.memory_space<vmem>>) target_semaphore(%arg22 : memref<!tpu.dma_semaphore, #tpu.memory_space<semaphore_mem>>)
      } else {
      }
      %jit3A_292 = arith.constant 2 : i32
      %div3A_293 = arith.divsi %mul3A_170, %jit3A_292 : i32
      %sign3A_294 = arith.constant 0 : i32
      %sign3A_295 = arith.cmpi sgt, %mul3A_170, %sign3A_294 : i32
      %sign3A_296 = arith.extui %sign3A_295 : i1 to i32
      %sign3A_297 = arith.constant 0 : i32
      %sign3A_298 = arith.cmpi slt, %mul3A_170, %sign3A_297 : i32
      %sign3A_299 = arith.extui %sign3A_298 : i1 to i32
      %sign3A_300 = arith.subi %sign3A_296, %sign3A_299 : i32
      %sign3A_301 = arith.constant 0 : i32
      %sign3A_302 = arith.cmpi sgt, %jit3A_292, %sign3A_301 : i32
      %sign3A_303 = arith.extui %sign3A_302 : i1 to i32
      %sign3A_304 = arith.constant 0 : i32
      %sign3A_305 = arith.cmpi slt, %jit3A_292, %sign3A_304 : i32
      %sign3A_306 = arith.extui %sign3A_305 : i1 to i32
      %sign3A_307 = arith.subi %sign3A_303, %sign3A_306 : i32
      %ne3A_308 = arith.cmpi ne, %sign3A_300, %sign3A_307 : i32
      %rem3A_309 = arith.remsi %mul3A_170, %jit3A_292 : i32
      %ne3A_310 = arith.constant 0 : i32
      %ne3A_311 = arith.cmpi ne, %rem3A_309, %ne3A_310 : i32
      %and3A_312 = arith.andi %ne3A_308, %ne3A_311 : i1
      %sub3A_313 = arith.constant 1 : i32
      %sub3A_314 = arith.subi %div3A_293, %sub3A_313 : i32
      %select_n3A_315 = arith.select %and3A_312, %sub3A_314, %div3A_293 : i32
      %mul3A_316 = arith.constant 16 : i32
      %mul3A_317 = arith.muli %add3A, %mul3A_316 : i32
      %jit3A_318 = arith.constant 2 : i32
      %eq3A_319 = arith.constant 0 : i32
      %eq3A_320 = arith.cmpi eq, %jit3A_318, %eq3A_319 : i32
      %jit3A_321 = arith.constant 1 : i32
      %select_n3A_322 = arith.select %eq3A_320, %jit3A_321, %jit3A_318 : i32
      %rem3A_323 = arith.remsi %mul3A_170, %select_n3A_322 : i32
      %ne3A_324 = arith.constant 0 : i32
      %ne3A_325 = arith.cmpi ne, %rem3A_323, %ne3A_324 : i32
      %lt3A_326 = arith.constant 0 : i32
      %lt3A_327 = arith.cmpi slt, %rem3A_323, %lt3A_326 : i32
      %lt3A_328 = arith.constant 0 : i32
      %lt3A_329 = arith.cmpi slt, %select_n3A_322, %lt3A_328 : i32
      %ne3A_330 = arith.xori %lt3A_327, %lt3A_329 : i1
      %and3A_331 = arith.andi %ne3A_330, %ne3A_325 : i1
      %add3A_332 = arith.addi %rem3A_323, %select_n3A_322 : i32
      %select_n3A_333 = arith.select %and3A_331, %add3A_332, %rem3A_323 : i32
      %mul3A_334 = arith.constant 8 : i32
      %mul3A_335 = arith.muli %select_n3A_333, %mul3A_334 : i32
      %add3A_336 = arith.addi %mul3A_317, %mul3A_335 : i32
      %mul3A_337 = arith.constant 512 : i32
      %mul3A_338 = arith.muli %select_n3A_315, %mul3A_337 : i32
      %add3A_339 = arith.addi %mul3A_338, %add3A_336 : i32
      %mul3A_340 = arith.constant 3 : i32
      %mul3A_341 = arith.muli %select_n3A_315, %mul3A_340 : i32
      %add3A_342 = arith.constant 0 : i32
      %add3A_343 = arith.addi %mul3A_341, %add3A_342 : i32
      %mul3A_344 = arith.constant 512 : i32
      %mul3A_345 = arith.muli %add3A_343, %mul3A_344 : i32
      %add3A_346 = arith.addi %mul3A_345, %add3A_336 : i32
      %mul3A_347 = arith.constant 3 : i32
      %mul3A_348 = arith.muli %select_n3A_315, %mul3A_347 : i32
      %add3A_349 = arith.constant 1 : i32
      %add3A_350 = arith.addi %mul3A_348, %add3A_349 : i32
      %mul3A_351 = arith.constant 512 : i32
      %mul3A_352 = arith.muli %add3A_350, %mul3A_351 : i32
      %add3A_353 = arith.addi %mul3A_352, %add3A_336 : i32
      %mul3A_354 = arith.constant 3 : i32
      %mul3A_355 = arith.muli %select_n3A_315, %mul3A_354 : i32
      %add3A_356 = arith.constant 2 : i32
      %add3A_357 = arith.addi %mul3A_355, %add3A_356 : i32
      %mul3A_358 = arith.constant 512 : i32
      %mul3A_359 = arith.muli %add3A_357, %mul3A_358 : i32
      %add3A_360 = arith.addi %mul3A_359, %add3A_336 : i32
      %dma_wait3A_361 = arith.constant 0 : i32
      %dma_wait3A_362 = tpu.memref_slice %arg3[%add3A_339, %dma_wait3A_361] : memref<2048x512xf32, #tpu.memory_space<hbm>> -> memref<8x512xf32, #tpu.memory_space<hbm>>
      %dma_wait3A_363 = arith.constant 0 : i32
      %dma_wait3A_364 = tpu.memref_slice %arg3[%add3A_339, %dma_wait3A_363] : memref<2048x512xf32, #tpu.memory_space<hbm>> -> memref<8x512xf32, #tpu.memory_space<hbm>>
      tpu.wait_dma2 semaphore(%arg20 : memref<!tpu.dma_semaphore, #tpu.memory_space<semaphore_mem>>) src(%dma_wait3A_364 : memref<8x512xf32, #tpu.memory_space<hbm>>) dst(%arg11 : memref<8x512xf32, #tpu.memory_space<vmem>>)
      %dma_wait3A_365 = arith.constant 0 : i32
      %dma_wait3A_366 = arith.constant 0 : i32
      %dma_wait3A_367 = arith.constant 0 : i32
      %dma_wait3A_368 = tpu.memref_slice %arg12[%dma_wait3A_365, %dma_wait3A_366, %dma_wait3A_367] : memref<3x8x512xf32, #tpu.memory_space<vmem>> -> memref<1x8x512xf32, #tpu.memory_space<vmem>>
      %dma_wait3A_369 = tpu.memref_squeeze %dma_wait3A_368 : memref<1x8x512xf32, #tpu.memory_space<vmem>> -> memref<8x512xf32, #tpu.memory_space<vmem>>
      %dma_wait3A_370 = arith.constant 0 : i32
      %dma_wait3A_371 = tpu.memref_slice %arg4[%add3A_346, %dma_wait3A_370] : memref<6144x512xf32, #tpu.memory_space<hbm>> -> memref<8x512xf32, #tpu.memory_space<hbm>>
      %dma_wait3A_372 = arith.constant 0 : i32
      %dma_wait3A_373 = arith.constant 0 : i32
      %dma_wait3A_374 = tpu.memref_slice %arg12[%dma_wait3A_365, %dma_wait3A_372, %dma_wait3A_373] : memref<3x8x512xf32, #tpu.memory_space<vmem>> -> memref<1x8x512xf32, #tpu.memory_space<vmem>>
      %dma_wait3A_375 = tpu.memref_squeeze %dma_wait3A_374 : memref<1x8x512xf32, #tpu.memory_space<vmem>> -> memref<8x512xf32, #tpu.memory_space<vmem>>
      %dma_wait3A_376 = arith.constant 0 : i32
      %dma_wait3A_377 = tpu.memref_slice %arg4[%add3A_346, %dma_wait3A_376] : memref<6144x512xf32, #tpu.memory_space<hbm>> -> memref<8x512xf32, #tpu.memory_space<hbm>>
      tpu.wait_dma2 semaphore(%arg20 : memref<!tpu.dma_semaphore, #tpu.memory_space<semaphore_mem>>) src(%dma_wait3A_377 : memref<8x512xf32, #tpu.memory_space<hbm>>) dst(%dma_wait3A_375 : memref<8x512xf32, #tpu.memory_space<vmem>>)
      %dma_wait3A_378 = arith.constant 1 : i32
      %dma_wait3A_379 = arith.constant 0 : i32
      %dma_wait3A_380 = arith.constant 0 : i32
      %dma_wait3A_381 = tpu.memref_slice %arg12[%dma_wait3A_378, %dma_wait3A_379, %dma_wait3A_380] : memref<3x8x512xf32, #tpu.memory_space<vmem>> -> memref<1x8x512xf32, #tpu.memory_space<vmem>>
      %dma_wait3A_382 = tpu.memref_squeeze %dma_wait3A_381 : memref<1x8x512xf32, #tpu.memory_space<vmem>> -> memref<8x512xf32, #tpu.memory_space<vmem>>
      %dma_wait3A_383 = arith.constant 0 : i32
      %dma_wait3A_384 = tpu.memref_slice %arg4[%add3A_353, %dma_wait3A_383] : memref<6144x512xf32, #tpu.memory_space<hbm>> -> memref<8x512xf32, #tpu.memory_space<hbm>>
      %dma_wait3A_385 = arith.constant 0 : i32
      %dma_wait3A_386 = arith.constant 0 : i32
      %dma_wait3A_387 = tpu.memref_slice %arg12[%dma_wait3A_378, %dma_wait3A_385, %dma_wait3A_386] : memref<3x8x512xf32, #tpu.memory_space<vmem>> -> memref<1x8x512xf32, #tpu.memory_space<vmem>>
      %dma_wait3A_388 = tpu.memref_squeeze %dma_wait3A_387 : memref<1x8x512xf32, #tpu.memory_space<vmem>> -> memref<8x512xf32, #tpu.memory_space<vmem>>
      %dma_wait3A_389 = arith.constant 0 : i32
      %dma_wait3A_390 = tpu.memref_slice %arg4[%add3A_353, %dma_wait3A_389] : memref<6144x512xf32, #tpu.memory_space<hbm>> -> memref<8x512xf32, #tpu.memory_space<hbm>>
      tpu.wait_dma2 semaphore(%arg20 : memref<!tpu.dma_semaphore, #tpu.memory_space<semaphore_mem>>) src(%dma_wait3A_390 : memref<8x512xf32, #tpu.memory_space<hbm>>) dst(%dma_wait3A_388 : memref<8x512xf32, #tpu.memory_space<vmem>>)
      %dma_wait3A_391 = arith.constant 2 : i32
      %dma_wait3A_392 = arith.constant 0 : i32
      %dma_wait3A_393 = arith.constant 0 : i32
      %dma_wait3A_394 = tpu.memref_slice %arg12[%dma_wait3A_391, %dma_wait3A_392, %dma_wait3A_393] : memref<3x8x512xf32, #tpu.memory_space<vmem>> -> memref<1x8x512xf32, #tpu.memory_space<vmem>>
      %dma_wait3A_395 = tpu.memref_squeeze %dma_wait3A_394 : memref<1x8x512xf32, #tpu.memory_space<vmem>> -> memref<8x512xf32, #tpu.memory_space<vmem>>
      %dma_wait3A_396 = arith.constant 0 : i32
      %dma_wait3A_397 = tpu.memref_slice %arg4[%add3A_360, %dma_wait3A_396] : memref<6144x512xf32, #tpu.memory_space<hbm>> -> memref<8x512xf32, #tpu.memory_space<hbm>>
      %dma_wait3A_398 = arith.constant 0 : i32
      %dma_wait3A_399 = arith.constant 0 : i32
      %dma_wait3A_400 = tpu.memref_slice %arg12[%dma_wait3A_391, %dma_wait3A_398, %dma_wait3A_399] : memref<3x8x512xf32, #tpu.memory_space<vmem>> -> memref<1x8x512xf32, #tpu.memory_space<vmem>>
      %dma_wait3A_401 = tpu.memref_squeeze %dma_wait3A_400 : memref<1x8x512xf32, #tpu.memory_space<vmem>> -> memref<8x512xf32, #tpu.memory_space<vmem>>
      %dma_wait3A_402 = arith.constant 0 : i32
      %dma_wait3A_403 = tpu.memref_slice %arg4[%add3A_360, %dma_wait3A_402] : memref<6144x512xf32, #tpu.memory_space<hbm>> -> memref<8x512xf32, #tpu.memory_space<hbm>>
      tpu.wait_dma2 semaphore(%arg20 : memref<!tpu.dma_semaphore, #tpu.memory_space<semaphore_mem>>) src(%dma_wait3A_403 : memref<8x512xf32, #tpu.memory_space<hbm>>) dst(%dma_wait3A_401 : memref<8x512xf32, #tpu.memory_space<vmem>>)
      %jit3A_404 = arith.constant 2 : i32
      %div3A_405 = arith.divsi %mul3A_170, %jit3A_404 : i32
      %sign3A_406 = arith.constant 0 : i32
      %sign3A_407 = arith.cmpi sgt, %mul3A_170, %sign3A_406 : i32
      %sign3A_408 = arith.extui %sign3A_407 : i1 to i32
      %sign3A_409 = arith.constant 0 : i32
      %sign3A_410 = arith.cmpi slt, %mul3A_170, %sign3A_409 : i32
      %sign3A_411 = arith.extui %sign3A_410 : i1 to i32
      %sign3A_412 = arith.subi %sign3A_408, %sign3A_411 : i32
      %sign3A_413 = arith.constant 0 : i32
      %sign3A_414 = arith.cmpi sgt, %jit3A_404, %sign3A_413 : i32
      %sign3A_415 = arith.extui %sign3A_414 : i1 to i32
      %sign3A_416 = arith.constant 0 : i32
      %sign3A_417 = arith.cmpi slt, %jit3A_404, %sign3A_416 : i32
      %sign3A_418 = arith.extui %sign3A_417 : i1 to i32
      %sign3A_419 = arith.subi %sign3A_415, %sign3A_418 : i32
      %ne3A_420 = arith.cmpi ne, %sign3A_412, %sign3A_419 : i32
      %rem3A_421 = arith.remsi %mul3A_170, %jit3A_404 : i32
      %ne3A_422 = arith.constant 0 : i32
      %ne3A_423 = arith.cmpi ne, %rem3A_421, %ne3A_422 : i32
      %and3A_424 = arith.andi %ne3A_420, %ne3A_423 : i1
      %sub3A_425 = arith.constant 1 : i32
      %sub3A_426 = arith.subi %div3A_405, %sub3A_425 : i32
      %select_n3A_427 = arith.select %and3A_424, %sub3A_426, %div3A_405 : i32
      %mul3A_428 = arith.constant 16 : i32
      %mul3A_429 = arith.muli %add3A, %mul3A_428 : i32
      %jit3A_430 = arith.constant 2 : i32
      %eq3A_431 = arith.constant 0 : i32
      %eq3A_432 = arith.cmpi eq, %jit3A_430, %eq3A_431 : i32
      %jit3A_433 = arith.constant 1 : i32
      %select_n3A_434 = arith.select %eq3A_432, %jit3A_433, %jit3A_430 : i32
      %rem3A_435 = arith.remsi %mul3A_170, %select_n3A_434 : i32
      %ne3A_436 = arith.constant 0 : i32
      %ne3A_437 = arith.cmpi ne, %rem3A_435, %ne3A_436 : i32
      %lt3A_438 = arith.constant 0 : i32
      %lt3A_439 = arith.cmpi slt, %rem3A_435, %lt3A_438 : i32
      %lt3A_440 = arith.constant 0 : i32
      %lt3A_441 = arith.cmpi slt, %select_n3A_434, %lt3A_440 : i32
      %ne3A_442 = arith.xori %lt3A_439, %lt3A_441 : i1
      %and3A_443 = arith.andi %ne3A_442, %ne3A_437 : i1
      %add3A_444 = arith.addi %rem3A_435, %select_n3A_434 : i32
      %select_n3A_445 = arith.select %and3A_443, %add3A_444, %rem3A_435 : i32
      %mul3A_446 = arith.constant 8 : i32
      %mul3A_447 = arith.muli %select_n3A_445, %mul3A_446 : i32
      %add3A_448 = arith.addi %mul3A_429, %mul3A_447 : i32
      %ge3A = arith.constant 2 : i32
      %ge3A_449 = arith.cmpi sge, %mul3A_170, %ge3A : i32
      %convert_element_type3A_450 = arith.extui %ge3A_449 : i1 to i32
      %cond3A_451 = arith.constant 0 : i32
      %cond3A_452 = arith.cmpi ne, %convert_element_type3A_450, %cond3A_451 : i32
      scf.if %cond3A_452 {
        %sub3A_1404 = arith.constant 2 : i32
        %sub3A_1405 = arith.subi %mul3A_170, %sub3A_1404 : i32
        %jit3A_1406 = arith.constant 2 : i32
        %div3A_1407 = arith.divsi %sub3A_1405, %jit3A_1406 : i32
        %sign3A_1408 = arith.constant 0 : i32
        %sign3A_1409 = arith.cmpi sgt, %sub3A_1405, %sign3A_1408 : i32
        %sign3A_1410 = arith.extui %sign3A_1409 : i1 to i32
        %sign3A_1411 = arith.constant 0 : i32
        %sign3A_1412 = arith.cmpi slt, %sub3A_1405, %sign3A_1411 : i32
        %sign3A_1413 = arith.extui %sign3A_1412 : i1 to i32
        %sign3A_1414 = arith.subi %sign3A_1410, %sign3A_1413 : i32
        %sign3A_1415 = arith.constant 0 : i32
        %sign3A_1416 = arith.cmpi sgt, %jit3A_1406, %sign3A_1415 : i32
        %sign3A_1417 = arith.extui %sign3A_1416 : i1 to i32
        %sign3A_1418 = arith.constant 0 : i32
        %sign3A_1419 = arith.cmpi slt, %jit3A_1406, %sign3A_1418 : i32
        %sign3A_1420 = arith.extui %sign3A_1419 : i1 to i32
        %sign3A_1421 = arith.subi %sign3A_1417, %sign3A_1420 : i32
        %ne3A_1422 = arith.cmpi ne, %sign3A_1414, %sign3A_1421 : i32
        %rem3A_1423 = arith.remsi %sub3A_1405, %jit3A_1406 : i32
        %ne3A_1424 = arith.constant 0 : i32
        %ne3A_1425 = arith.cmpi ne, %rem3A_1423, %ne3A_1424 : i32
        %and3A_1426 = arith.andi %ne3A_1422, %ne3A_1425 : i1
        %sub3A_1427 = arith.constant 1 : i32
        %sub3A_1428 = arith.subi %div3A_1407, %sub3A_1427 : i32
        %select_n3A_1429 = arith.select %and3A_1426, %sub3A_1428, %div3A_1407 : i32
        %mul3A_1430 = arith.constant 16 : i32
        %mul3A_1431 = arith.muli %add3A, %mul3A_1430 : i32
        %jit3A_1432 = arith.constant 2 : i32
        %eq3A_1433 = arith.constant 0 : i32
        %eq3A_1434 = arith.cmpi eq, %jit3A_1432, %eq3A_1433 : i32
        %jit3A_1435 = arith.constant 1 : i32
        %select_n3A_1436 = arith.select %eq3A_1434, %jit3A_1435, %jit3A_1432 : i32
        %rem3A_1437 = arith.remsi %sub3A_1405, %select_n3A_1436 : i32
        %ne3A_1438 = arith.constant 0 : i32
        %ne3A_1439 = arith.cmpi ne, %rem3A_1437, %ne3A_1438 : i32
        %lt3A_1440 = arith.constant 0 : i32
        %lt3A_1441 = arith.cmpi slt, %rem3A_1437, %lt3A_1440 : i32
        %lt3A_1442 = arith.constant 0 : i32
        %lt3A_1443 = arith.cmpi slt, %select_n3A_1436, %lt3A_1442 : i32
        %ne3A_1444 = arith.xori %lt3A_1441, %lt3A_1443 : i1
        %and3A_1445 = arith.andi %ne3A_1444, %ne3A_1439 : i1
        %add3A_1446 = arith.addi %rem3A_1437, %select_n3A_1436 : i32
        %select_n3A_1447 = arith.select %and3A_1445, %add3A_1446, %rem3A_1437 : i32
        %mul3A_1448 = arith.constant 8 : i32
        %mul3A_1449 = arith.muli %select_n3A_1447, %mul3A_1448 : i32
        %add3A_1450 = arith.addi %mul3A_1431, %mul3A_1449 : i32
        %mul3A_1451 = arith.constant 3 : i32
        %mul3A_1452 = arith.muli %select_n3A_1429, %mul3A_1451 : i32
        %add3A_1453 = arith.constant 0 : i32
        %add3A_1454 = arith.addi %mul3A_1452, %add3A_1453 : i32
        %mul3A_1455 = arith.constant 512 : i32
        %mul3A_1456 = arith.muli %add3A_1454, %mul3A_1455 : i32
        %add3A_1457 = arith.addi %mul3A_1456, %add3A_1450 : i32
        %mul3A_1458 = arith.constant 3 : i32
        %mul3A_1459 = arith.muli %select_n3A_1429, %mul3A_1458 : i32
        %add3A_1460 = arith.constant 1 : i32
        %add3A_1461 = arith.addi %mul3A_1459, %add3A_1460 : i32
        %mul3A_1462 = arith.constant 512 : i32
        %mul3A_1463 = arith.muli %add3A_1461, %mul3A_1462 : i32
        %add3A_1464 = arith.addi %mul3A_1463, %add3A_1450 : i32
        %mul3A_1465 = arith.constant 3 : i32
        %mul3A_1466 = arith.muli %select_n3A_1429, %mul3A_1465 : i32
        %add3A_1467 = arith.constant 2 : i32
        %add3A_1468 = arith.addi %mul3A_1466, %add3A_1467 : i32
        %mul3A_1469 = arith.constant 512 : i32
        %mul3A_1470 = arith.muli %add3A_1468, %mul3A_1469 : i32
        %add3A_1471 = arith.addi %mul3A_1470, %add3A_1450 : i32
        %dma_wait3A_1472 = arith.constant 0 : i32
        %dma_wait3A_1473 = arith.constant 0 : i32
        %dma_wait3A_1474 = arith.constant 0 : i32
        %dma_wait3A_1475 = tpu.memref_slice %arg15[%dma_wait3A_1472, %dma_wait3A_1473, %dma_wait3A_1474] : memref<3x8x512xf32, #tpu.memory_space<vmem>> -> memref<1x8x512xf32, #tpu.memory_space<vmem>>
        %dma_wait3A_1476 = tpu.memref_squeeze %dma_wait3A_1475 : memref<1x8x512xf32, #tpu.memory_space<vmem>> -> memref<8x512xf32, #tpu.memory_space<vmem>>
        %dma_wait3A_1477 = arith.constant 0 : i32
        %dma_wait3A_1478 = tpu.memref_slice %arg8[%add3A_1457, %dma_wait3A_1477] : memref<6144x512xf32, #tpu.memory_space<hbm>> -> memref<8x512xf32, #tpu.memory_space<hbm>>
        %dma_wait3A_1479 = arith.constant 0 : i32
        %dma_wait3A_1480 = tpu.memref_slice %arg8[%add3A_1457, %dma_wait3A_1479] : memref<6144x512xf32, #tpu.memory_space<hbm>> -> memref<8x512xf32, #tpu.memory_space<hbm>>
        %dma_wait3A_1481 = arith.constant 0 : i32
        %dma_wait3A_1482 = arith.constant 0 : i32
        %dma_wait3A_1483 = tpu.memref_slice %arg15[%dma_wait3A_1472, %dma_wait3A_1481, %dma_wait3A_1482] : memref<3x8x512xf32, #tpu.memory_space<vmem>> -> memref<1x8x512xf32, #tpu.memory_space<vmem>>
        %dma_wait3A_1484 = tpu.memref_squeeze %dma_wait3A_1483 : memref<1x8x512xf32, #tpu.memory_space<vmem>> -> memref<8x512xf32, #tpu.memory_space<vmem>>
        tpu.wait_dma2 semaphore(%arg23 : memref<!tpu.dma_semaphore, #tpu.memory_space<semaphore_mem>>) src(%dma_wait3A_1484 : memref<8x512xf32, #tpu.memory_space<vmem>>) dst(%dma_wait3A_1480 : memref<8x512xf32, #tpu.memory_space<hbm>>)
        %dma_wait3A_1485 = arith.constant 1 : i32
        %dma_wait3A_1486 = arith.constant 0 : i32
        %dma_wait3A_1487 = arith.constant 0 : i32
        %dma_wait3A_1488 = tpu.memref_slice %arg15[%dma_wait3A_1485, %dma_wait3A_1486, %dma_wait3A_1487] : memref<3x8x512xf32, #tpu.memory_space<vmem>> -> memref<1x8x512xf32, #tpu.memory_space<vmem>>
        %dma_wait3A_1489 = tpu.memref_squeeze %dma_wait3A_1488 : memref<1x8x512xf32, #tpu.memory_space<vmem>> -> memref<8x512xf32, #tpu.memory_space<vmem>>
        %dma_wait3A_1490 = arith.constant 0 : i32
        %dma_wait3A_1491 = tpu.memref_slice %arg8[%add3A_1464, %dma_wait3A_1490] : memref<6144x512xf32, #tpu.memory_space<hbm>> -> memref<8x512xf32, #tpu.memory_space<hbm>>
        %dma_wait3A_1492 = arith.constant 0 : i32
        %dma_wait3A_1493 = tpu.memref_slice %arg8[%add3A_1464, %dma_wait3A_1492] : memref<6144x512xf32, #tpu.memory_space<hbm>> -> memref<8x512xf32, #tpu.memory_space<hbm>>
        %dma_wait3A_1494 = arith.constant 0 : i32
        %dma_wait3A_1495 = arith.constant 0 : i32
        %dma_wait3A_1496 = tpu.memref_slice %arg15[%dma_wait3A_1485, %dma_wait3A_1494, %dma_wait3A_1495] : memref<3x8x512xf32, #tpu.memory_space<vmem>> -> memref<1x8x512xf32, #tpu.memory_space<vmem>>
        %dma_wait3A_1497 = tpu.memref_squeeze %dma_wait3A_1496 : memref<1x8x512xf32, #tpu.memory_space<vmem>> -> memref<8x512xf32, #tpu.memory_space<vmem>>
        tpu.wait_dma2 semaphore(%arg23 : memref<!tpu.dma_semaphore, #tpu.memory_space<semaphore_mem>>) src(%dma_wait3A_1497 : memref<8x512xf32, #tpu.memory_space<vmem>>) dst(%dma_wait3A_1493 : memref<8x512xf32, #tpu.memory_space<hbm>>)
        %dma_wait3A_1498 = arith.constant 2 : i32
        %dma_wait3A_1499 = arith.constant 0 : i32
        %dma_wait3A_1500 = arith.constant 0 : i32
        %dma_wait3A_1501 = tpu.memref_slice %arg15[%dma_wait3A_1498, %dma_wait3A_1499, %dma_wait3A_1500] : memref<3x8x512xf32, #tpu.memory_space<vmem>> -> memref<1x8x512xf32, #tpu.memory_space<vmem>>
        %dma_wait3A_1502 = tpu.memref_squeeze %dma_wait3A_1501 : memref<1x8x512xf32, #tpu.memory_space<vmem>> -> memref<8x512xf32, #tpu.memory_space<vmem>>
        %dma_wait3A_1503 = arith.constant 0 : i32
        %dma_wait3A_1504 = tpu.memref_slice %arg8[%add3A_1471, %dma_wait3A_1503] : memref<6144x512xf32, #tpu.memory_space<hbm>> -> memref<8x512xf32, #tpu.memory_space<hbm>>
        %dma_wait3A_1505 = arith.constant 0 : i32
        %dma_wait3A_1506 = tpu.memref_slice %arg8[%add3A_1471, %dma_wait3A_1505] : memref<6144x512xf32, #tpu.memory_space<hbm>> -> memref<8x512xf32, #tpu.memory_space<hbm>>
        %dma_wait3A_1507 = arith.constant 0 : i32
        %dma_wait3A_1508 = arith.constant 0 : i32
        %dma_wait3A_1509 = tpu.memref_slice %arg15[%dma_wait3A_1498, %dma_wait3A_1507, %dma_wait3A_1508] : memref<3x8x512xf32, #tpu.memory_space<vmem>> -> memref<1x8x512xf32, #tpu.memory_space<vmem>>
        %dma_wait3A_1510 = tpu.memref_squeeze %dma_wait3A_1509 : memref<1x8x512xf32, #tpu.memory_space<vmem>> -> memref<8x512xf32, #tpu.memory_space<vmem>>
        tpu.wait_dma2 semaphore(%arg23 : memref<!tpu.dma_semaphore, #tpu.memory_space<semaphore_mem>>) src(%dma_wait3A_1510 : memref<8x512xf32, #tpu.memory_space<vmem>>) dst(%dma_wait3A_1506 : memref<8x512xf32, #tpu.memory_space<hbm>>)
      } else {
      }
      %add3A_453 = arith.constant 0 : i32
      %add3A_454 = arith.addi %add3A_448, %add3A_453 : i32
      %sub3A_455 = arith.constant 16 : i32
      %sub3A_456 = arith.subi %add3A_454, %sub3A_455 : i32
      %shift_right_arithmetic3A = arith.constant 5 : i32
      %shift_right_arithmetic3A_457 = arith.shrsi %sub3A_456, %shift_right_arithmetic3A : i32
      %jit3A_458 = arith.constant 0 : i32
      %jit3A_459 = arith.constant 15 : i32
      %max3A = arith.maxsi %jit3A_458, %shift_right_arithmetic3A_457 : i32
      %min3A = arith.minsi %jit3A_459, %max3A : i32
      %add3A_460 = arith.constant 1 : i32
      %add3A_461 = arith.addi %shift_right_arithmetic3A_457, %add3A_460 : i32
      %jit3A_462 = arith.constant 0 : i32
      %jit3A_463 = arith.constant 15 : i32
      %max3A_464 = arith.maxsi %jit3A_462, %add3A_461 : i32
      %min3A_465 = arith.minsi %jit3A_463, %max3A_464 : i32
      %broadcast_in_dim3A = vector.broadcast %add3A_454 : i32 to vector<16xi32>
      %convert_element_type3A_466 = arith.sitofp %broadcast_in_dim3A : vector<16xi32> to vector<16xf32>
      %broadcast_in_dim3A_467 = vector.broadcast %shift_right_arithmetic3A_457 : i32 to vector<16xi32>
      %convert_element_type3A_468 = arith.sitofp %broadcast_in_dim3A_467 : vector<16xi32> to vector<16xf32>
      %add3A_469 = arith.constant 5.000000e-01 : f32
      %add3A_470 = vector.broadcast %add3A_469 : f32 to vector<16xf32>
      %add3A_471 = arith.addf %convert_element_type3A_466, %add3A_470 : vector<16xf32>
      %mul3A_472 = arith.constant 3.125000e-02 : f32
      %mul3A_473 = vector.broadcast %mul3A_472 : f32 to vector<16xf32>
      %mul3A_474 = arith.mulf %add3A_471, %mul3A_473 : vector<16xf32>
      %sub3A_475 = arith.constant 5.000000e-01 : f32
      %sub3A_476 = vector.broadcast %sub3A_475 : f32 to vector<16xf32>
      %sub3A_477 = arith.subf %mul3A_474, %sub3A_476 : vector<16xf32>
      %sub3A_478 = arith.subf %sub3A_477, %convert_element_type3A_468 : vector<16xf32>
      %scan3A_479 = arith.constant 0 : i32
      %scan3A_480 = arith.constant 0 : i32
      %scan3A_481 = arith.constant 12 : i32
      %scan3A_482 = arith.addi %scan3A_480, %scan3A_481 : i32
      %scan3A_483 = arith.constant 1 : i32
      scf.for %scan3A_1404 = %scan3A_480 to %scan3A_482 step %scan3A_483  : i32 {
        %mul3A_1405 = arith.constant 144 : i32
        %mul3A_1406 = arith.muli %scan3A_1404, %mul3A_1405 : i32
        %mul3A_1407 = arith.constant 24576 : i32
        %mul3A_1408 = arith.muli %rem3A_173, %mul3A_1407 : i32
        %mul3A_1409 = arith.constant 2048 : i32
        %mul3A_1410 = arith.muli %scan3A_1404, %mul3A_1409 : i32
        %add3A_1411 = arith.addi %mul3A_1408, %mul3A_1410 : i32
        %mul3A_1412 = arith.constant 16 : i32
        %mul3A_1413 = arith.muli %min3A, %mul3A_1412 : i32
        %add3A_1414 = arith.addi %add3A_1411, %mul3A_1413 : i32
        %mul3A_1415 = arith.constant 24576 : i32
        %mul3A_1416 = arith.muli %rem3A_173, %mul3A_1415 : i32
        %mul3A_1417 = arith.constant 2048 : i32
        %mul3A_1418 = arith.muli %scan3A_1404, %mul3A_1417 : i32
        %add3A_1419 = arith.addi %mul3A_1416, %mul3A_1418 : i32
        %mul3A_1420 = arith.constant 16 : i32
        %mul3A_1421 = arith.muli %min3A_465, %mul3A_1420 : i32
        %add3A_1422 = arith.addi %add3A_1419, %mul3A_1421 : i32
        %add3A_1423 = arith.constant 0 : i32
        %add3A_1424 = arith.addi %add3A_1414, %add3A_1423 : i32
        %get3A = arith.index_cast %add3A_1424 : i32 to index
        %get3A_1425 = tpu.vector_load %arg9[%get3A] {strides = array<i32>} : memref<49152xf32, #tpu.memory_space<vmem>>, vector<16xf32>,
        %add3A_1426 = arith.constant 256 : i32
        %add3A_1427 = arith.addi %add3A_1414, %add3A_1426 : i32
        %get3A_1428 = arith.index_cast %add3A_1427 : i32 to index
        %get3A_1429 = tpu.vector_load %arg9[%get3A_1428] {strides = array<i32>} : memref<49152xf32, #tpu.memory_space<vmem>>, vector<16xf32>,
        %add3A_1430 = arith.constant 512 : i32
        %add3A_1431 = arith.addi %add3A_1414, %add3A_1430 : i32
        %get3A_1432 = arith.index_cast %add3A_1431 : i32 to index
        %get3A_1433 = tpu.vector_load %arg9[%get3A_1432] {strides = array<i32>} : memref<49152xf32, #tpu.memory_space<vmem>>, vector<16xf32>,
        %add3A_1434 = arith.constant 768 : i32
        %add3A_1435 = arith.addi %add3A_1414, %add3A_1434 : i32
        %get3A_1436 = arith.index_cast %add3A_1435 : i32 to index
        %get3A_1437 = tpu.vector_load %arg9[%get3A_1436] {strides = array<i32>} : memref<49152xf32, #tpu.memory_space<vmem>>, vector<16xf32>,
        %add3A_1438 = arith.constant 1024 : i32
        %add3A_1439 = arith.addi %add3A_1414, %add3A_1438 : i32
        %get3A_1440 = arith.index_cast %add3A_1439 : i32 to index
        %get3A_1441 = tpu.vector_load %arg9[%get3A_1440] {strides = array<i32>} : memref<49152xf32, #tpu.memory_space<vmem>>, vector<16xf32>,
        %add3A_1442 = arith.constant 1280 : i32
        %add3A_1443 = arith.addi %add3A_1414, %add3A_1442 : i32
        %get3A_1444 = arith.index_cast %add3A_1443 : i32 to index
        %get3A_1445 = tpu.vector_load %arg9[%get3A_1444] {strides = array<i32>} : memref<49152xf32, #tpu.memory_space<vmem>>, vector<16xf32>,
        %add3A_1446 = arith.constant 1536 : i32
        %add3A_1447 = arith.addi %add3A_1414, %add3A_1446 : i32
        %get3A_1448 = arith.index_cast %add3A_1447 : i32 to index
        %get3A_1449 = tpu.vector_load %arg9[%get3A_1448] {strides = array<i32>} : memref<49152xf32, #tpu.memory_space<vmem>>, vector<16xf32>,
        %add3A_1450 = arith.constant 1792 : i32
        %add3A_1451 = arith.addi %add3A_1414, %add3A_1450 : i32
        %get3A_1452 = arith.index_cast %add3A_1451 : i32 to index
        %get3A_1453 = tpu.vector_load %arg9[%get3A_1452] {strides = array<i32>} : memref<49152xf32, #tpu.memory_space<vmem>>, vector<16xf32>,
        %add3A_1454 = arith.constant 0 : i32
        %add3A_1455 = arith.addi %add3A_1422, %add3A_1454 : i32
        %get3A_1456 = arith.index_cast %add3A_1455 : i32 to index
        %get3A_1457 = tpu.vector_load %arg9[%get3A_1456] {strides = array<i32>} : memref<49152xf32, #tpu.memory_space<vmem>>, vector<16xf32>,
        %add3A_1458 = arith.constant 256 : i32
        %add3A_1459 = arith.addi %add3A_1422, %add3A_1458 : i32
        %get3A_1460 = arith.index_cast %add3A_1459 : i32 to index
        %get3A_1461 = tpu.vector_load %arg9[%get3A_1460] {strides = array<i32>} : memref<49152xf32, #tpu.memory_space<vmem>>, vector<16xf32>,
        %add3A_1462 = arith.constant 512 : i32
        %add3A_1463 = arith.addi %add3A_1422, %add3A_1462 : i32
        %get3A_1464 = arith.index_cast %add3A_1463 : i32 to index
        %get3A_1465 = tpu.vector_load %arg9[%get3A_1464] {strides = array<i32>} : memref<49152xf32, #tpu.memory_space<vmem>>, vector<16xf32>,
        %add3A_1466 = arith.constant 768 : i32
        %add3A_1467 = arith.addi %add3A_1422, %add3A_1466 : i32
        %get3A_1468 = arith.index_cast %add3A_1467 : i32 to index
        %get3A_1469 = tpu.vector_load %arg9[%get3A_1468] {strides = array<i32>} : memref<49152xf32, #tpu.memory_space<vmem>>, vector<16xf32>,
        %add3A_1470 = arith.constant 1024 : i32
        %add3A_1471 = arith.addi %add3A_1422, %add3A_1470 : i32
        %get3A_1472 = arith.index_cast %add3A_1471 : i32 to index
        %get3A_1473 = tpu.vector_load %arg9[%get3A_1472] {strides = array<i32>} : memref<49152xf32, #tpu.memory_space<vmem>>, vector<16xf32>,
        %add3A_1474 = arith.constant 1280 : i32
        %add3A_1475 = arith.addi %add3A_1422, %add3A_1474 : i32
        %get3A_1476 = arith.index_cast %add3A_1475 : i32 to index
        %get3A_1477 = tpu.vector_load %arg9[%get3A_1476] {strides = array<i32>} : memref<49152xf32, #tpu.memory_space<vmem>>, vector<16xf32>,
        %add3A_1478 = arith.constant 1536 : i32
        %add3A_1479 = arith.addi %add3A_1422, %add3A_1478 : i32
        %get3A_1480 = arith.index_cast %add3A_1479 : i32 to index
        %get3A_1481 = tpu.vector_load %arg9[%get3A_1480] {strides = array<i32>} : memref<49152xf32, #tpu.memory_space<vmem>>, vector<16xf32>,
        %add3A_1482 = arith.constant 1792 : i32
        %add3A_1483 = arith.addi %add3A_1422, %add3A_1482 : i32
        %get3A_1484 = arith.index_cast %add3A_1483 : i32 to index
        %get3A_1485 = tpu.vector_load %arg9[%get3A_1484] {strides = array<i32>} : memref<49152xf32, #tpu.memory_space<vmem>>, vector<16xf32>,
        %sub3A_1486 = arith.subf %get3A_1457, %get3A_1425 : vector<16xf32>
        %mul3A_1487 = arith.mulf %sub3A_478, %sub3A_1486 : vector<16xf32>
        %add3A_1488 = arith.addf %get3A_1425, %mul3A_1487 : vector<16xf32>
        %add3A_1489 = arith.constant 0 : i32
        %add3A_1490 = arith.addi %mul3A_1406, %add3A_1489 : i32
        %swap3A = arith.index_cast %add3A_1490 : i32 to index
        %swap3A_1491 = tpu.vector_load %arg10[%swap3A] {strides = array<i32>} : memref<3457xf32, #tpu.memory_space<vmem>>, vector<16xf32>,
        tpu.vector_store %arg10[%swap3A], %add3A_1488 {strides = array<i32>} : memref<3457xf32, #tpu.memory_space<vmem>>, vector<16xf32>,
        %add3A_1492 = arith.constant 1729 : i32
        %add3A_1493 = arith.addi %add3A_1492, %mul3A_1406 : i32
        %add3A_1494 = arith.constant 0 : i32
        %add3A_1495 = arith.addi %add3A_1493, %add3A_1494 : i32
        %swap3A_1496 = arith.index_cast %add3A_1495 : i32 to index
        %swap3A_1497 = tpu.vector_load %arg10[%swap3A_1496] {strides = array<i32>} : memref<3457xf32, #tpu.memory_space<vmem>>, vector<16xf32>,
        tpu.vector_store %arg10[%swap3A_1496], %add3A_1488 {strides = array<i32>} : memref<3457xf32, #tpu.memory_space<vmem>>, vector<16xf32>,
        %sub3A_1498 = arith.subf %get3A_1461, %get3A_1429 : vector<16xf32>
        %mul3A_1499 = arith.mulf %sub3A_478, %sub3A_1498 : vector<16xf32>
        %add3A_1500 = arith.addf %get3A_1429, %mul3A_1499 : vector<16xf32>
        %add3A_1501 = arith.constant 18 : i32
        %add3A_1502 = arith.addi %mul3A_1406, %add3A_1501 : i32
        %swap3A_1503 = arith.index_cast %add3A_1502 : i32 to index
        %swap3A_1504 = tpu.vector_load %arg10[%swap3A_1503] {strides = array<i32>} : memref<3457xf32, #tpu.memory_space<vmem>>, vector<16xf32>,
        tpu.vector_store %arg10[%swap3A_1503], %add3A_1500 {strides = array<i32>} : memref<3457xf32, #tpu.memory_space<vmem>>, vector<16xf32>,
        %add3A_1505 = arith.constant 1729 : i32
        %add3A_1506 = arith.addi %add3A_1505, %mul3A_1406 : i32
        %add3A_1507 = arith.constant 18 : i32
        %add3A_1508 = arith.addi %add3A_1506, %add3A_1507 : i32
        %swap3A_1509 = arith.index_cast %add3A_1508 : i32 to index
        %swap3A_1510 = tpu.vector_load %arg10[%swap3A_1509] {strides = array<i32>} : memref<3457xf32, #tpu.memory_space<vmem>>, vector<16xf32>,
        tpu.vector_store %arg10[%swap3A_1509], %add3A_1500 {strides = array<i32>} : memref<3457xf32, #tpu.memory_space<vmem>>, vector<16xf32>,
        %sub3A_1511 = arith.subf %get3A_1465, %get3A_1433 : vector<16xf32>
        %mul3A_1512 = arith.mulf %sub3A_478, %sub3A_1511 : vector<16xf32>
        %add3A_1513 = arith.addf %get3A_1433, %mul3A_1512 : vector<16xf32>
        %add3A_1514 = arith.constant 36 : i32
        %add3A_1515 = arith.addi %mul3A_1406, %add3A_1514 : i32
        %swap3A_1516 = arith.index_cast %add3A_1515 : i32 to index
        %swap3A_1517 = tpu.vector_load %arg10[%swap3A_1516] {strides = array<i32>} : memref<3457xf32, #tpu.memory_space<vmem>>, vector<16xf32>,
        tpu.vector_store %arg10[%swap3A_1516], %add3A_1513 {strides = array<i32>} : memref<3457xf32, #tpu.memory_space<vmem>>, vector<16xf32>,
        %add3A_1518 = arith.constant 1729 : i32
        %add3A_1519 = arith.addi %add3A_1518, %mul3A_1406 : i32
        %add3A_1520 = arith.constant 36 : i32
        %add3A_1521 = arith.addi %add3A_1519, %add3A_1520 : i32
        %swap3A_1522 = arith.index_cast %add3A_1521 : i32 to index
        %swap3A_1523 = tpu.vector_load %arg10[%swap3A_1522] {strides = array<i32>} : memref<3457xf32, #tpu.memory_space<vmem>>, vector<16xf32>,
        tpu.vector_store %arg10[%swap3A_1522], %add3A_1513 {strides = array<i32>} : memref<3457xf32, #tpu.memory_space<vmem>>, vector<16xf32>,
        %sub3A_1524 = arith.subf %get3A_1469, %get3A_1437 : vector<16xf32>
        %mul3A_1525 = arith.mulf %sub3A_478, %sub3A_1524 : vector<16xf32>
        %add3A_1526 = arith.addf %get3A_1437, %mul3A_1525 : vector<16xf32>
        %add3A_1527 = arith.constant 54 : i32
        %add3A_1528 = arith.addi %mul3A_1406, %add3A_1527 : i32
        %swap3A_1529 = arith.index_cast %add3A_1528 : i32 to index
        %swap3A_1530 = tpu.vector_load %arg10[%swap3A_1529] {strides = array<i32>} : memref<3457xf32, #tpu.memory_space<vmem>>, vector<16xf32>,
        tpu.vector_store %arg10[%swap3A_1529], %add3A_1526 {strides = array<i32>} : memref<3457xf32, #tpu.memory_space<vmem>>, vector<16xf32>,
        %add3A_1531 = arith.constant 1729 : i32
        %add3A_1532 = arith.addi %add3A_1531, %mul3A_1406 : i32
        %add3A_1533 = arith.constant 54 : i32
        %add3A_1534 = arith.addi %add3A_1532, %add3A_1533 : i32
        %swap3A_1535 = arith.index_cast %add3A_1534 : i32 to index
        %swap3A_1536 = tpu.vector_load %arg10[%swap3A_1535] {strides = array<i32>} : memref<3457xf32, #tpu.memory_space<vmem>>, vector<16xf32>,
        tpu.vector_store %arg10[%swap3A_1535], %add3A_1526 {strides = array<i32>} : memref<3457xf32, #tpu.memory_space<vmem>>, vector<16xf32>,
        %sub3A_1537 = arith.subf %get3A_1473, %get3A_1441 : vector<16xf32>
        %mul3A_1538 = arith.mulf %sub3A_478, %sub3A_1537 : vector<16xf32>
        %add3A_1539 = arith.addf %get3A_1441, %mul3A_1538 : vector<16xf32>
        %add3A_1540 = arith.constant 72 : i32
        %add3A_1541 = arith.addi %mul3A_1406, %add3A_1540 : i32
        %swap3A_1542 = arith.index_cast %add3A_1541 : i32 to index
        %swap3A_1543 = tpu.vector_load %arg10[%swap3A_1542] {strides = array<i32>} : memref<3457xf32, #tpu.memory_space<vmem>>, vector<16xf32>,
        tpu.vector_store %arg10[%swap3A_1542], %add3A_1539 {strides = array<i32>} : memref<3457xf32, #tpu.memory_space<vmem>>, vector<16xf32>,
        %add3A_1544 = arith.constant 1729 : i32
        %add3A_1545 = arith.addi %add3A_1544, %mul3A_1406 : i32
        %add3A_1546 = arith.constant 72 : i32
        %add3A_1547 = arith.addi %add3A_1545, %add3A_1546 : i32
        %swap3A_1548 = arith.index_cast %add3A_1547 : i32 to index
        %swap3A_1549 = tpu.vector_load %arg10[%swap3A_1548] {strides = array<i32>} : memref<3457xf32, #tpu.memory_space<vmem>>, vector<16xf32>,
        tpu.vector_store %arg10[%swap3A_1548], %add3A_1539 {strides = array<i32>} : memref<3457xf32, #tpu.memory_space<vmem>>, vector<16xf32>,
        %sub3A_1550 = arith.subf %get3A_1477, %get3A_1445 : vector<16xf32>
        %mul3A_1551 = arith.mulf %sub3A_478, %sub3A_1550 : vector<16xf32>
        %add3A_1552 = arith.addf %get3A_1445, %mul3A_1551 : vector<16xf32>
        %add3A_1553 = arith.constant 90 : i32
        %add3A_1554 = arith.addi %mul3A_1406, %add3A_1553 : i32
        %swap3A_1555 = arith.index_cast %add3A_1554 : i32 to index
        %swap3A_1556 = tpu.vector_load %arg10[%swap3A_1555] {strides = array<i32>} : memref<3457xf32, #tpu.memory_space<vmem>>, vector<16xf32>,
        tpu.vector_store %arg10[%swap3A_1555], %add3A_1552 {strides = array<i32>} : memref<3457xf32, #tpu.memory_space<vmem>>, vector<16xf32>,
        %add3A_1557 = arith.constant 1729 : i32
        %add3A_1558 = arith.addi %add3A_1557, %mul3A_1406 : i32
        %add3A_1559 = arith.constant 90 : i32
        %add3A_1560 = arith.addi %add3A_1558, %add3A_1559 : i32
        %swap3A_1561 = arith.index_cast %add3A_1560 : i32 to index
        %swap3A_1562 = tpu.vector_load %arg10[%swap3A_1561] {strides = array<i32>} : memref<3457xf32, #tpu.memory_space<vmem>>, vector<16xf32>,
        tpu.vector_store %arg10[%swap3A_1561], %add3A_1552 {strides = array<i32>} : memref<3457xf32, #tpu.memory_space<vmem>>, vector<16xf32>,
        %sub3A_1563 = arith.subf %get3A_1481, %get3A_1449 : vector<16xf32>
        %mul3A_1564 = arith.mulf %sub3A_478, %sub3A_1563 : vector<16xf32>
        %add3A_1565 = arith.addf %get3A_1449, %mul3A_1564 : vector<16xf32>
        %add3A_1566 = arith.constant 108 : i32
        %add3A_1567 = arith.addi %mul3A_1406, %add3A_1566 : i32
        %swap3A_1568 = arith.index_cast %add3A_1567 : i32 to index
        %swap3A_1569 = tpu.vector_load %arg10[%swap3A_1568] {strides = array<i32>} : memref<3457xf32, #tpu.memory_space<vmem>>, vector<16xf32>,
        tpu.vector_store %arg10[%swap3A_1568], %add3A_1565 {strides = array<i32>} : memref<3457xf32, #tpu.memory_space<vmem>>, vector<16xf32>,
        %add3A_1570 = arith.constant 1729 : i32
        %add3A_1571 = arith.addi %add3A_1570, %mul3A_1406 : i32
        %add3A_1572 = arith.constant 108 : i32
        %add3A_1573 = arith.addi %add3A_1571, %add3A_1572 : i32
        %swap3A_1574 = arith.index_cast %add3A_1573 : i32 to index
        %swap3A_1575 = tpu.vector_load %arg10[%swap3A_1574] {strides = array<i32>} : memref<3457xf32, #tpu.memory_space<vmem>>, vector<16xf32>,
        tpu.vector_store %arg10[%swap3A_1574], %add3A_1565 {strides = array<i32>} : memref<3457xf32, #tpu.memory_space<vmem>>, vector<16xf32>,
        %sub3A_1576 = arith.subf %get3A_1485, %get3A_1453 : vector<16xf32>
        %mul3A_1577 = arith.mulf %sub3A_478, %sub3A_1576 : vector<16xf32>
        %add3A_1578 = arith.addf %get3A_1453, %mul3A_1577 : vector<16xf32>
        %add3A_1579 = arith.constant 126 : i32
        %add3A_1580 = arith.addi %mul3A_1406, %add3A_1579 : i32
        %swap3A_1581 = arith.index_cast %add3A_1580 : i32 to index
        %swap3A_1582 = tpu.vector_load %arg10[%swap3A_1581] {strides = array<i32>} : memref<3457xf32, #tpu.memory_space<vmem>>, vector<16xf32>,
        tpu.vector_store %arg10[%swap3A_1581], %add3A_1578 {strides = array<i32>} : memref<3457xf32, #tpu.memory_space<vmem>>, vector<16xf32>,
        %add3A_1583 = arith.constant 1729 : i32
        %add3A_1584 = arith.addi %add3A_1583, %mul3A_1406 : i32
        %add3A_1585 = arith.constant 126 : i32
        %add3A_1586 = arith.addi %add3A_1584, %add3A_1585 : i32
        %swap3A_1587 = arith.index_cast %add3A_1586 : i32 to index
        %swap3A_1588 = tpu.vector_load %arg10[%swap3A_1587] {strides = array<i32>} : memref<3457xf32, #tpu.memory_space<vmem>>, vector<16xf32>,
        tpu.vector_store %arg10[%swap3A_1587], %add3A_1578 {strides = array<i32>} : memref<3457xf32, #tpu.memory_space<vmem>>, vector<16xf32>,
      }
      %scan3A_484 = arith.constant 12 : i32
      %add3A_485 = arith.constant 1 : i32
      %add3A_486 = arith.addi %add3A_448, %add3A_485 : i32
      %sub3A_487 = arith.constant 16 : i32
      %sub3A_488 = arith.subi %add3A_486, %sub3A_487 : i32
      %shift_right_arithmetic3A_489 = arith.constant 5 : i32
      %shift_right_arithmetic3A_490 = arith.shrsi %sub3A_488, %shift_right_arithmetic3A_489 : i32
      %jit3A_491 = arith.constant 0 : i32
      %jit3A_492 = arith.constant 15 : i32
      %max3A_493 = arith.maxsi %jit3A_491, %shift_right_arithmetic3A_490 : i32
      %min3A_494 = arith.minsi %jit3A_492, %max3A_493 : i32
      %add3A_495 = arith.constant 1 : i32
      %add3A_496 = arith.addi %shift_right_arithmetic3A_490, %add3A_495 : i32
      %jit3A_497 = arith.constant 0 : i32
      %jit3A_498 = arith.constant 15 : i32
      %max3A_499 = arith.maxsi %jit3A_497, %add3A_496 : i32
      %min3A_500 = arith.minsi %jit3A_498, %max3A_499 : i32
      %broadcast_in_dim3A_501 = vector.broadcast %add3A_486 : i32 to vector<16xi32>
      %convert_element_type3A_502 = arith.sitofp %broadcast_in_dim3A_501 : vector<16xi32> to vector<16xf32>
      %broadcast_in_dim3A_503 = vector.broadcast %shift_right_arithmetic3A_490 : i32 to vector<16xi32>
      %convert_element_type3A_504 = arith.sitofp %broadcast_in_dim3A_503 : vector<16xi32> to vector<16xf32>
      %add3A_505 = arith.constant 5.000000e-01 : f32
      %add3A_506 = vector.broadcast %add3A_505 : f32 to vector<16xf32>
      %add3A_507 = arith.addf %convert_element_type3A_502, %add3A_506 : vector<16xf32>
      %mul3A_508 = arith.constant 3.125000e-02 : f32
      %mul3A_509 = vector.broadcast %mul3A_508 : f32 to vector<16xf32>
      %mul3A_510 = arith.mulf %add3A_507, %mul3A_509 : vector<16xf32>
      %sub3A_511 = arith.constant 5.000000e-01 : f32
      %sub3A_512 = vector.broadcast %sub3A_511 : f32 to vector<16xf32>
      %sub3A_513 = arith.subf %mul3A_510, %sub3A_512 : vector<16xf32>
      %sub3A_514 = arith.subf %sub3A_513, %convert_element_type3A_504 : vector<16xf32>
      %scan3A_515 = arith.constant 0 : i32
      %scan3A_516 = arith.constant 0 : i32
      %scan3A_517 = arith.constant 12 : i32
      %scan3A_518 = arith.addi %scan3A_516, %scan3A_517 : i32
      %scan3A_519 = arith.constant 1 : i32
      scf.for %scan3A_1404 = %scan3A_516 to %scan3A_518 step %scan3A_519  : i32 {
        %mul3A_1405 = arith.constant 144 : i32
        %mul3A_1406 = arith.muli %scan3A_1404, %mul3A_1405 : i32
        %mul3A_1407 = arith.constant 24576 : i32
        %mul3A_1408 = arith.muli %rem3A_173, %mul3A_1407 : i32
        %mul3A_1409 = arith.constant 2048 : i32
        %mul3A_1410 = arith.muli %scan3A_1404, %mul3A_1409 : i32
        %add3A_1411 = arith.addi %mul3A_1408, %mul3A_1410 : i32
        %mul3A_1412 = arith.constant 16 : i32
        %mul3A_1413 = arith.muli %min3A_494, %mul3A_1412 : i32
        %add3A_1414 = arith.addi %add3A_1411, %mul3A_1413 : i32
        %mul3A_1415 = arith.constant 24576 : i32
        %mul3A_1416 = arith.muli %rem3A_173, %mul3A_1415 : i32
        %mul3A_1417 = arith.constant 2048 : i32
        %mul3A_1418 = arith.muli %scan3A_1404, %mul3A_1417 : i32
        %add3A_1419 = arith.addi %mul3A_1416, %mul3A_1418 : i32
        %mul3A_1420 = arith.constant 16 : i32
        %mul3A_1421 = arith.muli %min3A_500, %mul3A_1420 : i32
        %add3A_1422 = arith.addi %add3A_1419, %mul3A_1421 : i32
        %add3A_1423 = arith.constant 0 : i32
        %add3A_1424 = arith.addi %add3A_1414, %add3A_1423 : i32
        %get3A = arith.index_cast %add3A_1424 : i32 to index
        %get3A_1425 = tpu.vector_load %arg9[%get3A] {strides = array<i32>} : memref<49152xf32, #tpu.memory_space<vmem>>, vector<16xf32>,
        %add3A_1426 = arith.constant 256 : i32
        %add3A_1427 = arith.addi %add3A_1414, %add3A_1426 : i32
        %get3A_1428 = arith.index_cast %add3A_1427 : i32 to index
        %get3A_1429 = tpu.vector_load %arg9[%get3A_1428] {strides = array<i32>} : memref<49152xf32, #tpu.memory_space<vmem>>, vector<16xf32>,
        %add3A_1430 = arith.constant 512 : i32
        %add3A_1431 = arith.addi %add3A_1414, %add3A_1430 : i32
        %get3A_1432 = arith.index_cast %add3A_1431 : i32 to index
        %get3A_1433 = tpu.vector_load %arg9[%get3A_1432] {strides = array<i32>} : memref<49152xf32, #tpu.memory_space<vmem>>, vector<16xf32>,
        %add3A_1434 = arith.constant 768 : i32
        %add3A_1435 = arith.addi %add3A_1414, %add3A_1434 : i32
        %get3A_1436 = arith.index_cast %add3A_1435 : i32 to index
        %get3A_1437 = tpu.vector_load %arg9[%get3A_1436] {strides = array<i32>} : memref<49152xf32, #tpu.memory_space<vmem>>, vector<16xf32>,
        %add3A_1438 = arith.constant 1024 : i32
        %add3A_1439 = arith.addi %add3A_1414, %add3A_1438 : i32
        %get3A_1440 = arith.index_cast %add3A_1439 : i32 to index
        %get3A_1441 = tpu.vector_load %arg9[%get3A_1440] {strides = array<i32>} : memref<49152xf32, #tpu.memory_space<vmem>>, vector<16xf32>,
        %add3A_1442 = arith.constant 1280 : i32
        %add3A_1443 = arith.addi %add3A_1414, %add3A_1442 : i32
        %get3A_1444 = arith.index_cast %add3A_1443 : i32 to index
        %get3A_1445 = tpu.vector_load %arg9[%get3A_1444] {strides = array<i32>} : memref<49152xf32, #tpu.memory_space<vmem>>, vector<16xf32>,
        %add3A_1446 = arith.constant 1536 : i32
        %add3A_1447 = arith.addi %add3A_1414, %add3A_1446 : i32
        %get3A_1448 = arith.index_cast %add3A_1447 : i32 to index
        %get3A_1449 = tpu.vector_load %arg9[%get3A_1448] {strides = array<i32>} : memref<49152xf32, #tpu.memory_space<vmem>>, vector<16xf32>,
        %add3A_1450 = arith.constant 1792 : i32
        %add3A_1451 = arith.addi %add3A_1414, %add3A_1450 : i32
        %get3A_1452 = arith.index_cast %add3A_1451 : i32 to index
        %get3A_1453 = tpu.vector_load %arg9[%get3A_1452] {strides = array<i32>} : memref<49152xf32, #tpu.memory_space<vmem>>, vector<16xf32>,
        %add3A_1454 = arith.constant 0 : i32
        %add3A_1455 = arith.addi %add3A_1422, %add3A_1454 : i32
        %get3A_1456 = arith.index_cast %add3A_1455 : i32 to index
        %get3A_1457 = tpu.vector_load %arg9[%get3A_1456] {strides = array<i32>} : memref<49152xf32, #tpu.memory_space<vmem>>, vector<16xf32>,
        %add3A_1458 = arith.constant 256 : i32
        %add3A_1459 = arith.addi %add3A_1422, %add3A_1458 : i32
        %get3A_1460 = arith.index_cast %add3A_1459 : i32 to index
        %get3A_1461 = tpu.vector_load %arg9[%get3A_1460] {strides = array<i32>} : memref<49152xf32, #tpu.memory_space<vmem>>, vector<16xf32>,
        %add3A_1462 = arith.constant 512 : i32
        %add3A_1463 = arith.addi %add3A_1422, %add3A_1462 : i32
        %get3A_1464 = arith.index_cast %add3A_1463 : i32 to index
        %get3A_1465 = tpu.vector_load %arg9[%get3A_1464] {strides = array<i32>} : memref<49152xf32, #tpu.memory_space<vmem>>, vector<16xf32>,
        %add3A_1466 = arith.constant 768 : i32
        %add3A_1467 = arith.addi %add3A_1422, %add3A_1466 : i32
        %get3A_1468 = arith.index_cast %add3A_1467 : i32 to index
        %get3A_1469 = tpu.vector_load %arg9[%get3A_1468] {strides = array<i32>} : memref<49152xf32, #tpu.memory_space<vmem>>, vector<16xf32>,
        %add3A_1470 = arith.constant 1024 : i32
        %add3A_1471 = arith.addi %add3A_1422, %add3A_1470 : i32
        %get3A_1472 = arith.index_cast %add3A_1471 : i32 to index
        %get3A_1473 = tpu.vector_load %arg9[%get3A_1472] {strides = array<i32>} : memref<49152xf32, #tpu.memory_space<vmem>>, vector<16xf32>,
        %add3A_1474 = arith.constant 1280 : i32
        %add3A_1475 = arith.addi %add3A_1422, %add3A_1474 : i32
        %get3A_1476 = arith.index_cast %add3A_1475 : i32 to index
        %get3A_1477 = tpu.vector_load %arg9[%get3A_1476] {strides = array<i32>} : memref<49152xf32, #tpu.memory_space<vmem>>, vector<16xf32>,
        %add3A_1478 = arith.constant 1536 : i32
        %add3A_1479 = arith.addi %add3A_1422, %add3A_1478 : i32
        %get3A_1480 = arith.index_cast %add3A_1479 : i32 to index
        %get3A_1481 = tpu.vector_load %arg9[%get3A_1480] {strides = array<i32>} : memref<49152xf32, #tpu.memory_space<vmem>>, vector<16xf32>,
        %add3A_1482 = arith.constant 1792 : i32
        %add3A_1483 = arith.addi %add3A_1422, %add3A_1482 : i32
        %get3A_1484 = arith.index_cast %add3A_1483 : i32 to index
        %get3A_1485 = tpu.vector_load %arg9[%get3A_1484] {strides = array<i32>} : memref<49152xf32, #tpu.memory_space<vmem>>, vector<16xf32>,
        %sub3A_1486 = arith.subf %get3A_1457, %get3A_1425 : vector<16xf32>
        %mul3A_1487 = arith.mulf %sub3A_514, %sub3A_1486 : vector<16xf32>
        %add3A_1488 = arith.addf %get3A_1425, %mul3A_1487 : vector<16xf32>
        %add3A_1489 = arith.constant 0 : i32
        %add3A_1490 = arith.addi %mul3A_1406, %add3A_1489 : i32
        %swap3A = arith.index_cast %add3A_1490 : i32 to index
        %swap3A_1491 = tpu.vector_load %arg10[%swap3A] {strides = array<i32>} : memref<3457xf32, #tpu.memory_space<vmem>>, vector<16xf32>,
        tpu.vector_store %arg10[%swap3A], %add3A_1488 {strides = array<i32>} : memref<3457xf32, #tpu.memory_space<vmem>>, vector<16xf32>,
        %add3A_1492 = arith.constant 1729 : i32
        %add3A_1493 = arith.addi %add3A_1492, %mul3A_1406 : i32
        %add3A_1494 = arith.constant 0 : i32
        %add3A_1495 = arith.addi %add3A_1493, %add3A_1494 : i32
        %swap3A_1496 = arith.index_cast %add3A_1495 : i32 to index
        %swap3A_1497 = tpu.vector_load %arg10[%swap3A_1496] {strides = array<i32>} : memref<3457xf32, #tpu.memory_space<vmem>>, vector<16xf32>,
        tpu.vector_store %arg10[%swap3A_1496], %add3A_1488 {strides = array<i32>} : memref<3457xf32, #tpu.memory_space<vmem>>, vector<16xf32>,
        %sub3A_1498 = arith.subf %get3A_1461, %get3A_1429 : vector<16xf32>
        %mul3A_1499 = arith.mulf %sub3A_514, %sub3A_1498 : vector<16xf32>
        %add3A_1500 = arith.addf %get3A_1429, %mul3A_1499 : vector<16xf32>
        %add3A_1501 = arith.constant 18 : i32
        %add3A_1502 = arith.addi %mul3A_1406, %add3A_1501 : i32
        %swap3A_1503 = arith.index_cast %add3A_1502 : i32 to index
        %swap3A_1504 = tpu.vector_load %arg10[%swap3A_1503] {strides = array<i32>} : memref<3457xf32, #tpu.memory_space<vmem>>, vector<16xf32>,
        tpu.vector_store %arg10[%swap3A_1503], %add3A_1500 {strides = array<i32>} : memref<3457xf32, #tpu.memory_space<vmem>>, vector<16xf32>,
        %add3A_1505 = arith.constant 1729 : i32
        %add3A_1506 = arith.addi %add3A_1505, %mul3A_1406 : i32
        %add3A_1507 = arith.constant 18 : i32
        %add3A_1508 = arith.addi %add3A_1506, %add3A_1507 : i32
        %swap3A_1509 = arith.index_cast %add3A_1508 : i32 to index
        %swap3A_1510 = tpu.vector_load %arg10[%swap3A_1509] {strides = array<i32>} : memref<3457xf32, #tpu.memory_space<vmem>>, vector<16xf32>,
        tpu.vector_store %arg10[%swap3A_1509], %add3A_1500 {strides = array<i32>} : memref<3457xf32, #tpu.memory_space<vmem>>, vector<16xf32>,
        %sub3A_1511 = arith.subf %get3A_1465, %get3A_1433 : vector<16xf32>
        %mul3A_1512 = arith.mulf %sub3A_514, %sub3A_1511 : vector<16xf32>
        %add3A_1513 = arith.addf %get3A_1433, %mul3A_1512 : vector<16xf32>
        %add3A_1514 = arith.constant 36 : i32
        %add3A_1515 = arith.addi %mul3A_1406, %add3A_1514 : i32
        %swap3A_1516 = arith.index_cast %add3A_1515 : i32 to index
        %swap3A_1517 = tpu.vector_load %arg10[%swap3A_1516] {strides = array<i32>} : memref<3457xf32, #tpu.memory_space<vmem>>, vector<16xf32>,
        tpu.vector_store %arg10[%swap3A_1516], %add3A_1513 {strides = array<i32>} : memref<3457xf32, #tpu.memory_space<vmem>>, vector<16xf32>,
        %add3A_1518 = arith.constant 1729 : i32
        %add3A_1519 = arith.addi %add3A_1518, %mul3A_1406 : i32
        %add3A_1520 = arith.constant 36 : i32
        %add3A_1521 = arith.addi %add3A_1519, %add3A_1520 : i32
        %swap3A_1522 = arith.index_cast %add3A_1521 : i32 to index
        %swap3A_1523 = tpu.vector_load %arg10[%swap3A_1522] {strides = array<i32>} : memref<3457xf32, #tpu.memory_space<vmem>>, vector<16xf32>,
        tpu.vector_store %arg10[%swap3A_1522], %add3A_1513 {strides = array<i32>} : memref<3457xf32, #tpu.memory_space<vmem>>, vector<16xf32>,
        %sub3A_1524 = arith.subf %get3A_1469, %get3A_1437 : vector<16xf32>
        %mul3A_1525 = arith.mulf %sub3A_514, %sub3A_1524 : vector<16xf32>
        %add3A_1526 = arith.addf %get3A_1437, %mul3A_1525 : vector<16xf32>
        %add3A_1527 = arith.constant 54 : i32
        %add3A_1528 = arith.addi %mul3A_1406, %add3A_1527 : i32
        %swap3A_1529 = arith.index_cast %add3A_1528 : i32 to index
        %swap3A_1530 = tpu.vector_load %arg10[%swap3A_1529] {strides = array<i32>} : memref<3457xf32, #tpu.memory_space<vmem>>, vector<16xf32>,
        tpu.vector_store %arg10[%swap3A_1529], %add3A_1526 {strides = array<i32>} : memref<3457xf32, #tpu.memory_space<vmem>>, vector<16xf32>,
        %add3A_1531 = arith.constant 1729 : i32
        %add3A_1532 = arith.addi %add3A_1531, %mul3A_1406 : i32
        %add3A_1533 = arith.constant 54 : i32
        %add3A_1534 = arith.addi %add3A_1532, %add3A_1533 : i32
        %swap3A_1535 = arith.index_cast %add3A_1534 : i32 to index
        %swap3A_1536 = tpu.vector_load %arg10[%swap3A_1535] {strides = array<i32>} : memref<3457xf32, #tpu.memory_space<vmem>>, vector<16xf32>,
        tpu.vector_store %arg10[%swap3A_1535], %add3A_1526 {strides = array<i32>} : memref<3457xf32, #tpu.memory_space<vmem>>, vector<16xf32>,
        %sub3A_1537 = arith.subf %get3A_1473, %get3A_1441 : vector<16xf32>
        %mul3A_1538 = arith.mulf %sub3A_514, %sub3A_1537 : vector<16xf32>
        %add3A_1539 = arith.addf %get3A_1441, %mul3A_1538 : vector<16xf32>
        %add3A_1540 = arith.constant 72 : i32
        %add3A_1541 = arith.addi %mul3A_1406, %add3A_1540 : i32
        %swap3A_1542 = arith.index_cast %add3A_1541 : i32 to index
        %swap3A_1543 = tpu.vector_load %arg10[%swap3A_1542] {strides = array<i32>} : memref<3457xf32, #tpu.memory_space<vmem>>, vector<16xf32>,
        tpu.vector_store %arg10[%swap3A_1542], %add3A_1539 {strides = array<i32>} : memref<3457xf32, #tpu.memory_space<vmem>>, vector<16xf32>,
        %add3A_1544 = arith.constant 1729 : i32
        %add3A_1545 = arith.addi %add3A_1544, %mul3A_1406 : i32
        %add3A_1546 = arith.constant 72 : i32
        %add3A_1547 = arith.addi %add3A_1545, %add3A_1546 : i32
        %swap3A_1548 = arith.index_cast %add3A_1547 : i32 to index
        %swap3A_1549 = tpu.vector_load %arg10[%swap3A_1548] {strides = array<i32>} : memref<3457xf32, #tpu.memory_space<vmem>>, vector<16xf32>,
        tpu.vector_store %arg10[%swap3A_1548], %add3A_1539 {strides = array<i32>} : memref<3457xf32, #tpu.memory_space<vmem>>, vector<16xf32>,
        %sub3A_1550 = arith.subf %get3A_1477, %get3A_1445 : vector<16xf32>
        %mul3A_1551 = arith.mulf %sub3A_514, %sub3A_1550 : vector<16xf32>
        %add3A_1552 = arith.addf %get3A_1445, %mul3A_1551 : vector<16xf32>
        %add3A_1553 = arith.constant 90 : i32
        %add3A_1554 = arith.addi %mul3A_1406, %add3A_1553 : i32
        %swap3A_1555 = arith.index_cast %add3A_1554 : i32 to index
        %swap3A_1556 = tpu.vector_load %arg10[%swap3A_1555] {strides = array<i32>} : memref<3457xf32, #tpu.memory_space<vmem>>, vector<16xf32>,
        tpu.vector_store %arg10[%swap3A_1555], %add3A_1552 {strides = array<i32>} : memref<3457xf32, #tpu.memory_space<vmem>>, vector<16xf32>,
        %add3A_1557 = arith.constant 1729 : i32
        %add3A_1558 = arith.addi %add3A_1557, %mul3A_1406 : i32
        %add3A_1559 = arith.constant 90 : i32
        %add3A_1560 = arith.addi %add3A_1558, %add3A_1559 : i32
        %swap3A_1561 = arith.index_cast %add3A_1560 : i32 to index
        %swap3A_1562 = tpu.vector_load %arg10[%swap3A_1561] {strides = array<i32>} : memref<3457xf32, #tpu.memory_space<vmem>>, vector<16xf32>,
        tpu.vector_store %arg10[%swap3A_1561], %add3A_1552 {strides = array<i32>} : memref<3457xf32, #tpu.memory_space<vmem>>, vector<16xf32>,
        %sub3A_1563 = arith.subf %get3A_1481, %get3A_1449 : vector<16xf32>
        %mul3A_1564 = arith.mulf %sub3A_514, %sub3A_1563 : vector<16xf32>
        %add3A_1565 = arith.addf %get3A_1449, %mul3A_1564 : vector<16xf32>
        %add3A_1566 = arith.constant 108 : i32
        %add3A_1567 = arith.addi %mul3A_1406, %add3A_1566 : i32
        %swap3A_1568 = arith.index_cast %add3A_1567 : i32 to index
        %swap3A_1569 = tpu.vector_load %arg10[%swap3A_1568] {strides = array<i32>} : memref<3457xf32, #tpu.memory_space<vmem>>, vector<16xf32>,
        tpu.vector_store %arg10[%swap3A_1568], %add3A_1565 {strides = array<i32>} : memref<3457xf32, #tpu.memory_space<vmem>>, vector<16xf32>,
        %add3A_1570 = arith.constant 1729 : i32
        %add3A_1571 = arith.addi %add3A_1570, %mul3A_1406 : i32
        %add3A_1572 = arith.constant 108 : i32
        %add3A_1573 = arith.addi %add3A_1571, %add3A_1572 : i32
        %swap3A_1574 = arith.index_cast %add3A_1573 : i32 to index
        %swap3A_1575 = tpu.vector_load %arg10[%swap3A_1574] {strides = array<i32>} : memref<3457xf32, #tpu.memory_space<vmem>>, vector<16xf32>,
        tpu.vector_store %arg10[%swap3A_1574], %add3A_1565 {strides = array<i32>} : memref<3457xf32, #tpu.memory_space<vmem>>, vector<16xf32>,
        %sub3A_1576 = arith.subf %get3A_1485, %get3A_1453 : vector<16xf32>
        %mul3A_1577 = arith.mulf %sub3A_514, %sub3A_1576 : vector<16xf32>
        %add3A_1578 = arith.addf %get3A_1453, %mul3A_1577 : vector<16xf32>
        %add3A_1579 = arith.constant 126 : i32
        %add3A_1580 = arith.addi %mul3A_1406, %add3A_1579 : i32
        %swap3A_1581 = arith.index_cast %add3A_1580 : i32 to index
        %swap3A_1582 = tpu.vector_load %arg10[%swap3A_1581] {strides = array<i32>} : memref<3457xf32, #tpu.memory_space<vmem>>, vector<16xf32>,
        tpu.vector_store %arg10[%swap3A_1581], %add3A_1578 {strides = array<i32>} : memref<3457xf32, #tpu.memory_space<vmem>>, vector<16xf32>,
        %add3A_1583 = arith.constant 1729 : i32
        %add3A_1584 = arith.addi %add3A_1583, %mul3A_1406 : i32
        %add3A_1585 = arith.constant 126 : i32
        %add3A_1586 = arith.addi %add3A_1584, %add3A_1585 : i32
        %swap3A_1587 = arith.index_cast %add3A_1586 : i32 to index
        %swap3A_1588 = tpu.vector_load %arg10[%swap3A_1587] {strides = array<i32>} : memref<3457xf32, #tpu.memory_space<vmem>>, vector<16xf32>,
        tpu.vector_store %arg10[%swap3A_1587], %add3A_1578 {strides = array<i32>} : memref<3457xf32, #tpu.memory_space<vmem>>, vector<16xf32>,
      }
      %scan3A_520 = arith.constant 12 : i32
      %add3A_521 = arith.constant 2 : i32
      %add3A_522 = arith.addi %add3A_448, %add3A_521 : i32
      %sub3A_523 = arith.constant 16 : i32
      %sub3A_524 = arith.subi %add3A_522, %sub3A_523 : i32
      %shift_right_arithmetic3A_525 = arith.constant 5 : i32
      %shift_right_arithmetic3A_526 = arith.shrsi %sub3A_524, %shift_right_arithmetic3A_525 : i32
      %jit3A_527 = arith.constant 0 : i32
      %jit3A_528 = arith.constant 15 : i32
      %max3A_529 = arith.maxsi %jit3A_527, %shift_right_arithmetic3A_526 : i32
      %min3A_530 = arith.minsi %jit3A_528, %max3A_529 : i32
      %add3A_531 = arith.constant 1 : i32
      %add3A_532 = arith.addi %shift_right_arithmetic3A_526, %add3A_531 : i32
      %jit3A_533 = arith.constant 0 : i32
      %jit3A_534 = arith.constant 15 : i32
      %max3A_535 = arith.maxsi %jit3A_533, %add3A_532 : i32
      %min3A_536 = arith.minsi %jit3A_534, %max3A_535 : i32
      %broadcast_in_dim3A_537 = vector.broadcast %add3A_522 : i32 to vector<16xi32>
      %convert_element_type3A_538 = arith.sitofp %broadcast_in_dim3A_537 : vector<16xi32> to vector<16xf32>
      %broadcast_in_dim3A_539 = vector.broadcast %shift_right_arithmetic3A_526 : i32 to vector<16xi32>
      %convert_element_type3A_540 = arith.sitofp %broadcast_in_dim3A_539 : vector<16xi32> to vector<16xf32>
      %add3A_541 = arith.constant 5.000000e-01 : f32
      %add3A_542 = vector.broadcast %add3A_541 : f32 to vector<16xf32>
      %add3A_543 = arith.addf %convert_element_type3A_538, %add3A_542 : vector<16xf32>
      %mul3A_544 = arith.constant 3.125000e-02 : f32
      %mul3A_545 = vector.broadcast %mul3A_544 : f32 to vector<16xf32>
      %mul3A_546 = arith.mulf %add3A_543, %mul3A_545 : vector<16xf32>
      %sub3A_547 = arith.constant 5.000000e-01 : f32
      %sub3A_548 = vector.broadcast %sub3A_547 : f32 to vector<16xf32>
      %sub3A_549 = arith.subf %mul3A_546, %sub3A_548 : vector<16xf32>
      %sub3A_550 = arith.subf %sub3A_549, %convert_element_type3A_540 : vector<16xf32>
      %scan3A_551 = arith.constant 0 : i32
      %scan3A_552 = arith.constant 0 : i32
      %scan3A_553 = arith.constant 12 : i32
      %scan3A_554 = arith.addi %scan3A_552, %scan3A_553 : i32
      %scan3A_555 = arith.constant 1 : i32
      scf.for %scan3A_1404 = %scan3A_552 to %scan3A_554 step %scan3A_555  : i32 {
        %mul3A_1405 = arith.constant 144 : i32
        %mul3A_1406 = arith.muli %scan3A_1404, %mul3A_1405 : i32
        %mul3A_1407 = arith.constant 24576 : i32
        %mul3A_1408 = arith.muli %rem3A_173, %mul3A_1407 : i32
        %mul3A_1409 = arith.constant 2048 : i32
        %mul3A_1410 = arith.muli %scan3A_1404, %mul3A_1409 : i32
        %add3A_1411 = arith.addi %mul3A_1408, %mul3A_1410 : i32
        %mul3A_1412 = arith.constant 16 : i32
        %mul3A_1413 = arith.muli %min3A_530, %mul3A_1412 : i32
        %add3A_1414 = arith.addi %add3A_1411, %mul3A_1413 : i32
        %mul3A_1415 = arith.constant 24576 : i32
        %mul3A_1416 = arith.muli %rem3A_173, %mul3A_1415 : i32
        %mul3A_1417 = arith.constant 2048 : i32
        %mul3A_1418 = arith.muli %scan3A_1404, %mul3A_1417 : i32
        %add3A_1419 = arith.addi %mul3A_1416, %mul3A_1418 : i32
        %mul3A_1420 = arith.constant 16 : i32
        %mul3A_1421 = arith.muli %min3A_536, %mul3A_1420 : i32
        %add3A_1422 = arith.addi %add3A_1419, %mul3A_1421 : i32
        %add3A_1423 = arith.constant 0 : i32
        %add3A_1424 = arith.addi %add3A_1414, %add3A_1423 : i32
        %get3A = arith.index_cast %add3A_1424 : i32 to index
        %get3A_1425 = tpu.vector_load %arg9[%get3A] {strides = array<i32>} : memref<49152xf32, #tpu.memory_space<vmem>>, vector<16xf32>,
        %add3A_1426 = arith.constant 256 : i32
        %add3A_1427 = arith.addi %add3A_1414, %add3A_1426 : i32
        %get3A_1428 = arith.index_cast %add3A_1427 : i32 to index
        %get3A_1429 = tpu.vector_load %arg9[%get3A_1428] {strides = array<i32>} : memref<49152xf32, #tpu.memory_space<vmem>>, vector<16xf32>,
        %add3A_1430 = arith.constant 512 : i32
        %add3A_1431 = arith.addi %add3A_1414, %add3A_1430 : i32
        %get3A_1432 = arith.index_cast %add3A_1431 : i32 to index
        %get3A_1433 = tpu.vector_load %arg9[%get3A_1432] {strides = array<i32>} : memref<49152xf32, #tpu.memory_space<vmem>>, vector<16xf32>,
        %add3A_1434 = arith.constant 768 : i32
        %add3A_1435 = arith.addi %add3A_1414, %add3A_1434 : i32
        %get3A_1436 = arith.index_cast %add3A_1435 : i32 to index
        %get3A_1437 = tpu.vector_load %arg9[%get3A_1436] {strides = array<i32>} : memref<49152xf32, #tpu.memory_space<vmem>>, vector<16xf32>,
        %add3A_1438 = arith.constant 1024 : i32
        %add3A_1439 = arith.addi %add3A_1414, %add3A_1438 : i32
        %get3A_1440 = arith.index_cast %add3A_1439 : i32 to index
        %get3A_1441 = tpu.vector_load %arg9[%get3A_1440] {strides = array<i32>} : memref<49152xf32, #tpu.memory_space<vmem>>, vector<16xf32>,
        %add3A_1442 = arith.constant 1280 : i32
        %add3A_1443 = arith.addi %add3A_1414, %add3A_1442 : i32
        %get3A_1444 = arith.index_cast %add3A_1443 : i32 to index
        %get3A_1445 = tpu.vector_load %arg9[%get3A_1444] {strides = array<i32>} : memref<49152xf32, #tpu.memory_space<vmem>>, vector<16xf32>,
        %add3A_1446 = arith.constant 1536 : i32
        %add3A_1447 = arith.addi %add3A_1414, %add3A_1446 : i32
        %get3A_1448 = arith.index_cast %add3A_1447 : i32 to index
        %get3A_1449 = tpu.vector_load %arg9[%get3A_1448] {strides = array<i32>} : memref<49152xf32, #tpu.memory_space<vmem>>, vector<16xf32>,
        %add3A_1450 = arith.constant 1792 : i32
        %add3A_1451 = arith.addi %add3A_1414, %add3A_1450 : i32
        %get3A_1452 = arith.index_cast %add3A_1451 : i32 to index
        %get3A_1453 = tpu.vector_load %arg9[%get3A_1452] {strides = array<i32>} : memref<49152xf32, #tpu.memory_space<vmem>>, vector<16xf32>,
        %add3A_1454 = arith.constant 0 : i32
        %add3A_1455 = arith.addi %add3A_1422, %add3A_1454 : i32
        %get3A_1456 = arith.index_cast %add3A_1455 : i32 to index
        %get3A_1457 = tpu.vector_load %arg9[%get3A_1456] {strides = array<i32>} : memref<49152xf32, #tpu.memory_space<vmem>>, vector<16xf32>,
        %add3A_1458 = arith.constant 256 : i32
        %add3A_1459 = arith.addi %add3A_1422, %add3A_1458 : i32
        %get3A_1460 = arith.index_cast %add3A_1459 : i32 to index
        %get3A_1461 = tpu.vector_load %arg9[%get3A_1460] {strides = array<i32>} : memref<49152xf32, #tpu.memory_space<vmem>>, vector<16xf32>,
        %add3A_1462 = arith.constant 512 : i32
        %add3A_1463 = arith.addi %add3A_1422, %add3A_1462 : i32
        %get3A_1464 = arith.index_cast %add3A_1463 : i32 to index
        %get3A_1465 = tpu.vector_load %arg9[%get3A_1464] {strides = array<i32>} : memref<49152xf32, #tpu.memory_space<vmem>>, vector<16xf32>,
        %add3A_1466 = arith.constant 768 : i32
        %add3A_1467 = arith.addi %add3A_1422, %add3A_1466 : i32
        %get3A_1468 = arith.index_cast %add3A_1467 : i32 to index
        %get3A_1469 = tpu.vector_load %arg9[%get3A_1468] {strides = array<i32>} : memref<49152xf32, #tpu.memory_space<vmem>>, vector<16xf32>,
        %add3A_1470 = arith.constant 1024 : i32
        %add3A_1471 = arith.addi %add3A_1422, %add3A_1470 : i32
        %get3A_1472 = arith.index_cast %add3A_1471 : i32 to index
        %get3A_1473 = tpu.vector_load %arg9[%get3A_1472] {strides = array<i32>} : memref<49152xf32, #tpu.memory_space<vmem>>, vector<16xf32>,
        %add3A_1474 = arith.constant 1280 : i32
        %add3A_1475 = arith.addi %add3A_1422, %add3A_1474 : i32
        %get3A_1476 = arith.index_cast %add3A_1475 : i32 to index
        %get3A_1477 = tpu.vector_load %arg9[%get3A_1476] {strides = array<i32>} : memref<49152xf32, #tpu.memory_space<vmem>>, vector<16xf32>,
        %add3A_1478 = arith.constant 1536 : i32
        %add3A_1479 = arith.addi %add3A_1422, %add3A_1478 : i32
        %get3A_1480 = arith.index_cast %add3A_1479 : i32 to index
        %get3A_1481 = tpu.vector_load %arg9[%get3A_1480] {strides = array<i32>} : memref<49152xf32, #tpu.memory_space<vmem>>, vector<16xf32>,
        %add3A_1482 = arith.constant 1792 : i32
        %add3A_1483 = arith.addi %add3A_1422, %add3A_1482 : i32
        %get3A_1484 = arith.index_cast %add3A_1483 : i32 to index
        %get3A_1485 = tpu.vector_load %arg9[%get3A_1484] {strides = array<i32>} : memref<49152xf32, #tpu.memory_space<vmem>>, vector<16xf32>,
        %sub3A_1486 = arith.subf %get3A_1457, %get3A_1425 : vector<16xf32>
        %mul3A_1487 = arith.mulf %sub3A_550, %sub3A_1486 : vector<16xf32>
        %add3A_1488 = arith.addf %get3A_1425, %mul3A_1487 : vector<16xf32>
        %add3A_1489 = arith.constant 0 : i32
        %add3A_1490 = arith.addi %mul3A_1406, %add3A_1489 : i32
        %swap3A = arith.index_cast %add3A_1490 : i32 to index
        %swap3A_1491 = tpu.vector_load %arg10[%swap3A] {strides = array<i32>} : memref<3457xf32, #tpu.memory_space<vmem>>, vector<16xf32>,
        tpu.vector_store %arg10[%swap3A], %add3A_1488 {strides = array<i32>} : memref<3457xf32, #tpu.memory_space<vmem>>, vector<16xf32>,
        %add3A_1492 = arith.constant 1729 : i32
        %add3A_1493 = arith.addi %add3A_1492, %mul3A_1406 : i32
        %add3A_1494 = arith.constant 0 : i32
        %add3A_1495 = arith.addi %add3A_1493, %add3A_1494 : i32
        %swap3A_1496 = arith.index_cast %add3A_1495 : i32 to index
        %swap3A_1497 = tpu.vector_load %arg10[%swap3A_1496] {strides = array<i32>} : memref<3457xf32, #tpu.memory_space<vmem>>, vector<16xf32>,
        tpu.vector_store %arg10[%swap3A_1496], %add3A_1488 {strides = array<i32>} : memref<3457xf32, #tpu.memory_space<vmem>>, vector<16xf32>,
        %sub3A_1498 = arith.subf %get3A_1461, %get3A_1429 : vector<16xf32>
        %mul3A_1499 = arith.mulf %sub3A_550, %sub3A_1498 : vector<16xf32>
        %add3A_1500 = arith.addf %get3A_1429, %mul3A_1499 : vector<16xf32>
        %add3A_1501 = arith.constant 18 : i32
        %add3A_1502 = arith.addi %mul3A_1406, %add3A_1501 : i32
        %swap3A_1503 = arith.index_cast %add3A_1502 : i32 to index
        %swap3A_1504 = tpu.vector_load %arg10[%swap3A_1503] {strides = array<i32>} : memref<3457xf32, #tpu.memory_space<vmem>>, vector<16xf32>,
        tpu.vector_store %arg10[%swap3A_1503], %add3A_1500 {strides = array<i32>} : memref<3457xf32, #tpu.memory_space<vmem>>, vector<16xf32>,
        %add3A_1505 = arith.constant 1729 : i32
        %add3A_1506 = arith.addi %add3A_1505, %mul3A_1406 : i32
        %add3A_1507 = arith.constant 18 : i32
        %add3A_1508 = arith.addi %add3A_1506, %add3A_1507 : i32
        %swap3A_1509 = arith.index_cast %add3A_1508 : i32 to index
        %swap3A_1510 = tpu.vector_load %arg10[%swap3A_1509] {strides = array<i32>} : memref<3457xf32, #tpu.memory_space<vmem>>, vector<16xf32>,
        tpu.vector_store %arg10[%swap3A_1509], %add3A_1500 {strides = array<i32>} : memref<3457xf32, #tpu.memory_space<vmem>>, vector<16xf32>,
        %sub3A_1511 = arith.subf %get3A_1465, %get3A_1433 : vector<16xf32>
        %mul3A_1512 = arith.mulf %sub3A_550, %sub3A_1511 : vector<16xf32>
        %add3A_1513 = arith.addf %get3A_1433, %mul3A_1512 : vector<16xf32>
        %add3A_1514 = arith.constant 36 : i32
        %add3A_1515 = arith.addi %mul3A_1406, %add3A_1514 : i32
        %swap3A_1516 = arith.index_cast %add3A_1515 : i32 to index
        %swap3A_1517 = tpu.vector_load %arg10[%swap3A_1516] {strides = array<i32>} : memref<3457xf32, #tpu.memory_space<vmem>>, vector<16xf32>,
        tpu.vector_store %arg10[%swap3A_1516], %add3A_1513 {strides = array<i32>} : memref<3457xf32, #tpu.memory_space<vmem>>, vector<16xf32>,
        %add3A_1518 = arith.constant 1729 : i32
        %add3A_1519 = arith.addi %add3A_1518, %mul3A_1406 : i32
        %add3A_1520 = arith.constant 36 : i32
        %add3A_1521 = arith.addi %add3A_1519, %add3A_1520 : i32
        %swap3A_1522 = arith.index_cast %add3A_1521 : i32 to index
        %swap3A_1523 = tpu.vector_load %arg10[%swap3A_1522] {strides = array<i32>} : memref<3457xf32, #tpu.memory_space<vmem>>, vector<16xf32>,
        tpu.vector_store %arg10[%swap3A_1522], %add3A_1513 {strides = array<i32>} : memref<3457xf32, #tpu.memory_space<vmem>>, vector<16xf32>,
        %sub3A_1524 = arith.subf %get3A_1469, %get3A_1437 : vector<16xf32>
        %mul3A_1525 = arith.mulf %sub3A_550, %sub3A_1524 : vector<16xf32>
        %add3A_1526 = arith.addf %get3A_1437, %mul3A_1525 : vector<16xf32>
        %add3A_1527 = arith.constant 54 : i32
        %add3A_1528 = arith.addi %mul3A_1406, %add3A_1527 : i32
        %swap3A_1529 = arith.index_cast %add3A_1528 : i32 to index
        %swap3A_1530 = tpu.vector_load %arg10[%swap3A_1529] {strides = array<i32>} : memref<3457xf32, #tpu.memory_space<vmem>>, vector<16xf32>,
        tpu.vector_store %arg10[%swap3A_1529], %add3A_1526 {strides = array<i32>} : memref<3457xf32, #tpu.memory_space<vmem>>, vector<16xf32>,
        %add3A_1531 = arith.constant 1729 : i32
        %add3A_1532 = arith.addi %add3A_1531, %mul3A_1406 : i32
        %add3A_1533 = arith.constant 54 : i32
        %add3A_1534 = arith.addi %add3A_1532, %add3A_1533 : i32
        %swap3A_1535 = arith.index_cast %add3A_1534 : i32 to index
        %swap3A_1536 = tpu.vector_load %arg10[%swap3A_1535] {strides = array<i32>} : memref<3457xf32, #tpu.memory_space<vmem>>, vector<16xf32>,
        tpu.vector_store %arg10[%swap3A_1535], %add3A_1526 {strides = array<i32>} : memref<3457xf32, #tpu.memory_space<vmem>>, vector<16xf32>,
        %sub3A_1537 = arith.subf %get3A_1473, %get3A_1441 : vector<16xf32>
        %mul3A_1538 = arith.mulf %sub3A_550, %sub3A_1537 : vector<16xf32>
        %add3A_1539 = arith.addf %get3A_1441, %mul3A_1538 : vector<16xf32>
        %add3A_1540 = arith.constant 72 : i32
        %add3A_1541 = arith.addi %mul3A_1406, %add3A_1540 : i32
        %swap3A_1542 = arith.index_cast %add3A_1541 : i32 to index
        %swap3A_1543 = tpu.vector_load %arg10[%swap3A_1542] {strides = array<i32>} : memref<3457xf32, #tpu.memory_space<vmem>>, vector<16xf32>,
        tpu.vector_store %arg10[%swap3A_1542], %add3A_1539 {strides = array<i32>} : memref<3457xf32, #tpu.memory_space<vmem>>, vector<16xf32>,
        %add3A_1544 = arith.constant 1729 : i32
        %add3A_1545 = arith.addi %add3A_1544, %mul3A_1406 : i32
        %add3A_1546 = arith.constant 72 : i32
        %add3A_1547 = arith.addi %add3A_1545, %add3A_1546 : i32
        %swap3A_1548 = arith.index_cast %add3A_1547 : i32 to index
        %swap3A_1549 = tpu.vector_load %arg10[%swap3A_1548] {strides = array<i32>} : memref<3457xf32, #tpu.memory_space<vmem>>, vector<16xf32>,
        tpu.vector_store %arg10[%swap3A_1548], %add3A_1539 {strides = array<i32>} : memref<3457xf32, #tpu.memory_space<vmem>>, vector<16xf32>,
        %sub3A_1550 = arith.subf %get3A_1477, %get3A_1445 : vector<16xf32>
        %mul3A_1551 = arith.mulf %sub3A_550, %sub3A_1550 : vector<16xf32>
        %add3A_1552 = arith.addf %get3A_1445, %mul3A_1551 : vector<16xf32>
        %add3A_1553 = arith.constant 90 : i32
        %add3A_1554 = arith.addi %mul3A_1406, %add3A_1553 : i32
        %swap3A_1555 = arith.index_cast %add3A_1554 : i32 to index
        %swap3A_1556 = tpu.vector_load %arg10[%swap3A_1555] {strides = array<i32>} : memref<3457xf32, #tpu.memory_space<vmem>>, vector<16xf32>,
        tpu.vector_store %arg10[%swap3A_1555], %add3A_1552 {strides = array<i32>} : memref<3457xf32, #tpu.memory_space<vmem>>, vector<16xf32>,
        %add3A_1557 = arith.constant 1729 : i32
        %add3A_1558 = arith.addi %add3A_1557, %mul3A_1406 : i32
        %add3A_1559 = arith.constant 90 : i32
        %add3A_1560 = arith.addi %add3A_1558, %add3A_1559 : i32
        %swap3A_1561 = arith.index_cast %add3A_1560 : i32 to index
        %swap3A_1562 = tpu.vector_load %arg10[%swap3A_1561] {strides = array<i32>} : memref<3457xf32, #tpu.memory_space<vmem>>, vector<16xf32>,
        tpu.vector_store %arg10[%swap3A_1561], %add3A_1552 {strides = array<i32>} : memref<3457xf32, #tpu.memory_space<vmem>>, vector<16xf32>,
        %sub3A_1563 = arith.subf %get3A_1481, %get3A_1449 : vector<16xf32>
        %mul3A_1564 = arith.mulf %sub3A_550, %sub3A_1563 : vector<16xf32>
        %add3A_1565 = arith.addf %get3A_1449, %mul3A_1564 : vector<16xf32>
        %add3A_1566 = arith.constant 108 : i32
        %add3A_1567 = arith.addi %mul3A_1406, %add3A_1566 : i32
        %swap3A_1568 = arith.index_cast %add3A_1567 : i32 to index
        %swap3A_1569 = tpu.vector_load %arg10[%swap3A_1568] {strides = array<i32>} : memref<3457xf32, #tpu.memory_space<vmem>>, vector<16xf32>,
        tpu.vector_store %arg10[%swap3A_1568], %add3A_1565 {strides = array<i32>} : memref<3457xf32, #tpu.memory_space<vmem>>, vector<16xf32>,
        %add3A_1570 = arith.constant 1729 : i32
        %add3A_1571 = arith.addi %add3A_1570, %mul3A_1406 : i32
        %add3A_1572 = arith.constant 108 : i32
        %add3A_1573 = arith.addi %add3A_1571, %add3A_1572 : i32
        %swap3A_1574 = arith.index_cast %add3A_1573 : i32 to index
        %swap3A_1575 = tpu.vector_load %arg10[%swap3A_1574] {strides = array<i32>} : memref<3457xf32, #tpu.memory_space<vmem>>, vector<16xf32>,
        tpu.vector_store %arg10[%swap3A_1574], %add3A_1565 {strides = array<i32>} : memref<3457xf32, #tpu.memory_space<vmem>>, vector<16xf32>,
        %sub3A_1576 = arith.subf %get3A_1485, %get3A_1453 : vector<16xf32>
        %mul3A_1577 = arith.mulf %sub3A_550, %sub3A_1576 : vector<16xf32>
        %add3A_1578 = arith.addf %get3A_1453, %mul3A_1577 : vector<16xf32>
        %add3A_1579 = arith.constant 126 : i32
        %add3A_1580 = arith.addi %mul3A_1406, %add3A_1579 : i32
        %swap3A_1581 = arith.index_cast %add3A_1580 : i32 to index
        %swap3A_1582 = tpu.vector_load %arg10[%swap3A_1581] {strides = array<i32>} : memref<3457xf32, #tpu.memory_space<vmem>>, vector<16xf32>,
        tpu.vector_store %arg10[%swap3A_1581], %add3A_1578 {strides = array<i32>} : memref<3457xf32, #tpu.memory_space<vmem>>, vector<16xf32>,
        %add3A_1583 = arith.constant 1729 : i32
        %add3A_1584 = arith.addi %add3A_1583, %mul3A_1406 : i32
        %add3A_1585 = arith.constant 126 : i32
        %add3A_1586 = arith.addi %add3A_1584, %add3A_1585 : i32
        %swap3A_1587 = arith.index_cast %add3A_1586 : i32 to index
        %swap3A_1588 = tpu.vector_load %arg10[%swap3A_1587] {strides = array<i32>} : memref<3457xf32, #tpu.memory_space<vmem>>, vector<16xf32>,
        tpu.vector_store %arg10[%swap3A_1587], %add3A_1578 {strides = array<i32>} : memref<3457xf32, #tpu.memory_space<vmem>>, vector<16xf32>,
      }
      %scan3A_556 = arith.constant 12 : i32
      %add3A_557 = arith.constant 3 : i32
      %add3A_558 = arith.addi %add3A_448, %add3A_557 : i32
      %sub3A_559 = arith.constant 16 : i32
      %sub3A_560 = arith.subi %add3A_558, %sub3A_559 : i32
      %shift_right_arithmetic3A_561 = arith.constant 5 : i32
      %shift_right_arithmetic3A_562 = arith.shrsi %sub3A_560, %shift_right_arithmetic3A_561 : i32
      %jit3A_563 = arith.constant 0 : i32
      %jit3A_564 = arith.constant 15 : i32
      %max3A_565 = arith.maxsi %jit3A_563, %shift_right_arithmetic3A_562 : i32
      %min3A_566 = arith.minsi %jit3A_564, %max3A_565 : i32
      %add3A_567 = arith.constant 1 : i32
      %add3A_568 = arith.addi %shift_right_arithmetic3A_562, %add3A_567 : i32
      %jit3A_569 = arith.constant 0 : i32
      %jit3A_570 = arith.constant 15 : i32
      %max3A_571 = arith.maxsi %jit3A_569, %add3A_568 : i32
      %min3A_572 = arith.minsi %jit3A_570, %max3A_571 : i32
      %broadcast_in_dim3A_573 = vector.broadcast %add3A_558 : i32 to vector<16xi32>
      %convert_element_type3A_574 = arith.sitofp %broadcast_in_dim3A_573 : vector<16xi32> to vector<16xf32>
      %broadcast_in_dim3A_575 = vector.broadcast %shift_right_arithmetic3A_562 : i32 to vector<16xi32>
      %convert_element_type3A_576 = arith.sitofp %broadcast_in_dim3A_575 : vector<16xi32> to vector<16xf32>
      %add3A_577 = arith.constant 5.000000e-01 : f32
      %add3A_578 = vector.broadcast %add3A_577 : f32 to vector<16xf32>
      %add3A_579 = arith.addf %convert_element_type3A_574, %add3A_578 : vector<16xf32>
      %mul3A_580 = arith.constant 3.125000e-02 : f32
      %mul3A_581 = vector.broadcast %mul3A_580 : f32 to vector<16xf32>
      %mul3A_582 = arith.mulf %add3A_579, %mul3A_581 : vector<16xf32>
      %sub3A_583 = arith.constant 5.000000e-01 : f32
      %sub3A_584 = vector.broadcast %sub3A_583 : f32 to vector<16xf32>
      %sub3A_585 = arith.subf %mul3A_582, %sub3A_584 : vector<16xf32>
      %sub3A_586 = arith.subf %sub3A_585, %convert_element_type3A_576 : vector<16xf32>
      %scan3A_587 = arith.constant 0 : i32
      %scan3A_588 = arith.constant 0 : i32
      %scan3A_589 = arith.constant 12 : i32
      %scan3A_590 = arith.addi %scan3A_588, %scan3A_589 : i32
      %scan3A_591 = arith.constant 1 : i32
      scf.for %scan3A_1404 = %scan3A_588 to %scan3A_590 step %scan3A_591  : i32 {
        %mul3A_1405 = arith.constant 144 : i32
        %mul3A_1406 = arith.muli %scan3A_1404, %mul3A_1405 : i32
        %mul3A_1407 = arith.constant 24576 : i32
        %mul3A_1408 = arith.muli %rem3A_173, %mul3A_1407 : i32
        %mul3A_1409 = arith.constant 2048 : i32
        %mul3A_1410 = arith.muli %scan3A_1404, %mul3A_1409 : i32
        %add3A_1411 = arith.addi %mul3A_1408, %mul3A_1410 : i32
        %mul3A_1412 = arith.constant 16 : i32
        %mul3A_1413 = arith.muli %min3A_566, %mul3A_1412 : i32
        %add3A_1414 = arith.addi %add3A_1411, %mul3A_1413 : i32
        %mul3A_1415 = arith.constant 24576 : i32
        %mul3A_1416 = arith.muli %rem3A_173, %mul3A_1415 : i32
        %mul3A_1417 = arith.constant 2048 : i32
        %mul3A_1418 = arith.muli %scan3A_1404, %mul3A_1417 : i32
        %add3A_1419 = arith.addi %mul3A_1416, %mul3A_1418 : i32
        %mul3A_1420 = arith.constant 16 : i32
        %mul3A_1421 = arith.muli %min3A_572, %mul3A_1420 : i32
        %add3A_1422 = arith.addi %add3A_1419, %mul3A_1421 : i32
        %add3A_1423 = arith.constant 0 : i32
        %add3A_1424 = arith.addi %add3A_1414, %add3A_1423 : i32
        %get3A = arith.index_cast %add3A_1424 : i32 to index
        %get3A_1425 = tpu.vector_load %arg9[%get3A] {strides = array<i32>} : memref<49152xf32, #tpu.memory_space<vmem>>, vector<16xf32>,
        %add3A_1426 = arith.constant 256 : i32
        %add3A_1427 = arith.addi %add3A_1414, %add3A_1426 : i32
        %get3A_1428 = arith.index_cast %add3A_1427 : i32 to index
        %get3A_1429 = tpu.vector_load %arg9[%get3A_1428] {strides = array<i32>} : memref<49152xf32, #tpu.memory_space<vmem>>, vector<16xf32>,
        %add3A_1430 = arith.constant 512 : i32
        %add3A_1431 = arith.addi %add3A_1414, %add3A_1430 : i32
        %get3A_1432 = arith.index_cast %add3A_1431 : i32 to index
        %get3A_1433 = tpu.vector_load %arg9[%get3A_1432] {strides = array<i32>} : memref<49152xf32, #tpu.memory_space<vmem>>, vector<16xf32>,
        %add3A_1434 = arith.constant 768 : i32
        %add3A_1435 = arith.addi %add3A_1414, %add3A_1434 : i32
        %get3A_1436 = arith.index_cast %add3A_1435 : i32 to index
        %get3A_1437 = tpu.vector_load %arg9[%get3A_1436] {strides = array<i32>} : memref<49152xf32, #tpu.memory_space<vmem>>, vector<16xf32>,
        %add3A_1438 = arith.constant 1024 : i32
        %add3A_1439 = arith.addi %add3A_1414, %add3A_1438 : i32
        %get3A_1440 = arith.index_cast %add3A_1439 : i32 to index
        %get3A_1441 = tpu.vector_load %arg9[%get3A_1440] {strides = array<i32>} : memref<49152xf32, #tpu.memory_space<vmem>>, vector<16xf32>,
        %add3A_1442 = arith.constant 1280 : i32
        %add3A_1443 = arith.addi %add3A_1414, %add3A_1442 : i32
        %get3A_1444 = arith.index_cast %add3A_1443 : i32 to index
        %get3A_1445 = tpu.vector_load %arg9[%get3A_1444] {strides = array<i32>} : memref<49152xf32, #tpu.memory_space<vmem>>, vector<16xf32>,
        %add3A_1446 = arith.constant 1536 : i32
        %add3A_1447 = arith.addi %add3A_1414, %add3A_1446 : i32
        %get3A_1448 = arith.index_cast %add3A_1447 : i32 to index
        %get3A_1449 = tpu.vector_load %arg9[%get3A_1448] {strides = array<i32>} : memref<49152xf32, #tpu.memory_space<vmem>>, vector<16xf32>,
        %add3A_1450 = arith.constant 1792 : i32
        %add3A_1451 = arith.addi %add3A_1414, %add3A_1450 : i32
        %get3A_1452 = arith.index_cast %add3A_1451 : i32 to index
        %get3A_1453 = tpu.vector_load %arg9[%get3A_1452] {strides = array<i32>} : memref<49152xf32, #tpu.memory_space<vmem>>, vector<16xf32>,
        %add3A_1454 = arith.constant 0 : i32
        %add3A_1455 = arith.addi %add3A_1422, %add3A_1454 : i32
        %get3A_1456 = arith.index_cast %add3A_1455 : i32 to index
        %get3A_1457 = tpu.vector_load %arg9[%get3A_1456] {strides = array<i32>} : memref<49152xf32, #tpu.memory_space<vmem>>, vector<16xf32>,
        %add3A_1458 = arith.constant 256 : i32
        %add3A_1459 = arith.addi %add3A_1422, %add3A_1458 : i32
        %get3A_1460 = arith.index_cast %add3A_1459 : i32 to index
        %get3A_1461 = tpu.vector_load %arg9[%get3A_1460] {strides = array<i32>} : memref<49152xf32, #tpu.memory_space<vmem>>, vector<16xf32>,
        %add3A_1462 = arith.constant 512 : i32
        %add3A_1463 = arith.addi %add3A_1422, %add3A_1462 : i32
        %get3A_1464 = arith.index_cast %add3A_1463 : i32 to index
        %get3A_1465 = tpu.vector_load %arg9[%get3A_1464] {strides = array<i32>} : memref<49152xf32, #tpu.memory_space<vmem>>, vector<16xf32>,
        %add3A_1466 = arith.constant 768 : i32
        %add3A_1467 = arith.addi %add3A_1422, %add3A_1466 : i32
        %get3A_1468 = arith.index_cast %add3A_1467 : i32 to index
        %get3A_1469 = tpu.vector_load %arg9[%get3A_1468] {strides = array<i32>} : memref<49152xf32, #tpu.memory_space<vmem>>, vector<16xf32>,
        %add3A_1470 = arith.constant 1024 : i32
        %add3A_1471 = arith.addi %add3A_1422, %add3A_1470 : i32
        %get3A_1472 = arith.index_cast %add3A_1471 : i32 to index
        %get3A_1473 = tpu.vector_load %arg9[%get3A_1472] {strides = array<i32>} : memref<49152xf32, #tpu.memory_space<vmem>>, vector<16xf32>,
        %add3A_1474 = arith.constant 1280 : i32
        %add3A_1475 = arith.addi %add3A_1422, %add3A_1474 : i32
        %get3A_1476 = arith.index_cast %add3A_1475 : i32 to index
        %get3A_1477 = tpu.vector_load %arg9[%get3A_1476] {strides = array<i32>} : memref<49152xf32, #tpu.memory_space<vmem>>, vector<16xf32>,
        %add3A_1478 = arith.constant 1536 : i32
        %add3A_1479 = arith.addi %add3A_1422, %add3A_1478 : i32
        %get3A_1480 = arith.index_cast %add3A_1479 : i32 to index
        %get3A_1481 = tpu.vector_load %arg9[%get3A_1480] {strides = array<i32>} : memref<49152xf32, #tpu.memory_space<vmem>>, vector<16xf32>,
        %add3A_1482 = arith.constant 1792 : i32
        %add3A_1483 = arith.addi %add3A_1422, %add3A_1482 : i32
        %get3A_1484 = arith.index_cast %add3A_1483 : i32 to index
        %get3A_1485 = tpu.vector_load %arg9[%get3A_1484] {strides = array<i32>} : memref<49152xf32, #tpu.memory_space<vmem>>, vector<16xf32>,
        %sub3A_1486 = arith.subf %get3A_1457, %get3A_1425 : vector<16xf32>
        %mul3A_1487 = arith.mulf %sub3A_586, %sub3A_1486 : vector<16xf32>
        %add3A_1488 = arith.addf %get3A_1425, %mul3A_1487 : vector<16xf32>
        %add3A_1489 = arith.constant 0 : i32
        %add3A_1490 = arith.addi %mul3A_1406, %add3A_1489 : i32
        %swap3A = arith.index_cast %add3A_1490 : i32 to index
        %swap3A_1491 = tpu.vector_load %arg10[%swap3A] {strides = array<i32>} : memref<3457xf32, #tpu.memory_space<vmem>>, vector<16xf32>,
        tpu.vector_store %arg10[%swap3A], %add3A_1488 {strides = array<i32>} : memref<3457xf32, #tpu.memory_space<vmem>>, vector<16xf32>,
        %add3A_1492 = arith.constant 1729 : i32
        %add3A_1493 = arith.addi %add3A_1492, %mul3A_1406 : i32
        %add3A_1494 = arith.constant 0 : i32
        %add3A_1495 = arith.addi %add3A_1493, %add3A_1494 : i32
        %swap3A_1496 = arith.index_cast %add3A_1495 : i32 to index
        %swap3A_1497 = tpu.vector_load %arg10[%swap3A_1496] {strides = array<i32>} : memref<3457xf32, #tpu.memory_space<vmem>>, vector<16xf32>,
        tpu.vector_store %arg10[%swap3A_1496], %add3A_1488 {strides = array<i32>} : memref<3457xf32, #tpu.memory_space<vmem>>, vector<16xf32>,
        %sub3A_1498 = arith.subf %get3A_1461, %get3A_1429 : vector<16xf32>
        %mul3A_1499 = arith.mulf %sub3A_586, %sub3A_1498 : vector<16xf32>
        %add3A_1500 = arith.addf %get3A_1429, %mul3A_1499 : vector<16xf32>
        %add3A_1501 = arith.constant 18 : i32
        %add3A_1502 = arith.addi %mul3A_1406, %add3A_1501 : i32
        %swap3A_1503 = arith.index_cast %add3A_1502 : i32 to index
        %swap3A_1504 = tpu.vector_load %arg10[%swap3A_1503] {strides = array<i32>} : memref<3457xf32, #tpu.memory_space<vmem>>, vector<16xf32>,
        tpu.vector_store %arg10[%swap3A_1503], %add3A_1500 {strides = array<i32>} : memref<3457xf32, #tpu.memory_space<vmem>>, vector<16xf32>,
        %add3A_1505 = arith.constant 1729 : i32
        %add3A_1506 = arith.addi %add3A_1505, %mul3A_1406 : i32
        %add3A_1507 = arith.constant 18 : i32
        %add3A_1508 = arith.addi %add3A_1506, %add3A_1507 : i32
        %swap3A_1509 = arith.index_cast %add3A_1508 : i32 to index
        %swap3A_1510 = tpu.vector_load %arg10[%swap3A_1509] {strides = array<i32>} : memref<3457xf32, #tpu.memory_space<vmem>>, vector<16xf32>,
        tpu.vector_store %arg10[%swap3A_1509], %add3A_1500 {strides = array<i32>} : memref<3457xf32, #tpu.memory_space<vmem>>, vector<16xf32>,
        %sub3A_1511 = arith.subf %get3A_1465, %get3A_1433 : vector<16xf32>
        %mul3A_1512 = arith.mulf %sub3A_586, %sub3A_1511 : vector<16xf32>
        %add3A_1513 = arith.addf %get3A_1433, %mul3A_1512 : vector<16xf32>
        %add3A_1514 = arith.constant 36 : i32
        %add3A_1515 = arith.addi %mul3A_1406, %add3A_1514 : i32
        %swap3A_1516 = arith.index_cast %add3A_1515 : i32 to index
        %swap3A_1517 = tpu.vector_load %arg10[%swap3A_1516] {strides = array<i32>} : memref<3457xf32, #tpu.memory_space<vmem>>, vector<16xf32>,
        tpu.vector_store %arg10[%swap3A_1516], %add3A_1513 {strides = array<i32>} : memref<3457xf32, #tpu.memory_space<vmem>>, vector<16xf32>,
        %add3A_1518 = arith.constant 1729 : i32
        %add3A_1519 = arith.addi %add3A_1518, %mul3A_1406 : i32
        %add3A_1520 = arith.constant 36 : i32
        %add3A_1521 = arith.addi %add3A_1519, %add3A_1520 : i32
        %swap3A_1522 = arith.index_cast %add3A_1521 : i32 to index
        %swap3A_1523 = tpu.vector_load %arg10[%swap3A_1522] {strides = array<i32>} : memref<3457xf32, #tpu.memory_space<vmem>>, vector<16xf32>,
        tpu.vector_store %arg10[%swap3A_1522], %add3A_1513 {strides = array<i32>} : memref<3457xf32, #tpu.memory_space<vmem>>, vector<16xf32>,
        %sub3A_1524 = arith.subf %get3A_1469, %get3A_1437 : vector<16xf32>
        %mul3A_1525 = arith.mulf %sub3A_586, %sub3A_1524 : vector<16xf32>
        %add3A_1526 = arith.addf %get3A_1437, %mul3A_1525 : vector<16xf32>
        %add3A_1527 = arith.constant 54 : i32
        %add3A_1528 = arith.addi %mul3A_1406, %add3A_1527 : i32
        %swap3A_1529 = arith.index_cast %add3A_1528 : i32 to index
        %swap3A_1530 = tpu.vector_load %arg10[%swap3A_1529] {strides = array<i32>} : memref<3457xf32, #tpu.memory_space<vmem>>, vector<16xf32>,
        tpu.vector_store %arg10[%swap3A_1529], %add3A_1526 {strides = array<i32>} : memref<3457xf32, #tpu.memory_space<vmem>>, vector<16xf32>,
        %add3A_1531 = arith.constant 1729 : i32
        %add3A_1532 = arith.addi %add3A_1531, %mul3A_1406 : i32
        %add3A_1533 = arith.constant 54 : i32
        %add3A_1534 = arith.addi %add3A_1532, %add3A_1533 : i32
        %swap3A_1535 = arith.index_cast %add3A_1534 : i32 to index
        %swap3A_1536 = tpu.vector_load %arg10[%swap3A_1535] {strides = array<i32>} : memref<3457xf32, #tpu.memory_space<vmem>>, vector<16xf32>,
        tpu.vector_store %arg10[%swap3A_1535], %add3A_1526 {strides = array<i32>} : memref<3457xf32, #tpu.memory_space<vmem>>, vector<16xf32>,
        %sub3A_1537 = arith.subf %get3A_1473, %get3A_1441 : vector<16xf32>
        %mul3A_1538 = arith.mulf %sub3A_586, %sub3A_1537 : vector<16xf32>
        %add3A_1539 = arith.addf %get3A_1441, %mul3A_1538 : vector<16xf32>
        %add3A_1540 = arith.constant 72 : i32
        %add3A_1541 = arith.addi %mul3A_1406, %add3A_1540 : i32
        %swap3A_1542 = arith.index_cast %add3A_1541 : i32 to index
        %swap3A_1543 = tpu.vector_load %arg10[%swap3A_1542] {strides = array<i32>} : memref<3457xf32, #tpu.memory_space<vmem>>, vector<16xf32>,
        tpu.vector_store %arg10[%swap3A_1542], %add3A_1539 {strides = array<i32>} : memref<3457xf32, #tpu.memory_space<vmem>>, vector<16xf32>,
        %add3A_1544 = arith.constant 1729 : i32
        %add3A_1545 = arith.addi %add3A_1544, %mul3A_1406 : i32
        %add3A_1546 = arith.constant 72 : i32
        %add3A_1547 = arith.addi %add3A_1545, %add3A_1546 : i32
        %swap3A_1548 = arith.index_cast %add3A_1547 : i32 to index
        %swap3A_1549 = tpu.vector_load %arg10[%swap3A_1548] {strides = array<i32>} : memref<3457xf32, #tpu.memory_space<vmem>>, vector<16xf32>,
        tpu.vector_store %arg10[%swap3A_1548], %add3A_1539 {strides = array<i32>} : memref<3457xf32, #tpu.memory_space<vmem>>, vector<16xf32>,
        %sub3A_1550 = arith.subf %get3A_1477, %get3A_1445 : vector<16xf32>
        %mul3A_1551 = arith.mulf %sub3A_586, %sub3A_1550 : vector<16xf32>
        %add3A_1552 = arith.addf %get3A_1445, %mul3A_1551 : vector<16xf32>
        %add3A_1553 = arith.constant 90 : i32
        %add3A_1554 = arith.addi %mul3A_1406, %add3A_1553 : i32
        %swap3A_1555 = arith.index_cast %add3A_1554 : i32 to index
        %swap3A_1556 = tpu.vector_load %arg10[%swap3A_1555] {strides = array<i32>} : memref<3457xf32, #tpu.memory_space<vmem>>, vector<16xf32>,
        tpu.vector_store %arg10[%swap3A_1555], %add3A_1552 {strides = array<i32>} : memref<3457xf32, #tpu.memory_space<vmem>>, vector<16xf32>,
        %add3A_1557 = arith.constant 1729 : i32
        %add3A_1558 = arith.addi %add3A_1557, %mul3A_1406 : i32
        %add3A_1559 = arith.constant 90 : i32
        %add3A_1560 = arith.addi %add3A_1558, %add3A_1559 : i32
        %swap3A_1561 = arith.index_cast %add3A_1560 : i32 to index
        %swap3A_1562 = tpu.vector_load %arg10[%swap3A_1561] {strides = array<i32>} : memref<3457xf32, #tpu.memory_space<vmem>>, vector<16xf32>,
        tpu.vector_store %arg10[%swap3A_1561], %add3A_1552 {strides = array<i32>} : memref<3457xf32, #tpu.memory_space<vmem>>, vector<16xf32>,
        %sub3A_1563 = arith.subf %get3A_1481, %get3A_1449 : vector<16xf32>
        %mul3A_1564 = arith.mulf %sub3A_586, %sub3A_1563 : vector<16xf32>
        %add3A_1565 = arith.addf %get3A_1449, %mul3A_1564 : vector<16xf32>
        %add3A_1566 = arith.constant 108 : i32
        %add3A_1567 = arith.addi %mul3A_1406, %add3A_1566 : i32
        %swap3A_1568 = arith.index_cast %add3A_1567 : i32 to index
        %swap3A_1569 = tpu.vector_load %arg10[%swap3A_1568] {strides = array<i32>} : memref<3457xf32, #tpu.memory_space<vmem>>, vector<16xf32>,
        tpu.vector_store %arg10[%swap3A_1568], %add3A_1565 {strides = array<i32>} : memref<3457xf32, #tpu.memory_space<vmem>>, vector<16xf32>,
        %add3A_1570 = arith.constant 1729 : i32
        %add3A_1571 = arith.addi %add3A_1570, %mul3A_1406 : i32
        %add3A_1572 = arith.constant 108 : i32
        %add3A_1573 = arith.addi %add3A_1571, %add3A_1572 : i32
        %swap3A_1574 = arith.index_cast %add3A_1573 : i32 to index
        %swap3A_1575 = tpu.vector_load %arg10[%swap3A_1574] {strides = array<i32>} : memref<3457xf32, #tpu.memory_space<vmem>>, vector<16xf32>,
        tpu.vector_store %arg10[%swap3A_1574], %add3A_1565 {strides = array<i32>} : memref<3457xf32, #tpu.memory_space<vmem>>, vector<16xf32>,
        %sub3A_1576 = arith.subf %get3A_1485, %get3A_1453 : vector<16xf32>
        %mul3A_1577 = arith.mulf %sub3A_586, %sub3A_1576 : vector<16xf32>
        %add3A_1578 = arith.addf %get3A_1453, %mul3A_1577 : vector<16xf32>
        %add3A_1579 = arith.constant 126 : i32
        %add3A_1580 = arith.addi %mul3A_1406, %add3A_1579 : i32
        %swap3A_1581 = arith.index_cast %add3A_1580 : i32 to index
        %swap3A_1582 = tpu.vector_load %arg10[%swap3A_1581] {strides = array<i32>} : memref<3457xf32, #tpu.memory_space<vmem>>, vector<16xf32>,
        tpu.vector_store %arg10[%swap3A_1581], %add3A_1578 {strides = array<i32>} : memref<3457xf32, #tpu.memory_space<vmem>>, vector<16xf32>,
        %add3A_1583 = arith.constant 1729 : i32
        %add3A_1584 = arith.addi %add3A_1583, %mul3A_1406 : i32
        %add3A_1585 = arith.constant 126 : i32
        %add3A_1586 = arith.addi %add3A_1584, %add3A_1585 : i32
        %swap3A_1587 = arith.index_cast %add3A_1586 : i32 to index
        %swap3A_1588 = tpu.vector_load %arg10[%swap3A_1587] {strides = array<i32>} : memref<3457xf32, #tpu.memory_space<vmem>>, vector<16xf32>,
        tpu.vector_store %arg10[%swap3A_1587], %add3A_1578 {strides = array<i32>} : memref<3457xf32, #tpu.memory_space<vmem>>, vector<16xf32>,
      }
      %scan3A_592 = arith.constant 12 : i32
      %add3A_593 = arith.constant 4 : i32
      %add3A_594 = arith.addi %add3A_448, %add3A_593 : i32
      %sub3A_595 = arith.constant 16 : i32
      %sub3A_596 = arith.subi %add3A_594, %sub3A_595 : i32
      %shift_right_arithmetic3A_597 = arith.constant 5 : i32
      %shift_right_arithmetic3A_598 = arith.shrsi %sub3A_596, %shift_right_arithmetic3A_597 : i32
      %jit3A_599 = arith.constant 0 : i32
      %jit3A_600 = arith.constant 15 : i32
      %max3A_601 = arith.maxsi %jit3A_599, %shift_right_arithmetic3A_598 : i32
      %min3A_602 = arith.minsi %jit3A_600, %max3A_601 : i32
      %add3A_603 = arith.constant 1 : i32
      %add3A_604 = arith.addi %shift_right_arithmetic3A_598, %add3A_603 : i32
      %jit3A_605 = arith.constant 0 : i32
      %jit3A_606 = arith.constant 15 : i32
      %max3A_607 = arith.maxsi %jit3A_605, %add3A_604 : i32
      %min3A_608 = arith.minsi %jit3A_606, %max3A_607 : i32
      %broadcast_in_dim3A_609 = vector.broadcast %add3A_594 : i32 to vector<16xi32>
      %convert_element_type3A_610 = arith.sitofp %broadcast_in_dim3A_609 : vector<16xi32> to vector<16xf32>
      %broadcast_in_dim3A_611 = vector.broadcast %shift_right_arithmetic3A_598 : i32 to vector<16xi32>
      %convert_element_type3A_612 = arith.sitofp %broadcast_in_dim3A_611 : vector<16xi32> to vector<16xf32>
      %add3A_613 = arith.constant 5.000000e-01 : f32
      %add3A_614 = vector.broadcast %add3A_613 : f32 to vector<16xf32>
      %add3A_615 = arith.addf %convert_element_type3A_610, %add3A_614 : vector<16xf32>
      %mul3A_616 = arith.constant 3.125000e-02 : f32
      %mul3A_617 = vector.broadcast %mul3A_616 : f32 to vector<16xf32>
      %mul3A_618 = arith.mulf %add3A_615, %mul3A_617 : vector<16xf32>
      %sub3A_619 = arith.constant 5.000000e-01 : f32
      %sub3A_620 = vector.broadcast %sub3A_619 : f32 to vector<16xf32>
      %sub3A_621 = arith.subf %mul3A_618, %sub3A_620 : vector<16xf32>
      %sub3A_622 = arith.subf %sub3A_621, %convert_element_type3A_612 : vector<16xf32>
      %scan3A_623 = arith.constant 0 : i32
      %scan3A_624 = arith.constant 0 : i32
      %scan3A_625 = arith.constant 12 : i32
      %scan3A_626 = arith.addi %scan3A_624, %scan3A_625 : i32
      %scan3A_627 = arith.constant 1 : i32
      scf.for %scan3A_1404 = %scan3A_624 to %scan3A_626 step %scan3A_627  : i32 {
        %mul3A_1405 = arith.constant 144 : i32
        %mul3A_1406 = arith.muli %scan3A_1404, %mul3A_1405 : i32
        %mul3A_1407 = arith.constant 24576 : i32
        %mul3A_1408 = arith.muli %rem3A_173, %mul3A_1407 : i32
        %mul3A_1409 = arith.constant 2048 : i32
        %mul3A_1410 = arith.muli %scan3A_1404, %mul3A_1409 : i32
        %add3A_1411 = arith.addi %mul3A_1408, %mul3A_1410 : i32
        %mul3A_1412 = arith.constant 16 : i32
        %mul3A_1413 = arith.muli %min3A_602, %mul3A_1412 : i32
        %add3A_1414 = arith.addi %add3A_1411, %mul3A_1413 : i32
        %mul3A_1415 = arith.constant 24576 : i32
        %mul3A_1416 = arith.muli %rem3A_173, %mul3A_1415 : i32
        %mul3A_1417 = arith.constant 2048 : i32
        %mul3A_1418 = arith.muli %scan3A_1404, %mul3A_1417 : i32
        %add3A_1419 = arith.addi %mul3A_1416, %mul3A_1418 : i32
        %mul3A_1420 = arith.constant 16 : i32
        %mul3A_1421 = arith.muli %min3A_608, %mul3A_1420 : i32
        %add3A_1422 = arith.addi %add3A_1419, %mul3A_1421 : i32
        %add3A_1423 = arith.constant 0 : i32
        %add3A_1424 = arith.addi %add3A_1414, %add3A_1423 : i32
        %get3A = arith.index_cast %add3A_1424 : i32 to index
        %get3A_1425 = tpu.vector_load %arg9[%get3A] {strides = array<i32>} : memref<49152xf32, #tpu.memory_space<vmem>>, vector<16xf32>,
        %add3A_1426 = arith.constant 256 : i32
        %add3A_1427 = arith.addi %add3A_1414, %add3A_1426 : i32
        %get3A_1428 = arith.index_cast %add3A_1427 : i32 to index
        %get3A_1429 = tpu.vector_load %arg9[%get3A_1428] {strides = array<i32>} : memref<49152xf32, #tpu.memory_space<vmem>>, vector<16xf32>,
        %add3A_1430 = arith.constant 512 : i32
        %add3A_1431 = arith.addi %add3A_1414, %add3A_1430 : i32
        %get3A_1432 = arith.index_cast %add3A_1431 : i32 to index
        %get3A_1433 = tpu.vector_load %arg9[%get3A_1432] {strides = array<i32>} : memref<49152xf32, #tpu.memory_space<vmem>>, vector<16xf32>,
        %add3A_1434 = arith.constant 768 : i32
        %add3A_1435 = arith.addi %add3A_1414, %add3A_1434 : i32
        %get3A_1436 = arith.index_cast %add3A_1435 : i32 to index
        %get3A_1437 = tpu.vector_load %arg9[%get3A_1436] {strides = array<i32>} : memref<49152xf32, #tpu.memory_space<vmem>>, vector<16xf32>,
        %add3A_1438 = arith.constant 1024 : i32
        %add3A_1439 = arith.addi %add3A_1414, %add3A_1438 : i32
        %get3A_1440 = arith.index_cast %add3A_1439 : i32 to index
        %get3A_1441 = tpu.vector_load %arg9[%get3A_1440] {strides = array<i32>} : memref<49152xf32, #tpu.memory_space<vmem>>, vector<16xf32>,
        %add3A_1442 = arith.constant 1280 : i32
        %add3A_1443 = arith.addi %add3A_1414, %add3A_1442 : i32
        %get3A_1444 = arith.index_cast %add3A_1443 : i32 to index
        %get3A_1445 = tpu.vector_load %arg9[%get3A_1444] {strides = array<i32>} : memref<49152xf32, #tpu.memory_space<vmem>>, vector<16xf32>,
        %add3A_1446 = arith.constant 1536 : i32
        %add3A_1447 = arith.addi %add3A_1414, %add3A_1446 : i32
        %get3A_1448 = arith.index_cast %add3A_1447 : i32 to index
        %get3A_1449 = tpu.vector_load %arg9[%get3A_1448] {strides = array<i32>} : memref<49152xf32, #tpu.memory_space<vmem>>, vector<16xf32>,
        %add3A_1450 = arith.constant 1792 : i32
        %add3A_1451 = arith.addi %add3A_1414, %add3A_1450 : i32
        %get3A_1452 = arith.index_cast %add3A_1451 : i32 to index
        %get3A_1453 = tpu.vector_load %arg9[%get3A_1452] {strides = array<i32>} : memref<49152xf32, #tpu.memory_space<vmem>>, vector<16xf32>,
        %add3A_1454 = arith.constant 0 : i32
        %add3A_1455 = arith.addi %add3A_1422, %add3A_1454 : i32
        %get3A_1456 = arith.index_cast %add3A_1455 : i32 to index
        %get3A_1457 = tpu.vector_load %arg9[%get3A_1456] {strides = array<i32>} : memref<49152xf32, #tpu.memory_space<vmem>>, vector<16xf32>,
        %add3A_1458 = arith.constant 256 : i32
        %add3A_1459 = arith.addi %add3A_1422, %add3A_1458 : i32
        %get3A_1460 = arith.index_cast %add3A_1459 : i32 to index
        %get3A_1461 = tpu.vector_load %arg9[%get3A_1460] {strides = array<i32>} : memref<49152xf32, #tpu.memory_space<vmem>>, vector<16xf32>,
        %add3A_1462 = arith.constant 512 : i32
        %add3A_1463 = arith.addi %add3A_1422, %add3A_1462 : i32
        %get3A_1464 = arith.index_cast %add3A_1463 : i32 to index
        %get3A_1465 = tpu.vector_load %arg9[%get3A_1464] {strides = array<i32>} : memref<49152xf32, #tpu.memory_space<vmem>>, vector<16xf32>,
        %add3A_1466 = arith.constant 768 : i32
        %add3A_1467 = arith.addi %add3A_1422, %add3A_1466 : i32
        %get3A_1468 = arith.index_cast %add3A_1467 : i32 to index
        %get3A_1469 = tpu.vector_load %arg9[%get3A_1468] {strides = array<i32>} : memref<49152xf32, #tpu.memory_space<vmem>>, vector<16xf32>,
        %add3A_1470 = arith.constant 1024 : i32
        %add3A_1471 = arith.addi %add3A_1422, %add3A_1470 : i32
        %get3A_1472 = arith.index_cast %add3A_1471 : i32 to index
        %get3A_1473 = tpu.vector_load %arg9[%get3A_1472] {strides = array<i32>} : memref<49152xf32, #tpu.memory_space<vmem>>, vector<16xf32>,
        %add3A_1474 = arith.constant 1280 : i32
        %add3A_1475 = arith.addi %add3A_1422, %add3A_1474 : i32
        %get3A_1476 = arith.index_cast %add3A_1475 : i32 to index
        %get3A_1477 = tpu.vector_load %arg9[%get3A_1476] {strides = array<i32>} : memref<49152xf32, #tpu.memory_space<vmem>>, vector<16xf32>,
        %add3A_1478 = arith.constant 1536 : i32
        %add3A_1479 = arith.addi %add3A_1422, %add3A_1478 : i32
        %get3A_1480 = arith.index_cast %add3A_1479 : i32 to index
        %get3A_1481 = tpu.vector_load %arg9[%get3A_1480] {strides = array<i32>} : memref<49152xf32, #tpu.memory_space<vmem>>, vector<16xf32>,
        %add3A_1482 = arith.constant 1792 : i32
        %add3A_1483 = arith.addi %add3A_1422, %add3A_1482 : i32
        %get3A_1484 = arith.index_cast %add3A_1483 : i32 to index
        %get3A_1485 = tpu.vector_load %arg9[%get3A_1484] {strides = array<i32>} : memref<49152xf32, #tpu.memory_space<vmem>>, vector<16xf32>,
        %sub3A_1486 = arith.subf %get3A_1457, %get3A_1425 : vector<16xf32>
        %mul3A_1487 = arith.mulf %sub3A_622, %sub3A_1486 : vector<16xf32>
        %add3A_1488 = arith.addf %get3A_1425, %mul3A_1487 : vector<16xf32>
        %add3A_1489 = arith.constant 0 : i32
        %add3A_1490 = arith.addi %mul3A_1406, %add3A_1489 : i32
        %swap3A = arith.index_cast %add3A_1490 : i32 to index
        %swap3A_1491 = tpu.vector_load %arg10[%swap3A] {strides = array<i32>} : memref<3457xf32, #tpu.memory_space<vmem>>, vector<16xf32>,
        tpu.vector_store %arg10[%swap3A], %add3A_1488 {strides = array<i32>} : memref<3457xf32, #tpu.memory_space<vmem>>, vector<16xf32>,
        %add3A_1492 = arith.constant 1729 : i32
        %add3A_1493 = arith.addi %add3A_1492, %mul3A_1406 : i32
        %add3A_1494 = arith.constant 0 : i32
        %add3A_1495 = arith.addi %add3A_1493, %add3A_1494 : i32
        %swap3A_1496 = arith.index_cast %add3A_1495 : i32 to index
        %swap3A_1497 = tpu.vector_load %arg10[%swap3A_1496] {strides = array<i32>} : memref<3457xf32, #tpu.memory_space<vmem>>, vector<16xf32>,
        tpu.vector_store %arg10[%swap3A_1496], %add3A_1488 {strides = array<i32>} : memref<3457xf32, #tpu.memory_space<vmem>>, vector<16xf32>,
        %sub3A_1498 = arith.subf %get3A_1461, %get3A_1429 : vector<16xf32>
        %mul3A_1499 = arith.mulf %sub3A_622, %sub3A_1498 : vector<16xf32>
        %add3A_1500 = arith.addf %get3A_1429, %mul3A_1499 : vector<16xf32>
        %add3A_1501 = arith.constant 18 : i32
        %add3A_1502 = arith.addi %mul3A_1406, %add3A_1501 : i32
        %swap3A_1503 = arith.index_cast %add3A_1502 : i32 to index
        %swap3A_1504 = tpu.vector_load %arg10[%swap3A_1503] {strides = array<i32>} : memref<3457xf32, #tpu.memory_space<vmem>>, vector<16xf32>,
        tpu.vector_store %arg10[%swap3A_1503], %add3A_1500 {strides = array<i32>} : memref<3457xf32, #tpu.memory_space<vmem>>, vector<16xf32>,
        %add3A_1505 = arith.constant 1729 : i32
        %add3A_1506 = arith.addi %add3A_1505, %mul3A_1406 : i32
        %add3A_1507 = arith.constant 18 : i32
        %add3A_1508 = arith.addi %add3A_1506, %add3A_1507 : i32
        %swap3A_1509 = arith.index_cast %add3A_1508 : i32 to index
        %swap3A_1510 = tpu.vector_load %arg10[%swap3A_1509] {strides = array<i32>} : memref<3457xf32, #tpu.memory_space<vmem>>, vector<16xf32>,
        tpu.vector_store %arg10[%swap3A_1509], %add3A_1500 {strides = array<i32>} : memref<3457xf32, #tpu.memory_space<vmem>>, vector<16xf32>,
        %sub3A_1511 = arith.subf %get3A_1465, %get3A_1433 : vector<16xf32>
        %mul3A_1512 = arith.mulf %sub3A_622, %sub3A_1511 : vector<16xf32>
        %add3A_1513 = arith.addf %get3A_1433, %mul3A_1512 : vector<16xf32>
        %add3A_1514 = arith.constant 36 : i32
        %add3A_1515 = arith.addi %mul3A_1406, %add3A_1514 : i32
        %swap3A_1516 = arith.index_cast %add3A_1515 : i32 to index
        %swap3A_1517 = tpu.vector_load %arg10[%swap3A_1516] {strides = array<i32>} : memref<3457xf32, #tpu.memory_space<vmem>>, vector<16xf32>,
        tpu.vector_store %arg10[%swap3A_1516], %add3A_1513 {strides = array<i32>} : memref<3457xf32, #tpu.memory_space<vmem>>, vector<16xf32>,
        %add3A_1518 = arith.constant 1729 : i32
        %add3A_1519 = arith.addi %add3A_1518, %mul3A_1406 : i32
        %add3A_1520 = arith.constant 36 : i32
        %add3A_1521 = arith.addi %add3A_1519, %add3A_1520 : i32
        %swap3A_1522 = arith.index_cast %add3A_1521 : i32 to index
        %swap3A_1523 = tpu.vector_load %arg10[%swap3A_1522] {strides = array<i32>} : memref<3457xf32, #tpu.memory_space<vmem>>, vector<16xf32>,
        tpu.vector_store %arg10[%swap3A_1522], %add3A_1513 {strides = array<i32>} : memref<3457xf32, #tpu.memory_space<vmem>>, vector<16xf32>,
        %sub3A_1524 = arith.subf %get3A_1469, %get3A_1437 : vector<16xf32>
        %mul3A_1525 = arith.mulf %sub3A_622, %sub3A_1524 : vector<16xf32>
        %add3A_1526 = arith.addf %get3A_1437, %mul3A_1525 : vector<16xf32>
        %add3A_1527 = arith.constant 54 : i32
        %add3A_1528 = arith.addi %mul3A_1406, %add3A_1527 : i32
        %swap3A_1529 = arith.index_cast %add3A_1528 : i32 to index
        %swap3A_1530 = tpu.vector_load %arg10[%swap3A_1529] {strides = array<i32>} : memref<3457xf32, #tpu.memory_space<vmem>>, vector<16xf32>,
        tpu.vector_store %arg10[%swap3A_1529], %add3A_1526 {strides = array<i32>} : memref<3457xf32, #tpu.memory_space<vmem>>, vector<16xf32>,
        %add3A_1531 = arith.constant 1729 : i32
        %add3A_1532 = arith.addi %add3A_1531, %mul3A_1406 : i32
        %add3A_1533 = arith.constant 54 : i32
        %add3A_1534 = arith.addi %add3A_1532, %add3A_1533 : i32
        %swap3A_1535 = arith.index_cast %add3A_1534 : i32 to index
        %swap3A_1536 = tpu.vector_load %arg10[%swap3A_1535] {strides = array<i32>} : memref<3457xf32, #tpu.memory_space<vmem>>, vector<16xf32>,
        tpu.vector_store %arg10[%swap3A_1535], %add3A_1526 {strides = array<i32>} : memref<3457xf32, #tpu.memory_space<vmem>>, vector<16xf32>,
        %sub3A_1537 = arith.subf %get3A_1473, %get3A_1441 : vector<16xf32>
        %mul3A_1538 = arith.mulf %sub3A_622, %sub3A_1537 : vector<16xf32>
        %add3A_1539 = arith.addf %get3A_1441, %mul3A_1538 : vector<16xf32>
        %add3A_1540 = arith.constant 72 : i32
        %add3A_1541 = arith.addi %mul3A_1406, %add3A_1540 : i32
        %swap3A_1542 = arith.index_cast %add3A_1541 : i32 to index
        %swap3A_1543 = tpu.vector_load %arg10[%swap3A_1542] {strides = array<i32>} : memref<3457xf32, #tpu.memory_space<vmem>>, vector<16xf32>,
        tpu.vector_store %arg10[%swap3A_1542], %add3A_1539 {strides = array<i32>} : memref<3457xf32, #tpu.memory_space<vmem>>, vector<16xf32>,
        %add3A_1544 = arith.constant 1729 : i32
        %add3A_1545 = arith.addi %add3A_1544, %mul3A_1406 : i32
        %add3A_1546 = arith.constant 72 : i32
        %add3A_1547 = arith.addi %add3A_1545, %add3A_1546 : i32
        %swap3A_1548 = arith.index_cast %add3A_1547 : i32 to index
        %swap3A_1549 = tpu.vector_load %arg10[%swap3A_1548] {strides = array<i32>} : memref<3457xf32, #tpu.memory_space<vmem>>, vector<16xf32>,
        tpu.vector_store %arg10[%swap3A_1548], %add3A_1539 {strides = array<i32>} : memref<3457xf32, #tpu.memory_space<vmem>>, vector<16xf32>,
        %sub3A_1550 = arith.subf %get3A_1477, %get3A_1445 : vector<16xf32>
        %mul3A_1551 = arith.mulf %sub3A_622, %sub3A_1550 : vector<16xf32>
        %add3A_1552 = arith.addf %get3A_1445, %mul3A_1551 : vector<16xf32>
        %add3A_1553 = arith.constant 90 : i32
        %add3A_1554 = arith.addi %mul3A_1406, %add3A_1553 : i32
        %swap3A_1555 = arith.index_cast %add3A_1554 : i32 to index
        %swap3A_1556 = tpu.vector_load %arg10[%swap3A_1555] {strides = array<i32>} : memref<3457xf32, #tpu.memory_space<vmem>>, vector<16xf32>,
        tpu.vector_store %arg10[%swap3A_1555], %add3A_1552 {strides = array<i32>} : memref<3457xf32, #tpu.memory_space<vmem>>, vector<16xf32>,
        %add3A_1557 = arith.constant 1729 : i32
        %add3A_1558 = arith.addi %add3A_1557, %mul3A_1406 : i32
        %add3A_1559 = arith.constant 90 : i32
        %add3A_1560 = arith.addi %add3A_1558, %add3A_1559 : i32
        %swap3A_1561 = arith.index_cast %add3A_1560 : i32 to index
        %swap3A_1562 = tpu.vector_load %arg10[%swap3A_1561] {strides = array<i32>} : memref<3457xf32, #tpu.memory_space<vmem>>, vector<16xf32>,
        tpu.vector_store %arg10[%swap3A_1561], %add3A_1552 {strides = array<i32>} : memref<3457xf32, #tpu.memory_space<vmem>>, vector<16xf32>,
        %sub3A_1563 = arith.subf %get3A_1481, %get3A_1449 : vector<16xf32>
        %mul3A_1564 = arith.mulf %sub3A_622, %sub3A_1563 : vector<16xf32>
        %add3A_1565 = arith.addf %get3A_1449, %mul3A_1564 : vector<16xf32>
        %add3A_1566 = arith.constant 108 : i32
        %add3A_1567 = arith.addi %mul3A_1406, %add3A_1566 : i32
        %swap3A_1568 = arith.index_cast %add3A_1567 : i32 to index
        %swap3A_1569 = tpu.vector_load %arg10[%swap3A_1568] {strides = array<i32>} : memref<3457xf32, #tpu.memory_space<vmem>>, vector<16xf32>,
        tpu.vector_store %arg10[%swap3A_1568], %add3A_1565 {strides = array<i32>} : memref<3457xf32, #tpu.memory_space<vmem>>, vector<16xf32>,
        %add3A_1570 = arith.constant 1729 : i32
        %add3A_1571 = arith.addi %add3A_1570, %mul3A_1406 : i32
        %add3A_1572 = arith.constant 108 : i32
        %add3A_1573 = arith.addi %add3A_1571, %add3A_1572 : i32
        %swap3A_1574 = arith.index_cast %add3A_1573 : i32 to index
        %swap3A_1575 = tpu.vector_load %arg10[%swap3A_1574] {strides = array<i32>} : memref<3457xf32, #tpu.memory_space<vmem>>, vector<16xf32>,
        tpu.vector_store %arg10[%swap3A_1574], %add3A_1565 {strides = array<i32>} : memref<3457xf32, #tpu.memory_space<vmem>>, vector<16xf32>,
        %sub3A_1576 = arith.subf %get3A_1485, %get3A_1453 : vector<16xf32>
        %mul3A_1577 = arith.mulf %sub3A_622, %sub3A_1576 : vector<16xf32>
        %add3A_1578 = arith.addf %get3A_1453, %mul3A_1577 : vector<16xf32>
        %add3A_1579 = arith.constant 126 : i32
        %add3A_1580 = arith.addi %mul3A_1406, %add3A_1579 : i32
        %swap3A_1581 = arith.index_cast %add3A_1580 : i32 to index
        %swap3A_1582 = tpu.vector_load %arg10[%swap3A_1581] {strides = array<i32>} : memref<3457xf32, #tpu.memory_space<vmem>>, vector<16xf32>,
        tpu.vector_store %arg10[%swap3A_1581], %add3A_1578 {strides = array<i32>} : memref<3457xf32, #tpu.memory_space<vmem>>, vector<16xf32>,
        %add3A_1583 = arith.constant 1729 : i32
        %add3A_1584 = arith.addi %add3A_1583, %mul3A_1406 : i32
        %add3A_1585 = arith.constant 126 : i32
        %add3A_1586 = arith.addi %add3A_1584, %add3A_1585 : i32
        %swap3A_1587 = arith.index_cast %add3A_1586 : i32 to index
        %swap3A_1588 = tpu.vector_load %arg10[%swap3A_1587] {strides = array<i32>} : memref<3457xf32, #tpu.memory_space<vmem>>, vector<16xf32>,
        tpu.vector_store %arg10[%swap3A_1587], %add3A_1578 {strides = array<i32>} : memref<3457xf32, #tpu.memory_space<vmem>>, vector<16xf32>,
      }
      %scan3A_628 = arith.constant 12 : i32
      %add3A_629 = arith.constant 5 : i32
      %add3A_630 = arith.addi %add3A_448, %add3A_629 : i32
      %sub3A_631 = arith.constant 16 : i32
      %sub3A_632 = arith.subi %add3A_630, %sub3A_631 : i32
      %shift_right_arithmetic3A_633 = arith.constant 5 : i32
      %shift_right_arithmetic3A_634 = arith.shrsi %sub3A_632, %shift_right_arithmetic3A_633 : i32
      %jit3A_635 = arith.constant 0 : i32
      %jit3A_636 = arith.constant 15 : i32
      %max3A_637 = arith.maxsi %jit3A_635, %shift_right_arithmetic3A_634 : i32
      %min3A_638 = arith.minsi %jit3A_636, %max3A_637 : i32
      %add3A_639 = arith.constant 1 : i32
      %add3A_640 = arith.addi %shift_right_arithmetic3A_634, %add3A_639 : i32
      %jit3A_641 = arith.constant 0 : i32
      %jit3A_642 = arith.constant 15 : i32
      %max3A_643 = arith.maxsi %jit3A_641, %add3A_640 : i32
      %min3A_644 = arith.minsi %jit3A_642, %max3A_643 : i32
      %broadcast_in_dim3A_645 = vector.broadcast %add3A_630 : i32 to vector<16xi32>
      %convert_element_type3A_646 = arith.sitofp %broadcast_in_dim3A_645 : vector<16xi32> to vector<16xf32>
      %broadcast_in_dim3A_647 = vector.broadcast %shift_right_arithmetic3A_634 : i32 to vector<16xi32>
      %convert_element_type3A_648 = arith.sitofp %broadcast_in_dim3A_647 : vector<16xi32> to vector<16xf32>
      %add3A_649 = arith.constant 5.000000e-01 : f32
      %add3A_650 = vector.broadcast %add3A_649 : f32 to vector<16xf32>
      %add3A_651 = arith.addf %convert_element_type3A_646, %add3A_650 : vector<16xf32>
      %mul3A_652 = arith.constant 3.125000e-02 : f32
      %mul3A_653 = vector.broadcast %mul3A_652 : f32 to vector<16xf32>
      %mul3A_654 = arith.mulf %add3A_651, %mul3A_653 : vector<16xf32>
      %sub3A_655 = arith.constant 5.000000e-01 : f32
      %sub3A_656 = vector.broadcast %sub3A_655 : f32 to vector<16xf32>
      %sub3A_657 = arith.subf %mul3A_654, %sub3A_656 : vector<16xf32>
      %sub3A_658 = arith.subf %sub3A_657, %convert_element_type3A_648 : vector<16xf32>
      %scan3A_659 = arith.constant 0 : i32
      %scan3A_660 = arith.constant 0 : i32
      %scan3A_661 = arith.constant 12 : i32
      %scan3A_662 = arith.addi %scan3A_660, %scan3A_661 : i32
      %scan3A_663 = arith.constant 1 : i32
      scf.for %scan3A_1404 = %scan3A_660 to %scan3A_662 step %scan3A_663  : i32 {
        %mul3A_1405 = arith.constant 144 : i32
        %mul3A_1406 = arith.muli %scan3A_1404, %mul3A_1405 : i32
        %mul3A_1407 = arith.constant 24576 : i32
        %mul3A_1408 = arith.muli %rem3A_173, %mul3A_1407 : i32
        %mul3A_1409 = arith.constant 2048 : i32
        %mul3A_1410 = arith.muli %scan3A_1404, %mul3A_1409 : i32
        %add3A_1411 = arith.addi %mul3A_1408, %mul3A_1410 : i32
        %mul3A_1412 = arith.constant 16 : i32
        %mul3A_1413 = arith.muli %min3A_638, %mul3A_1412 : i32
        %add3A_1414 = arith.addi %add3A_1411, %mul3A_1413 : i32
        %mul3A_1415 = arith.constant 24576 : i32
        %mul3A_1416 = arith.muli %rem3A_173, %mul3A_1415 : i32
        %mul3A_1417 = arith.constant 2048 : i32
        %mul3A_1418 = arith.muli %scan3A_1404, %mul3A_1417 : i32
        %add3A_1419 = arith.addi %mul3A_1416, %mul3A_1418 : i32
        %mul3A_1420 = arith.constant 16 : i32
        %mul3A_1421 = arith.muli %min3A_644, %mul3A_1420 : i32
        %add3A_1422 = arith.addi %add3A_1419, %mul3A_1421 : i32
        %add3A_1423 = arith.constant 0 : i32
        %add3A_1424 = arith.addi %add3A_1414, %add3A_1423 : i32
        %get3A = arith.index_cast %add3A_1424 : i32 to index
        %get3A_1425 = tpu.vector_load %arg9[%get3A] {strides = array<i32>} : memref<49152xf32, #tpu.memory_space<vmem>>, vector<16xf32>,
        %add3A_1426 = arith.constant 256 : i32
        %add3A_1427 = arith.addi %add3A_1414, %add3A_1426 : i32
        %get3A_1428 = arith.index_cast %add3A_1427 : i32 to index
        %get3A_1429 = tpu.vector_load %arg9[%get3A_1428] {strides = array<i32>} : memref<49152xf32, #tpu.memory_space<vmem>>, vector<16xf32>,
        %add3A_1430 = arith.constant 512 : i32
        %add3A_1431 = arith.addi %add3A_1414, %add3A_1430 : i32
        %get3A_1432 = arith.index_cast %add3A_1431 : i32 to index
        %get3A_1433 = tpu.vector_load %arg9[%get3A_1432] {strides = array<i32>} : memref<49152xf32, #tpu.memory_space<vmem>>, vector<16xf32>,
        %add3A_1434 = arith.constant 768 : i32
        %add3A_1435 = arith.addi %add3A_1414, %add3A_1434 : i32
        %get3A_1436 = arith.index_cast %add3A_1435 : i32 to index
        %get3A_1437 = tpu.vector_load %arg9[%get3A_1436] {strides = array<i32>} : memref<49152xf32, #tpu.memory_space<vmem>>, vector<16xf32>,
        %add3A_1438 = arith.constant 1024 : i32
        %add3A_1439 = arith.addi %add3A_1414, %add3A_1438 : i32
        %get3A_1440 = arith.index_cast %add3A_1439 : i32 to index
        %get3A_1441 = tpu.vector_load %arg9[%get3A_1440] {strides = array<i32>} : memref<49152xf32, #tpu.memory_space<vmem>>, vector<16xf32>,
        %add3A_1442 = arith.constant 1280 : i32
        %add3A_1443 = arith.addi %add3A_1414, %add3A_1442 : i32
        %get3A_1444 = arith.index_cast %add3A_1443 : i32 to index
        %get3A_1445 = tpu.vector_load %arg9[%get3A_1444] {strides = array<i32>} : memref<49152xf32, #tpu.memory_space<vmem>>, vector<16xf32>,
        %add3A_1446 = arith.constant 1536 : i32
        %add3A_1447 = arith.addi %add3A_1414, %add3A_1446 : i32
        %get3A_1448 = arith.index_cast %add3A_1447 : i32 to index
        %get3A_1449 = tpu.vector_load %arg9[%get3A_1448] {strides = array<i32>} : memref<49152xf32, #tpu.memory_space<vmem>>, vector<16xf32>,
        %add3A_1450 = arith.constant 1792 : i32
        %add3A_1451 = arith.addi %add3A_1414, %add3A_1450 : i32
        %get3A_1452 = arith.index_cast %add3A_1451 : i32 to index
        %get3A_1453 = tpu.vector_load %arg9[%get3A_1452] {strides = array<i32>} : memref<49152xf32, #tpu.memory_space<vmem>>, vector<16xf32>,
        %add3A_1454 = arith.constant 0 : i32
        %add3A_1455 = arith.addi %add3A_1422, %add3A_1454 : i32
        %get3A_1456 = arith.index_cast %add3A_1455 : i32 to index
        %get3A_1457 = tpu.vector_load %arg9[%get3A_1456] {strides = array<i32>} : memref<49152xf32, #tpu.memory_space<vmem>>, vector<16xf32>,
        %add3A_1458 = arith.constant 256 : i32
        %add3A_1459 = arith.addi %add3A_1422, %add3A_1458 : i32
        %get3A_1460 = arith.index_cast %add3A_1459 : i32 to index
        %get3A_1461 = tpu.vector_load %arg9[%get3A_1460] {strides = array<i32>} : memref<49152xf32, #tpu.memory_space<vmem>>, vector<16xf32>,
        %add3A_1462 = arith.constant 512 : i32
        %add3A_1463 = arith.addi %add3A_1422, %add3A_1462 : i32
        %get3A_1464 = arith.index_cast %add3A_1463 : i32 to index
        %get3A_1465 = tpu.vector_load %arg9[%get3A_1464] {strides = array<i32>} : memref<49152xf32, #tpu.memory_space<vmem>>, vector<16xf32>,
        %add3A_1466 = arith.constant 768 : i32
        %add3A_1467 = arith.addi %add3A_1422, %add3A_1466 : i32
        %get3A_1468 = arith.index_cast %add3A_1467 : i32 to index
        %get3A_1469 = tpu.vector_load %arg9[%get3A_1468] {strides = array<i32>} : memref<49152xf32, #tpu.memory_space<vmem>>, vector<16xf32>,
        %add3A_1470 = arith.constant 1024 : i32
        %add3A_1471 = arith.addi %add3A_1422, %add3A_1470 : i32
        %get3A_1472 = arith.index_cast %add3A_1471 : i32 to index
        %get3A_1473 = tpu.vector_load %arg9[%get3A_1472] {strides = array<i32>} : memref<49152xf32, #tpu.memory_space<vmem>>, vector<16xf32>,
        %add3A_1474 = arith.constant 1280 : i32
        %add3A_1475 = arith.addi %add3A_1422, %add3A_1474 : i32
        %get3A_1476 = arith.index_cast %add3A_1475 : i32 to index
        %get3A_1477 = tpu.vector_load %arg9[%get3A_1476] {strides = array<i32>} : memref<49152xf32, #tpu.memory_space<vmem>>, vector<16xf32>,
        %add3A_1478 = arith.constant 1536 : i32
        %add3A_1479 = arith.addi %add3A_1422, %add3A_1478 : i32
        %get3A_1480 = arith.index_cast %add3A_1479 : i32 to index
        %get3A_1481 = tpu.vector_load %arg9[%get3A_1480] {strides = array<i32>} : memref<49152xf32, #tpu.memory_space<vmem>>, vector<16xf32>,
        %add3A_1482 = arith.constant 1792 : i32
        %add3A_1483 = arith.addi %add3A_1422, %add3A_1482 : i32
        %get3A_1484 = arith.index_cast %add3A_1483 : i32 to index
        %get3A_1485 = tpu.vector_load %arg9[%get3A_1484] {strides = array<i32>} : memref<49152xf32, #tpu.memory_space<vmem>>, vector<16xf32>,
        %sub3A_1486 = arith.subf %get3A_1457, %get3A_1425 : vector<16xf32>
        %mul3A_1487 = arith.mulf %sub3A_658, %sub3A_1486 : vector<16xf32>
        %add3A_1488 = arith.addf %get3A_1425, %mul3A_1487 : vector<16xf32>
        %add3A_1489 = arith.constant 0 : i32
        %add3A_1490 = arith.addi %mul3A_1406, %add3A_1489 : i32
        %swap3A = arith.index_cast %add3A_1490 : i32 to index
        %swap3A_1491 = tpu.vector_load %arg10[%swap3A] {strides = array<i32>} : memref<3457xf32, #tpu.memory_space<vmem>>, vector<16xf32>,
        tpu.vector_store %arg10[%swap3A], %add3A_1488 {strides = array<i32>} : memref<3457xf32, #tpu.memory_space<vmem>>, vector<16xf32>,
        %add3A_1492 = arith.constant 1729 : i32
        %add3A_1493 = arith.addi %add3A_1492, %mul3A_1406 : i32
        %add3A_1494 = arith.constant 0 : i32
        %add3A_1495 = arith.addi %add3A_1493, %add3A_1494 : i32
        %swap3A_1496 = arith.index_cast %add3A_1495 : i32 to index
        %swap3A_1497 = tpu.vector_load %arg10[%swap3A_1496] {strides = array<i32>} : memref<3457xf32, #tpu.memory_space<vmem>>, vector<16xf32>,
        tpu.vector_store %arg10[%swap3A_1496], %add3A_1488 {strides = array<i32>} : memref<3457xf32, #tpu.memory_space<vmem>>, vector<16xf32>,
        %sub3A_1498 = arith.subf %get3A_1461, %get3A_1429 : vector<16xf32>
        %mul3A_1499 = arith.mulf %sub3A_658, %sub3A_1498 : vector<16xf32>
        %add3A_1500 = arith.addf %get3A_1429, %mul3A_1499 : vector<16xf32>
        %add3A_1501 = arith.constant 18 : i32
        %add3A_1502 = arith.addi %mul3A_1406, %add3A_1501 : i32
        %swap3A_1503 = arith.index_cast %add3A_1502 : i32 to index
        %swap3A_1504 = tpu.vector_load %arg10[%swap3A_1503] {strides = array<i32>} : memref<3457xf32, #tpu.memory_space<vmem>>, vector<16xf32>,
        tpu.vector_store %arg10[%swap3A_1503], %add3A_1500 {strides = array<i32>} : memref<3457xf32, #tpu.memory_space<vmem>>, vector<16xf32>,
        %add3A_1505 = arith.constant 1729 : i32
        %add3A_1506 = arith.addi %add3A_1505, %mul3A_1406 : i32
        %add3A_1507 = arith.constant 18 : i32
        %add3A_1508 = arith.addi %add3A_1506, %add3A_1507 : i32
        %swap3A_1509 = arith.index_cast %add3A_1508 : i32 to index
        %swap3A_1510 = tpu.vector_load %arg10[%swap3A_1509] {strides = array<i32>} : memref<3457xf32, #tpu.memory_space<vmem>>, vector<16xf32>,
        tpu.vector_store %arg10[%swap3A_1509], %add3A_1500 {strides = array<i32>} : memref<3457xf32, #tpu.memory_space<vmem>>, vector<16xf32>,
        %sub3A_1511 = arith.subf %get3A_1465, %get3A_1433 : vector<16xf32>
        %mul3A_1512 = arith.mulf %sub3A_658, %sub3A_1511 : vector<16xf32>
        %add3A_1513 = arith.addf %get3A_1433, %mul3A_1512 : vector<16xf32>
        %add3A_1514 = arith.constant 36 : i32
        %add3A_1515 = arith.addi %mul3A_1406, %add3A_1514 : i32
        %swap3A_1516 = arith.index_cast %add3A_1515 : i32 to index
        %swap3A_1517 = tpu.vector_load %arg10[%swap3A_1516] {strides = array<i32>} : memref<3457xf32, #tpu.memory_space<vmem>>, vector<16xf32>,
        tpu.vector_store %arg10[%swap3A_1516], %add3A_1513 {strides = array<i32>} : memref<3457xf32, #tpu.memory_space<vmem>>, vector<16xf32>,
        %add3A_1518 = arith.constant 1729 : i32
        %add3A_1519 = arith.addi %add3A_1518, %mul3A_1406 : i32
        %add3A_1520 = arith.constant 36 : i32
        %add3A_1521 = arith.addi %add3A_1519, %add3A_1520 : i32
        %swap3A_1522 = arith.index_cast %add3A_1521 : i32 to index
        %swap3A_1523 = tpu.vector_load %arg10[%swap3A_1522] {strides = array<i32>} : memref<3457xf32, #tpu.memory_space<vmem>>, vector<16xf32>,
        tpu.vector_store %arg10[%swap3A_1522], %add3A_1513 {strides = array<i32>} : memref<3457xf32, #tpu.memory_space<vmem>>, vector<16xf32>,
        %sub3A_1524 = arith.subf %get3A_1469, %get3A_1437 : vector<16xf32>
        %mul3A_1525 = arith.mulf %sub3A_658, %sub3A_1524 : vector<16xf32>
        %add3A_1526 = arith.addf %get3A_1437, %mul3A_1525 : vector<16xf32>
        %add3A_1527 = arith.constant 54 : i32
        %add3A_1528 = arith.addi %mul3A_1406, %add3A_1527 : i32
        %swap3A_1529 = arith.index_cast %add3A_1528 : i32 to index
        %swap3A_1530 = tpu.vector_load %arg10[%swap3A_1529] {strides = array<i32>} : memref<3457xf32, #tpu.memory_space<vmem>>, vector<16xf32>,
        tpu.vector_store %arg10[%swap3A_1529], %add3A_1526 {strides = array<i32>} : memref<3457xf32, #tpu.memory_space<vmem>>, vector<16xf32>,
        %add3A_1531 = arith.constant 1729 : i32
        %add3A_1532 = arith.addi %add3A_1531, %mul3A_1406 : i32
        %add3A_1533 = arith.constant 54 : i32
        %add3A_1534 = arith.addi %add3A_1532, %add3A_1533 : i32
        %swap3A_1535 = arith.index_cast %add3A_1534 : i32 to index
        %swap3A_1536 = tpu.vector_load %arg10[%swap3A_1535] {strides = array<i32>} : memref<3457xf32, #tpu.memory_space<vmem>>, vector<16xf32>,
        tpu.vector_store %arg10[%swap3A_1535], %add3A_1526 {strides = array<i32>} : memref<3457xf32, #tpu.memory_space<vmem>>, vector<16xf32>,
        %sub3A_1537 = arith.subf %get3A_1473, %get3A_1441 : vector<16xf32>
        %mul3A_1538 = arith.mulf %sub3A_658, %sub3A_1537 : vector<16xf32>
        %add3A_1539 = arith.addf %get3A_1441, %mul3A_1538 : vector<16xf32>
        %add3A_1540 = arith.constant 72 : i32
        %add3A_1541 = arith.addi %mul3A_1406, %add3A_1540 : i32
        %swap3A_1542 = arith.index_cast %add3A_1541 : i32 to index
        %swap3A_1543 = tpu.vector_load %arg10[%swap3A_1542] {strides = array<i32>} : memref<3457xf32, #tpu.memory_space<vmem>>, vector<16xf32>,
        tpu.vector_store %arg10[%swap3A_1542], %add3A_1539 {strides = array<i32>} : memref<3457xf32, #tpu.memory_space<vmem>>, vector<16xf32>,
        %add3A_1544 = arith.constant 1729 : i32
        %add3A_1545 = arith.addi %add3A_1544, %mul3A_1406 : i32
        %add3A_1546 = arith.constant 72 : i32
        %add3A_1547 = arith.addi %add3A_1545, %add3A_1546 : i32
        %swap3A_1548 = arith.index_cast %add3A_1547 : i32 to index
        %swap3A_1549 = tpu.vector_load %arg10[%swap3A_1548] {strides = array<i32>} : memref<3457xf32, #tpu.memory_space<vmem>>, vector<16xf32>,
        tpu.vector_store %arg10[%swap3A_1548], %add3A_1539 {strides = array<i32>} : memref<3457xf32, #tpu.memory_space<vmem>>, vector<16xf32>,
        %sub3A_1550 = arith.subf %get3A_1477, %get3A_1445 : vector<16xf32>
        %mul3A_1551 = arith.mulf %sub3A_658, %sub3A_1550 : vector<16xf32>
        %add3A_1552 = arith.addf %get3A_1445, %mul3A_1551 : vector<16xf32>
        %add3A_1553 = arith.constant 90 : i32
        %add3A_1554 = arith.addi %mul3A_1406, %add3A_1553 : i32
        %swap3A_1555 = arith.index_cast %add3A_1554 : i32 to index
        %swap3A_1556 = tpu.vector_load %arg10[%swap3A_1555] {strides = array<i32>} : memref<3457xf32, #tpu.memory_space<vmem>>, vector<16xf32>,
        tpu.vector_store %arg10[%swap3A_1555], %add3A_1552 {strides = array<i32>} : memref<3457xf32, #tpu.memory_space<vmem>>, vector<16xf32>,
        %add3A_1557 = arith.constant 1729 : i32
        %add3A_1558 = arith.addi %add3A_1557, %mul3A_1406 : i32
        %add3A_1559 = arith.constant 90 : i32
        %add3A_1560 = arith.addi %add3A_1558, %add3A_1559 : i32
        %swap3A_1561 = arith.index_cast %add3A_1560 : i32 to index
        %swap3A_1562 = tpu.vector_load %arg10[%swap3A_1561] {strides = array<i32>} : memref<3457xf32, #tpu.memory_space<vmem>>, vector<16xf32>,
        tpu.vector_store %arg10[%swap3A_1561], %add3A_1552 {strides = array<i32>} : memref<3457xf32, #tpu.memory_space<vmem>>, vector<16xf32>,
        %sub3A_1563 = arith.subf %get3A_1481, %get3A_1449 : vector<16xf32>
        %mul3A_1564 = arith.mulf %sub3A_658, %sub3A_1563 : vector<16xf32>
        %add3A_1565 = arith.addf %get3A_1449, %mul3A_1564 : vector<16xf32>
        %add3A_1566 = arith.constant 108 : i32
        %add3A_1567 = arith.addi %mul3A_1406, %add3A_1566 : i32
        %swap3A_1568 = arith.index_cast %add3A_1567 : i32 to index
        %swap3A_1569 = tpu.vector_load %arg10[%swap3A_1568] {strides = array<i32>} : memref<3457xf32, #tpu.memory_space<vmem>>, vector<16xf32>,
        tpu.vector_store %arg10[%swap3A_1568], %add3A_1565 {strides = array<i32>} : memref<3457xf32, #tpu.memory_space<vmem>>, vector<16xf32>,
        %add3A_1570 = arith.constant 1729 : i32
        %add3A_1571 = arith.addi %add3A_1570, %mul3A_1406 : i32
        %add3A_1572 = arith.constant 108 : i32
        %add3A_1573 = arith.addi %add3A_1571, %add3A_1572 : i32
        %swap3A_1574 = arith.index_cast %add3A_1573 : i32 to index
        %swap3A_1575 = tpu.vector_load %arg10[%swap3A_1574] {strides = array<i32>} : memref<3457xf32, #tpu.memory_space<vmem>>, vector<16xf32>,
        tpu.vector_store %arg10[%swap3A_1574], %add3A_1565 {strides = array<i32>} : memref<3457xf32, #tpu.memory_space<vmem>>, vector<16xf32>,
        %sub3A_1576 = arith.subf %get3A_1485, %get3A_1453 : vector<16xf32>
        %mul3A_1577 = arith.mulf %sub3A_658, %sub3A_1576 : vector<16xf32>
        %add3A_1578 = arith.addf %get3A_1453, %mul3A_1577 : vector<16xf32>
        %add3A_1579 = arith.constant 126 : i32
        %add3A_1580 = arith.addi %mul3A_1406, %add3A_1579 : i32
        %swap3A_1581 = arith.index_cast %add3A_1580 : i32 to index
        %swap3A_1582 = tpu.vector_load %arg10[%swap3A_1581] {strides = array<i32>} : memref<3457xf32, #tpu.memory_space<vmem>>, vector<16xf32>,
        tpu.vector_store %arg10[%swap3A_1581], %add3A_1578 {strides = array<i32>} : memref<3457xf32, #tpu.memory_space<vmem>>, vector<16xf32>,
        %add3A_1583 = arith.constant 1729 : i32
        %add3A_1584 = arith.addi %add3A_1583, %mul3A_1406 : i32
        %add3A_1585 = arith.constant 126 : i32
        %add3A_1586 = arith.addi %add3A_1584, %add3A_1585 : i32
        %swap3A_1587 = arith.index_cast %add3A_1586 : i32 to index
        %swap3A_1588 = tpu.vector_load %arg10[%swap3A_1587] {strides = array<i32>} : memref<3457xf32, #tpu.memory_space<vmem>>, vector<16xf32>,
        tpu.vector_store %arg10[%swap3A_1587], %add3A_1578 {strides = array<i32>} : memref<3457xf32, #tpu.memory_space<vmem>>, vector<16xf32>,
      }
      %scan3A_664 = arith.constant 12 : i32
      %add3A_665 = arith.constant 6 : i32
      %add3A_666 = arith.addi %add3A_448, %add3A_665 : i32
      %sub3A_667 = arith.constant 16 : i32
      %sub3A_668 = arith.subi %add3A_666, %sub3A_667 : i32
      %shift_right_arithmetic3A_669 = arith.constant 5 : i32
      %shift_right_arithmetic3A_670 = arith.shrsi %sub3A_668, %shift_right_arithmetic3A_669 : i32
      %jit3A_671 = arith.constant 0 : i32
      %jit3A_672 = arith.constant 15 : i32
      %max3A_673 = arith.maxsi %jit3A_671, %shift_right_arithmetic3A_670 : i32
      %min3A_674 = arith.minsi %jit3A_672, %max3A_673 : i32
      %add3A_675 = arith.constant 1 : i32
      %add3A_676 = arith.addi %shift_right_arithmetic3A_670, %add3A_675 : i32
      %jit3A_677 = arith.constant 0 : i32
      %jit3A_678 = arith.constant 15 : i32
      %max3A_679 = arith.maxsi %jit3A_677, %add3A_676 : i32
      %min3A_680 = arith.minsi %jit3A_678, %max3A_679 : i32
      %broadcast_in_dim3A_681 = vector.broadcast %add3A_666 : i32 to vector<16xi32>
      %convert_element_type3A_682 = arith.sitofp %broadcast_in_dim3A_681 : vector<16xi32> to vector<16xf32>
      %broadcast_in_dim3A_683 = vector.broadcast %shift_right_arithmetic3A_670 : i32 to vector<16xi32>
      %convert_element_type3A_684 = arith.sitofp %broadcast_in_dim3A_683 : vector<16xi32> to vector<16xf32>
      %add3A_685 = arith.constant 5.000000e-01 : f32
      %add3A_686 = vector.broadcast %add3A_685 : f32 to vector<16xf32>
      %add3A_687 = arith.addf %convert_element_type3A_682, %add3A_686 : vector<16xf32>
      %mul3A_688 = arith.constant 3.125000e-02 : f32
      %mul3A_689 = vector.broadcast %mul3A_688 : f32 to vector<16xf32>
      %mul3A_690 = arith.mulf %add3A_687, %mul3A_689 : vector<16xf32>
      %sub3A_691 = arith.constant 5.000000e-01 : f32
      %sub3A_692 = vector.broadcast %sub3A_691 : f32 to vector<16xf32>
      %sub3A_693 = arith.subf %mul3A_690, %sub3A_692 : vector<16xf32>
      %sub3A_694 = arith.subf %sub3A_693, %convert_element_type3A_684 : vector<16xf32>
      %scan3A_695 = arith.constant 0 : i32
      %scan3A_696 = arith.constant 0 : i32
      %scan3A_697 = arith.constant 12 : i32
      %scan3A_698 = arith.addi %scan3A_696, %scan3A_697 : i32
      %scan3A_699 = arith.constant 1 : i32
      scf.for %scan3A_1404 = %scan3A_696 to %scan3A_698 step %scan3A_699  : i32 {
        %mul3A_1405 = arith.constant 144 : i32
        %mul3A_1406 = arith.muli %scan3A_1404, %mul3A_1405 : i32
        %mul3A_1407 = arith.constant 24576 : i32
        %mul3A_1408 = arith.muli %rem3A_173, %mul3A_1407 : i32
        %mul3A_1409 = arith.constant 2048 : i32
        %mul3A_1410 = arith.muli %scan3A_1404, %mul3A_1409 : i32
        %add3A_1411 = arith.addi %mul3A_1408, %mul3A_1410 : i32
        %mul3A_1412 = arith.constant 16 : i32
        %mul3A_1413 = arith.muli %min3A_674, %mul3A_1412 : i32
        %add3A_1414 = arith.addi %add3A_1411, %mul3A_1413 : i32
        %mul3A_1415 = arith.constant 24576 : i32
        %mul3A_1416 = arith.muli %rem3A_173, %mul3A_1415 : i32
        %mul3A_1417 = arith.constant 2048 : i32
        %mul3A_1418 = arith.muli %scan3A_1404, %mul3A_1417 : i32
        %add3A_1419 = arith.addi %mul3A_1416, %mul3A_1418 : i32
        %mul3A_1420 = arith.constant 16 : i32
        %mul3A_1421 = arith.muli %min3A_680, %mul3A_1420 : i32
        %add3A_1422 = arith.addi %add3A_1419, %mul3A_1421 : i32
        %add3A_1423 = arith.constant 0 : i32
        %add3A_1424 = arith.addi %add3A_1414, %add3A_1423 : i32
        %get3A = arith.index_cast %add3A_1424 : i32 to index
        %get3A_1425 = tpu.vector_load %arg9[%get3A] {strides = array<i32>} : memref<49152xf32, #tpu.memory_space<vmem>>, vector<16xf32>,
        %add3A_1426 = arith.constant 256 : i32
        %add3A_1427 = arith.addi %add3A_1414, %add3A_1426 : i32
        %get3A_1428 = arith.index_cast %add3A_1427 : i32 to index
        %get3A_1429 = tpu.vector_load %arg9[%get3A_1428] {strides = array<i32>} : memref<49152xf32, #tpu.memory_space<vmem>>, vector<16xf32>,
        %add3A_1430 = arith.constant 512 : i32
        %add3A_1431 = arith.addi %add3A_1414, %add3A_1430 : i32
        %get3A_1432 = arith.index_cast %add3A_1431 : i32 to index
        %get3A_1433 = tpu.vector_load %arg9[%get3A_1432] {strides = array<i32>} : memref<49152xf32, #tpu.memory_space<vmem>>, vector<16xf32>,
        %add3A_1434 = arith.constant 768 : i32
        %add3A_1435 = arith.addi %add3A_1414, %add3A_1434 : i32
        %get3A_1436 = arith.index_cast %add3A_1435 : i32 to index
        %get3A_1437 = tpu.vector_load %arg9[%get3A_1436] {strides = array<i32>} : memref<49152xf32, #tpu.memory_space<vmem>>, vector<16xf32>,
        %add3A_1438 = arith.constant 1024 : i32
        %add3A_1439 = arith.addi %add3A_1414, %add3A_1438 : i32
        %get3A_1440 = arith.index_cast %add3A_1439 : i32 to index
        %get3A_1441 = tpu.vector_load %arg9[%get3A_1440] {strides = array<i32>} : memref<49152xf32, #tpu.memory_space<vmem>>, vector<16xf32>,
        %add3A_1442 = arith.constant 1280 : i32
        %add3A_1443 = arith.addi %add3A_1414, %add3A_1442 : i32
        %get3A_1444 = arith.index_cast %add3A_1443 : i32 to index
        %get3A_1445 = tpu.vector_load %arg9[%get3A_1444] {strides = array<i32>} : memref<49152xf32, #tpu.memory_space<vmem>>, vector<16xf32>,
        %add3A_1446 = arith.constant 1536 : i32
        %add3A_1447 = arith.addi %add3A_1414, %add3A_1446 : i32
        %get3A_1448 = arith.index_cast %add3A_1447 : i32 to index
        %get3A_1449 = tpu.vector_load %arg9[%get3A_1448] {strides = array<i32>} : memref<49152xf32, #tpu.memory_space<vmem>>, vector<16xf32>,
        %add3A_1450 = arith.constant 1792 : i32
        %add3A_1451 = arith.addi %add3A_1414, %add3A_1450 : i32
        %get3A_1452 = arith.index_cast %add3A_1451 : i32 to index
        %get3A_1453 = tpu.vector_load %arg9[%get3A_1452] {strides = array<i32>} : memref<49152xf32, #tpu.memory_space<vmem>>, vector<16xf32>,
        %add3A_1454 = arith.constant 0 : i32
        %add3A_1455 = arith.addi %add3A_1422, %add3A_1454 : i32
        %get3A_1456 = arith.index_cast %add3A_1455 : i32 to index
        %get3A_1457 = tpu.vector_load %arg9[%get3A_1456] {strides = array<i32>} : memref<49152xf32, #tpu.memory_space<vmem>>, vector<16xf32>,
        %add3A_1458 = arith.constant 256 : i32
        %add3A_1459 = arith.addi %add3A_1422, %add3A_1458 : i32
        %get3A_1460 = arith.index_cast %add3A_1459 : i32 to index
        %get3A_1461 = tpu.vector_load %arg9[%get3A_1460] {strides = array<i32>} : memref<49152xf32, #tpu.memory_space<vmem>>, vector<16xf32>,
        %add3A_1462 = arith.constant 512 : i32
        %add3A_1463 = arith.addi %add3A_1422, %add3A_1462 : i32
        %get3A_1464 = arith.index_cast %add3A_1463 : i32 to index
        %get3A_1465 = tpu.vector_load %arg9[%get3A_1464] {strides = array<i32>} : memref<49152xf32, #tpu.memory_space<vmem>>, vector<16xf32>,
        %add3A_1466 = arith.constant 768 : i32
        %add3A_1467 = arith.addi %add3A_1422, %add3A_1466 : i32
        %get3A_1468 = arith.index_cast %add3A_1467 : i32 to index
        %get3A_1469 = tpu.vector_load %arg9[%get3A_1468] {strides = array<i32>} : memref<49152xf32, #tpu.memory_space<vmem>>, vector<16xf32>,
        %add3A_1470 = arith.constant 1024 : i32
        %add3A_1471 = arith.addi %add3A_1422, %add3A_1470 : i32
        %get3A_1472 = arith.index_cast %add3A_1471 : i32 to index
        %get3A_1473 = tpu.vector_load %arg9[%get3A_1472] {strides = array<i32>} : memref<49152xf32, #tpu.memory_space<vmem>>, vector<16xf32>,
        %add3A_1474 = arith.constant 1280 : i32
        %add3A_1475 = arith.addi %add3A_1422, %add3A_1474 : i32
        %get3A_1476 = arith.index_cast %add3A_1475 : i32 to index
        %get3A_1477 = tpu.vector_load %arg9[%get3A_1476] {strides = array<i32>} : memref<49152xf32, #tpu.memory_space<vmem>>, vector<16xf32>,
        %add3A_1478 = arith.constant 1536 : i32
        %add3A_1479 = arith.addi %add3A_1422, %add3A_1478 : i32
        %get3A_1480 = arith.index_cast %add3A_1479 : i32 to index
        %get3A_1481 = tpu.vector_load %arg9[%get3A_1480] {strides = array<i32>} : memref<49152xf32, #tpu.memory_space<vmem>>, vector<16xf32>,
        %add3A_1482 = arith.constant 1792 : i32
        %add3A_1483 = arith.addi %add3A_1422, %add3A_1482 : i32
        %get3A_1484 = arith.index_cast %add3A_1483 : i32 to index
        %get3A_1485 = tpu.vector_load %arg9[%get3A_1484] {strides = array<i32>} : memref<49152xf32, #tpu.memory_space<vmem>>, vector<16xf32>,
        %sub3A_1486 = arith.subf %get3A_1457, %get3A_1425 : vector<16xf32>
        %mul3A_1487 = arith.mulf %sub3A_694, %sub3A_1486 : vector<16xf32>
        %add3A_1488 = arith.addf %get3A_1425, %mul3A_1487 : vector<16xf32>
        %add3A_1489 = arith.constant 0 : i32
        %add3A_1490 = arith.addi %mul3A_1406, %add3A_1489 : i32
        %swap3A = arith.index_cast %add3A_1490 : i32 to index
        %swap3A_1491 = tpu.vector_load %arg10[%swap3A] {strides = array<i32>} : memref<3457xf32, #tpu.memory_space<vmem>>, vector<16xf32>,
        tpu.vector_store %arg10[%swap3A], %add3A_1488 {strides = array<i32>} : memref<3457xf32, #tpu.memory_space<vmem>>, vector<16xf32>,
        %add3A_1492 = arith.constant 1729 : i32
        %add3A_1493 = arith.addi %add3A_1492, %mul3A_1406 : i32
        %add3A_1494 = arith.constant 0 : i32
        %add3A_1495 = arith.addi %add3A_1493, %add3A_1494 : i32
        %swap3A_1496 = arith.index_cast %add3A_1495 : i32 to index
        %swap3A_1497 = tpu.vector_load %arg10[%swap3A_1496] {strides = array<i32>} : memref<3457xf32, #tpu.memory_space<vmem>>, vector<16xf32>,
        tpu.vector_store %arg10[%swap3A_1496], %add3A_1488 {strides = array<i32>} : memref<3457xf32, #tpu.memory_space<vmem>>, vector<16xf32>,
        %sub3A_1498 = arith.subf %get3A_1461, %get3A_1429 : vector<16xf32>
        %mul3A_1499 = arith.mulf %sub3A_694, %sub3A_1498 : vector<16xf32>
        %add3A_1500 = arith.addf %get3A_1429, %mul3A_1499 : vector<16xf32>
        %add3A_1501 = arith.constant 18 : i32
        %add3A_1502 = arith.addi %mul3A_1406, %add3A_1501 : i32
        %swap3A_1503 = arith.index_cast %add3A_1502 : i32 to index
        %swap3A_1504 = tpu.vector_load %arg10[%swap3A_1503] {strides = array<i32>} : memref<3457xf32, #tpu.memory_space<vmem>>, vector<16xf32>,
        tpu.vector_store %arg10[%swap3A_1503], %add3A_1500 {strides = array<i32>} : memref<3457xf32, #tpu.memory_space<vmem>>, vector<16xf32>,
        %add3A_1505 = arith.constant 1729 : i32
        %add3A_1506 = arith.addi %add3A_1505, %mul3A_1406 : i32
        %add3A_1507 = arith.constant 18 : i32
        %add3A_1508 = arith.addi %add3A_1506, %add3A_1507 : i32
        %swap3A_1509 = arith.index_cast %add3A_1508 : i32 to index
        %swap3A_1510 = tpu.vector_load %arg10[%swap3A_1509] {strides = array<i32>} : memref<3457xf32, #tpu.memory_space<vmem>>, vector<16xf32>,
        tpu.vector_store %arg10[%swap3A_1509], %add3A_1500 {strides = array<i32>} : memref<3457xf32, #tpu.memory_space<vmem>>, vector<16xf32>,
        %sub3A_1511 = arith.subf %get3A_1465, %get3A_1433 : vector<16xf32>
        %mul3A_1512 = arith.mulf %sub3A_694, %sub3A_1511 : vector<16xf32>
        %add3A_1513 = arith.addf %get3A_1433, %mul3A_1512 : vector<16xf32>
        %add3A_1514 = arith.constant 36 : i32
        %add3A_1515 = arith.addi %mul3A_1406, %add3A_1514 : i32
        %swap3A_1516 = arith.index_cast %add3A_1515 : i32 to index
        %swap3A_1517 = tpu.vector_load %arg10[%swap3A_1516] {strides = array<i32>} : memref<3457xf32, #tpu.memory_space<vmem>>, vector<16xf32>,
        tpu.vector_store %arg10[%swap3A_1516], %add3A_1513 {strides = array<i32>} : memref<3457xf32, #tpu.memory_space<vmem>>, vector<16xf32>,
        %add3A_1518 = arith.constant 1729 : i32
        %add3A_1519 = arith.addi %add3A_1518, %mul3A_1406 : i32
        %add3A_1520 = arith.constant 36 : i32
        %add3A_1521 = arith.addi %add3A_1519, %add3A_1520 : i32
        %swap3A_1522 = arith.index_cast %add3A_1521 : i32 to index
        %swap3A_1523 = tpu.vector_load %arg10[%swap3A_1522] {strides = array<i32>} : memref<3457xf32, #tpu.memory_space<vmem>>, vector<16xf32>,
        tpu.vector_store %arg10[%swap3A_1522], %add3A_1513 {strides = array<i32>} : memref<3457xf32, #tpu.memory_space<vmem>>, vector<16xf32>,
        %sub3A_1524 = arith.subf %get3A_1469, %get3A_1437 : vector<16xf32>
        %mul3A_1525 = arith.mulf %sub3A_694, %sub3A_1524 : vector<16xf32>
        %add3A_1526 = arith.addf %get3A_1437, %mul3A_1525 : vector<16xf32>
        %add3A_1527 = arith.constant 54 : i32
        %add3A_1528 = arith.addi %mul3A_1406, %add3A_1527 : i32
        %swap3A_1529 = arith.index_cast %add3A_1528 : i32 to index
        %swap3A_1530 = tpu.vector_load %arg10[%swap3A_1529] {strides = array<i32>} : memref<3457xf32, #tpu.memory_space<vmem>>, vector<16xf32>,
        tpu.vector_store %arg10[%swap3A_1529], %add3A_1526 {strides = array<i32>} : memref<3457xf32, #tpu.memory_space<vmem>>, vector<16xf32>,
        %add3A_1531 = arith.constant 1729 : i32
        %add3A_1532 = arith.addi %add3A_1531, %mul3A_1406 : i32
        %add3A_1533 = arith.constant 54 : i32
        %add3A_1534 = arith.addi %add3A_1532, %add3A_1533 : i32
        %swap3A_1535 = arith.index_cast %add3A_1534 : i32 to index
        %swap3A_1536 = tpu.vector_load %arg10[%swap3A_1535] {strides = array<i32>} : memref<3457xf32, #tpu.memory_space<vmem>>, vector<16xf32>,
        tpu.vector_store %arg10[%swap3A_1535], %add3A_1526 {strides = array<i32>} : memref<3457xf32, #tpu.memory_space<vmem>>, vector<16xf32>,
        %sub3A_1537 = arith.subf %get3A_1473, %get3A_1441 : vector<16xf32>
        %mul3A_1538 = arith.mulf %sub3A_694, %sub3A_1537 : vector<16xf32>
        %add3A_1539 = arith.addf %get3A_1441, %mul3A_1538 : vector<16xf32>
        %add3A_1540 = arith.constant 72 : i32
        %add3A_1541 = arith.addi %mul3A_1406, %add3A_1540 : i32
        %swap3A_1542 = arith.index_cast %add3A_1541 : i32 to index
        %swap3A_1543 = tpu.vector_load %arg10[%swap3A_1542] {strides = array<i32>} : memref<3457xf32, #tpu.memory_space<vmem>>, vector<16xf32>,
        tpu.vector_store %arg10[%swap3A_1542], %add3A_1539 {strides = array<i32>} : memref<3457xf32, #tpu.memory_space<vmem>>, vector<16xf32>,
        %add3A_1544 = arith.constant 1729 : i32
        %add3A_1545 = arith.addi %add3A_1544, %mul3A_1406 : i32
        %add3A_1546 = arith.constant 72 : i32
        %add3A_1547 = arith.addi %add3A_1545, %add3A_1546 : i32
        %swap3A_1548 = arith.index_cast %add3A_1547 : i32 to index
        %swap3A_1549 = tpu.vector_load %arg10[%swap3A_1548] {strides = array<i32>} : memref<3457xf32, #tpu.memory_space<vmem>>, vector<16xf32>,
        tpu.vector_store %arg10[%swap3A_1548], %add3A_1539 {strides = array<i32>} : memref<3457xf32, #tpu.memory_space<vmem>>, vector<16xf32>,
        %sub3A_1550 = arith.subf %get3A_1477, %get3A_1445 : vector<16xf32>
        %mul3A_1551 = arith.mulf %sub3A_694, %sub3A_1550 : vector<16xf32>
        %add3A_1552 = arith.addf %get3A_1445, %mul3A_1551 : vector<16xf32>
        %add3A_1553 = arith.constant 90 : i32
        %add3A_1554 = arith.addi %mul3A_1406, %add3A_1553 : i32
        %swap3A_1555 = arith.index_cast %add3A_1554 : i32 to index
        %swap3A_1556 = tpu.vector_load %arg10[%swap3A_1555] {strides = array<i32>} : memref<3457xf32, #tpu.memory_space<vmem>>, vector<16xf32>,
        tpu.vector_store %arg10[%swap3A_1555], %add3A_1552 {strides = array<i32>} : memref<3457xf32, #tpu.memory_space<vmem>>, vector<16xf32>,
        %add3A_1557 = arith.constant 1729 : i32
        %add3A_1558 = arith.addi %add3A_1557, %mul3A_1406 : i32
        %add3A_1559 = arith.constant 90 : i32
        %add3A_1560 = arith.addi %add3A_1558, %add3A_1559 : i32
        %swap3A_1561 = arith.index_cast %add3A_1560 : i32 to index
        %swap3A_1562 = tpu.vector_load %arg10[%swap3A_1561] {strides = array<i32>} : memref<3457xf32, #tpu.memory_space<vmem>>, vector<16xf32>,
        tpu.vector_store %arg10[%swap3A_1561], %add3A_1552 {strides = array<i32>} : memref<3457xf32, #tpu.memory_space<vmem>>, vector<16xf32>,
        %sub3A_1563 = arith.subf %get3A_1481, %get3A_1449 : vector<16xf32>
        %mul3A_1564 = arith.mulf %sub3A_694, %sub3A_1563 : vector<16xf32>
        %add3A_1565 = arith.addf %get3A_1449, %mul3A_1564 : vector<16xf32>
        %add3A_1566 = arith.constant 108 : i32
        %add3A_1567 = arith.addi %mul3A_1406, %add3A_1566 : i32
        %swap3A_1568 = arith.index_cast %add3A_1567 : i32 to index
        %swap3A_1569 = tpu.vector_load %arg10[%swap3A_1568] {strides = array<i32>} : memref<3457xf32, #tpu.memory_space<vmem>>, vector<16xf32>,
        tpu.vector_store %arg10[%swap3A_1568], %add3A_1565 {strides = array<i32>} : memref<3457xf32, #tpu.memory_space<vmem>>, vector<16xf32>,
        %add3A_1570 = arith.constant 1729 : i32
        %add3A_1571 = arith.addi %add3A_1570, %mul3A_1406 : i32
        %add3A_1572 = arith.constant 108 : i32
        %add3A_1573 = arith.addi %add3A_1571, %add3A_1572 : i32
        %swap3A_1574 = arith.index_cast %add3A_1573 : i32 to index
        %swap3A_1575 = tpu.vector_load %arg10[%swap3A_1574] {strides = array<i32>} : memref<3457xf32, #tpu.memory_space<vmem>>, vector<16xf32>,
        tpu.vector_store %arg10[%swap3A_1574], %add3A_1565 {strides = array<i32>} : memref<3457xf32, #tpu.memory_space<vmem>>, vector<16xf32>,
        %sub3A_1576 = arith.subf %get3A_1485, %get3A_1453 : vector<16xf32>
        %mul3A_1577 = arith.mulf %sub3A_694, %sub3A_1576 : vector<16xf32>
        %add3A_1578 = arith.addf %get3A_1453, %mul3A_1577 : vector<16xf32>
        %add3A_1579 = arith.constant 126 : i32
        %add3A_1580 = arith.addi %mul3A_1406, %add3A_1579 : i32
        %swap3A_1581 = arith.index_cast %add3A_1580 : i32 to index
        %swap3A_1582 = tpu.vector_load %arg10[%swap3A_1581] {strides = array<i32>} : memref<3457xf32, #tpu.memory_space<vmem>>, vector<16xf32>,
        tpu.vector_store %arg10[%swap3A_1581], %add3A_1578 {strides = array<i32>} : memref<3457xf32, #tpu.memory_space<vmem>>, vector<16xf32>,
        %add3A_1583 = arith.constant 1729 : i32
        %add3A_1584 = arith.addi %add3A_1583, %mul3A_1406 : i32
        %add3A_1585 = arith.constant 126 : i32
        %add3A_1586 = arith.addi %add3A_1584, %add3A_1585 : i32
        %swap3A_1587 = arith.index_cast %add3A_1586 : i32 to index
        %swap3A_1588 = tpu.vector_load %arg10[%swap3A_1587] {strides = array<i32>} : memref<3457xf32, #tpu.memory_space<vmem>>, vector<16xf32>,
        tpu.vector_store %arg10[%swap3A_1587], %add3A_1578 {strides = array<i32>} : memref<3457xf32, #tpu.memory_space<vmem>>, vector<16xf32>,
      }
      %scan3A_700 = arith.constant 12 : i32
      %add3A_701 = arith.constant 7 : i32
      %add3A_702 = arith.addi %add3A_448, %add3A_701 : i32
      %sub3A_703 = arith.constant 16 : i32
      %sub3A_704 = arith.subi %add3A_702, %sub3A_703 : i32
      %shift_right_arithmetic3A_705 = arith.constant 5 : i32
      %shift_right_arithmetic3A_706 = arith.shrsi %sub3A_704, %shift_right_arithmetic3A_705 : i32
      %jit3A_707 = arith.constant 0 : i32
      %jit3A_708 = arith.constant 15 : i32
      %max3A_709 = arith.maxsi %jit3A_707, %shift_right_arithmetic3A_706 : i32
      %min3A_710 = arith.minsi %jit3A_708, %max3A_709 : i32
      %add3A_711 = arith.constant 1 : i32
      %add3A_712 = arith.addi %shift_right_arithmetic3A_706, %add3A_711 : i32
      %jit3A_713 = arith.constant 0 : i32
      %jit3A_714 = arith.constant 15 : i32
      %max3A_715 = arith.maxsi %jit3A_713, %add3A_712 : i32
      %min3A_716 = arith.minsi %jit3A_714, %max3A_715 : i32
      %broadcast_in_dim3A_717 = vector.broadcast %add3A_702 : i32 to vector<16xi32>
      %convert_element_type3A_718 = arith.sitofp %broadcast_in_dim3A_717 : vector<16xi32> to vector<16xf32>
      %broadcast_in_dim3A_719 = vector.broadcast %shift_right_arithmetic3A_706 : i32 to vector<16xi32>
      %convert_element_type3A_720 = arith.sitofp %broadcast_in_dim3A_719 : vector<16xi32> to vector<16xf32>
      %add3A_721 = arith.constant 5.000000e-01 : f32
      %add3A_722 = vector.broadcast %add3A_721 : f32 to vector<16xf32>
      %add3A_723 = arith.addf %convert_element_type3A_718, %add3A_722 : vector<16xf32>
      %mul3A_724 = arith.constant 3.125000e-02 : f32
      %mul3A_725 = vector.broadcast %mul3A_724 : f32 to vector<16xf32>
      %mul3A_726 = arith.mulf %add3A_723, %mul3A_725 : vector<16xf32>
      %sub3A_727 = arith.constant 5.000000e-01 : f32
      %sub3A_728 = vector.broadcast %sub3A_727 : f32 to vector<16xf32>
      %sub3A_729 = arith.subf %mul3A_726, %sub3A_728 : vector<16xf32>
      %sub3A_730 = arith.subf %sub3A_729, %convert_element_type3A_720 : vector<16xf32>
      %scan3A_731 = arith.constant 0 : i32
      %scan3A_732 = arith.constant 0 : i32
      %scan3A_733 = arith.constant 12 : i32
      %scan3A_734 = arith.addi %scan3A_732, %scan3A_733 : i32
      %scan3A_735 = arith.constant 1 : i32
      scf.for %scan3A_1404 = %scan3A_732 to %scan3A_734 step %scan3A_735  : i32 {
        %mul3A_1405 = arith.constant 144 : i32
        %mul3A_1406 = arith.muli %scan3A_1404, %mul3A_1405 : i32
        %mul3A_1407 = arith.constant 24576 : i32
        %mul3A_1408 = arith.muli %rem3A_173, %mul3A_1407 : i32
        %mul3A_1409 = arith.constant 2048 : i32
        %mul3A_1410 = arith.muli %scan3A_1404, %mul3A_1409 : i32
        %add3A_1411 = arith.addi %mul3A_1408, %mul3A_1410 : i32
        %mul3A_1412 = arith.constant 16 : i32
        %mul3A_1413 = arith.muli %min3A_710, %mul3A_1412 : i32
        %add3A_1414 = arith.addi %add3A_1411, %mul3A_1413 : i32
        %mul3A_1415 = arith.constant 24576 : i32
        %mul3A_1416 = arith.muli %rem3A_173, %mul3A_1415 : i32
        %mul3A_1417 = arith.constant 2048 : i32
        %mul3A_1418 = arith.muli %scan3A_1404, %mul3A_1417 : i32
        %add3A_1419 = arith.addi %mul3A_1416, %mul3A_1418 : i32
        %mul3A_1420 = arith.constant 16 : i32
        %mul3A_1421 = arith.muli %min3A_716, %mul3A_1420 : i32
        %add3A_1422 = arith.addi %add3A_1419, %mul3A_1421 : i32
        %add3A_1423 = arith.constant 0 : i32
        %add3A_1424 = arith.addi %add3A_1414, %add3A_1423 : i32
        %get3A = arith.index_cast %add3A_1424 : i32 to index
        %get3A_1425 = tpu.vector_load %arg9[%get3A] {strides = array<i32>} : memref<49152xf32, #tpu.memory_space<vmem>>, vector<16xf32>,
        %add3A_1426 = arith.constant 256 : i32
        %add3A_1427 = arith.addi %add3A_1414, %add3A_1426 : i32
        %get3A_1428 = arith.index_cast %add3A_1427 : i32 to index
        %get3A_1429 = tpu.vector_load %arg9[%get3A_1428] {strides = array<i32>} : memref<49152xf32, #tpu.memory_space<vmem>>, vector<16xf32>,
        %add3A_1430 = arith.constant 512 : i32
        %add3A_1431 = arith.addi %add3A_1414, %add3A_1430 : i32
        %get3A_1432 = arith.index_cast %add3A_1431 : i32 to index
        %get3A_1433 = tpu.vector_load %arg9[%get3A_1432] {strides = array<i32>} : memref<49152xf32, #tpu.memory_space<vmem>>, vector<16xf32>,
        %add3A_1434 = arith.constant 768 : i32
        %add3A_1435 = arith.addi %add3A_1414, %add3A_1434 : i32
        %get3A_1436 = arith.index_cast %add3A_1435 : i32 to index
        %get3A_1437 = tpu.vector_load %arg9[%get3A_1436] {strides = array<i32>} : memref<49152xf32, #tpu.memory_space<vmem>>, vector<16xf32>,
        %add3A_1438 = arith.constant 1024 : i32
        %add3A_1439 = arith.addi %add3A_1414, %add3A_1438 : i32
        %get3A_1440 = arith.index_cast %add3A_1439 : i32 to index
        %get3A_1441 = tpu.vector_load %arg9[%get3A_1440] {strides = array<i32>} : memref<49152xf32, #tpu.memory_space<vmem>>, vector<16xf32>,
        %add3A_1442 = arith.constant 1280 : i32
        %add3A_1443 = arith.addi %add3A_1414, %add3A_1442 : i32
        %get3A_1444 = arith.index_cast %add3A_1443 : i32 to index
        %get3A_1445 = tpu.vector_load %arg9[%get3A_1444] {strides = array<i32>} : memref<49152xf32, #tpu.memory_space<vmem>>, vector<16xf32>,
        %add3A_1446 = arith.constant 1536 : i32
        %add3A_1447 = arith.addi %add3A_1414, %add3A_1446 : i32
        %get3A_1448 = arith.index_cast %add3A_1447 : i32 to index
        %get3A_1449 = tpu.vector_load %arg9[%get3A_1448] {strides = array<i32>} : memref<49152xf32, #tpu.memory_space<vmem>>, vector<16xf32>,
        %add3A_1450 = arith.constant 1792 : i32
        %add3A_1451 = arith.addi %add3A_1414, %add3A_1450 : i32
        %get3A_1452 = arith.index_cast %add3A_1451 : i32 to index
        %get3A_1453 = tpu.vector_load %arg9[%get3A_1452] {strides = array<i32>} : memref<49152xf32, #tpu.memory_space<vmem>>, vector<16xf32>,
        %add3A_1454 = arith.constant 0 : i32
        %add3A_1455 = arith.addi %add3A_1422, %add3A_1454 : i32
        %get3A_1456 = arith.index_cast %add3A_1455 : i32 to index
        %get3A_1457 = tpu.vector_load %arg9[%get3A_1456] {strides = array<i32>} : memref<49152xf32, #tpu.memory_space<vmem>>, vector<16xf32>,
        %add3A_1458 = arith.constant 256 : i32
        %add3A_1459 = arith.addi %add3A_1422, %add3A_1458 : i32
        %get3A_1460 = arith.index_cast %add3A_1459 : i32 to index
        %get3A_1461 = tpu.vector_load %arg9[%get3A_1460] {strides = array<i32>} : memref<49152xf32, #tpu.memory_space<vmem>>, vector<16xf32>,
        %add3A_1462 = arith.constant 512 : i32
        %add3A_1463 = arith.addi %add3A_1422, %add3A_1462 : i32
        %get3A_1464 = arith.index_cast %add3A_1463 : i32 to index
        %get3A_1465 = tpu.vector_load %arg9[%get3A_1464] {strides = array<i32>} : memref<49152xf32, #tpu.memory_space<vmem>>, vector<16xf32>,
        %add3A_1466 = arith.constant 768 : i32
        %add3A_1467 = arith.addi %add3A_1422, %add3A_1466 : i32
        %get3A_1468 = arith.index_cast %add3A_1467 : i32 to index
        %get3A_1469 = tpu.vector_load %arg9[%get3A_1468] {strides = array<i32>} : memref<49152xf32, #tpu.memory_space<vmem>>, vector<16xf32>,
        %add3A_1470 = arith.constant 1024 : i32
        %add3A_1471 = arith.addi %add3A_1422, %add3A_1470 : i32
        %get3A_1472 = arith.index_cast %add3A_1471 : i32 to index
        %get3A_1473 = tpu.vector_load %arg9[%get3A_1472] {strides = array<i32>} : memref<49152xf32, #tpu.memory_space<vmem>>, vector<16xf32>,
        %add3A_1474 = arith.constant 1280 : i32
        %add3A_1475 = arith.addi %add3A_1422, %add3A_1474 : i32
        %get3A_1476 = arith.index_cast %add3A_1475 : i32 to index
        %get3A_1477 = tpu.vector_load %arg9[%get3A_1476] {strides = array<i32>} : memref<49152xf32, #tpu.memory_space<vmem>>, vector<16xf32>,
        %add3A_1478 = arith.constant 1536 : i32
        %add3A_1479 = arith.addi %add3A_1422, %add3A_1478 : i32
        %get3A_1480 = arith.index_cast %add3A_1479 : i32 to index
        %get3A_1481 = tpu.vector_load %arg9[%get3A_1480] {strides = array<i32>} : memref<49152xf32, #tpu.memory_space<vmem>>, vector<16xf32>,
        %add3A_1482 = arith.constant 1792 : i32
        %add3A_1483 = arith.addi %add3A_1422, %add3A_1482 : i32
        %get3A_1484 = arith.index_cast %add3A_1483 : i32 to index
        %get3A_1485 = tpu.vector_load %arg9[%get3A_1484] {strides = array<i32>} : memref<49152xf32, #tpu.memory_space<vmem>>, vector<16xf32>,
        %sub3A_1486 = arith.subf %get3A_1457, %get3A_1425 : vector<16xf32>
        %mul3A_1487 = arith.mulf %sub3A_730, %sub3A_1486 : vector<16xf32>
        %add3A_1488 = arith.addf %get3A_1425, %mul3A_1487 : vector<16xf32>
        %add3A_1489 = arith.constant 0 : i32
        %add3A_1490 = arith.addi %mul3A_1406, %add3A_1489 : i32
        %swap3A = arith.index_cast %add3A_1490 : i32 to index
        %swap3A_1491 = tpu.vector_load %arg10[%swap3A] {strides = array<i32>} : memref<3457xf32, #tpu.memory_space<vmem>>, vector<16xf32>,
        tpu.vector_store %arg10[%swap3A], %add3A_1488 {strides = array<i32>} : memref<3457xf32, #tpu.memory_space<vmem>>, vector<16xf32>,
        %add3A_1492 = arith.constant 1729 : i32
        %add3A_1493 = arith.addi %add3A_1492, %mul3A_1406 : i32
        %add3A_1494 = arith.constant 0 : i32
        %add3A_1495 = arith.addi %add3A_1493, %add3A_1494 : i32
        %swap3A_1496 = arith.index_cast %add3A_1495 : i32 to index
        %swap3A_1497 = tpu.vector_load %arg10[%swap3A_1496] {strides = array<i32>} : memref<3457xf32, #tpu.memory_space<vmem>>, vector<16xf32>,
        tpu.vector_store %arg10[%swap3A_1496], %add3A_1488 {strides = array<i32>} : memref<3457xf32, #tpu.memory_space<vmem>>, vector<16xf32>,
        %sub3A_1498 = arith.subf %get3A_1461, %get3A_1429 : vector<16xf32>
        %mul3A_1499 = arith.mulf %sub3A_730, %sub3A_1498 : vector<16xf32>
        %add3A_1500 = arith.addf %get3A_1429, %mul3A_1499 : vector<16xf32>
        %add3A_1501 = arith.constant 18 : i32
        %add3A_1502 = arith.addi %mul3A_1406, %add3A_1501 : i32
        %swap3A_1503 = arith.index_cast %add3A_1502 : i32 to index
        %swap3A_1504 = tpu.vector_load %arg10[%swap3A_1503] {strides = array<i32>} : memref<3457xf32, #tpu.memory_space<vmem>>, vector<16xf32>,
        tpu.vector_store %arg10[%swap3A_1503], %add3A_1500 {strides = array<i32>} : memref<3457xf32, #tpu.memory_space<vmem>>, vector<16xf32>,
        %add3A_1505 = arith.constant 1729 : i32
        %add3A_1506 = arith.addi %add3A_1505, %mul3A_1406 : i32
        %add3A_1507 = arith.constant 18 : i32
        %add3A_1508 = arith.addi %add3A_1506, %add3A_1507 : i32
        %swap3A_1509 = arith.index_cast %add3A_1508 : i32 to index
        %swap3A_1510 = tpu.vector_load %arg10[%swap3A_1509] {strides = array<i32>} : memref<3457xf32, #tpu.memory_space<vmem>>, vector<16xf32>,
        tpu.vector_store %arg10[%swap3A_1509], %add3A_1500 {strides = array<i32>} : memref<3457xf32, #tpu.memory_space<vmem>>, vector<16xf32>,
        %sub3A_1511 = arith.subf %get3A_1465, %get3A_1433 : vector<16xf32>
        %mul3A_1512 = arith.mulf %sub3A_730, %sub3A_1511 : vector<16xf32>
        %add3A_1513 = arith.addf %get3A_1433, %mul3A_1512 : vector<16xf32>
        %add3A_1514 = arith.constant 36 : i32
        %add3A_1515 = arith.addi %mul3A_1406, %add3A_1514 : i32
        %swap3A_1516 = arith.index_cast %add3A_1515 : i32 to index
        %swap3A_1517 = tpu.vector_load %arg10[%swap3A_1516] {strides = array<i32>} : memref<3457xf32, #tpu.memory_space<vmem>>, vector<16xf32>,
        tpu.vector_store %arg10[%swap3A_1516], %add3A_1513 {strides = array<i32>} : memref<3457xf32, #tpu.memory_space<vmem>>, vector<16xf32>,
        %add3A_1518 = arith.constant 1729 : i32
        %add3A_1519 = arith.addi %add3A_1518, %mul3A_1406 : i32
        %add3A_1520 = arith.constant 36 : i32
        %add3A_1521 = arith.addi %add3A_1519, %add3A_1520 : i32
        %swap3A_1522 = arith.index_cast %add3A_1521 : i32 to index
        %swap3A_1523 = tpu.vector_load %arg10[%swap3A_1522] {strides = array<i32>} : memref<3457xf32, #tpu.memory_space<vmem>>, vector<16xf32>,
        tpu.vector_store %arg10[%swap3A_1522], %add3A_1513 {strides = array<i32>} : memref<3457xf32, #tpu.memory_space<vmem>>, vector<16xf32>,
        %sub3A_1524 = arith.subf %get3A_1469, %get3A_1437 : vector<16xf32>
        %mul3A_1525 = arith.mulf %sub3A_730, %sub3A_1524 : vector<16xf32>
        %add3A_1526 = arith.addf %get3A_1437, %mul3A_1525 : vector<16xf32>
        %add3A_1527 = arith.constant 54 : i32
        %add3A_1528 = arith.addi %mul3A_1406, %add3A_1527 : i32
        %swap3A_1529 = arith.index_cast %add3A_1528 : i32 to index
        %swap3A_1530 = tpu.vector_load %arg10[%swap3A_1529] {strides = array<i32>} : memref<3457xf32, #tpu.memory_space<vmem>>, vector<16xf32>,
        tpu.vector_store %arg10[%swap3A_1529], %add3A_1526 {strides = array<i32>} : memref<3457xf32, #tpu.memory_space<vmem>>, vector<16xf32>,
        %add3A_1531 = arith.constant 1729 : i32
        %add3A_1532 = arith.addi %add3A_1531, %mul3A_1406 : i32
        %add3A_1533 = arith.constant 54 : i32
        %add3A_1534 = arith.addi %add3A_1532, %add3A_1533 : i32
        %swap3A_1535 = arith.index_cast %add3A_1534 : i32 to index
        %swap3A_1536 = tpu.vector_load %arg10[%swap3A_1535] {strides = array<i32>} : memref<3457xf32, #tpu.memory_space<vmem>>, vector<16xf32>,
        tpu.vector_store %arg10[%swap3A_1535], %add3A_1526 {strides = array<i32>} : memref<3457xf32, #tpu.memory_space<vmem>>, vector<16xf32>,
        %sub3A_1537 = arith.subf %get3A_1473, %get3A_1441 : vector<16xf32>
        %mul3A_1538 = arith.mulf %sub3A_730, %sub3A_1537 : vector<16xf32>
        %add3A_1539 = arith.addf %get3A_1441, %mul3A_1538 : vector<16xf32>
        %add3A_1540 = arith.constant 72 : i32
        %add3A_1541 = arith.addi %mul3A_1406, %add3A_1540 : i32
        %swap3A_1542 = arith.index_cast %add3A_1541 : i32 to index
        %swap3A_1543 = tpu.vector_load %arg10[%swap3A_1542] {strides = array<i32>} : memref<3457xf32, #tpu.memory_space<vmem>>, vector<16xf32>,
        tpu.vector_store %arg10[%swap3A_1542], %add3A_1539 {strides = array<i32>} : memref<3457xf32, #tpu.memory_space<vmem>>, vector<16xf32>,
        %add3A_1544 = arith.constant 1729 : i32
        %add3A_1545 = arith.addi %add3A_1544, %mul3A_1406 : i32
        %add3A_1546 = arith.constant 72 : i32
        %add3A_1547 = arith.addi %add3A_1545, %add3A_1546 : i32
        %swap3A_1548 = arith.index_cast %add3A_1547 : i32 to index
        %swap3A_1549 = tpu.vector_load %arg10[%swap3A_1548] {strides = array<i32>} : memref<3457xf32, #tpu.memory_space<vmem>>, vector<16xf32>,
        tpu.vector_store %arg10[%swap3A_1548], %add3A_1539 {strides = array<i32>} : memref<3457xf32, #tpu.memory_space<vmem>>, vector<16xf32>,
        %sub3A_1550 = arith.subf %get3A_1477, %get3A_1445 : vector<16xf32>
        %mul3A_1551 = arith.mulf %sub3A_730, %sub3A_1550 : vector<16xf32>
        %add3A_1552 = arith.addf %get3A_1445, %mul3A_1551 : vector<16xf32>
        %add3A_1553 = arith.constant 90 : i32
        %add3A_1554 = arith.addi %mul3A_1406, %add3A_1553 : i32
        %swap3A_1555 = arith.index_cast %add3A_1554 : i32 to index
        %swap3A_1556 = tpu.vector_load %arg10[%swap3A_1555] {strides = array<i32>} : memref<3457xf32, #tpu.memory_space<vmem>>, vector<16xf32>,
        tpu.vector_store %arg10[%swap3A_1555], %add3A_1552 {strides = array<i32>} : memref<3457xf32, #tpu.memory_space<vmem>>, vector<16xf32>,
        %add3A_1557 = arith.constant 1729 : i32
        %add3A_1558 = arith.addi %add3A_1557, %mul3A_1406 : i32
        %add3A_1559 = arith.constant 90 : i32
        %add3A_1560 = arith.addi %add3A_1558, %add3A_1559 : i32
        %swap3A_1561 = arith.index_cast %add3A_1560 : i32 to index
        %swap3A_1562 = tpu.vector_load %arg10[%swap3A_1561] {strides = array<i32>} : memref<3457xf32, #tpu.memory_space<vmem>>, vector<16xf32>,
        tpu.vector_store %arg10[%swap3A_1561], %add3A_1552 {strides = array<i32>} : memref<3457xf32, #tpu.memory_space<vmem>>, vector<16xf32>,
        %sub3A_1563 = arith.subf %get3A_1481, %get3A_1449 : vector<16xf32>
        %mul3A_1564 = arith.mulf %sub3A_730, %sub3A_1563 : vector<16xf32>
        %add3A_1565 = arith.addf %get3A_1449, %mul3A_1564 : vector<16xf32>
        %add3A_1566 = arith.constant 108 : i32
        %add3A_1567 = arith.addi %mul3A_1406, %add3A_1566 : i32
        %swap3A_1568 = arith.index_cast %add3A_1567 : i32 to index
        %swap3A_1569 = tpu.vector_load %arg10[%swap3A_1568] {strides = array<i32>} : memref<3457xf32, #tpu.memory_space<vmem>>, vector<16xf32>,
        tpu.vector_store %arg10[%swap3A_1568], %add3A_1565 {strides = array<i32>} : memref<3457xf32, #tpu.memory_space<vmem>>, vector<16xf32>,
        %add3A_1570 = arith.constant 1729 : i32
        %add3A_1571 = arith.addi %add3A_1570, %mul3A_1406 : i32
        %add3A_1572 = arith.constant 108 : i32
        %add3A_1573 = arith.addi %add3A_1571, %add3A_1572 : i32
        %swap3A_1574 = arith.index_cast %add3A_1573 : i32 to index
        %swap3A_1575 = tpu.vector_load %arg10[%swap3A_1574] {strides = array<i32>} : memref<3457xf32, #tpu.memory_space<vmem>>, vector<16xf32>,
        tpu.vector_store %arg10[%swap3A_1574], %add3A_1565 {strides = array<i32>} : memref<3457xf32, #tpu.memory_space<vmem>>, vector<16xf32>,
        %sub3A_1576 = arith.subf %get3A_1485, %get3A_1453 : vector<16xf32>
        %mul3A_1577 = arith.mulf %sub3A_730, %sub3A_1576 : vector<16xf32>
        %add3A_1578 = arith.addf %get3A_1453, %mul3A_1577 : vector<16xf32>
        %add3A_1579 = arith.constant 126 : i32
        %add3A_1580 = arith.addi %mul3A_1406, %add3A_1579 : i32
        %swap3A_1581 = arith.index_cast %add3A_1580 : i32 to index
        %swap3A_1582 = tpu.vector_load %arg10[%swap3A_1581] {strides = array<i32>} : memref<3457xf32, #tpu.memory_space<vmem>>, vector<16xf32>,
        tpu.vector_store %arg10[%swap3A_1581], %add3A_1578 {strides = array<i32>} : memref<3457xf32, #tpu.memory_space<vmem>>, vector<16xf32>,
        %add3A_1583 = arith.constant 1729 : i32
        %add3A_1584 = arith.addi %add3A_1583, %mul3A_1406 : i32
        %add3A_1585 = arith.constant 126 : i32
        %add3A_1586 = arith.addi %add3A_1584, %add3A_1585 : i32
        %swap3A_1587 = arith.index_cast %add3A_1586 : i32 to index
        %swap3A_1588 = tpu.vector_load %arg10[%swap3A_1587] {strides = array<i32>} : memref<3457xf32, #tpu.memory_space<vmem>>, vector<16xf32>,
        tpu.vector_store %arg10[%swap3A_1587], %add3A_1578 {strides = array<i32>} : memref<3457xf32, #tpu.memory_space<vmem>>, vector<16xf32>,
      }
      %scan3A_736 = arith.constant 12 : i32
      %jit3A_737 = arith.constant 2 : i32
      %div3A_738 = arith.divsi %mul3A_170, %jit3A_737 : i32
      %sign3A_739 = arith.constant 0 : i32
      %sign3A_740 = arith.cmpi sgt, %mul3A_170, %sign3A_739 : i32
      %sign3A_741 = arith.extui %sign3A_740 : i1 to i32
      %sign3A_742 = arith.constant 0 : i32
      %sign3A_743 = arith.cmpi slt, %mul3A_170, %sign3A_742 : i32
      %sign3A_744 = arith.extui %sign3A_743 : i1 to i32
      %sign3A_745 = arith.subi %sign3A_741, %sign3A_744 : i32
      %sign3A_746 = arith.constant 0 : i32
      %sign3A_747 = arith.cmpi sgt, %jit3A_737, %sign3A_746 : i32
      %sign3A_748 = arith.extui %sign3A_747 : i1 to i32
      %sign3A_749 = arith.constant 0 : i32
      %sign3A_750 = arith.cmpi slt, %jit3A_737, %sign3A_749 : i32
      %sign3A_751 = arith.extui %sign3A_750 : i1 to i32
      %sign3A_752 = arith.subi %sign3A_748, %sign3A_751 : i32
      %ne3A_753 = arith.cmpi ne, %sign3A_745, %sign3A_752 : i32
      %rem3A_754 = arith.remsi %mul3A_170, %jit3A_737 : i32
      %ne3A_755 = arith.constant 0 : i32
      %ne3A_756 = arith.cmpi ne, %rem3A_754, %ne3A_755 : i32
      %and3A_757 = arith.andi %ne3A_753, %ne3A_756 : i1
      %sub3A_758 = arith.constant 1 : i32
      %sub3A_759 = arith.subi %div3A_738, %sub3A_758 : i32
      %select_n3A_760 = arith.select %and3A_757, %sub3A_759, %div3A_738 : i32
      %mul3A_761 = arith.constant 16 : i32
      %mul3A_762 = arith.muli %add3A, %mul3A_761 : i32
      %jit3A_763 = arith.constant 2 : i32
      %eq3A_764 = arith.constant 0 : i32
      %eq3A_765 = arith.cmpi eq, %jit3A_763, %eq3A_764 : i32
      %jit3A_766 = arith.constant 1 : i32
      %select_n3A_767 = arith.select %eq3A_765, %jit3A_766, %jit3A_763 : i32
      %rem3A_768 = arith.remsi %mul3A_170, %select_n3A_767 : i32
      %ne3A_769 = arith.constant 0 : i32
      %ne3A_770 = arith.cmpi ne, %rem3A_768, %ne3A_769 : i32
      %lt3A_771 = arith.constant 0 : i32
      %lt3A_772 = arith.cmpi slt, %rem3A_768, %lt3A_771 : i32
      %lt3A_773 = arith.constant 0 : i32
      %lt3A_774 = arith.cmpi slt, %select_n3A_767, %lt3A_773 : i32
      %ne3A_775 = arith.xori %lt3A_772, %lt3A_774 : i1
      %and3A_776 = arith.andi %ne3A_775, %ne3A_770 : i1
      %add3A_777 = arith.addi %rem3A_768, %select_n3A_767 : i32
      %select_n3A_778 = arith.select %and3A_776, %add3A_777, %rem3A_768 : i32
      %mul3A_779 = arith.constant 8 : i32
      %mul3A_780 = arith.muli %select_n3A_778, %mul3A_779 : i32
      %add3A_781 = arith.addi %mul3A_762, %mul3A_780 : i32
      %mul3A_782 = arith.constant 3 : i32
      %mul3A_783 = arith.muli %select_n3A_760, %mul3A_782 : i32
      %add3A_784 = arith.constant 0 : i32
      %add3A_785 = arith.addi %mul3A_783, %add3A_784 : i32
      %mul3A_786 = arith.constant 512 : i32
      %mul3A_787 = arith.muli %add3A_785, %mul3A_786 : i32
      %add3A_788 = arith.addi %mul3A_787, %add3A_781 : i32
      %mul3A_789 = arith.constant 3 : i32
      %mul3A_790 = arith.muli %select_n3A_760, %mul3A_789 : i32
      %add3A_791 = arith.constant 1 : i32
      %add3A_792 = arith.addi %mul3A_790, %add3A_791 : i32
      %mul3A_793 = arith.constant 512 : i32
      %mul3A_794 = arith.muli %add3A_792, %mul3A_793 : i32
      %add3A_795 = arith.addi %mul3A_794, %add3A_781 : i32
      %mul3A_796 = arith.constant 3 : i32
      %mul3A_797 = arith.muli %select_n3A_760, %mul3A_796 : i32
      %add3A_798 = arith.constant 2 : i32
      %add3A_799 = arith.addi %mul3A_797, %add3A_798 : i32
      %mul3A_800 = arith.constant 512 : i32
      %mul3A_801 = arith.muli %add3A_799, %mul3A_800 : i32
      %add3A_802 = arith.addi %mul3A_801, %add3A_781 : i32
      %dma_start3A_803 = arith.constant 0 : i32
      %dma_start3A_804 = arith.constant 0 : i32
      %dma_start3A_805 = arith.constant 0 : i32
      %dma_start3A_806 = tpu.memref_slice %arg15[%dma_start3A_803, %dma_start3A_804, %dma_start3A_805] : memref<3x8x512xf32, #tpu.memory_space<vmem>> -> memref<1x8x512xf32, #tpu.memory_space<vmem>>
      %dma_start3A_807 = tpu.memref_squeeze %dma_start3A_806 : memref<1x8x512xf32, #tpu.memory_space<vmem>> -> memref<8x512xf32, #tpu.memory_space<vmem>>
      %dma_start3A_808 = arith.constant 0 : i32
      %dma_start3A_809 = tpu.memref_slice %arg8[%add3A_788, %dma_start3A_808] : memref<6144x512xf32, #tpu.memory_space<hbm>> -> memref<8x512xf32, #tpu.memory_space<hbm>>
      %dma_start3A_810 = arith.constant 0 : i32
      %dma_start3A_811 = tpu.memref_slice %arg8[%add3A_788, %dma_start3A_810] : memref<6144x512xf32, #tpu.memory_space<hbm>> -> memref<8x512xf32, #tpu.memory_space<hbm>>
      %dma_start3A_812 = arith.constant 0 : i32
      %dma_start3A_813 = arith.constant 0 : i32
      %dma_start3A_814 = tpu.memref_slice %arg15[%dma_start3A_803, %dma_start3A_812, %dma_start3A_813] : memref<3x8x512xf32, #tpu.memory_space<vmem>> -> memref<1x8x512xf32, #tpu.memory_space<vmem>>
      %dma_start3A_815 = tpu.memref_squeeze %dma_start3A_814 : memref<1x8x512xf32, #tpu.memory_space<vmem>> -> memref<8x512xf32, #tpu.memory_space<vmem>>
      tpu.enqueue_dma source(%dma_start3A_815 : memref<8x512xf32, #tpu.memory_space<vmem>>) target(%dma_start3A_811 : memref<8x512xf32, #tpu.memory_space<hbm>>) target_semaphore(%arg23 : memref<!tpu.dma_semaphore, #tpu.memory_space<semaphore_mem>>)
      %dma_start3A_816 = arith.constant 1 : i32
      %dma_start3A_817 = arith.constant 0 : i32
      %dma_start3A_818 = arith.constant 0 : i32
      %dma_start3A_819 = tpu.memref_slice %arg15[%dma_start3A_816, %dma_start3A_817, %dma_start3A_818] : memref<3x8x512xf32, #tpu.memory_space<vmem>> -> memref<1x8x512xf32, #tpu.memory_space<vmem>>
      %dma_start3A_820 = tpu.memref_squeeze %dma_start3A_819 : memref<1x8x512xf32, #tpu.memory_space<vmem>> -> memref<8x512xf32, #tpu.memory_space<vmem>>
      %dma_start3A_821 = arith.constant 0 : i32
      %dma_start3A_822 = tpu.memref_slice %arg8[%add3A_795, %dma_start3A_821] : memref<6144x512xf32, #tpu.memory_space<hbm>> -> memref<8x512xf32, #tpu.memory_space<hbm>>
      %dma_start3A_823 = arith.constant 0 : i32
      %dma_start3A_824 = tpu.memref_slice %arg8[%add3A_795, %dma_start3A_823] : memref<6144x512xf32, #tpu.memory_space<hbm>> -> memref<8x512xf32, #tpu.memory_space<hbm>>
      %dma_start3A_825 = arith.constant 0 : i32
      %dma_start3A_826 = arith.constant 0 : i32
      %dma_start3A_827 = tpu.memref_slice %arg15[%dma_start3A_816, %dma_start3A_825, %dma_start3A_826] : memref<3x8x512xf32, #tpu.memory_space<vmem>> -> memref<1x8x512xf32, #tpu.memory_space<vmem>>
      %dma_start3A_828 = tpu.memref_squeeze %dma_start3A_827 : memref<1x8x512xf32, #tpu.memory_space<vmem>> -> memref<8x512xf32, #tpu.memory_space<vmem>>
      tpu.enqueue_dma source(%dma_start3A_828 : memref<8x512xf32, #tpu.memory_space<vmem>>) target(%dma_start3A_824 : memref<8x512xf32, #tpu.memory_space<hbm>>) target_semaphore(%arg23 : memref<!tpu.dma_semaphore, #tpu.memory_space<semaphore_mem>>)
      %dma_start3A_829 = arith.constant 2 : i32
      %dma_start3A_830 = arith.constant 0 : i32
      %dma_start3A_831 = arith.constant 0 : i32
      %dma_start3A_832 = tpu.memref_slice %arg15[%dma_start3A_829, %dma_start3A_830, %dma_start3A_831] : memref<3x8x512xf32, #tpu.memory_space<vmem>> -> memref<1x8x512xf32, #tpu.memory_space<vmem>>
      %dma_start3A_833 = tpu.memref_squeeze %dma_start3A_832 : memref<1x8x512xf32, #tpu.memory_space<vmem>> -> memref<8x512xf32, #tpu.memory_space<vmem>>
      %dma_start3A_834 = arith.constant 0 : i32
      %dma_start3A_835 = tpu.memref_slice %arg8[%add3A_802, %dma_start3A_834] : memref<6144x512xf32, #tpu.memory_space<hbm>> -> memref<8x512xf32, #tpu.memory_space<hbm>>
      %dma_start3A_836 = arith.constant 0 : i32
      %dma_start3A_837 = tpu.memref_slice %arg8[%add3A_802, %dma_start3A_836] : memref<6144x512xf32, #tpu.memory_space<hbm>> -> memref<8x512xf32, #tpu.memory_space<hbm>>
      %dma_start3A_838 = arith.constant 0 : i32
      %dma_start3A_839 = arith.constant 0 : i32
      %dma_start3A_840 = tpu.memref_slice %arg15[%dma_start3A_829, %dma_start3A_838, %dma_start3A_839] : memref<3x8x512xf32, #tpu.memory_space<vmem>> -> memref<1x8x512xf32, #tpu.memory_space<vmem>>
      %dma_start3A_841 = tpu.memref_squeeze %dma_start3A_840 : memref<1x8x512xf32, #tpu.memory_space<vmem>> -> memref<8x512xf32, #tpu.memory_space<vmem>>
      tpu.enqueue_dma source(%dma_start3A_841 : memref<8x512xf32, #tpu.memory_space<vmem>>) target(%dma_start3A_837 : memref<8x512xf32, #tpu.memory_space<hbm>>) target_semaphore(%arg23 : memref<!tpu.dma_semaphore, #tpu.memory_space<semaphore_mem>>)
      %add3A_842 = arith.constant 2 : i32
      %add3A_843 = arith.addi %mul3A_170, %add3A_842 : i32
      %lt3A_844 = arith.constant 8 : i32
      %lt3A_845 = arith.cmpi slt, %add3A_843, %lt3A_844 : i32
      %convert_element_type3A_846 = arith.extui %lt3A_845 : i1 to i32
      %cond3A_847 = arith.constant 0 : i32
      %cond3A_848 = arith.cmpi ne, %convert_element_type3A_846, %cond3A_847 : i32
      scf.if %cond3A_848 {
        %add3A_1404 = arith.constant 2 : i32
        %add3A_1405 = arith.addi %mul3A_170, %add3A_1404 : i32
        %jit3A_1406 = arith.constant 2 : i32
        %div3A_1407 = arith.divsi %add3A_1405, %jit3A_1406 : i32
        %sign3A_1408 = arith.constant 0 : i32
        %sign3A_1409 = arith.cmpi sgt, %add3A_1405, %sign3A_1408 : i32
        %sign3A_1410 = arith.extui %sign3A_1409 : i1 to i32
        %sign3A_1411 = arith.constant 0 : i32
        %sign3A_1412 = arith.cmpi slt, %add3A_1405, %sign3A_1411 : i32
        %sign3A_1413 = arith.extui %sign3A_1412 : i1 to i32
        %sign3A_1414 = arith.subi %sign3A_1410, %sign3A_1413 : i32
        %sign3A_1415 = arith.constant 0 : i32
        %sign3A_1416 = arith.cmpi sgt, %jit3A_1406, %sign3A_1415 : i32
        %sign3A_1417 = arith.extui %sign3A_1416 : i1 to i32
        %sign3A_1418 = arith.constant 0 : i32
        %sign3A_1419 = arith.cmpi slt, %jit3A_1406, %sign3A_1418 : i32
        %sign3A_1420 = arith.extui %sign3A_1419 : i1 to i32
        %sign3A_1421 = arith.subi %sign3A_1417, %sign3A_1420 : i32
        %ne3A_1422 = arith.cmpi ne, %sign3A_1414, %sign3A_1421 : i32
        %rem3A_1423 = arith.remsi %add3A_1405, %jit3A_1406 : i32
        %ne3A_1424 = arith.constant 0 : i32
        %ne3A_1425 = arith.cmpi ne, %rem3A_1423, %ne3A_1424 : i32
        %and3A_1426 = arith.andi %ne3A_1422, %ne3A_1425 : i1
        %sub3A_1427 = arith.constant 1 : i32
        %sub3A_1428 = arith.subi %div3A_1407, %sub3A_1427 : i32
        %select_n3A_1429 = arith.select %and3A_1426, %sub3A_1428, %div3A_1407 : i32
        %mul3A_1430 = arith.constant 16 : i32
        %mul3A_1431 = arith.muli %add3A, %mul3A_1430 : i32
        %jit3A_1432 = arith.constant 2 : i32
        %eq3A_1433 = arith.constant 0 : i32
        %eq3A_1434 = arith.cmpi eq, %jit3A_1432, %eq3A_1433 : i32
        %jit3A_1435 = arith.constant 1 : i32
        %select_n3A_1436 = arith.select %eq3A_1434, %jit3A_1435, %jit3A_1432 : i32
        %rem3A_1437 = arith.remsi %add3A_1405, %select_n3A_1436 : i32
        %ne3A_1438 = arith.constant 0 : i32
        %ne3A_1439 = arith.cmpi ne, %rem3A_1437, %ne3A_1438 : i32
        %lt3A_1440 = arith.constant 0 : i32
        %lt3A_1441 = arith.cmpi slt, %rem3A_1437, %lt3A_1440 : i32
        %lt3A_1442 = arith.constant 0 : i32
        %lt3A_1443 = arith.cmpi slt, %select_n3A_1436, %lt3A_1442 : i32
        %ne3A_1444 = arith.xori %lt3A_1441, %lt3A_1443 : i1
        %and3A_1445 = arith.andi %ne3A_1444, %ne3A_1439 : i1
        %add3A_1446 = arith.addi %rem3A_1437, %select_n3A_1436 : i32
        %select_n3A_1447 = arith.select %and3A_1445, %add3A_1446, %rem3A_1437 : i32
        %mul3A_1448 = arith.constant 8 : i32
        %mul3A_1449 = arith.muli %select_n3A_1447, %mul3A_1448 : i32
        %add3A_1450 = arith.addi %mul3A_1431, %mul3A_1449 : i32
        %mul3A_1451 = arith.constant 512 : i32
        %mul3A_1452 = arith.muli %select_n3A_1429, %mul3A_1451 : i32
        %add3A_1453 = arith.addi %mul3A_1452, %add3A_1450 : i32
        %mul3A_1454 = arith.constant 3 : i32
        %mul3A_1455 = arith.muli %select_n3A_1429, %mul3A_1454 : i32
        %add3A_1456 = arith.constant 0 : i32
        %add3A_1457 = arith.addi %mul3A_1455, %add3A_1456 : i32
        %mul3A_1458 = arith.constant 512 : i32
        %mul3A_1459 = arith.muli %add3A_1457, %mul3A_1458 : i32
        %add3A_1460 = arith.addi %mul3A_1459, %add3A_1450 : i32
        %mul3A_1461 = arith.constant 3 : i32
        %mul3A_1462 = arith.muli %select_n3A_1429, %mul3A_1461 : i32
        %add3A_1463 = arith.constant 1 : i32
        %add3A_1464 = arith.addi %mul3A_1462, %add3A_1463 : i32
        %mul3A_1465 = arith.constant 512 : i32
        %mul3A_1466 = arith.muli %add3A_1464, %mul3A_1465 : i32
        %add3A_1467 = arith.addi %mul3A_1466, %add3A_1450 : i32
        %mul3A_1468 = arith.constant 3 : i32
        %mul3A_1469 = arith.muli %select_n3A_1429, %mul3A_1468 : i32
        %add3A_1470 = arith.constant 2 : i32
        %add3A_1471 = arith.addi %mul3A_1469, %add3A_1470 : i32
        %mul3A_1472 = arith.constant 512 : i32
        %mul3A_1473 = arith.muli %add3A_1471, %mul3A_1472 : i32
        %add3A_1474 = arith.addi %mul3A_1473, %add3A_1450 : i32
        %dma_start3A_1475 = arith.constant 0 : i32
        %dma_start3A_1476 = tpu.memref_slice %arg3[%add3A_1453, %dma_start3A_1475] : memref<2048x512xf32, #tpu.memory_space<hbm>> -> memref<8x512xf32, #tpu.memory_space<hbm>>
        %dma_start3A_1477 = arith.constant 0 : i32
        %dma_start3A_1478 = tpu.memref_slice %arg3[%add3A_1453, %dma_start3A_1477] : memref<2048x512xf32, #tpu.memory_space<hbm>> -> memref<8x512xf32, #tpu.memory_space<hbm>>
        tpu.enqueue_dma source(%dma_start3A_1478 : memref<8x512xf32, #tpu.memory_space<hbm>>) target(%arg11 : memref<8x512xf32, #tpu.memory_space<vmem>>) target_semaphore(%arg20 : memref<!tpu.dma_semaphore, #tpu.memory_space<semaphore_mem>>)
        %dma_start3A_1479 = arith.constant 0 : i32
        %dma_start3A_1480 = arith.constant 0 : i32
        %dma_start3A_1481 = arith.constant 0 : i32
        %dma_start3A_1482 = tpu.memref_slice %arg12[%dma_start3A_1479, %dma_start3A_1480, %dma_start3A_1481] : memref<3x8x512xf32, #tpu.memory_space<vmem>> -> memref<1x8x512xf32, #tpu.memory_space<vmem>>
        %dma_start3A_1483 = tpu.memref_squeeze %dma_start3A_1482 : memref<1x8x512xf32, #tpu.memory_space<vmem>> -> memref<8x512xf32, #tpu.memory_space<vmem>>
        %dma_start3A_1484 = arith.constant 0 : i32
        %dma_start3A_1485 = tpu.memref_slice %arg4[%add3A_1460, %dma_start3A_1484] : memref<6144x512xf32, #tpu.memory_space<hbm>> -> memref<8x512xf32, #tpu.memory_space<hbm>>
        %dma_start3A_1486 = arith.constant 0 : i32
        %dma_start3A_1487 = arith.constant 0 : i32
        %dma_start3A_1488 = tpu.memref_slice %arg12[%dma_start3A_1479, %dma_start3A_1486, %dma_start3A_1487] : memref<3x8x512xf32, #tpu.memory_space<vmem>> -> memref<1x8x512xf32, #tpu.memory_space<vmem>>
        %dma_start3A_1489 = tpu.memref_squeeze %dma_start3A_1488 : memref<1x8x512xf32, #tpu.memory_space<vmem>> -> memref<8x512xf32, #tpu.memory_space<vmem>>
        %dma_start3A_1490 = arith.constant 0 : i32
        %dma_start3A_1491 = tpu.memref_slice %arg4[%add3A_1460, %dma_start3A_1490] : memref<6144x512xf32, #tpu.memory_space<hbm>> -> memref<8x512xf32, #tpu.memory_space<hbm>>
        tpu.enqueue_dma source(%dma_start3A_1491 : memref<8x512xf32, #tpu.memory_space<hbm>>) target(%dma_start3A_1489 : memref<8x512xf32, #tpu.memory_space<vmem>>) target_semaphore(%arg20 : memref<!tpu.dma_semaphore, #tpu.memory_space<semaphore_mem>>)
        %dma_start3A_1492 = arith.constant 1 : i32
        %dma_start3A_1493 = arith.constant 0 : i32
        %dma_start3A_1494 = arith.constant 0 : i32
        %dma_start3A_1495 = tpu.memref_slice %arg12[%dma_start3A_1492, %dma_start3A_1493, %dma_start3A_1494] : memref<3x8x512xf32, #tpu.memory_space<vmem>> -> memref<1x8x512xf32, #tpu.memory_space<vmem>>
        %dma_start3A_1496 = tpu.memref_squeeze %dma_start3A_1495 : memref<1x8x512xf32, #tpu.memory_space<vmem>> -> memref<8x512xf32, #tpu.memory_space<vmem>>
        %dma_start3A_1497 = arith.constant 0 : i32
        %dma_start3A_1498 = tpu.memref_slice %arg4[%add3A_1467, %dma_start3A_1497] : memref<6144x512xf32, #tpu.memory_space<hbm>> -> memref<8x512xf32, #tpu.memory_space<hbm>>
        %dma_start3A_1499 = arith.constant 0 : i32
        %dma_start3A_1500 = arith.constant 0 : i32
        %dma_start3A_1501 = tpu.memref_slice %arg12[%dma_start3A_1492, %dma_start3A_1499, %dma_start3A_1500] : memref<3x8x512xf32, #tpu.memory_space<vmem>> -> memref<1x8x512xf32, #tpu.memory_space<vmem>>
        %dma_start3A_1502 = tpu.memref_squeeze %dma_start3A_1501 : memref<1x8x512xf32, #tpu.memory_space<vmem>> -> memref<8x512xf32, #tpu.memory_space<vmem>>
        %dma_start3A_1503 = arith.constant 0 : i32
        %dma_start3A_1504 = tpu.memref_slice %arg4[%add3A_1467, %dma_start3A_1503] : memref<6144x512xf32, #tpu.memory_space<hbm>> -> memref<8x512xf32, #tpu.memory_space<hbm>>
        tpu.enqueue_dma source(%dma_start3A_1504 : memref<8x512xf32, #tpu.memory_space<hbm>>) target(%dma_start3A_1502 : memref<8x512xf32, #tpu.memory_space<vmem>>) target_semaphore(%arg20 : memref<!tpu.dma_semaphore, #tpu.memory_space<semaphore_mem>>)
        %dma_start3A_1505 = arith.constant 2 : i32
        %dma_start3A_1506 = arith.constant 0 : i32
        %dma_start3A_1507 = arith.constant 0 : i32
        %dma_start3A_1508 = tpu.memref_slice %arg12[%dma_start3A_1505, %dma_start3A_1506, %dma_start3A_1507] : memref<3x8x512xf32, #tpu.memory_space<vmem>> -> memref<1x8x512xf32, #tpu.memory_space<vmem>>
        %dma_start3A_1509 = tpu.memref_squeeze %dma_start3A_1508 : memref<1x8x512xf32, #tpu.memory_space<vmem>> -> memref<8x512xf32, #tpu.memory_space<vmem>>
        %dma_start3A_1510 = arith.constant 0 : i32
        %dma_start3A_1511 = tpu.memref_slice %arg4[%add3A_1474, %dma_start3A_1510] : memref<6144x512xf32, #tpu.memory_space<hbm>> -> memref<8x512xf32, #tpu.memory_space<hbm>>
        %dma_start3A_1512 = arith.constant 0 : i32
        %dma_start3A_1513 = arith.constant 0 : i32
        %dma_start3A_1514 = tpu.memref_slice %arg12[%dma_start3A_1505, %dma_start3A_1512, %dma_start3A_1513] : memref<3x8x512xf32, #tpu.memory_space<vmem>> -> memref<1x8x512xf32, #tpu.memory_space<vmem>>
        %dma_start3A_1515 = tpu.memref_squeeze %dma_start3A_1514 : memref<1x8x512xf32, #tpu.memory_space<vmem>> -> memref<8x512xf32, #tpu.memory_space<vmem>>
        %dma_start3A_1516 = arith.constant 0 : i32
        %dma_start3A_1517 = tpu.memref_slice %arg4[%add3A_1474, %dma_start3A_1516] : memref<6144x512xf32, #tpu.memory_space<hbm>> -> memref<8x512xf32, #tpu.memory_space<hbm>>
        tpu.enqueue_dma source(%dma_start3A_1517 : memref<8x512xf32, #tpu.memory_space<hbm>>) target(%dma_start3A_1515 : memref<8x512xf32, #tpu.memory_space<vmem>>) target_semaphore(%arg20 : memref<!tpu.dma_semaphore, #tpu.memory_space<semaphore_mem>>)
      } else {
      }
      %jit3A_849 = arith.constant 2 : i32
      %div3A_850 = arith.divsi %add3A_172, %jit3A_849 : i32
      %sign3A_851 = arith.constant 0 : i32
      %sign3A_852 = arith.cmpi sgt, %add3A_172, %sign3A_851 : i32
      %sign3A_853 = arith.extui %sign3A_852 : i1 to i32
      %sign3A_854 = arith.constant 0 : i32
      %sign3A_855 = arith.cmpi slt, %add3A_172, %sign3A_854 : i32
      %sign3A_856 = arith.extui %sign3A_855 : i1 to i32
      %sign3A_857 = arith.subi %sign3A_853, %sign3A_856 : i32
      %sign3A_858 = arith.constant 0 : i32
      %sign3A_859 = arith.cmpi sgt, %jit3A_849, %sign3A_858 : i32
      %sign3A_860 = arith.extui %sign3A_859 : i1 to i32
      %sign3A_861 = arith.constant 0 : i32
      %sign3A_862 = arith.cmpi slt, %jit3A_849, %sign3A_861 : i32
      %sign3A_863 = arith.extui %sign3A_862 : i1 to i32
      %sign3A_864 = arith.subi %sign3A_860, %sign3A_863 : i32
      %ne3A_865 = arith.cmpi ne, %sign3A_857, %sign3A_864 : i32
      %rem3A_866 = arith.remsi %add3A_172, %jit3A_849 : i32
      %ne3A_867 = arith.constant 0 : i32
      %ne3A_868 = arith.cmpi ne, %rem3A_866, %ne3A_867 : i32
      %and3A_869 = arith.andi %ne3A_865, %ne3A_868 : i1
      %sub3A_870 = arith.constant 1 : i32
      %sub3A_871 = arith.subi %div3A_850, %sub3A_870 : i32
      %select_n3A_872 = arith.select %and3A_869, %sub3A_871, %div3A_850 : i32
      %mul3A_873 = arith.constant 16 : i32
      %mul3A_874 = arith.muli %add3A, %mul3A_873 : i32
      %jit3A_875 = arith.constant 2 : i32
      %eq3A_876 = arith.constant 0 : i32
      %eq3A_877 = arith.cmpi eq, %jit3A_875, %eq3A_876 : i32
      %jit3A_878 = arith.constant 1 : i32
      %select_n3A_879 = arith.select %eq3A_877, %jit3A_878, %jit3A_875 : i32
      %rem3A_880 = arith.remsi %add3A_172, %select_n3A_879 : i32
      %ne3A_881 = arith.constant 0 : i32
      %ne3A_882 = arith.cmpi ne, %rem3A_880, %ne3A_881 : i32
      %lt3A_883 = arith.constant 0 : i32
      %lt3A_884 = arith.cmpi slt, %rem3A_880, %lt3A_883 : i32
      %lt3A_885 = arith.constant 0 : i32
      %lt3A_886 = arith.cmpi slt, %select_n3A_879, %lt3A_885 : i32
      %ne3A_887 = arith.xori %lt3A_884, %lt3A_886 : i1
      %and3A_888 = arith.andi %ne3A_887, %ne3A_882 : i1
      %add3A_889 = arith.addi %rem3A_880, %select_n3A_879 : i32
      %select_n3A_890 = arith.select %and3A_888, %add3A_889, %rem3A_880 : i32
      %mul3A_891 = arith.constant 8 : i32
      %mul3A_892 = arith.muli %select_n3A_890, %mul3A_891 : i32
      %add3A_893 = arith.addi %mul3A_874, %mul3A_892 : i32
      %mul3A_894 = arith.constant 512 : i32
      %mul3A_895 = arith.muli %select_n3A_872, %mul3A_894 : i32
      %add3A_896 = arith.addi %mul3A_895, %add3A_893 : i32
      %mul3A_897 = arith.constant 3 : i32
      %mul3A_898 = arith.muli %select_n3A_872, %mul3A_897 : i32
      %add3A_899 = arith.constant 0 : i32
      %add3A_900 = arith.addi %mul3A_898, %add3A_899 : i32
      %mul3A_901 = arith.constant 512 : i32
      %mul3A_902 = arith.muli %add3A_900, %mul3A_901 : i32
      %add3A_903 = arith.addi %mul3A_902, %add3A_893 : i32
      %mul3A_904 = arith.constant 3 : i32
      %mul3A_905 = arith.muli %select_n3A_872, %mul3A_904 : i32
      %add3A_906 = arith.constant 1 : i32
      %add3A_907 = arith.addi %mul3A_905, %add3A_906 : i32
      %mul3A_908 = arith.constant 512 : i32
      %mul3A_909 = arith.muli %add3A_907, %mul3A_908 : i32
      %add3A_910 = arith.addi %mul3A_909, %add3A_893 : i32
      %mul3A_911 = arith.constant 3 : i32
      %mul3A_912 = arith.muli %select_n3A_872, %mul3A_911 : i32
      %add3A_913 = arith.constant 2 : i32
      %add3A_914 = arith.addi %mul3A_912, %add3A_913 : i32
      %mul3A_915 = arith.constant 512 : i32
      %mul3A_916 = arith.muli %add3A_914, %mul3A_915 : i32
      %add3A_917 = arith.addi %mul3A_916, %add3A_893 : i32
      %dma_wait3A_918 = arith.constant 0 : i32
      %dma_wait3A_919 = tpu.memref_slice %arg3[%add3A_896, %dma_wait3A_918] : memref<2048x512xf32, #tpu.memory_space<hbm>> -> memref<8x512xf32, #tpu.memory_space<hbm>>
      %dma_wait3A_920 = arith.constant 0 : i32
      %dma_wait3A_921 = tpu.memref_slice %arg3[%add3A_896, %dma_wait3A_920] : memref<2048x512xf32, #tpu.memory_space<hbm>> -> memref<8x512xf32, #tpu.memory_space<hbm>>
      tpu.wait_dma2 semaphore(%arg21 : memref<!tpu.dma_semaphore, #tpu.memory_space<semaphore_mem>>) src(%dma_wait3A_921 : memref<8x512xf32, #tpu.memory_space<hbm>>) dst(%arg13 : memref<8x512xf32, #tpu.memory_space<vmem>>)
      %dma_wait3A_922 = arith.constant 0 : i32
      %dma_wait3A_923 = arith.constant 0 : i32
      %dma_wait3A_924 = arith.constant 0 : i32
      %dma_wait3A_925 = tpu.memref_slice %arg14[%dma_wait3A_922, %dma_wait3A_923, %dma_wait3A_924] : memref<3x8x512xf32, #tpu.memory_space<vmem>> -> memref<1x8x512xf32, #tpu.memory_space<vmem>>
      %dma_wait3A_926 = tpu.memref_squeeze %dma_wait3A_925 : memref<1x8x512xf32, #tpu.memory_space<vmem>> -> memref<8x512xf32, #tpu.memory_space<vmem>>
      %dma_wait3A_927 = arith.constant 0 : i32
      %dma_wait3A_928 = tpu.memref_slice %arg4[%add3A_903, %dma_wait3A_927] : memref<6144x512xf32, #tpu.memory_space<hbm>> -> memref<8x512xf32, #tpu.memory_space<hbm>>
      %dma_wait3A_929 = arith.constant 0 : i32
      %dma_wait3A_930 = arith.constant 0 : i32
      %dma_wait3A_931 = tpu.memref_slice %arg14[%dma_wait3A_922, %dma_wait3A_929, %dma_wait3A_930] : memref<3x8x512xf32, #tpu.memory_space<vmem>> -> memref<1x8x512xf32, #tpu.memory_space<vmem>>
      %dma_wait3A_932 = tpu.memref_squeeze %dma_wait3A_931 : memref<1x8x512xf32, #tpu.memory_space<vmem>> -> memref<8x512xf32, #tpu.memory_space<vmem>>
      %dma_wait3A_933 = arith.constant 0 : i32
      %dma_wait3A_934 = tpu.memref_slice %arg4[%add3A_903, %dma_wait3A_933] : memref<6144x512xf32, #tpu.memory_space<hbm>> -> memref<8x512xf32, #tpu.memory_space<hbm>>
      tpu.wait_dma2 semaphore(%arg21 : memref<!tpu.dma_semaphore, #tpu.memory_space<semaphore_mem>>) src(%dma_wait3A_934 : memref<8x512xf32, #tpu.memory_space<hbm>>) dst(%dma_wait3A_932 : memref<8x512xf32, #tpu.memory_space<vmem>>)
      %dma_wait3A_935 = arith.constant 1 : i32
      %dma_wait3A_936 = arith.constant 0 : i32
      %dma_wait3A_937 = arith.constant 0 : i32
      %dma_wait3A_938 = tpu.memref_slice %arg14[%dma_wait3A_935, %dma_wait3A_936, %dma_wait3A_937] : memref<3x8x512xf32, #tpu.memory_space<vmem>> -> memref<1x8x512xf32, #tpu.memory_space<vmem>>
      %dma_wait3A_939 = tpu.memref_squeeze %dma_wait3A_938 : memref<1x8x512xf32, #tpu.memory_space<vmem>> -> memref<8x512xf32, #tpu.memory_space<vmem>>
      %dma_wait3A_940 = arith.constant 0 : i32
      %dma_wait3A_941 = tpu.memref_slice %arg4[%add3A_910, %dma_wait3A_940] : memref<6144x512xf32, #tpu.memory_space<hbm>> -> memref<8x512xf32, #tpu.memory_space<hbm>>
      %dma_wait3A_942 = arith.constant 0 : i32
      %dma_wait3A_943 = arith.constant 0 : i32
      %dma_wait3A_944 = tpu.memref_slice %arg14[%dma_wait3A_935, %dma_wait3A_942, %dma_wait3A_943] : memref<3x8x512xf32, #tpu.memory_space<vmem>> -> memref<1x8x512xf32, #tpu.memory_space<vmem>>
      %dma_wait3A_945 = tpu.memref_squeeze %dma_wait3A_944 : memref<1x8x512xf32, #tpu.memory_space<vmem>> -> memref<8x512xf32, #tpu.memory_space<vmem>>
      %dma_wait3A_946 = arith.constant 0 : i32
      %dma_wait3A_947 = tpu.memref_slice %arg4[%add3A_910, %dma_wait3A_946] : memref<6144x512xf32, #tpu.memory_space<hbm>> -> memref<8x512xf32, #tpu.memory_space<hbm>>
      tpu.wait_dma2 semaphore(%arg21 : memref<!tpu.dma_semaphore, #tpu.memory_space<semaphore_mem>>) src(%dma_wait3A_947 : memref<8x512xf32, #tpu.memory_space<hbm>>) dst(%dma_wait3A_945 : memref<8x512xf32, #tpu.memory_space<vmem>>)
      %dma_wait3A_948 = arith.constant 2 : i32
      %dma_wait3A_949 = arith.constant 0 : i32
      %dma_wait3A_950 = arith.constant 0 : i32
      %dma_wait3A_951 = tpu.memref_slice %arg14[%dma_wait3A_948, %dma_wait3A_949, %dma_wait3A_950] : memref<3x8x512xf32, #tpu.memory_space<vmem>> -> memref<1x8x512xf32, #tpu.memory_space<vmem>>
      %dma_wait3A_952 = tpu.memref_squeeze %dma_wait3A_951 : memref<1x8x512xf32, #tpu.memory_space<vmem>> -> memref<8x512xf32, #tpu.memory_space<vmem>>
      %dma_wait3A_953 = arith.constant 0 : i32
      %dma_wait3A_954 = tpu.memref_slice %arg4[%add3A_917, %dma_wait3A_953] : memref<6144x512xf32, #tpu.memory_space<hbm>> -> memref<8x512xf32, #tpu.memory_space<hbm>>
      %dma_wait3A_955 = arith.constant 0 : i32
      %dma_wait3A_956 = arith.constant 0 : i32
      %dma_wait3A_957 = tpu.memref_slice %arg14[%dma_wait3A_948, %dma_wait3A_955, %dma_wait3A_956] : memref<3x8x512xf32, #tpu.memory_space<vmem>> -> memref<1x8x512xf32, #tpu.memory_space<vmem>>
      %dma_wait3A_958 = tpu.memref_squeeze %dma_wait3A_957 : memref<1x8x512xf32, #tpu.memory_space<vmem>> -> memref<8x512xf32, #tpu.memory_space<vmem>>
      %dma_wait3A_959 = arith.constant 0 : i32
      %dma_wait3A_960 = tpu.memref_slice %arg4[%add3A_917, %dma_wait3A_959] : memref<6144x512xf32, #tpu.memory_space<hbm>> -> memref<8x512xf32, #tpu.memory_space<hbm>>
      tpu.wait_dma2 semaphore(%arg21 : memref<!tpu.dma_semaphore, #tpu.memory_space<semaphore_mem>>) src(%dma_wait3A_960 : memref<8x512xf32, #tpu.memory_space<hbm>>) dst(%dma_wait3A_958 : memref<8x512xf32, #tpu.memory_space<vmem>>)
      %jit3A_961 = arith.constant 2 : i32
      %div3A_962 = arith.divsi %add3A_172, %jit3A_961 : i32
      %sign3A_963 = arith.constant 0 : i32
      %sign3A_964 = arith.cmpi sgt, %add3A_172, %sign3A_963 : i32
      %sign3A_965 = arith.extui %sign3A_964 : i1 to i32
      %sign3A_966 = arith.constant 0 : i32
      %sign3A_967 = arith.cmpi slt, %add3A_172, %sign3A_966 : i32
      %sign3A_968 = arith.extui %sign3A_967 : i1 to i32
      %sign3A_969 = arith.subi %sign3A_965, %sign3A_968 : i32
      %sign3A_970 = arith.constant 0 : i32
      %sign3A_971 = arith.cmpi sgt, %jit3A_961, %sign3A_970 : i32
      %sign3A_972 = arith.extui %sign3A_971 : i1 to i32
      %sign3A_973 = arith.constant 0 : i32
      %sign3A_974 = arith.cmpi slt, %jit3A_961, %sign3A_973 : i32
      %sign3A_975 = arith.extui %sign3A_974 : i1 to i32
      %sign3A_976 = arith.subi %sign3A_972, %sign3A_975 : i32
      %ne3A_977 = arith.cmpi ne, %sign3A_969, %sign3A_976 : i32
      %rem3A_978 = arith.remsi %add3A_172, %jit3A_961 : i32
      %ne3A_979 = arith.constant 0 : i32
      %ne3A_980 = arith.cmpi ne, %rem3A_978, %ne3A_979 : i32
      %and3A_981 = arith.andi %ne3A_977, %ne3A_980 : i1
      %sub3A_982 = arith.constant 1 : i32
      %sub3A_983 = arith.subi %div3A_962, %sub3A_982 : i32
      %select_n3A_984 = arith.select %and3A_981, %sub3A_983, %div3A_962 : i32
      %mul3A_985 = arith.constant 16 : i32
      %mul3A_986 = arith.muli %add3A, %mul3A_985 : i32
      %jit3A_987 = arith.constant 2 : i32
      %eq3A_988 = arith.constant 0 : i32
      %eq3A_989 = arith.cmpi eq, %jit3A_987, %eq3A_988 : i32
      %jit3A_990 = arith.constant 1 : i32
      %select_n3A_991 = arith.select %eq3A_989, %jit3A_990, %jit3A_987 : i32
      %rem3A_992 = arith.remsi %add3A_172, %select_n3A_991 : i32
      %ne3A_993 = arith.constant 0 : i32
      %ne3A_994 = arith.cmpi ne, %rem3A_992, %ne3A_993 : i32
      %lt3A_995 = arith.constant 0 : i32
      %lt3A_996 = arith.cmpi slt, %rem3A_992, %lt3A_995 : i32
      %lt3A_997 = arith.constant 0 : i32
      %lt3A_998 = arith.cmpi slt, %select_n3A_991, %lt3A_997 : i32
      %ne3A_999 = arith.xori %lt3A_996, %lt3A_998 : i1
      %and3A_1000 = arith.andi %ne3A_999, %ne3A_994 : i1
      %add3A_1001 = arith.addi %rem3A_992, %select_n3A_991 : i32
      %select_n3A_1002 = arith.select %and3A_1000, %add3A_1001, %rem3A_992 : i32
      %mul3A_1003 = arith.constant 8 : i32
      %mul3A_1004 = arith.muli %select_n3A_1002, %mul3A_1003 : i32
      %add3A_1005 = arith.addi %mul3A_986, %mul3A_1004 : i32
      %ge3A_1006 = arith.constant 2 : i32
      %ge3A_1007 = arith.cmpi sge, %add3A_172, %ge3A_1006 : i32
      %convert_element_type3A_1008 = arith.extui %ge3A_1007 : i1 to i32
      %cond3A_1009 = arith.constant 0 : i32
      %cond3A_1010 = arith.cmpi ne, %convert_element_type3A_1008, %cond3A_1009 : i32
      scf.if %cond3A_1010 {
        %sub3A_1404 = arith.constant 2 : i32
        %sub3A_1405 = arith.subi %add3A_172, %sub3A_1404 : i32
        %jit3A_1406 = arith.constant 2 : i32
        %div3A_1407 = arith.divsi %sub3A_1405, %jit3A_1406 : i32
        %sign3A_1408 = arith.constant 0 : i32
        %sign3A_1409 = arith.cmpi sgt, %sub3A_1405, %sign3A_1408 : i32
        %sign3A_1410 = arith.extui %sign3A_1409 : i1 to i32
        %sign3A_1411 = arith.constant 0 : i32
        %sign3A_1412 = arith.cmpi slt, %sub3A_1405, %sign3A_1411 : i32
        %sign3A_1413 = arith.extui %sign3A_1412 : i1 to i32
        %sign3A_1414 = arith.subi %sign3A_1410, %sign3A_1413 : i32
        %sign3A_1415 = arith.constant 0 : i32
        %sign3A_1416 = arith.cmpi sgt, %jit3A_1406, %sign3A_1415 : i32
        %sign3A_1417 = arith.extui %sign3A_1416 : i1 to i32
        %sign3A_1418 = arith.constant 0 : i32
        %sign3A_1419 = arith.cmpi slt, %jit3A_1406, %sign3A_1418 : i32
        %sign3A_1420 = arith.extui %sign3A_1419 : i1 to i32
        %sign3A_1421 = arith.subi %sign3A_1417, %sign3A_1420 : i32
        %ne3A_1422 = arith.cmpi ne, %sign3A_1414, %sign3A_1421 : i32
        %rem3A_1423 = arith.remsi %sub3A_1405, %jit3A_1406 : i32
        %ne3A_1424 = arith.constant 0 : i32
        %ne3A_1425 = arith.cmpi ne, %rem3A_1423, %ne3A_1424 : i32
        %and3A_1426 = arith.andi %ne3A_1422, %ne3A_1425 : i1
        %sub3A_1427 = arith.constant 1 : i32
        %sub3A_1428 = arith.subi %div3A_1407, %sub3A_1427 : i32
        %select_n3A_1429 = arith.select %and3A_1426, %sub3A_1428, %div3A_1407 : i32
        %mul3A_1430 = arith.constant 16 : i32
        %mul3A_1431 = arith.muli %add3A, %mul3A_1430 : i32
        %jit3A_1432 = arith.constant 2 : i32
        %eq3A_1433 = arith.constant 0 : i32
        %eq3A_1434 = arith.cmpi eq, %jit3A_1432, %eq3A_1433 : i32
        %jit3A_1435 = arith.constant 1 : i32
        %select_n3A_1436 = arith.select %eq3A_1434, %jit3A_1435, %jit3A_1432 : i32
        %rem3A_1437 = arith.remsi %sub3A_1405, %select_n3A_1436 : i32
        %ne3A_1438 = arith.constant 0 : i32
        %ne3A_1439 = arith.cmpi ne, %rem3A_1437, %ne3A_1438 : i32
        %lt3A_1440 = arith.constant 0 : i32
        %lt3A_1441 = arith.cmpi slt, %rem3A_1437, %lt3A_1440 : i32
        %lt3A_1442 = arith.constant 0 : i32
        %lt3A_1443 = arith.cmpi slt, %select_n3A_1436, %lt3A_1442 : i32
        %ne3A_1444 = arith.xori %lt3A_1441, %lt3A_1443 : i1
        %and3A_1445 = arith.andi %ne3A_1444, %ne3A_1439 : i1
        %add3A_1446 = arith.addi %rem3A_1437, %select_n3A_1436 : i32
        %select_n3A_1447 = arith.select %and3A_1445, %add3A_1446, %rem3A_1437 : i32
        %mul3A_1448 = arith.constant 8 : i32
        %mul3A_1449 = arith.muli %select_n3A_1447, %mul3A_1448 : i32
        %add3A_1450 = arith.addi %mul3A_1431, %mul3A_1449 : i32
        %mul3A_1451 = arith.constant 3 : i32
        %mul3A_1452 = arith.muli %select_n3A_1429, %mul3A_1451 : i32
        %add3A_1453 = arith.constant 0 : i32
        %add3A_1454 = arith.addi %mul3A_1452, %add3A_1453 : i32
        %mul3A_1455 = arith.constant 512 : i32
        %mul3A_1456 = arith.muli %add3A_1454, %mul3A_1455 : i32
        %add3A_1457 = arith.addi %mul3A_1456, %add3A_1450 : i32
        %mul3A_1458 = arith.constant 3 : i32
        %mul3A_1459 = arith.muli %select_n3A_1429, %mul3A_1458 : i32
        %add3A_1460 = arith.constant 1 : i32
        %add3A_1461 = arith.addi %mul3A_1459, %add3A_1460 : i32
        %mul3A_1462 = arith.constant 512 : i32
        %mul3A_1463 = arith.muli %add3A_1461, %mul3A_1462 : i32
        %add3A_1464 = arith.addi %mul3A_1463, %add3A_1450 : i32
        %mul3A_1465 = arith.constant 3 : i32
        %mul3A_1466 = arith.muli %select_n3A_1429, %mul3A_1465 : i32
        %add3A_1467 = arith.constant 2 : i32
        %add3A_1468 = arith.addi %mul3A_1466, %add3A_1467 : i32
        %mul3A_1469 = arith.constant 512 : i32
        %mul3A_1470 = arith.muli %add3A_1468, %mul3A_1469 : i32
        %add3A_1471 = arith.addi %mul3A_1470, %add3A_1450 : i32
        %dma_wait3A_1472 = arith.constant 0 : i32
        %dma_wait3A_1473 = arith.constant 0 : i32
        %dma_wait3A_1474 = arith.constant 0 : i32
        %dma_wait3A_1475 = tpu.memref_slice %arg16[%dma_wait3A_1472, %dma_wait3A_1473, %dma_wait3A_1474] : memref<3x8x512xf32, #tpu.memory_space<vmem>> -> memref<1x8x512xf32, #tpu.memory_space<vmem>>
        %dma_wait3A_1476 = tpu.memref_squeeze %dma_wait3A_1475 : memref<1x8x512xf32, #tpu.memory_space<vmem>> -> memref<8x512xf32, #tpu.memory_space<vmem>>
        %dma_wait3A_1477 = arith.constant 0 : i32
        %dma_wait3A_1478 = tpu.memref_slice %arg8[%add3A_1457, %dma_wait3A_1477] : memref<6144x512xf32, #tpu.memory_space<hbm>> -> memref<8x512xf32, #tpu.memory_space<hbm>>
        %dma_wait3A_1479 = arith.constant 0 : i32
        %dma_wait3A_1480 = tpu.memref_slice %arg8[%add3A_1457, %dma_wait3A_1479] : memref<6144x512xf32, #tpu.memory_space<hbm>> -> memref<8x512xf32, #tpu.memory_space<hbm>>
        %dma_wait3A_1481 = arith.constant 0 : i32
        %dma_wait3A_1482 = arith.constant 0 : i32
        %dma_wait3A_1483 = tpu.memref_slice %arg16[%dma_wait3A_1472, %dma_wait3A_1481, %dma_wait3A_1482] : memref<3x8x512xf32, #tpu.memory_space<vmem>> -> memref<1x8x512xf32, #tpu.memory_space<vmem>>
        %dma_wait3A_1484 = tpu.memref_squeeze %dma_wait3A_1483 : memref<1x8x512xf32, #tpu.memory_space<vmem>> -> memref<8x512xf32, #tpu.memory_space<vmem>>
        tpu.wait_dma2 semaphore(%arg24 : memref<!tpu.dma_semaphore, #tpu.memory_space<semaphore_mem>>) src(%dma_wait3A_1484 : memref<8x512xf32, #tpu.memory_space<vmem>>) dst(%dma_wait3A_1480 : memref<8x512xf32, #tpu.memory_space<hbm>>)
        %dma_wait3A_1485 = arith.constant 1 : i32
        %dma_wait3A_1486 = arith.constant 0 : i32
        %dma_wait3A_1487 = arith.constant 0 : i32
        %dma_wait3A_1488 = tpu.memref_slice %arg16[%dma_wait3A_1485, %dma_wait3A_1486, %dma_wait3A_1487] : memref<3x8x512xf32, #tpu.memory_space<vmem>> -> memref<1x8x512xf32, #tpu.memory_space<vmem>>
        %dma_wait3A_1489 = tpu.memref_squeeze %dma_wait3A_1488 : memref<1x8x512xf32, #tpu.memory_space<vmem>> -> memref<8x512xf32, #tpu.memory_space<vmem>>
        %dma_wait3A_1490 = arith.constant 0 : i32
        %dma_wait3A_1491 = tpu.memref_slice %arg8[%add3A_1464, %dma_wait3A_1490] : memref<6144x512xf32, #tpu.memory_space<hbm>> -> memref<8x512xf32, #tpu.memory_space<hbm>>
        %dma_wait3A_1492 = arith.constant 0 : i32
        %dma_wait3A_1493 = tpu.memref_slice %arg8[%add3A_1464, %dma_wait3A_1492] : memref<6144x512xf32, #tpu.memory_space<hbm>> -> memref<8x512xf32, #tpu.memory_space<hbm>>
        %dma_wait3A_1494 = arith.constant 0 : i32
        %dma_wait3A_1495 = arith.constant 0 : i32
        %dma_wait3A_1496 = tpu.memref_slice %arg16[%dma_wait3A_1485, %dma_wait3A_1494, %dma_wait3A_1495] : memref<3x8x512xf32, #tpu.memory_space<vmem>> -> memref<1x8x512xf32, #tpu.memory_space<vmem>>
        %dma_wait3A_1497 = tpu.memref_squeeze %dma_wait3A_1496 : memref<1x8x512xf32, #tpu.memory_space<vmem>> -> memref<8x512xf32, #tpu.memory_space<vmem>>
        tpu.wait_dma2 semaphore(%arg24 : memref<!tpu.dma_semaphore, #tpu.memory_space<semaphore_mem>>) src(%dma_wait3A_1497 : memref<8x512xf32, #tpu.memory_space<vmem>>) dst(%dma_wait3A_1493 : memref<8x512xf32, #tpu.memory_space<hbm>>)
        %dma_wait3A_1498 = arith.constant 2 : i32
        %dma_wait3A_1499 = arith.constant 0 : i32
        %dma_wait3A_1500 = arith.constant 0 : i32
        %dma_wait3A_1501 = tpu.memref_slice %arg16[%dma_wait3A_1498, %dma_wait3A_1499, %dma_wait3A_1500] : memref<3x8x512xf32, #tpu.memory_space<vmem>> -> memref<1x8x512xf32, #tpu.memory_space<vmem>>
        %dma_wait3A_1502 = tpu.memref_squeeze %dma_wait3A_1501 : memref<1x8x512xf32, #tpu.memory_space<vmem>> -> memref<8x512xf32, #tpu.memory_space<vmem>>
        %dma_wait3A_1503 = arith.constant 0 : i32
        %dma_wait3A_1504 = tpu.memref_slice %arg8[%add3A_1471, %dma_wait3A_1503] : memref<6144x512xf32, #tpu.memory_space<hbm>> -> memref<8x512xf32, #tpu.memory_space<hbm>>
        %dma_wait3A_1505 = arith.constant 0 : i32
        %dma_wait3A_1506 = tpu.memref_slice %arg8[%add3A_1471, %dma_wait3A_1505] : memref<6144x512xf32, #tpu.memory_space<hbm>> -> memref<8x512xf32, #tpu.memory_space<hbm>>
        %dma_wait3A_1507 = arith.constant 0 : i32
        %dma_wait3A_1508 = arith.constant 0 : i32
        %dma_wait3A_1509 = tpu.memref_slice %arg16[%dma_wait3A_1498, %dma_wait3A_1507, %dma_wait3A_1508] : memref<3x8x512xf32, #tpu.memory_space<vmem>> -> memref<1x8x512xf32, #tpu.memory_space<vmem>>
        %dma_wait3A_1510 = tpu.memref_squeeze %dma_wait3A_1509 : memref<1x8x512xf32, #tpu.memory_space<vmem>> -> memref<8x512xf32, #tpu.memory_space<vmem>>
        tpu.wait_dma2 semaphore(%arg24 : memref<!tpu.dma_semaphore, #tpu.memory_space<semaphore_mem>>) src(%dma_wait3A_1510 : memref<8x512xf32, #tpu.memory_space<vmem>>) dst(%dma_wait3A_1506 : memref<8x512xf32, #tpu.memory_space<hbm>>)
      } else {
      }
      %add3A_1011 = arith.constant 0 : i32
      %add3A_1012 = arith.addi %add3A_1005, %add3A_1011 : i32
      %sub3A_1013 = arith.constant 16 : i32
      %sub3A_1014 = arith.subi %add3A_1012, %sub3A_1013 : i32
      %shift_right_arithmetic3A_1015 = arith.constant 5 : i32
      %shift_right_arithmetic3A_1016 = arith.shrsi %sub3A_1014, %shift_right_arithmetic3A_1015 : i32
      %jit3A_1017 = arith.constant 0 : i32
      %jit3A_1018 = arith.constant 15 : i32
      %max3A_1019 = arith.maxsi %jit3A_1017, %shift_right_arithmetic3A_1016 : i32
      %min3A_1020 = arith.minsi %jit3A_1018, %max3A_1019 : i32
      %add3A_1021 = arith.constant 1 : i32
      %add3A_1022 = arith.addi %shift_right_arithmetic3A_1016, %add3A_1021 : i32
      %jit3A_1023 = arith.constant 0 : i32
      %jit3A_1024 = arith.constant 15 : i32
      %max3A_1025 = arith.maxsi %jit3A_1023, %add3A_1022 : i32
      %min3A_1026 = arith.minsi %jit3A_1024, %max3A_1025 : i32
      %broadcast_in_dim3A_1027 = vector.broadcast %add3A_1012 : i32 to vector<16xi32>
      %convert_element_type3A_1028 = arith.sitofp %broadcast_in_dim3A_1027 : vector<16xi32> to vector<16xf32>
      %broadcast_in_dim3A_1029 = vector.broadcast %shift_right_arithmetic3A_1016 : i32 to vector<16xi32>
      %convert_element_type3A_1030 = arith.sitofp %broadcast_in_dim3A_1029 : vector<16xi32> to vector<16xf32>
      %add3A_1031 = arith.constant 5.000000e-01 : f32
      %add3A_1032 = vector.broadcast %add3A_1031 : f32 to vector<16xf32>
      %add3A_1033 = arith.addf %convert_element_type3A_1028, %add3A_1032 : vector<16xf32>
      %mul3A_1034 = arith.constant 3.125000e-02 : f32
      %mul3A_1035 = vector.broadcast %mul3A_1034 : f32 to vector<16xf32>
      %mul3A_1036 = arith.mulf %add3A_1033, %mul3A_1035 : vector<16xf32>
      %sub3A_1037 = arith.constant 5.000000e-01 : f32
      %sub3A_1038 = vector.broadcast %sub3A_1037 : f32 to vector<16xf32>
      %sub3A_1039 = arith.subf %mul3A_1036, %sub3A_1038 : vector<16xf32>
      %sub3A_1040 = arith.subf %sub3A_1039, %convert_element_type3A_1030 : vector<16xf32>
      %scan3A_1041 = arith.constant 0 : i32
      %scan3A_1042 = arith.constant 0 : i32
      %scan3A_1043 = arith.constant 12 : i32
      %scan3A_1044 = arith.addi %scan3A_1042, %scan3A_1043 : i32
      %scan3A_1045 = arith.constant 1 : i32
      scf.for %scan3A_1404 = %scan3A_1042 to %scan3A_1044 step %scan3A_1045  : i32 {
        %mul3A_1405 = arith.constant 144 : i32
        %mul3A_1406 = arith.muli %scan3A_1404, %mul3A_1405 : i32
        %mul3A_1407 = arith.constant 24576 : i32
        %mul3A_1408 = arith.muli %rem3A_173, %mul3A_1407 : i32
        %mul3A_1409 = arith.constant 2048 : i32
        %mul3A_1410 = arith.muli %scan3A_1404, %mul3A_1409 : i32
        %add3A_1411 = arith.addi %mul3A_1408, %mul3A_1410 : i32
        %mul3A_1412 = arith.constant 16 : i32
        %mul3A_1413 = arith.muli %min3A_1020, %mul3A_1412 : i32
        %add3A_1414 = arith.addi %add3A_1411, %mul3A_1413 : i32
        %mul3A_1415 = arith.constant 24576 : i32
        %mul3A_1416 = arith.muli %rem3A_173, %mul3A_1415 : i32
        %mul3A_1417 = arith.constant 2048 : i32
        %mul3A_1418 = arith.muli %scan3A_1404, %mul3A_1417 : i32
        %add3A_1419 = arith.addi %mul3A_1416, %mul3A_1418 : i32
        %mul3A_1420 = arith.constant 16 : i32
        %mul3A_1421 = arith.muli %min3A_1026, %mul3A_1420 : i32
        %add3A_1422 = arith.addi %add3A_1419, %mul3A_1421 : i32
        %add3A_1423 = arith.constant 0 : i32
        %add3A_1424 = arith.addi %add3A_1414, %add3A_1423 : i32
        %get3A = arith.index_cast %add3A_1424 : i32 to index
        %get3A_1425 = tpu.vector_load %arg9[%get3A] {strides = array<i32>} : memref<49152xf32, #tpu.memory_space<vmem>>, vector<16xf32>,
        %add3A_1426 = arith.constant 256 : i32
        %add3A_1427 = arith.addi %add3A_1414, %add3A_1426 : i32
        %get3A_1428 = arith.index_cast %add3A_1427 : i32 to index
        %get3A_1429 = tpu.vector_load %arg9[%get3A_1428] {strides = array<i32>} : memref<49152xf32, #tpu.memory_space<vmem>>, vector<16xf32>,
        %add3A_1430 = arith.constant 512 : i32
        %add3A_1431 = arith.addi %add3A_1414, %add3A_1430 : i32
        %get3A_1432 = arith.index_cast %add3A_1431 : i32 to index
        %get3A_1433 = tpu.vector_load %arg9[%get3A_1432] {strides = array<i32>} : memref<49152xf32, #tpu.memory_space<vmem>>, vector<16xf32>,
        %add3A_1434 = arith.constant 768 : i32
        %add3A_1435 = arith.addi %add3A_1414, %add3A_1434 : i32
        %get3A_1436 = arith.index_cast %add3A_1435 : i32 to index
        %get3A_1437 = tpu.vector_load %arg9[%get3A_1436] {strides = array<i32>} : memref<49152xf32, #tpu.memory_space<vmem>>, vector<16xf32>,
        %add3A_1438 = arith.constant 1024 : i32
        %add3A_1439 = arith.addi %add3A_1414, %add3A_1438 : i32
        %get3A_1440 = arith.index_cast %add3A_1439 : i32 to index
        %get3A_1441 = tpu.vector_load %arg9[%get3A_1440] {strides = array<i32>} : memref<49152xf32, #tpu.memory_space<vmem>>, vector<16xf32>,
        %add3A_1442 = arith.constant 1280 : i32
        %add3A_1443 = arith.addi %add3A_1414, %add3A_1442 : i32
        %get3A_1444 = arith.index_cast %add3A_1443 : i32 to index
        %get3A_1445 = tpu.vector_load %arg9[%get3A_1444] {strides = array<i32>} : memref<49152xf32, #tpu.memory_space<vmem>>, vector<16xf32>,
        %add3A_1446 = arith.constant 1536 : i32
        %add3A_1447 = arith.addi %add3A_1414, %add3A_1446 : i32
        %get3A_1448 = arith.index_cast %add3A_1447 : i32 to index
        %get3A_1449 = tpu.vector_load %arg9[%get3A_1448] {strides = array<i32>} : memref<49152xf32, #tpu.memory_space<vmem>>, vector<16xf32>,
        %add3A_1450 = arith.constant 1792 : i32
        %add3A_1451 = arith.addi %add3A_1414, %add3A_1450 : i32
        %get3A_1452 = arith.index_cast %add3A_1451 : i32 to index
        %get3A_1453 = tpu.vector_load %arg9[%get3A_1452] {strides = array<i32>} : memref<49152xf32, #tpu.memory_space<vmem>>, vector<16xf32>,
        %add3A_1454 = arith.constant 0 : i32
        %add3A_1455 = arith.addi %add3A_1422, %add3A_1454 : i32
        %get3A_1456 = arith.index_cast %add3A_1455 : i32 to index
        %get3A_1457 = tpu.vector_load %arg9[%get3A_1456] {strides = array<i32>} : memref<49152xf32, #tpu.memory_space<vmem>>, vector<16xf32>,
        %add3A_1458 = arith.constant 256 : i32
        %add3A_1459 = arith.addi %add3A_1422, %add3A_1458 : i32
        %get3A_1460 = arith.index_cast %add3A_1459 : i32 to index
        %get3A_1461 = tpu.vector_load %arg9[%get3A_1460] {strides = array<i32>} : memref<49152xf32, #tpu.memory_space<vmem>>, vector<16xf32>,
        %add3A_1462 = arith.constant 512 : i32
        %add3A_1463 = arith.addi %add3A_1422, %add3A_1462 : i32
        %get3A_1464 = arith.index_cast %add3A_1463 : i32 to index
        %get3A_1465 = tpu.vector_load %arg9[%get3A_1464] {strides = array<i32>} : memref<49152xf32, #tpu.memory_space<vmem>>, vector<16xf32>,
        %add3A_1466 = arith.constant 768 : i32
        %add3A_1467 = arith.addi %add3A_1422, %add3A_1466 : i32
        %get3A_1468 = arith.index_cast %add3A_1467 : i32 to index
        %get3A_1469 = tpu.vector_load %arg9[%get3A_1468] {strides = array<i32>} : memref<49152xf32, #tpu.memory_space<vmem>>, vector<16xf32>,
        %add3A_1470 = arith.constant 1024 : i32
        %add3A_1471 = arith.addi %add3A_1422, %add3A_1470 : i32
        %get3A_1472 = arith.index_cast %add3A_1471 : i32 to index
        %get3A_1473 = tpu.vector_load %arg9[%get3A_1472] {strides = array<i32>} : memref<49152xf32, #tpu.memory_space<vmem>>, vector<16xf32>,
        %add3A_1474 = arith.constant 1280 : i32
        %add3A_1475 = arith.addi %add3A_1422, %add3A_1474 : i32
        %get3A_1476 = arith.index_cast %add3A_1475 : i32 to index
        %get3A_1477 = tpu.vector_load %arg9[%get3A_1476] {strides = array<i32>} : memref<49152xf32, #tpu.memory_space<vmem>>, vector<16xf32>,
        %add3A_1478 = arith.constant 1536 : i32
        %add3A_1479 = arith.addi %add3A_1422, %add3A_1478 : i32
        %get3A_1480 = arith.index_cast %add3A_1479 : i32 to index
        %get3A_1481 = tpu.vector_load %arg9[%get3A_1480] {strides = array<i32>} : memref<49152xf32, #tpu.memory_space<vmem>>, vector<16xf32>,
        %add3A_1482 = arith.constant 1792 : i32
        %add3A_1483 = arith.addi %add3A_1422, %add3A_1482 : i32
        %get3A_1484 = arith.index_cast %add3A_1483 : i32 to index
        %get3A_1485 = tpu.vector_load %arg9[%get3A_1484] {strides = array<i32>} : memref<49152xf32, #tpu.memory_space<vmem>>, vector<16xf32>,
        %sub3A_1486 = arith.subf %get3A_1457, %get3A_1425 : vector<16xf32>
        %mul3A_1487 = arith.mulf %sub3A_1040, %sub3A_1486 : vector<16xf32>
        %add3A_1488 = arith.addf %get3A_1425, %mul3A_1487 : vector<16xf32>
        %add3A_1489 = arith.constant 0 : i32
        %add3A_1490 = arith.addi %mul3A_1406, %add3A_1489 : i32
        %swap3A = arith.index_cast %add3A_1490 : i32 to index
        %swap3A_1491 = tpu.vector_load %arg10[%swap3A] {strides = array<i32>} : memref<3457xf32, #tpu.memory_space<vmem>>, vector<16xf32>,
        tpu.vector_store %arg10[%swap3A], %add3A_1488 {strides = array<i32>} : memref<3457xf32, #tpu.memory_space<vmem>>, vector<16xf32>,
        %add3A_1492 = arith.constant 1729 : i32
        %add3A_1493 = arith.addi %add3A_1492, %mul3A_1406 : i32
        %add3A_1494 = arith.constant 0 : i32
        %add3A_1495 = arith.addi %add3A_1493, %add3A_1494 : i32
        %swap3A_1496 = arith.index_cast %add3A_1495 : i32 to index
        %swap3A_1497 = tpu.vector_load %arg10[%swap3A_1496] {strides = array<i32>} : memref<3457xf32, #tpu.memory_space<vmem>>, vector<16xf32>,
        tpu.vector_store %arg10[%swap3A_1496], %add3A_1488 {strides = array<i32>} : memref<3457xf32, #tpu.memory_space<vmem>>, vector<16xf32>,
        %sub3A_1498 = arith.subf %get3A_1461, %get3A_1429 : vector<16xf32>
        %mul3A_1499 = arith.mulf %sub3A_1040, %sub3A_1498 : vector<16xf32>
        %add3A_1500 = arith.addf %get3A_1429, %mul3A_1499 : vector<16xf32>
        %add3A_1501 = arith.constant 18 : i32
        %add3A_1502 = arith.addi %mul3A_1406, %add3A_1501 : i32
        %swap3A_1503 = arith.index_cast %add3A_1502 : i32 to index
        %swap3A_1504 = tpu.vector_load %arg10[%swap3A_1503] {strides = array<i32>} : memref<3457xf32, #tpu.memory_space<vmem>>, vector<16xf32>,
        tpu.vector_store %arg10[%swap3A_1503], %add3A_1500 {strides = array<i32>} : memref<3457xf32, #tpu.memory_space<vmem>>, vector<16xf32>,
        %add3A_1505 = arith.constant 1729 : i32
        %add3A_1506 = arith.addi %add3A_1505, %mul3A_1406 : i32
        %add3A_1507 = arith.constant 18 : i32
        %add3A_1508 = arith.addi %add3A_1506, %add3A_1507 : i32
        %swap3A_1509 = arith.index_cast %add3A_1508 : i32 to index
        %swap3A_1510 = tpu.vector_load %arg10[%swap3A_1509] {strides = array<i32>} : memref<3457xf32, #tpu.memory_space<vmem>>, vector<16xf32>,
        tpu.vector_store %arg10[%swap3A_1509], %add3A_1500 {strides = array<i32>} : memref<3457xf32, #tpu.memory_space<vmem>>, vector<16xf32>,
        %sub3A_1511 = arith.subf %get3A_1465, %get3A_1433 : vector<16xf32>
        %mul3A_1512 = arith.mulf %sub3A_1040, %sub3A_1511 : vector<16xf32>
        %add3A_1513 = arith.addf %get3A_1433, %mul3A_1512 : vector<16xf32>
        %add3A_1514 = arith.constant 36 : i32
        %add3A_1515 = arith.addi %mul3A_1406, %add3A_1514 : i32
        %swap3A_1516 = arith.index_cast %add3A_1515 : i32 to index
        %swap3A_1517 = tpu.vector_load %arg10[%swap3A_1516] {strides = array<i32>} : memref<3457xf32, #tpu.memory_space<vmem>>, vector<16xf32>,
        tpu.vector_store %arg10[%swap3A_1516], %add3A_1513 {strides = array<i32>} : memref<3457xf32, #tpu.memory_space<vmem>>, vector<16xf32>,
        %add3A_1518 = arith.constant 1729 : i32
        %add3A_1519 = arith.addi %add3A_1518, %mul3A_1406 : i32
        %add3A_1520 = arith.constant 36 : i32
        %add3A_1521 = arith.addi %add3A_1519, %add3A_1520 : i32
        %swap3A_1522 = arith.index_cast %add3A_1521 : i32 to index
        %swap3A_1523 = tpu.vector_load %arg10[%swap3A_1522] {strides = array<i32>} : memref<3457xf32, #tpu.memory_space<vmem>>, vector<16xf32>,
        tpu.vector_store %arg10[%swap3A_1522], %add3A_1513 {strides = array<i32>} : memref<3457xf32, #tpu.memory_space<vmem>>, vector<16xf32>,
        %sub3A_1524 = arith.subf %get3A_1469, %get3A_1437 : vector<16xf32>
        %mul3A_1525 = arith.mulf %sub3A_1040, %sub3A_1524 : vector<16xf32>
        %add3A_1526 = arith.addf %get3A_1437, %mul3A_1525 : vector<16xf32>
        %add3A_1527 = arith.constant 54 : i32
        %add3A_1528 = arith.addi %mul3A_1406, %add3A_1527 : i32
        %swap3A_1529 = arith.index_cast %add3A_1528 : i32 to index
        %swap3A_1530 = tpu.vector_load %arg10[%swap3A_1529] {strides = array<i32>} : memref<3457xf32, #tpu.memory_space<vmem>>, vector<16xf32>,
        tpu.vector_store %arg10[%swap3A_1529], %add3A_1526 {strides = array<i32>} : memref<3457xf32, #tpu.memory_space<vmem>>, vector<16xf32>,
        %add3A_1531 = arith.constant 1729 : i32
        %add3A_1532 = arith.addi %add3A_1531, %mul3A_1406 : i32
        %add3A_1533 = arith.constant 54 : i32
        %add3A_1534 = arith.addi %add3A_1532, %add3A_1533 : i32
        %swap3A_1535 = arith.index_cast %add3A_1534 : i32 to index
        %swap3A_1536 = tpu.vector_load %arg10[%swap3A_1535] {strides = array<i32>} : memref<3457xf32, #tpu.memory_space<vmem>>, vector<16xf32>,
        tpu.vector_store %arg10[%swap3A_1535], %add3A_1526 {strides = array<i32>} : memref<3457xf32, #tpu.memory_space<vmem>>, vector<16xf32>,
        %sub3A_1537 = arith.subf %get3A_1473, %get3A_1441 : vector<16xf32>
        %mul3A_1538 = arith.mulf %sub3A_1040, %sub3A_1537 : vector<16xf32>
        %add3A_1539 = arith.addf %get3A_1441, %mul3A_1538 : vector<16xf32>
        %add3A_1540 = arith.constant 72 : i32
        %add3A_1541 = arith.addi %mul3A_1406, %add3A_1540 : i32
        %swap3A_1542 = arith.index_cast %add3A_1541 : i32 to index
        %swap3A_1543 = tpu.vector_load %arg10[%swap3A_1542] {strides = array<i32>} : memref<3457xf32, #tpu.memory_space<vmem>>, vector<16xf32>,
        tpu.vector_store %arg10[%swap3A_1542], %add3A_1539 {strides = array<i32>} : memref<3457xf32, #tpu.memory_space<vmem>>, vector<16xf32>,
        %add3A_1544 = arith.constant 1729 : i32
        %add3A_1545 = arith.addi %add3A_1544, %mul3A_1406 : i32
        %add3A_1546 = arith.constant 72 : i32
        %add3A_1547 = arith.addi %add3A_1545, %add3A_1546 : i32
        %swap3A_1548 = arith.index_cast %add3A_1547 : i32 to index
        %swap3A_1549 = tpu.vector_load %arg10[%swap3A_1548] {strides = array<i32>} : memref<3457xf32, #tpu.memory_space<vmem>>, vector<16xf32>,
        tpu.vector_store %arg10[%swap3A_1548], %add3A_1539 {strides = array<i32>} : memref<3457xf32, #tpu.memory_space<vmem>>, vector<16xf32>,
        %sub3A_1550 = arith.subf %get3A_1477, %get3A_1445 : vector<16xf32>
        %mul3A_1551 = arith.mulf %sub3A_1040, %sub3A_1550 : vector<16xf32>
        %add3A_1552 = arith.addf %get3A_1445, %mul3A_1551 : vector<16xf32>
        %add3A_1553 = arith.constant 90 : i32
        %add3A_1554 = arith.addi %mul3A_1406, %add3A_1553 : i32
        %swap3A_1555 = arith.index_cast %add3A_1554 : i32 to index
        %swap3A_1556 = tpu.vector_load %arg10[%swap3A_1555] {strides = array<i32>} : memref<3457xf32, #tpu.memory_space<vmem>>, vector<16xf32>,
        tpu.vector_store %arg10[%swap3A_1555], %add3A_1552 {strides = array<i32>} : memref<3457xf32, #tpu.memory_space<vmem>>, vector<16xf32>,
        %add3A_1557 = arith.constant 1729 : i32
        %add3A_1558 = arith.addi %add3A_1557, %mul3A_1406 : i32
        %add3A_1559 = arith.constant 90 : i32
        %add3A_1560 = arith.addi %add3A_1558, %add3A_1559 : i32
        %swap3A_1561 = arith.index_cast %add3A_1560 : i32 to index
        %swap3A_1562 = tpu.vector_load %arg10[%swap3A_1561] {strides = array<i32>} : memref<3457xf32, #tpu.memory_space<vmem>>, vector<16xf32>,
        tpu.vector_store %arg10[%swap3A_1561], %add3A_1552 {strides = array<i32>} : memref<3457xf32, #tpu.memory_space<vmem>>, vector<16xf32>,
        %sub3A_1563 = arith.subf %get3A_1481, %get3A_1449 : vector<16xf32>
        %mul3A_1564 = arith.mulf %sub3A_1040, %sub3A_1563 : vector<16xf32>
        %add3A_1565 = arith.addf %get3A_1449, %mul3A_1564 : vector<16xf32>
        %add3A_1566 = arith.constant 108 : i32
        %add3A_1567 = arith.addi %mul3A_1406, %add3A_1566 : i32
        %swap3A_1568 = arith.index_cast %add3A_1567 : i32 to index
        %swap3A_1569 = tpu.vector_load %arg10[%swap3A_1568] {strides = array<i32>} : memref<3457xf32, #tpu.memory_space<vmem>>, vector<16xf32>,
        tpu.vector_store %arg10[%swap3A_1568], %add3A_1565 {strides = array<i32>} : memref<3457xf32, #tpu.memory_space<vmem>>, vector<16xf32>,
        %add3A_1570 = arith.constant 1729 : i32
        %add3A_1571 = arith.addi %add3A_1570, %mul3A_1406 : i32
        %add3A_1572 = arith.constant 108 : i32
        %add3A_1573 = arith.addi %add3A_1571, %add3A_1572 : i32
        %swap3A_1574 = arith.index_cast %add3A_1573 : i32 to index
        %swap3A_1575 = tpu.vector_load %arg10[%swap3A_1574] {strides = array<i32>} : memref<3457xf32, #tpu.memory_space<vmem>>, vector<16xf32>,
        tpu.vector_store %arg10[%swap3A_1574], %add3A_1565 {strides = array<i32>} : memref<3457xf32, #tpu.memory_space<vmem>>, vector<16xf32>,
        %sub3A_1576 = arith.subf %get3A_1485, %get3A_1453 : vector<16xf32>
        %mul3A_1577 = arith.mulf %sub3A_1040, %sub3A_1576 : vector<16xf32>
        %add3A_1578 = arith.addf %get3A_1453, %mul3A_1577 : vector<16xf32>
        %add3A_1579 = arith.constant 126 : i32
        %add3A_1580 = arith.addi %mul3A_1406, %add3A_1579 : i32
        %swap3A_1581 = arith.index_cast %add3A_1580 : i32 to index
        %swap3A_1582 = tpu.vector_load %arg10[%swap3A_1581] {strides = array<i32>} : memref<3457xf32, #tpu.memory_space<vmem>>, vector<16xf32>,
        tpu.vector_store %arg10[%swap3A_1581], %add3A_1578 {strides = array<i32>} : memref<3457xf32, #tpu.memory_space<vmem>>, vector<16xf32>,
        %add3A_1583 = arith.constant 1729 : i32
        %add3A_1584 = arith.addi %add3A_1583, %mul3A_1406 : i32
        %add3A_1585 = arith.constant 126 : i32
        %add3A_1586 = arith.addi %add3A_1584, %add3A_1585 : i32
        %swap3A_1587 = arith.index_cast %add3A_1586 : i32 to index
        %swap3A_1588 = tpu.vector_load %arg10[%swap3A_1587] {strides = array<i32>} : memref<3457xf32, #tpu.memory_space<vmem>>, vector<16xf32>,
        tpu.vector_store %arg10[%swap3A_1587], %add3A_1578 {strides = array<i32>} : memref<3457xf32, #tpu.memory_space<vmem>>, vector<16xf32>,
      }
      %scan3A_1046 = arith.constant 12 : i32
      %add3A_1047 = arith.constant 1 : i32
      %add3A_1048 = arith.addi %add3A_1005, %add3A_1047 : i32
      %sub3A_1049 = arith.constant 16 : i32
      %sub3A_1050 = arith.subi %add3A_1048, %sub3A_1049 : i32
      %shift_right_arithmetic3A_1051 = arith.constant 5 : i32
      %shift_right_arithmetic3A_1052 = arith.shrsi %sub3A_1050, %shift_right_arithmetic3A_1051 : i32
      %jit3A_1053 = arith.constant 0 : i32
      %jit3A_1054 = arith.constant 15 : i32
      %max3A_1055 = arith.maxsi %jit3A_1053, %shift_right_arithmetic3A_1052 : i32
      %min3A_1056 = arith.minsi %jit3A_1054, %max3A_1055 : i32
      %add3A_1057 = arith.constant 1 : i32
      %add3A_1058 = arith.addi %shift_right_arithmetic3A_1052, %add3A_1057 : i32
      %jit3A_1059 = arith.constant 0 : i32
      %jit3A_1060 = arith.constant 15 : i32
      %max3A_1061 = arith.maxsi %jit3A_1059, %add3A_1058 : i32
      %min3A_1062 = arith.minsi %jit3A_1060, %max3A_1061 : i32
      %broadcast_in_dim3A_1063 = vector.broadcast %add3A_1048 : i32 to vector<16xi32>
      %convert_element_type3A_1064 = arith.sitofp %broadcast_in_dim3A_1063 : vector<16xi32> to vector<16xf32>
      %broadcast_in_dim3A_1065 = vector.broadcast %shift_right_arithmetic3A_1052 : i32 to vector<16xi32>
      %convert_element_type3A_1066 = arith.sitofp %broadcast_in_dim3A_1065 : vector<16xi32> to vector<16xf32>
      %add3A_1067 = arith.constant 5.000000e-01 : f32
      %add3A_1068 = vector.broadcast %add3A_1067 : f32 to vector<16xf32>
      %add3A_1069 = arith.addf %convert_element_type3A_1064, %add3A_1068 : vector<16xf32>
      %mul3A_1070 = arith.constant 3.125000e-02 : f32
      %mul3A_1071 = vector.broadcast %mul3A_1070 : f32 to vector<16xf32>
      %mul3A_1072 = arith.mulf %add3A_1069, %mul3A_1071 : vector<16xf32>
      %sub3A_1073 = arith.constant 5.000000e-01 : f32
      %sub3A_1074 = vector.broadcast %sub3A_1073 : f32 to vector<16xf32>
      %sub3A_1075 = arith.subf %mul3A_1072, %sub3A_1074 : vector<16xf32>
      %sub3A_1076 = arith.subf %sub3A_1075, %convert_element_type3A_1066 : vector<16xf32>
      %scan3A_1077 = arith.constant 0 : i32
      %scan3A_1078 = arith.constant 0 : i32
      %scan3A_1079 = arith.constant 12 : i32
      %scan3A_1080 = arith.addi %scan3A_1078, %scan3A_1079 : i32
      %scan3A_1081 = arith.constant 1 : i32
      scf.for %scan3A_1404 = %scan3A_1078 to %scan3A_1080 step %scan3A_1081  : i32 {
        %mul3A_1405 = arith.constant 144 : i32
        %mul3A_1406 = arith.muli %scan3A_1404, %mul3A_1405 : i32
        %mul3A_1407 = arith.constant 24576 : i32
        %mul3A_1408 = arith.muli %rem3A_173, %mul3A_1407 : i32
        %mul3A_1409 = arith.constant 2048 : i32
        %mul3A_1410 = arith.muli %scan3A_1404, %mul3A_1409 : i32
        %add3A_1411 = arith.addi %mul3A_1408, %mul3A_1410 : i32
        %mul3A_1412 = arith.constant 16 : i32
        %mul3A_1413 = arith.muli %min3A_1056, %mul3A_1412 : i32
        %add3A_1414 = arith.addi %add3A_1411, %mul3A_1413 : i32
        %mul3A_1415 = arith.constant 24576 : i32
        %mul3A_1416 = arith.muli %rem3A_173, %mul3A_1415 : i32
        %mul3A_1417 = arith.constant 2048 : i32
        %mul3A_1418 = arith.muli %scan3A_1404, %mul3A_1417 : i32
        %add3A_1419 = arith.addi %mul3A_1416, %mul3A_1418 : i32
        %mul3A_1420 = arith.constant 16 : i32
        %mul3A_1421 = arith.muli %min3A_1062, %mul3A_1420 : i32
        %add3A_1422 = arith.addi %add3A_1419, %mul3A_1421 : i32
        %add3A_1423 = arith.constant 0 : i32
        %add3A_1424 = arith.addi %add3A_1414, %add3A_1423 : i32
        %get3A = arith.index_cast %add3A_1424 : i32 to index
        %get3A_1425 = tpu.vector_load %arg9[%get3A] {strides = array<i32>} : memref<49152xf32, #tpu.memory_space<vmem>>, vector<16xf32>,
        %add3A_1426 = arith.constant 256 : i32
        %add3A_1427 = arith.addi %add3A_1414, %add3A_1426 : i32
        %get3A_1428 = arith.index_cast %add3A_1427 : i32 to index
        %get3A_1429 = tpu.vector_load %arg9[%get3A_1428] {strides = array<i32>} : memref<49152xf32, #tpu.memory_space<vmem>>, vector<16xf32>,
        %add3A_1430 = arith.constant 512 : i32
        %add3A_1431 = arith.addi %add3A_1414, %add3A_1430 : i32
        %get3A_1432 = arith.index_cast %add3A_1431 : i32 to index
        %get3A_1433 = tpu.vector_load %arg9[%get3A_1432] {strides = array<i32>} : memref<49152xf32, #tpu.memory_space<vmem>>, vector<16xf32>,
        %add3A_1434 = arith.constant 768 : i32
        %add3A_1435 = arith.addi %add3A_1414, %add3A_1434 : i32
        %get3A_1436 = arith.index_cast %add3A_1435 : i32 to index
        %get3A_1437 = tpu.vector_load %arg9[%get3A_1436] {strides = array<i32>} : memref<49152xf32, #tpu.memory_space<vmem>>, vector<16xf32>,
        %add3A_1438 = arith.constant 1024 : i32
        %add3A_1439 = arith.addi %add3A_1414, %add3A_1438 : i32
        %get3A_1440 = arith.index_cast %add3A_1439 : i32 to index
        %get3A_1441 = tpu.vector_load %arg9[%get3A_1440] {strides = array<i32>} : memref<49152xf32, #tpu.memory_space<vmem>>, vector<16xf32>,
        %add3A_1442 = arith.constant 1280 : i32
        %add3A_1443 = arith.addi %add3A_1414, %add3A_1442 : i32
        %get3A_1444 = arith.index_cast %add3A_1443 : i32 to index
        %get3A_1445 = tpu.vector_load %arg9[%get3A_1444] {strides = array<i32>} : memref<49152xf32, #tpu.memory_space<vmem>>, vector<16xf32>,
        %add3A_1446 = arith.constant 1536 : i32
        %add3A_1447 = arith.addi %add3A_1414, %add3A_1446 : i32
        %get3A_1448 = arith.index_cast %add3A_1447 : i32 to index
        %get3A_1449 = tpu.vector_load %arg9[%get3A_1448] {strides = array<i32>} : memref<49152xf32, #tpu.memory_space<vmem>>, vector<16xf32>,
        %add3A_1450 = arith.constant 1792 : i32
        %add3A_1451 = arith.addi %add3A_1414, %add3A_1450 : i32
        %get3A_1452 = arith.index_cast %add3A_1451 : i32 to index
        %get3A_1453 = tpu.vector_load %arg9[%get3A_1452] {strides = array<i32>} : memref<49152xf32, #tpu.memory_space<vmem>>, vector<16xf32>,
        %add3A_1454 = arith.constant 0 : i32
        %add3A_1455 = arith.addi %add3A_1422, %add3A_1454 : i32
        %get3A_1456 = arith.index_cast %add3A_1455 : i32 to index
        %get3A_1457 = tpu.vector_load %arg9[%get3A_1456] {strides = array<i32>} : memref<49152xf32, #tpu.memory_space<vmem>>, vector<16xf32>,
        %add3A_1458 = arith.constant 256 : i32
        %add3A_1459 = arith.addi %add3A_1422, %add3A_1458 : i32
        %get3A_1460 = arith.index_cast %add3A_1459 : i32 to index
        %get3A_1461 = tpu.vector_load %arg9[%get3A_1460] {strides = array<i32>} : memref<49152xf32, #tpu.memory_space<vmem>>, vector<16xf32>,
        %add3A_1462 = arith.constant 512 : i32
        %add3A_1463 = arith.addi %add3A_1422, %add3A_1462 : i32
        %get3A_1464 = arith.index_cast %add3A_1463 : i32 to index
        %get3A_1465 = tpu.vector_load %arg9[%get3A_1464] {strides = array<i32>} : memref<49152xf32, #tpu.memory_space<vmem>>, vector<16xf32>,
        %add3A_1466 = arith.constant 768 : i32
        %add3A_1467 = arith.addi %add3A_1422, %add3A_1466 : i32
        %get3A_1468 = arith.index_cast %add3A_1467 : i32 to index
        %get3A_1469 = tpu.vector_load %arg9[%get3A_1468] {strides = array<i32>} : memref<49152xf32, #tpu.memory_space<vmem>>, vector<16xf32>,
        %add3A_1470 = arith.constant 1024 : i32
        %add3A_1471 = arith.addi %add3A_1422, %add3A_1470 : i32
        %get3A_1472 = arith.index_cast %add3A_1471 : i32 to index
        %get3A_1473 = tpu.vector_load %arg9[%get3A_1472] {strides = array<i32>} : memref<49152xf32, #tpu.memory_space<vmem>>, vector<16xf32>,
        %add3A_1474 = arith.constant 1280 : i32
        %add3A_1475 = arith.addi %add3A_1422, %add3A_1474 : i32
        %get3A_1476 = arith.index_cast %add3A_1475 : i32 to index
        %get3A_1477 = tpu.vector_load %arg9[%get3A_1476] {strides = array<i32>} : memref<49152xf32, #tpu.memory_space<vmem>>, vector<16xf32>,
        %add3A_1478 = arith.constant 1536 : i32
        %add3A_1479 = arith.addi %add3A_1422, %add3A_1478 : i32
        %get3A_1480 = arith.index_cast %add3A_1479 : i32 to index
        %get3A_1481 = tpu.vector_load %arg9[%get3A_1480] {strides = array<i32>} : memref<49152xf32, #tpu.memory_space<vmem>>, vector<16xf32>,
        %add3A_1482 = arith.constant 1792 : i32
        %add3A_1483 = arith.addi %add3A_1422, %add3A_1482 : i32
        %get3A_1484 = arith.index_cast %add3A_1483 : i32 to index
        %get3A_1485 = tpu.vector_load %arg9[%get3A_1484] {strides = array<i32>} : memref<49152xf32, #tpu.memory_space<vmem>>, vector<16xf32>,
        %sub3A_1486 = arith.subf %get3A_1457, %get3A_1425 : vector<16xf32>
        %mul3A_1487 = arith.mulf %sub3A_1076, %sub3A_1486 : vector<16xf32>
        %add3A_1488 = arith.addf %get3A_1425, %mul3A_1487 : vector<16xf32>
        %add3A_1489 = arith.constant 0 : i32
        %add3A_1490 = arith.addi %mul3A_1406, %add3A_1489 : i32
        %swap3A = arith.index_cast %add3A_1490 : i32 to index
        %swap3A_1491 = tpu.vector_load %arg10[%swap3A] {strides = array<i32>} : memref<3457xf32, #tpu.memory_space<vmem>>, vector<16xf32>,
        tpu.vector_store %arg10[%swap3A], %add3A_1488 {strides = array<i32>} : memref<3457xf32, #tpu.memory_space<vmem>>, vector<16xf32>,
        %add3A_1492 = arith.constant 1729 : i32
        %add3A_1493 = arith.addi %add3A_1492, %mul3A_1406 : i32
        %add3A_1494 = arith.constant 0 : i32
        %add3A_1495 = arith.addi %add3A_1493, %add3A_1494 : i32
        %swap3A_1496 = arith.index_cast %add3A_1495 : i32 to index
        %swap3A_1497 = tpu.vector_load %arg10[%swap3A_1496] {strides = array<i32>} : memref<3457xf32, #tpu.memory_space<vmem>>, vector<16xf32>,
        tpu.vector_store %arg10[%swap3A_1496], %add3A_1488 {strides = array<i32>} : memref<3457xf32, #tpu.memory_space<vmem>>, vector<16xf32>,
        %sub3A_1498 = arith.subf %get3A_1461, %get3A_1429 : vector<16xf32>
        %mul3A_1499 = arith.mulf %sub3A_1076, %sub3A_1498 : vector<16xf32>
        %add3A_1500 = arith.addf %get3A_1429, %mul3A_1499 : vector<16xf32>
        %add3A_1501 = arith.constant 18 : i32
        %add3A_1502 = arith.addi %mul3A_1406, %add3A_1501 : i32
        %swap3A_1503 = arith.index_cast %add3A_1502 : i32 to index
        %swap3A_1504 = tpu.vector_load %arg10[%swap3A_1503] {strides = array<i32>} : memref<3457xf32, #tpu.memory_space<vmem>>, vector<16xf32>,
        tpu.vector_store %arg10[%swap3A_1503], %add3A_1500 {strides = array<i32>} : memref<3457xf32, #tpu.memory_space<vmem>>, vector<16xf32>,
        %add3A_1505 = arith.constant 1729 : i32
        %add3A_1506 = arith.addi %add3A_1505, %mul3A_1406 : i32
        %add3A_1507 = arith.constant 18 : i32
        %add3A_1508 = arith.addi %add3A_1506, %add3A_1507 : i32
        %swap3A_1509 = arith.index_cast %add3A_1508 : i32 to index
        %swap3A_1510 = tpu.vector_load %arg10[%swap3A_1509] {strides = array<i32>} : memref<3457xf32, #tpu.memory_space<vmem>>, vector<16xf32>,
        tpu.vector_store %arg10[%swap3A_1509], %add3A_1500 {strides = array<i32>} : memref<3457xf32, #tpu.memory_space<vmem>>, vector<16xf32>,
        %sub3A_1511 = arith.subf %get3A_1465, %get3A_1433 : vector<16xf32>
        %mul3A_1512 = arith.mulf %sub3A_1076, %sub3A_1511 : vector<16xf32>
        %add3A_1513 = arith.addf %get3A_1433, %mul3A_1512 : vector<16xf32>
        %add3A_1514 = arith.constant 36 : i32
        %add3A_1515 = arith.addi %mul3A_1406, %add3A_1514 : i32
        %swap3A_1516 = arith.index_cast %add3A_1515 : i32 to index
        %swap3A_1517 = tpu.vector_load %arg10[%swap3A_1516] {strides = array<i32>} : memref<3457xf32, #tpu.memory_space<vmem>>, vector<16xf32>,
        tpu.vector_store %arg10[%swap3A_1516], %add3A_1513 {strides = array<i32>} : memref<3457xf32, #tpu.memory_space<vmem>>, vector<16xf32>,
        %add3A_1518 = arith.constant 1729 : i32
        %add3A_1519 = arith.addi %add3A_1518, %mul3A_1406 : i32
        %add3A_1520 = arith.constant 36 : i32
        %add3A_1521 = arith.addi %add3A_1519, %add3A_1520 : i32
        %swap3A_1522 = arith.index_cast %add3A_1521 : i32 to index
        %swap3A_1523 = tpu.vector_load %arg10[%swap3A_1522] {strides = array<i32>} : memref<3457xf32, #tpu.memory_space<vmem>>, vector<16xf32>,
        tpu.vector_store %arg10[%swap3A_1522], %add3A_1513 {strides = array<i32>} : memref<3457xf32, #tpu.memory_space<vmem>>, vector<16xf32>,
        %sub3A_1524 = arith.subf %get3A_1469, %get3A_1437 : vector<16xf32>
        %mul3A_1525 = arith.mulf %sub3A_1076, %sub3A_1524 : vector<16xf32>
        %add3A_1526 = arith.addf %get3A_1437, %mul3A_1525 : vector<16xf32>
        %add3A_1527 = arith.constant 54 : i32
        %add3A_1528 = arith.addi %mul3A_1406, %add3A_1527 : i32
        %swap3A_1529 = arith.index_cast %add3A_1528 : i32 to index
        %swap3A_1530 = tpu.vector_load %arg10[%swap3A_1529] {strides = array<i32>} : memref<3457xf32, #tpu.memory_space<vmem>>, vector<16xf32>,
        tpu.vector_store %arg10[%swap3A_1529], %add3A_1526 {strides = array<i32>} : memref<3457xf32, #tpu.memory_space<vmem>>, vector<16xf32>,
        %add3A_1531 = arith.constant 1729 : i32
        %add3A_1532 = arith.addi %add3A_1531, %mul3A_1406 : i32
        %add3A_1533 = arith.constant 54 : i32
        %add3A_1534 = arith.addi %add3A_1532, %add3A_1533 : i32
        %swap3A_1535 = arith.index_cast %add3A_1534 : i32 to index
        %swap3A_1536 = tpu.vector_load %arg10[%swap3A_1535] {strides = array<i32>} : memref<3457xf32, #tpu.memory_space<vmem>>, vector<16xf32>,
        tpu.vector_store %arg10[%swap3A_1535], %add3A_1526 {strides = array<i32>} : memref<3457xf32, #tpu.memory_space<vmem>>, vector<16xf32>,
        %sub3A_1537 = arith.subf %get3A_1473, %get3A_1441 : vector<16xf32>
        %mul3A_1538 = arith.mulf %sub3A_1076, %sub3A_1537 : vector<16xf32>
        %add3A_1539 = arith.addf %get3A_1441, %mul3A_1538 : vector<16xf32>
        %add3A_1540 = arith.constant 72 : i32
        %add3A_1541 = arith.addi %mul3A_1406, %add3A_1540 : i32
        %swap3A_1542 = arith.index_cast %add3A_1541 : i32 to index
        %swap3A_1543 = tpu.vector_load %arg10[%swap3A_1542] {strides = array<i32>} : memref<3457xf32, #tpu.memory_space<vmem>>, vector<16xf32>,
        tpu.vector_store %arg10[%swap3A_1542], %add3A_1539 {strides = array<i32>} : memref<3457xf32, #tpu.memory_space<vmem>>, vector<16xf32>,
        %add3A_1544 = arith.constant 1729 : i32
        %add3A_1545 = arith.addi %add3A_1544, %mul3A_1406 : i32
        %add3A_1546 = arith.constant 72 : i32
        %add3A_1547 = arith.addi %add3A_1545, %add3A_1546 : i32
        %swap3A_1548 = arith.index_cast %add3A_1547 : i32 to index
        %swap3A_1549 = tpu.vector_load %arg10[%swap3A_1548] {strides = array<i32>} : memref<3457xf32, #tpu.memory_space<vmem>>, vector<16xf32>,
        tpu.vector_store %arg10[%swap3A_1548], %add3A_1539 {strides = array<i32>} : memref<3457xf32, #tpu.memory_space<vmem>>, vector<16xf32>,
        %sub3A_1550 = arith.subf %get3A_1477, %get3A_1445 : vector<16xf32>
        %mul3A_1551 = arith.mulf %sub3A_1076, %sub3A_1550 : vector<16xf32>
        %add3A_1552 = arith.addf %get3A_1445, %mul3A_1551 : vector<16xf32>
        %add3A_1553 = arith.constant 90 : i32
        %add3A_1554 = arith.addi %mul3A_1406, %add3A_1553 : i32
        %swap3A_1555 = arith.index_cast %add3A_1554 : i32 to index
        %swap3A_1556 = tpu.vector_load %arg10[%swap3A_1555] {strides = array<i32>} : memref<3457xf32, #tpu.memory_space<vmem>>, vector<16xf32>,
        tpu.vector_store %arg10[%swap3A_1555], %add3A_1552 {strides = array<i32>} : memref<3457xf32, #tpu.memory_space<vmem>>, vector<16xf32>,
        %add3A_1557 = arith.constant 1729 : i32
        %add3A_1558 = arith.addi %add3A_1557, %mul3A_1406 : i32
        %add3A_1559 = arith.constant 90 : i32
        %add3A_1560 = arith.addi %add3A_1558, %add3A_1559 : i32
        %swap3A_1561 = arith.index_cast %add3A_1560 : i32 to index
        %swap3A_1562 = tpu.vector_load %arg10[%swap3A_1561] {strides = array<i32>} : memref<3457xf32, #tpu.memory_space<vmem>>, vector<16xf32>,
        tpu.vector_store %arg10[%swap3A_1561], %add3A_1552 {strides = array<i32>} : memref<3457xf32, #tpu.memory_space<vmem>>, vector<16xf32>,
        %sub3A_1563 = arith.subf %get3A_1481, %get3A_1449 : vector<16xf32>
        %mul3A_1564 = arith.mulf %sub3A_1076, %sub3A_1563 : vector<16xf32>
        %add3A_1565 = arith.addf %get3A_1449, %mul3A_1564 : vector<16xf32>
        %add3A_1566 = arith.constant 108 : i32
        %add3A_1567 = arith.addi %mul3A_1406, %add3A_1566 : i32
        %swap3A_1568 = arith.index_cast %add3A_1567 : i32 to index
        %swap3A_1569 = tpu.vector_load %arg10[%swap3A_1568] {strides = array<i32>} : memref<3457xf32, #tpu.memory_space<vmem>>, vector<16xf32>,
        tpu.vector_store %arg10[%swap3A_1568], %add3A_1565 {strides = array<i32>} : memref<3457xf32, #tpu.memory_space<vmem>>, vector<16xf32>,
        %add3A_1570 = arith.constant 1729 : i32
        %add3A_1571 = arith.addi %add3A_1570, %mul3A_1406 : i32
        %add3A_1572 = arith.constant 108 : i32
        %add3A_1573 = arith.addi %add3A_1571, %add3A_1572 : i32
        %swap3A_1574 = arith.index_cast %add3A_1573 : i32 to index
        %swap3A_1575 = tpu.vector_load %arg10[%swap3A_1574] {strides = array<i32>} : memref<3457xf32, #tpu.memory_space<vmem>>, vector<16xf32>,
        tpu.vector_store %arg10[%swap3A_1574], %add3A_1565 {strides = array<i32>} : memref<3457xf32, #tpu.memory_space<vmem>>, vector<16xf32>,
        %sub3A_1576 = arith.subf %get3A_1485, %get3A_1453 : vector<16xf32>
        %mul3A_1577 = arith.mulf %sub3A_1076, %sub3A_1576 : vector<16xf32>
        %add3A_1578 = arith.addf %get3A_1453, %mul3A_1577 : vector<16xf32>
        %add3A_1579 = arith.constant 126 : i32
        %add3A_1580 = arith.addi %mul3A_1406, %add3A_1579 : i32
        %swap3A_1581 = arith.index_cast %add3A_1580 : i32 to index
        %swap3A_1582 = tpu.vector_load %arg10[%swap3A_1581] {strides = array<i32>} : memref<3457xf32, #tpu.memory_space<vmem>>, vector<16xf32>,
        tpu.vector_store %arg10[%swap3A_1581], %add3A_1578 {strides = array<i32>} : memref<3457xf32, #tpu.memory_space<vmem>>, vector<16xf32>,
        %add3A_1583 = arith.constant 1729 : i32
        %add3A_1584 = arith.addi %add3A_1583, %mul3A_1406 : i32
        %add3A_1585 = arith.constant 126 : i32
        %add3A_1586 = arith.addi %add3A_1584, %add3A_1585 : i32
        %swap3A_1587 = arith.index_cast %add3A_1586 : i32 to index
        %swap3A_1588 = tpu.vector_load %arg10[%swap3A_1587] {strides = array<i32>} : memref<3457xf32, #tpu.memory_space<vmem>>, vector<16xf32>,
        tpu.vector_store %arg10[%swap3A_1587], %add3A_1578 {strides = array<i32>} : memref<3457xf32, #tpu.memory_space<vmem>>, vector<16xf32>,
      }
      %scan3A_1082 = arith.constant 12 : i32
      %add3A_1083 = arith.constant 2 : i32
      %add3A_1084 = arith.addi %add3A_1005, %add3A_1083 : i32
      %sub3A_1085 = arith.constant 16 : i32
      %sub3A_1086 = arith.subi %add3A_1084, %sub3A_1085 : i32
      %shift_right_arithmetic3A_1087 = arith.constant 5 : i32
      %shift_right_arithmetic3A_1088 = arith.shrsi %sub3A_1086, %shift_right_arithmetic3A_1087 : i32
      %jit3A_1089 = arith.constant 0 : i32
      %jit3A_1090 = arith.constant 15 : i32
      %max3A_1091 = arith.maxsi %jit3A_1089, %shift_right_arithmetic3A_1088 : i32
      %min3A_1092 = arith.minsi %jit3A_1090, %max3A_1091 : i32
      %add3A_1093 = arith.constant 1 : i32
      %add3A_1094 = arith.addi %shift_right_arithmetic3A_1088, %add3A_1093 : i32
      %jit3A_1095 = arith.constant 0 : i32
      %jit3A_1096 = arith.constant 15 : i32
      %max3A_1097 = arith.maxsi %jit3A_1095, %add3A_1094 : i32
      %min3A_1098 = arith.minsi %jit3A_1096, %max3A_1097 : i32
      %broadcast_in_dim3A_1099 = vector.broadcast %add3A_1084 : i32 to vector<16xi32>
      %convert_element_type3A_1100 = arith.sitofp %broadcast_in_dim3A_1099 : vector<16xi32> to vector<16xf32>
      %broadcast_in_dim3A_1101 = vector.broadcast %shift_right_arithmetic3A_1088 : i32 to vector<16xi32>
      %convert_element_type3A_1102 = arith.sitofp %broadcast_in_dim3A_1101 : vector<16xi32> to vector<16xf32>
      %add3A_1103 = arith.constant 5.000000e-01 : f32
      %add3A_1104 = vector.broadcast %add3A_1103 : f32 to vector<16xf32>
      %add3A_1105 = arith.addf %convert_element_type3A_1100, %add3A_1104 : vector<16xf32>
      %mul3A_1106 = arith.constant 3.125000e-02 : f32
      %mul3A_1107 = vector.broadcast %mul3A_1106 : f32 to vector<16xf32>
      %mul3A_1108 = arith.mulf %add3A_1105, %mul3A_1107 : vector<16xf32>
      %sub3A_1109 = arith.constant 5.000000e-01 : f32
      %sub3A_1110 = vector.broadcast %sub3A_1109 : f32 to vector<16xf32>
      %sub3A_1111 = arith.subf %mul3A_1108, %sub3A_1110 : vector<16xf32>
      %sub3A_1112 = arith.subf %sub3A_1111, %convert_element_type3A_1102 : vector<16xf32>
      %scan3A_1113 = arith.constant 0 : i32
      %scan3A_1114 = arith.constant 0 : i32
      %scan3A_1115 = arith.constant 12 : i32
      %scan3A_1116 = arith.addi %scan3A_1114, %scan3A_1115 : i32
      %scan3A_1117 = arith.constant 1 : i32
      scf.for %scan3A_1404 = %scan3A_1114 to %scan3A_1116 step %scan3A_1117  : i32 {
        %mul3A_1405 = arith.constant 144 : i32
        %mul3A_1406 = arith.muli %scan3A_1404, %mul3A_1405 : i32
        %mul3A_1407 = arith.constant 24576 : i32
        %mul3A_1408 = arith.muli %rem3A_173, %mul3A_1407 : i32
        %mul3A_1409 = arith.constant 2048 : i32
        %mul3A_1410 = arith.muli %scan3A_1404, %mul3A_1409 : i32
        %add3A_1411 = arith.addi %mul3A_1408, %mul3A_1410 : i32
        %mul3A_1412 = arith.constant 16 : i32
        %mul3A_1413 = arith.muli %min3A_1092, %mul3A_1412 : i32
        %add3A_1414 = arith.addi %add3A_1411, %mul3A_1413 : i32
        %mul3A_1415 = arith.constant 24576 : i32
        %mul3A_1416 = arith.muli %rem3A_173, %mul3A_1415 : i32
        %mul3A_1417 = arith.constant 2048 : i32
        %mul3A_1418 = arith.muli %scan3A_1404, %mul3A_1417 : i32
        %add3A_1419 = arith.addi %mul3A_1416, %mul3A_1418 : i32
        %mul3A_1420 = arith.constant 16 : i32
        %mul3A_1421 = arith.muli %min3A_1098, %mul3A_1420 : i32
        %add3A_1422 = arith.addi %add3A_1419, %mul3A_1421 : i32
        %add3A_1423 = arith.constant 0 : i32
        %add3A_1424 = arith.addi %add3A_1414, %add3A_1423 : i32
        %get3A = arith.index_cast %add3A_1424 : i32 to index
        %get3A_1425 = tpu.vector_load %arg9[%get3A] {strides = array<i32>} : memref<49152xf32, #tpu.memory_space<vmem>>, vector<16xf32>,
        %add3A_1426 = arith.constant 256 : i32
        %add3A_1427 = arith.addi %add3A_1414, %add3A_1426 : i32
        %get3A_1428 = arith.index_cast %add3A_1427 : i32 to index
        %get3A_1429 = tpu.vector_load %arg9[%get3A_1428] {strides = array<i32>} : memref<49152xf32, #tpu.memory_space<vmem>>, vector<16xf32>,
        %add3A_1430 = arith.constant 512 : i32
        %add3A_1431 = arith.addi %add3A_1414, %add3A_1430 : i32
        %get3A_1432 = arith.index_cast %add3A_1431 : i32 to index
        %get3A_1433 = tpu.vector_load %arg9[%get3A_1432] {strides = array<i32>} : memref<49152xf32, #tpu.memory_space<vmem>>, vector<16xf32>,
        %add3A_1434 = arith.constant 768 : i32
        %add3A_1435 = arith.addi %add3A_1414, %add3A_1434 : i32
        %get3A_1436 = arith.index_cast %add3A_1435 : i32 to index
        %get3A_1437 = tpu.vector_load %arg9[%get3A_1436] {strides = array<i32>} : memref<49152xf32, #tpu.memory_space<vmem>>, vector<16xf32>,
        %add3A_1438 = arith.constant 1024 : i32
        %add3A_1439 = arith.addi %add3A_1414, %add3A_1438 : i32
        %get3A_1440 = arith.index_cast %add3A_1439 : i32 to index
        %get3A_1441 = tpu.vector_load %arg9[%get3A_1440] {strides = array<i32>} : memref<49152xf32, #tpu.memory_space<vmem>>, vector<16xf32>,
        %add3A_1442 = arith.constant 1280 : i32
        %add3A_1443 = arith.addi %add3A_1414, %add3A_1442 : i32
        %get3A_1444 = arith.index_cast %add3A_1443 : i32 to index
        %get3A_1445 = tpu.vector_load %arg9[%get3A_1444] {strides = array<i32>} : memref<49152xf32, #tpu.memory_space<vmem>>, vector<16xf32>,
        %add3A_1446 = arith.constant 1536 : i32
        %add3A_1447 = arith.addi %add3A_1414, %add3A_1446 : i32
        %get3A_1448 = arith.index_cast %add3A_1447 : i32 to index
        %get3A_1449 = tpu.vector_load %arg9[%get3A_1448] {strides = array<i32>} : memref<49152xf32, #tpu.memory_space<vmem>>, vector<16xf32>,
        %add3A_1450 = arith.constant 1792 : i32
        %add3A_1451 = arith.addi %add3A_1414, %add3A_1450 : i32
        %get3A_1452 = arith.index_cast %add3A_1451 : i32 to index
        %get3A_1453 = tpu.vector_load %arg9[%get3A_1452] {strides = array<i32>} : memref<49152xf32, #tpu.memory_space<vmem>>, vector<16xf32>,
        %add3A_1454 = arith.constant 0 : i32
        %add3A_1455 = arith.addi %add3A_1422, %add3A_1454 : i32
        %get3A_1456 = arith.index_cast %add3A_1455 : i32 to index
        %get3A_1457 = tpu.vector_load %arg9[%get3A_1456] {strides = array<i32>} : memref<49152xf32, #tpu.memory_space<vmem>>, vector<16xf32>,
        %add3A_1458 = arith.constant 256 : i32
        %add3A_1459 = arith.addi %add3A_1422, %add3A_1458 : i32
        %get3A_1460 = arith.index_cast %add3A_1459 : i32 to index
        %get3A_1461 = tpu.vector_load %arg9[%get3A_1460] {strides = array<i32>} : memref<49152xf32, #tpu.memory_space<vmem>>, vector<16xf32>,
        %add3A_1462 = arith.constant 512 : i32
        %add3A_1463 = arith.addi %add3A_1422, %add3A_1462 : i32
        %get3A_1464 = arith.index_cast %add3A_1463 : i32 to index
        %get3A_1465 = tpu.vector_load %arg9[%get3A_1464] {strides = array<i32>} : memref<49152xf32, #tpu.memory_space<vmem>>, vector<16xf32>,
        %add3A_1466 = arith.constant 768 : i32
        %add3A_1467 = arith.addi %add3A_1422, %add3A_1466 : i32
        %get3A_1468 = arith.index_cast %add3A_1467 : i32 to index
        %get3A_1469 = tpu.vector_load %arg9[%get3A_1468] {strides = array<i32>} : memref<49152xf32, #tpu.memory_space<vmem>>, vector<16xf32>,
        %add3A_1470 = arith.constant 1024 : i32
        %add3A_1471 = arith.addi %add3A_1422, %add3A_1470 : i32
        %get3A_1472 = arith.index_cast %add3A_1471 : i32 to index
        %get3A_1473 = tpu.vector_load %arg9[%get3A_1472] {strides = array<i32>} : memref<49152xf32, #tpu.memory_space<vmem>>, vector<16xf32>,
        %add3A_1474 = arith.constant 1280 : i32
        %add3A_1475 = arith.addi %add3A_1422, %add3A_1474 : i32
        %get3A_1476 = arith.index_cast %add3A_1475 : i32 to index
        %get3A_1477 = tpu.vector_load %arg9[%get3A_1476] {strides = array<i32>} : memref<49152xf32, #tpu.memory_space<vmem>>, vector<16xf32>,
        %add3A_1478 = arith.constant 1536 : i32
        %add3A_1479 = arith.addi %add3A_1422, %add3A_1478 : i32
        %get3A_1480 = arith.index_cast %add3A_1479 : i32 to index
        %get3A_1481 = tpu.vector_load %arg9[%get3A_1480] {strides = array<i32>} : memref<49152xf32, #tpu.memory_space<vmem>>, vector<16xf32>,
        %add3A_1482 = arith.constant 1792 : i32
        %add3A_1483 = arith.addi %add3A_1422, %add3A_1482 : i32
        %get3A_1484 = arith.index_cast %add3A_1483 : i32 to index
        %get3A_1485 = tpu.vector_load %arg9[%get3A_1484] {strides = array<i32>} : memref<49152xf32, #tpu.memory_space<vmem>>, vector<16xf32>,
        %sub3A_1486 = arith.subf %get3A_1457, %get3A_1425 : vector<16xf32>
        %mul3A_1487 = arith.mulf %sub3A_1112, %sub3A_1486 : vector<16xf32>
        %add3A_1488 = arith.addf %get3A_1425, %mul3A_1487 : vector<16xf32>
        %add3A_1489 = arith.constant 0 : i32
        %add3A_1490 = arith.addi %mul3A_1406, %add3A_1489 : i32
        %swap3A = arith.index_cast %add3A_1490 : i32 to index
        %swap3A_1491 = tpu.vector_load %arg10[%swap3A] {strides = array<i32>} : memref<3457xf32, #tpu.memory_space<vmem>>, vector<16xf32>,
        tpu.vector_store %arg10[%swap3A], %add3A_1488 {strides = array<i32>} : memref<3457xf32, #tpu.memory_space<vmem>>, vector<16xf32>,
        %add3A_1492 = arith.constant 1729 : i32
        %add3A_1493 = arith.addi %add3A_1492, %mul3A_1406 : i32
        %add3A_1494 = arith.constant 0 : i32
        %add3A_1495 = arith.addi %add3A_1493, %add3A_1494 : i32
        %swap3A_1496 = arith.index_cast %add3A_1495 : i32 to index
        %swap3A_1497 = tpu.vector_load %arg10[%swap3A_1496] {strides = array<i32>} : memref<3457xf32, #tpu.memory_space<vmem>>, vector<16xf32>,
        tpu.vector_store %arg10[%swap3A_1496], %add3A_1488 {strides = array<i32>} : memref<3457xf32, #tpu.memory_space<vmem>>, vector<16xf32>,
        %sub3A_1498 = arith.subf %get3A_1461, %get3A_1429 : vector<16xf32>
        %mul3A_1499 = arith.mulf %sub3A_1112, %sub3A_1498 : vector<16xf32>
        %add3A_1500 = arith.addf %get3A_1429, %mul3A_1499 : vector<16xf32>
        %add3A_1501 = arith.constant 18 : i32
        %add3A_1502 = arith.addi %mul3A_1406, %add3A_1501 : i32
        %swap3A_1503 = arith.index_cast %add3A_1502 : i32 to index
        %swap3A_1504 = tpu.vector_load %arg10[%swap3A_1503] {strides = array<i32>} : memref<3457xf32, #tpu.memory_space<vmem>>, vector<16xf32>,
        tpu.vector_store %arg10[%swap3A_1503], %add3A_1500 {strides = array<i32>} : memref<3457xf32, #tpu.memory_space<vmem>>, vector<16xf32>,
        %add3A_1505 = arith.constant 1729 : i32
        %add3A_1506 = arith.addi %add3A_1505, %mul3A_1406 : i32
        %add3A_1507 = arith.constant 18 : i32
        %add3A_1508 = arith.addi %add3A_1506, %add3A_1507 : i32
        %swap3A_1509 = arith.index_cast %add3A_1508 : i32 to index
        %swap3A_1510 = tpu.vector_load %arg10[%swap3A_1509] {strides = array<i32>} : memref<3457xf32, #tpu.memory_space<vmem>>, vector<16xf32>,
        tpu.vector_store %arg10[%swap3A_1509], %add3A_1500 {strides = array<i32>} : memref<3457xf32, #tpu.memory_space<vmem>>, vector<16xf32>,
        %sub3A_1511 = arith.subf %get3A_1465, %get3A_1433 : vector<16xf32>
        %mul3A_1512 = arith.mulf %sub3A_1112, %sub3A_1511 : vector<16xf32>
        %add3A_1513 = arith.addf %get3A_1433, %mul3A_1512 : vector<16xf32>
        %add3A_1514 = arith.constant 36 : i32
        %add3A_1515 = arith.addi %mul3A_1406, %add3A_1514 : i32
        %swap3A_1516 = arith.index_cast %add3A_1515 : i32 to index
        %swap3A_1517 = tpu.vector_load %arg10[%swap3A_1516] {strides = array<i32>} : memref<3457xf32, #tpu.memory_space<vmem>>, vector<16xf32>,
        tpu.vector_store %arg10[%swap3A_1516], %add3A_1513 {strides = array<i32>} : memref<3457xf32, #tpu.memory_space<vmem>>, vector<16xf32>,
        %add3A_1518 = arith.constant 1729 : i32
        %add3A_1519 = arith.addi %add3A_1518, %mul3A_1406 : i32
        %add3A_1520 = arith.constant 36 : i32
        %add3A_1521 = arith.addi %add3A_1519, %add3A_1520 : i32
        %swap3A_1522 = arith.index_cast %add3A_1521 : i32 to index
        %swap3A_1523 = tpu.vector_load %arg10[%swap3A_1522] {strides = array<i32>} : memref<3457xf32, #tpu.memory_space<vmem>>, vector<16xf32>,
        tpu.vector_store %arg10[%swap3A_1522], %add3A_1513 {strides = array<i32>} : memref<3457xf32, #tpu.memory_space<vmem>>, vector<16xf32>,
        %sub3A_1524 = arith.subf %get3A_1469, %get3A_1437 : vector<16xf32>
        %mul3A_1525 = arith.mulf %sub3A_1112, %sub3A_1524 : vector<16xf32>
        %add3A_1526 = arith.addf %get3A_1437, %mul3A_1525 : vector<16xf32>
        %add3A_1527 = arith.constant 54 : i32
        %add3A_1528 = arith.addi %mul3A_1406, %add3A_1527 : i32
        %swap3A_1529 = arith.index_cast %add3A_1528 : i32 to index
        %swap3A_1530 = tpu.vector_load %arg10[%swap3A_1529] {strides = array<i32>} : memref<3457xf32, #tpu.memory_space<vmem>>, vector<16xf32>,
        tpu.vector_store %arg10[%swap3A_1529], %add3A_1526 {strides = array<i32>} : memref<3457xf32, #tpu.memory_space<vmem>>, vector<16xf32>,
        %add3A_1531 = arith.constant 1729 : i32
        %add3A_1532 = arith.addi %add3A_1531, %mul3A_1406 : i32
        %add3A_1533 = arith.constant 54 : i32
        %add3A_1534 = arith.addi %add3A_1532, %add3A_1533 : i32
        %swap3A_1535 = arith.index_cast %add3A_1534 : i32 to index
        %swap3A_1536 = tpu.vector_load %arg10[%swap3A_1535] {strides = array<i32>} : memref<3457xf32, #tpu.memory_space<vmem>>, vector<16xf32>,
        tpu.vector_store %arg10[%swap3A_1535], %add3A_1526 {strides = array<i32>} : memref<3457xf32, #tpu.memory_space<vmem>>, vector<16xf32>,
        %sub3A_1537 = arith.subf %get3A_1473, %get3A_1441 : vector<16xf32>
        %mul3A_1538 = arith.mulf %sub3A_1112, %sub3A_1537 : vector<16xf32>
        %add3A_1539 = arith.addf %get3A_1441, %mul3A_1538 : vector<16xf32>
        %add3A_1540 = arith.constant 72 : i32
        %add3A_1541 = arith.addi %mul3A_1406, %add3A_1540 : i32
        %swap3A_1542 = arith.index_cast %add3A_1541 : i32 to index
        %swap3A_1543 = tpu.vector_load %arg10[%swap3A_1542] {strides = array<i32>} : memref<3457xf32, #tpu.memory_space<vmem>>, vector<16xf32>,
        tpu.vector_store %arg10[%swap3A_1542], %add3A_1539 {strides = array<i32>} : memref<3457xf32, #tpu.memory_space<vmem>>, vector<16xf32>,
        %add3A_1544 = arith.constant 1729 : i32
        %add3A_1545 = arith.addi %add3A_1544, %mul3A_1406 : i32
        %add3A_1546 = arith.constant 72 : i32
        %add3A_1547 = arith.addi %add3A_1545, %add3A_1546 : i32
        %swap3A_1548 = arith.index_cast %add3A_1547 : i32 to index
        %swap3A_1549 = tpu.vector_load %arg10[%swap3A_1548] {strides = array<i32>} : memref<3457xf32, #tpu.memory_space<vmem>>, vector<16xf32>,
        tpu.vector_store %arg10[%swap3A_1548], %add3A_1539 {strides = array<i32>} : memref<3457xf32, #tpu.memory_space<vmem>>, vector<16xf32>,
        %sub3A_1550 = arith.subf %get3A_1477, %get3A_1445 : vector<16xf32>
        %mul3A_1551 = arith.mulf %sub3A_1112, %sub3A_1550 : vector<16xf32>
        %add3A_1552 = arith.addf %get3A_1445, %mul3A_1551 : vector<16xf32>
        %add3A_1553 = arith.constant 90 : i32
        %add3A_1554 = arith.addi %mul3A_1406, %add3A_1553 : i32
        %swap3A_1555 = arith.index_cast %add3A_1554 : i32 to index
        %swap3A_1556 = tpu.vector_load %arg10[%swap3A_1555] {strides = array<i32>} : memref<3457xf32, #tpu.memory_space<vmem>>, vector<16xf32>,
        tpu.vector_store %arg10[%swap3A_1555], %add3A_1552 {strides = array<i32>} : memref<3457xf32, #tpu.memory_space<vmem>>, vector<16xf32>,
        %add3A_1557 = arith.constant 1729 : i32
        %add3A_1558 = arith.addi %add3A_1557, %mul3A_1406 : i32
        %add3A_1559 = arith.constant 90 : i32
        %add3A_1560 = arith.addi %add3A_1558, %add3A_1559 : i32
        %swap3A_1561 = arith.index_cast %add3A_1560 : i32 to index
        %swap3A_1562 = tpu.vector_load %arg10[%swap3A_1561] {strides = array<i32>} : memref<3457xf32, #tpu.memory_space<vmem>>, vector<16xf32>,
        tpu.vector_store %arg10[%swap3A_1561], %add3A_1552 {strides = array<i32>} : memref<3457xf32, #tpu.memory_space<vmem>>, vector<16xf32>,
        %sub3A_1563 = arith.subf %get3A_1481, %get3A_1449 : vector<16xf32>
        %mul3A_1564 = arith.mulf %sub3A_1112, %sub3A_1563 : vector<16xf32>
        %add3A_1565 = arith.addf %get3A_1449, %mul3A_1564 : vector<16xf32>
        %add3A_1566 = arith.constant 108 : i32
        %add3A_1567 = arith.addi %mul3A_1406, %add3A_1566 : i32
        %swap3A_1568 = arith.index_cast %add3A_1567 : i32 to index
        %swap3A_1569 = tpu.vector_load %arg10[%swap3A_1568] {strides = array<i32>} : memref<3457xf32, #tpu.memory_space<vmem>>, vector<16xf32>,
        tpu.vector_store %arg10[%swap3A_1568], %add3A_1565 {strides = array<i32>} : memref<3457xf32, #tpu.memory_space<vmem>>, vector<16xf32>,
        %add3A_1570 = arith.constant 1729 : i32
        %add3A_1571 = arith.addi %add3A_1570, %mul3A_1406 : i32
        %add3A_1572 = arith.constant 108 : i32
        %add3A_1573 = arith.addi %add3A_1571, %add3A_1572 : i32
        %swap3A_1574 = arith.index_cast %add3A_1573 : i32 to index
        %swap3A_1575 = tpu.vector_load %arg10[%swap3A_1574] {strides = array<i32>} : memref<3457xf32, #tpu.memory_space<vmem>>, vector<16xf32>,
        tpu.vector_store %arg10[%swap3A_1574], %add3A_1565 {strides = array<i32>} : memref<3457xf32, #tpu.memory_space<vmem>>, vector<16xf32>,
        %sub3A_1576 = arith.subf %get3A_1485, %get3A_1453 : vector<16xf32>
        %mul3A_1577 = arith.mulf %sub3A_1112, %sub3A_1576 : vector<16xf32>
        %add3A_1578 = arith.addf %get3A_1453, %mul3A_1577 : vector<16xf32>
        %add3A_1579 = arith.constant 126 : i32
        %add3A_1580 = arith.addi %mul3A_1406, %add3A_1579 : i32
        %swap3A_1581 = arith.index_cast %add3A_1580 : i32 to index
        %swap3A_1582 = tpu.vector_load %arg10[%swap3A_1581] {strides = array<i32>} : memref<3457xf32, #tpu.memory_space<vmem>>, vector<16xf32>,
        tpu.vector_store %arg10[%swap3A_1581], %add3A_1578 {strides = array<i32>} : memref<3457xf32, #tpu.memory_space<vmem>>, vector<16xf32>,
        %add3A_1583 = arith.constant 1729 : i32
        %add3A_1584 = arith.addi %add3A_1583, %mul3A_1406 : i32
        %add3A_1585 = arith.constant 126 : i32
        %add3A_1586 = arith.addi %add3A_1584, %add3A_1585 : i32
        %swap3A_1587 = arith.index_cast %add3A_1586 : i32 to index
        %swap3A_1588 = tpu.vector_load %arg10[%swap3A_1587] {strides = array<i32>} : memref<3457xf32, #tpu.memory_space<vmem>>, vector<16xf32>,
        tpu.vector_store %arg10[%swap3A_1587], %add3A_1578 {strides = array<i32>} : memref<3457xf32, #tpu.memory_space<vmem>>, vector<16xf32>,
      }
      %scan3A_1118 = arith.constant 12 : i32
      %add3A_1119 = arith.constant 3 : i32
      %add3A_1120 = arith.addi %add3A_1005, %add3A_1119 : i32
      %sub3A_1121 = arith.constant 16 : i32
      %sub3A_1122 = arith.subi %add3A_1120, %sub3A_1121 : i32
      %shift_right_arithmetic3A_1123 = arith.constant 5 : i32
      %shift_right_arithmetic3A_1124 = arith.shrsi %sub3A_1122, %shift_right_arithmetic3A_1123 : i32
      %jit3A_1125 = arith.constant 0 : i32
      %jit3A_1126 = arith.constant 15 : i32
      %max3A_1127 = arith.maxsi %jit3A_1125, %shift_right_arithmetic3A_1124 : i32
      %min3A_1128 = arith.minsi %jit3A_1126, %max3A_1127 : i32
      %add3A_1129 = arith.constant 1 : i32
      %add3A_1130 = arith.addi %shift_right_arithmetic3A_1124, %add3A_1129 : i32
      %jit3A_1131 = arith.constant 0 : i32
      %jit3A_1132 = arith.constant 15 : i32
      %max3A_1133 = arith.maxsi %jit3A_1131, %add3A_1130 : i32
      %min3A_1134 = arith.minsi %jit3A_1132, %max3A_1133 : i32
      %broadcast_in_dim3A_1135 = vector.broadcast %add3A_1120 : i32 to vector<16xi32>
      %convert_element_type3A_1136 = arith.sitofp %broadcast_in_dim3A_1135 : vector<16xi32> to vector<16xf32>
      %broadcast_in_dim3A_1137 = vector.broadcast %shift_right_arithmetic3A_1124 : i32 to vector<16xi32>
      %convert_element_type3A_1138 = arith.sitofp %broadcast_in_dim3A_1137 : vector<16xi32> to vector<16xf32>
      %add3A_1139 = arith.constant 5.000000e-01 : f32
      %add3A_1140 = vector.broadcast %add3A_1139 : f32 to vector<16xf32>
      %add3A_1141 = arith.addf %convert_element_type3A_1136, %add3A_1140 : vector<16xf32>
      %mul3A_1142 = arith.constant 3.125000e-02 : f32
      %mul3A_1143 = vector.broadcast %mul3A_1142 : f32 to vector<16xf32>
      %mul3A_1144 = arith.mulf %add3A_1141, %mul3A_1143 : vector<16xf32>
      %sub3A_1145 = arith.constant 5.000000e-01 : f32
      %sub3A_1146 = vector.broadcast %sub3A_1145 : f32 to vector<16xf32>
      %sub3A_1147 = arith.subf %mul3A_1144, %sub3A_1146 : vector<16xf32>
      %sub3A_1148 = arith.subf %sub3A_1147, %convert_element_type3A_1138 : vector<16xf32>
      %scan3A_1149 = arith.constant 0 : i32
      %scan3A_1150 = arith.constant 0 : i32
      %scan3A_1151 = arith.constant 12 : i32
      %scan3A_1152 = arith.addi %scan3A_1150, %scan3A_1151 : i32
      %scan3A_1153 = arith.constant 1 : i32
      scf.for %scan3A_1404 = %scan3A_1150 to %scan3A_1152 step %scan3A_1153  : i32 {
        %mul3A_1405 = arith.constant 144 : i32
        %mul3A_1406 = arith.muli %scan3A_1404, %mul3A_1405 : i32
        %mul3A_1407 = arith.constant 24576 : i32
        %mul3A_1408 = arith.muli %rem3A_173, %mul3A_1407 : i32
        %mul3A_1409 = arith.constant 2048 : i32
        %mul3A_1410 = arith.muli %scan3A_1404, %mul3A_1409 : i32
        %add3A_1411 = arith.addi %mul3A_1408, %mul3A_1410 : i32
        %mul3A_1412 = arith.constant 16 : i32
        %mul3A_1413 = arith.muli %min3A_1128, %mul3A_1412 : i32
        %add3A_1414 = arith.addi %add3A_1411, %mul3A_1413 : i32
        %mul3A_1415 = arith.constant 24576 : i32
        %mul3A_1416 = arith.muli %rem3A_173, %mul3A_1415 : i32
        %mul3A_1417 = arith.constant 2048 : i32
        %mul3A_1418 = arith.muli %scan3A_1404, %mul3A_1417 : i32
        %add3A_1419 = arith.addi %mul3A_1416, %mul3A_1418 : i32
        %mul3A_1420 = arith.constant 16 : i32
        %mul3A_1421 = arith.muli %min3A_1134, %mul3A_1420 : i32
        %add3A_1422 = arith.addi %add3A_1419, %mul3A_1421 : i32
        %add3A_1423 = arith.constant 0 : i32
        %add3A_1424 = arith.addi %add3A_1414, %add3A_1423 : i32
        %get3A = arith.index_cast %add3A_1424 : i32 to index
        %get3A_1425 = tpu.vector_load %arg9[%get3A] {strides = array<i32>} : memref<49152xf32, #tpu.memory_space<vmem>>, vector<16xf32>,
        %add3A_1426 = arith.constant 256 : i32
        %add3A_1427 = arith.addi %add3A_1414, %add3A_1426 : i32
        %get3A_1428 = arith.index_cast %add3A_1427 : i32 to index
        %get3A_1429 = tpu.vector_load %arg9[%get3A_1428] {strides = array<i32>} : memref<49152xf32, #tpu.memory_space<vmem>>, vector<16xf32>,
        %add3A_1430 = arith.constant 512 : i32
        %add3A_1431 = arith.addi %add3A_1414, %add3A_1430 : i32
        %get3A_1432 = arith.index_cast %add3A_1431 : i32 to index
        %get3A_1433 = tpu.vector_load %arg9[%get3A_1432] {strides = array<i32>} : memref<49152xf32, #tpu.memory_space<vmem>>, vector<16xf32>,
        %add3A_1434 = arith.constant 768 : i32
        %add3A_1435 = arith.addi %add3A_1414, %add3A_1434 : i32
        %get3A_1436 = arith.index_cast %add3A_1435 : i32 to index
        %get3A_1437 = tpu.vector_load %arg9[%get3A_1436] {strides = array<i32>} : memref<49152xf32, #tpu.memory_space<vmem>>, vector<16xf32>,
        %add3A_1438 = arith.constant 1024 : i32
        %add3A_1439 = arith.addi %add3A_1414, %add3A_1438 : i32
        %get3A_1440 = arith.index_cast %add3A_1439 : i32 to index
        %get3A_1441 = tpu.vector_load %arg9[%get3A_1440] {strides = array<i32>} : memref<49152xf32, #tpu.memory_space<vmem>>, vector<16xf32>,
        %add3A_1442 = arith.constant 1280 : i32
        %add3A_1443 = arith.addi %add3A_1414, %add3A_1442 : i32
        %get3A_1444 = arith.index_cast %add3A_1443 : i32 to index
        %get3A_1445 = tpu.vector_load %arg9[%get3A_1444] {strides = array<i32>} : memref<49152xf32, #tpu.memory_space<vmem>>, vector<16xf32>,
        %add3A_1446 = arith.constant 1536 : i32
        %add3A_1447 = arith.addi %add3A_1414, %add3A_1446 : i32
        %get3A_1448 = arith.index_cast %add3A_1447 : i32 to index
        %get3A_1449 = tpu.vector_load %arg9[%get3A_1448] {strides = array<i32>} : memref<49152xf32, #tpu.memory_space<vmem>>, vector<16xf32>,
        %add3A_1450 = arith.constant 1792 : i32
        %add3A_1451 = arith.addi %add3A_1414, %add3A_1450 : i32
        %get3A_1452 = arith.index_cast %add3A_1451 : i32 to index
        %get3A_1453 = tpu.vector_load %arg9[%get3A_1452] {strides = array<i32>} : memref<49152xf32, #tpu.memory_space<vmem>>, vector<16xf32>,
        %add3A_1454 = arith.constant 0 : i32
        %add3A_1455 = arith.addi %add3A_1422, %add3A_1454 : i32
        %get3A_1456 = arith.index_cast %add3A_1455 : i32 to index
        %get3A_1457 = tpu.vector_load %arg9[%get3A_1456] {strides = array<i32>} : memref<49152xf32, #tpu.memory_space<vmem>>, vector<16xf32>,
        %add3A_1458 = arith.constant 256 : i32
        %add3A_1459 = arith.addi %add3A_1422, %add3A_1458 : i32
        %get3A_1460 = arith.index_cast %add3A_1459 : i32 to index
        %get3A_1461 = tpu.vector_load %arg9[%get3A_1460] {strides = array<i32>} : memref<49152xf32, #tpu.memory_space<vmem>>, vector<16xf32>,
        %add3A_1462 = arith.constant 512 : i32
        %add3A_1463 = arith.addi %add3A_1422, %add3A_1462 : i32
        %get3A_1464 = arith.index_cast %add3A_1463 : i32 to index
        %get3A_1465 = tpu.vector_load %arg9[%get3A_1464] {strides = array<i32>} : memref<49152xf32, #tpu.memory_space<vmem>>, vector<16xf32>,
        %add3A_1466 = arith.constant 768 : i32
        %add3A_1467 = arith.addi %add3A_1422, %add3A_1466 : i32
        %get3A_1468 = arith.index_cast %add3A_1467 : i32 to index
        %get3A_1469 = tpu.vector_load %arg9[%get3A_1468] {strides = array<i32>} : memref<49152xf32, #tpu.memory_space<vmem>>, vector<16xf32>,
        %add3A_1470 = arith.constant 1024 : i32
        %add3A_1471 = arith.addi %add3A_1422, %add3A_1470 : i32
        %get3A_1472 = arith.index_cast %add3A_1471 : i32 to index
        %get3A_1473 = tpu.vector_load %arg9[%get3A_1472] {strides = array<i32>} : memref<49152xf32, #tpu.memory_space<vmem>>, vector<16xf32>,
        %add3A_1474 = arith.constant 1280 : i32
        %add3A_1475 = arith.addi %add3A_1422, %add3A_1474 : i32
        %get3A_1476 = arith.index_cast %add3A_1475 : i32 to index
        %get3A_1477 = tpu.vector_load %arg9[%get3A_1476] {strides = array<i32>} : memref<49152xf32, #tpu.memory_space<vmem>>, vector<16xf32>,
        %add3A_1478 = arith.constant 1536 : i32
        %add3A_1479 = arith.addi %add3A_1422, %add3A_1478 : i32
        %get3A_1480 = arith.index_cast %add3A_1479 : i32 to index
        %get3A_1481 = tpu.vector_load %arg9[%get3A_1480] {strides = array<i32>} : memref<49152xf32, #tpu.memory_space<vmem>>, vector<16xf32>,
        %add3A_1482 = arith.constant 1792 : i32
        %add3A_1483 = arith.addi %add3A_1422, %add3A_1482 : i32
        %get3A_1484 = arith.index_cast %add3A_1483 : i32 to index
        %get3A_1485 = tpu.vector_load %arg9[%get3A_1484] {strides = array<i32>} : memref<49152xf32, #tpu.memory_space<vmem>>, vector<16xf32>,
        %sub3A_1486 = arith.subf %get3A_1457, %get3A_1425 : vector<16xf32>
        %mul3A_1487 = arith.mulf %sub3A_1148, %sub3A_1486 : vector<16xf32>
        %add3A_1488 = arith.addf %get3A_1425, %mul3A_1487 : vector<16xf32>
        %add3A_1489 = arith.constant 0 : i32
        %add3A_1490 = arith.addi %mul3A_1406, %add3A_1489 : i32
        %swap3A = arith.index_cast %add3A_1490 : i32 to index
        %swap3A_1491 = tpu.vector_load %arg10[%swap3A] {strides = array<i32>} : memref<3457xf32, #tpu.memory_space<vmem>>, vector<16xf32>,
        tpu.vector_store %arg10[%swap3A], %add3A_1488 {strides = array<i32>} : memref<3457xf32, #tpu.memory_space<vmem>>, vector<16xf32>,
        %add3A_1492 = arith.constant 1729 : i32
        %add3A_1493 = arith.addi %add3A_1492, %mul3A_1406 : i32
        %add3A_1494 = arith.constant 0 : i32
        %add3A_1495 = arith.addi %add3A_1493, %add3A_1494 : i32
        %swap3A_1496 = arith.index_cast %add3A_1495 : i32 to index
        %swap3A_1497 = tpu.vector_load %arg10[%swap3A_1496] {strides = array<i32>} : memref<3457xf32, #tpu.memory_space<vmem>>, vector<16xf32>,
        tpu.vector_store %arg10[%swap3A_1496], %add3A_1488 {strides = array<i32>} : memref<3457xf32, #tpu.memory_space<vmem>>, vector<16xf32>,
        %sub3A_1498 = arith.subf %get3A_1461, %get3A_1429 : vector<16xf32>
        %mul3A_1499 = arith.mulf %sub3A_1148, %sub3A_1498 : vector<16xf32>
        %add3A_1500 = arith.addf %get3A_1429, %mul3A_1499 : vector<16xf32>
        %add3A_1501 = arith.constant 18 : i32
        %add3A_1502 = arith.addi %mul3A_1406, %add3A_1501 : i32
        %swap3A_1503 = arith.index_cast %add3A_1502 : i32 to index
        %swap3A_1504 = tpu.vector_load %arg10[%swap3A_1503] {strides = array<i32>} : memref<3457xf32, #tpu.memory_space<vmem>>, vector<16xf32>,
        tpu.vector_store %arg10[%swap3A_1503], %add3A_1500 {strides = array<i32>} : memref<3457xf32, #tpu.memory_space<vmem>>, vector<16xf32>,
        %add3A_1505 = arith.constant 1729 : i32
        %add3A_1506 = arith.addi %add3A_1505, %mul3A_1406 : i32
        %add3A_1507 = arith.constant 18 : i32
        %add3A_1508 = arith.addi %add3A_1506, %add3A_1507 : i32
        %swap3A_1509 = arith.index_cast %add3A_1508 : i32 to index
        %swap3A_1510 = tpu.vector_load %arg10[%swap3A_1509] {strides = array<i32>} : memref<3457xf32, #tpu.memory_space<vmem>>, vector<16xf32>,
        tpu.vector_store %arg10[%swap3A_1509], %add3A_1500 {strides = array<i32>} : memref<3457xf32, #tpu.memory_space<vmem>>, vector<16xf32>,
        %sub3A_1511 = arith.subf %get3A_1465, %get3A_1433 : vector<16xf32>
        %mul3A_1512 = arith.mulf %sub3A_1148, %sub3A_1511 : vector<16xf32>
        %add3A_1513 = arith.addf %get3A_1433, %mul3A_1512 : vector<16xf32>
        %add3A_1514 = arith.constant 36 : i32
        %add3A_1515 = arith.addi %mul3A_1406, %add3A_1514 : i32
        %swap3A_1516 = arith.index_cast %add3A_1515 : i32 to index
        %swap3A_1517 = tpu.vector_load %arg10[%swap3A_1516] {strides = array<i32>} : memref<3457xf32, #tpu.memory_space<vmem>>, vector<16xf32>,
        tpu.vector_store %arg10[%swap3A_1516], %add3A_1513 {strides = array<i32>} : memref<3457xf32, #tpu.memory_space<vmem>>, vector<16xf32>,
        %add3A_1518 = arith.constant 1729 : i32
        %add3A_1519 = arith.addi %add3A_1518, %mul3A_1406 : i32
        %add3A_1520 = arith.constant 36 : i32
        %add3A_1521 = arith.addi %add3A_1519, %add3A_1520 : i32
        %swap3A_1522 = arith.index_cast %add3A_1521 : i32 to index
        %swap3A_1523 = tpu.vector_load %arg10[%swap3A_1522] {strides = array<i32>} : memref<3457xf32, #tpu.memory_space<vmem>>, vector<16xf32>,
        tpu.vector_store %arg10[%swap3A_1522], %add3A_1513 {strides = array<i32>} : memref<3457xf32, #tpu.memory_space<vmem>>, vector<16xf32>,
        %sub3A_1524 = arith.subf %get3A_1469, %get3A_1437 : vector<16xf32>
        %mul3A_1525 = arith.mulf %sub3A_1148, %sub3A_1524 : vector<16xf32>
        %add3A_1526 = arith.addf %get3A_1437, %mul3A_1525 : vector<16xf32>
        %add3A_1527 = arith.constant 54 : i32
        %add3A_1528 = arith.addi %mul3A_1406, %add3A_1527 : i32
        %swap3A_1529 = arith.index_cast %add3A_1528 : i32 to index
        %swap3A_1530 = tpu.vector_load %arg10[%swap3A_1529] {strides = array<i32>} : memref<3457xf32, #tpu.memory_space<vmem>>, vector<16xf32>,
        tpu.vector_store %arg10[%swap3A_1529], %add3A_1526 {strides = array<i32>} : memref<3457xf32, #tpu.memory_space<vmem>>, vector<16xf32>,
        %add3A_1531 = arith.constant 1729 : i32
        %add3A_1532 = arith.addi %add3A_1531, %mul3A_1406 : i32
        %add3A_1533 = arith.constant 54 : i32
        %add3A_1534 = arith.addi %add3A_1532, %add3A_1533 : i32
        %swap3A_1535 = arith.index_cast %add3A_1534 : i32 to index
        %swap3A_1536 = tpu.vector_load %arg10[%swap3A_1535] {strides = array<i32>} : memref<3457xf32, #tpu.memory_space<vmem>>, vector<16xf32>,
        tpu.vector_store %arg10[%swap3A_1535], %add3A_1526 {strides = array<i32>} : memref<3457xf32, #tpu.memory_space<vmem>>, vector<16xf32>,
        %sub3A_1537 = arith.subf %get3A_1473, %get3A_1441 : vector<16xf32>
        %mul3A_1538 = arith.mulf %sub3A_1148, %sub3A_1537 : vector<16xf32>
        %add3A_1539 = arith.addf %get3A_1441, %mul3A_1538 : vector<16xf32>
        %add3A_1540 = arith.constant 72 : i32
        %add3A_1541 = arith.addi %mul3A_1406, %add3A_1540 : i32
        %swap3A_1542 = arith.index_cast %add3A_1541 : i32 to index
        %swap3A_1543 = tpu.vector_load %arg10[%swap3A_1542] {strides = array<i32>} : memref<3457xf32, #tpu.memory_space<vmem>>, vector<16xf32>,
        tpu.vector_store %arg10[%swap3A_1542], %add3A_1539 {strides = array<i32>} : memref<3457xf32, #tpu.memory_space<vmem>>, vector<16xf32>,
        %add3A_1544 = arith.constant 1729 : i32
        %add3A_1545 = arith.addi %add3A_1544, %mul3A_1406 : i32
        %add3A_1546 = arith.constant 72 : i32
        %add3A_1547 = arith.addi %add3A_1545, %add3A_1546 : i32
        %swap3A_1548 = arith.index_cast %add3A_1547 : i32 to index
        %swap3A_1549 = tpu.vector_load %arg10[%swap3A_1548] {strides = array<i32>} : memref<3457xf32, #tpu.memory_space<vmem>>, vector<16xf32>,
        tpu.vector_store %arg10[%swap3A_1548], %add3A_1539 {strides = array<i32>} : memref<3457xf32, #tpu.memory_space<vmem>>, vector<16xf32>,
        %sub3A_1550 = arith.subf %get3A_1477, %get3A_1445 : vector<16xf32>
        %mul3A_1551 = arith.mulf %sub3A_1148, %sub3A_1550 : vector<16xf32>
        %add3A_1552 = arith.addf %get3A_1445, %mul3A_1551 : vector<16xf32>
        %add3A_1553 = arith.constant 90 : i32
        %add3A_1554 = arith.addi %mul3A_1406, %add3A_1553 : i32
        %swap3A_1555 = arith.index_cast %add3A_1554 : i32 to index
        %swap3A_1556 = tpu.vector_load %arg10[%swap3A_1555] {strides = array<i32>} : memref<3457xf32, #tpu.memory_space<vmem>>, vector<16xf32>,
        tpu.vector_store %arg10[%swap3A_1555], %add3A_1552 {strides = array<i32>} : memref<3457xf32, #tpu.memory_space<vmem>>, vector<16xf32>,
        %add3A_1557 = arith.constant 1729 : i32
        %add3A_1558 = arith.addi %add3A_1557, %mul3A_1406 : i32
        %add3A_1559 = arith.constant 90 : i32
        %add3A_1560 = arith.addi %add3A_1558, %add3A_1559 : i32
        %swap3A_1561 = arith.index_cast %add3A_1560 : i32 to index
        %swap3A_1562 = tpu.vector_load %arg10[%swap3A_1561] {strides = array<i32>} : memref<3457xf32, #tpu.memory_space<vmem>>, vector<16xf32>,
        tpu.vector_store %arg10[%swap3A_1561], %add3A_1552 {strides = array<i32>} : memref<3457xf32, #tpu.memory_space<vmem>>, vector<16xf32>,
        %sub3A_1563 = arith.subf %get3A_1481, %get3A_1449 : vector<16xf32>
        %mul3A_1564 = arith.mulf %sub3A_1148, %sub3A_1563 : vector<16xf32>
        %add3A_1565 = arith.addf %get3A_1449, %mul3A_1564 : vector<16xf32>
        %add3A_1566 = arith.constant 108 : i32
        %add3A_1567 = arith.addi %mul3A_1406, %add3A_1566 : i32
        %swap3A_1568 = arith.index_cast %add3A_1567 : i32 to index
        %swap3A_1569 = tpu.vector_load %arg10[%swap3A_1568] {strides = array<i32>} : memref<3457xf32, #tpu.memory_space<vmem>>, vector<16xf32>,
        tpu.vector_store %arg10[%swap3A_1568], %add3A_1565 {strides = array<i32>} : memref<3457xf32, #tpu.memory_space<vmem>>, vector<16xf32>,
        %add3A_1570 = arith.constant 1729 : i32
        %add3A_1571 = arith.addi %add3A_1570, %mul3A_1406 : i32
        %add3A_1572 = arith.constant 108 : i32
        %add3A_1573 = arith.addi %add3A_1571, %add3A_1572 : i32
        %swap3A_1574 = arith.index_cast %add3A_1573 : i32 to index
        %swap3A_1575 = tpu.vector_load %arg10[%swap3A_1574] {strides = array<i32>} : memref<3457xf32, #tpu.memory_space<vmem>>, vector<16xf32>,
        tpu.vector_store %arg10[%swap3A_1574], %add3A_1565 {strides = array<i32>} : memref<3457xf32, #tpu.memory_space<vmem>>, vector<16xf32>,
        %sub3A_1576 = arith.subf %get3A_1485, %get3A_1453 : vector<16xf32>
        %mul3A_1577 = arith.mulf %sub3A_1148, %sub3A_1576 : vector<16xf32>
        %add3A_1578 = arith.addf %get3A_1453, %mul3A_1577 : vector<16xf32>
        %add3A_1579 = arith.constant 126 : i32
        %add3A_1580 = arith.addi %mul3A_1406, %add3A_1579 : i32
        %swap3A_1581 = arith.index_cast %add3A_1580 : i32 to index
        %swap3A_1582 = tpu.vector_load %arg10[%swap3A_1581] {strides = array<i32>} : memref<3457xf32, #tpu.memory_space<vmem>>, vector<16xf32>,
        tpu.vector_store %arg10[%swap3A_1581], %add3A_1578 {strides = array<i32>} : memref<3457xf32, #tpu.memory_space<vmem>>, vector<16xf32>,
        %add3A_1583 = arith.constant 1729 : i32
        %add3A_1584 = arith.addi %add3A_1583, %mul3A_1406 : i32
        %add3A_1585 = arith.constant 126 : i32
        %add3A_1586 = arith.addi %add3A_1584, %add3A_1585 : i32
        %swap3A_1587 = arith.index_cast %add3A_1586 : i32 to index
        %swap3A_1588 = tpu.vector_load %arg10[%swap3A_1587] {strides = array<i32>} : memref<3457xf32, #tpu.memory_space<vmem>>, vector<16xf32>,
        tpu.vector_store %arg10[%swap3A_1587], %add3A_1578 {strides = array<i32>} : memref<3457xf32, #tpu.memory_space<vmem>>, vector<16xf32>,
      }
      %scan3A_1154 = arith.constant 12 : i32
      %add3A_1155 = arith.constant 4 : i32
      %add3A_1156 = arith.addi %add3A_1005, %add3A_1155 : i32
      %sub3A_1157 = arith.constant 16 : i32
      %sub3A_1158 = arith.subi %add3A_1156, %sub3A_1157 : i32
      %shift_right_arithmetic3A_1159 = arith.constant 5 : i32
      %shift_right_arithmetic3A_1160 = arith.shrsi %sub3A_1158, %shift_right_arithmetic3A_1159 : i32
      %jit3A_1161 = arith.constant 0 : i32
      %jit3A_1162 = arith.constant 15 : i32
      %max3A_1163 = arith.maxsi %jit3A_1161, %shift_right_arithmetic3A_1160 : i32
      %min3A_1164 = arith.minsi %jit3A_1162, %max3A_1163 : i32
      %add3A_1165 = arith.constant 1 : i32
      %add3A_1166 = arith.addi %shift_right_arithmetic3A_1160, %add3A_1165 : i32
      %jit3A_1167 = arith.constant 0 : i32
      %jit3A_1168 = arith.constant 15 : i32
      %max3A_1169 = arith.maxsi %jit3A_1167, %add3A_1166 : i32
      %min3A_1170 = arith.minsi %jit3A_1168, %max3A_1169 : i32
      %broadcast_in_dim3A_1171 = vector.broadcast %add3A_1156 : i32 to vector<16xi32>
      %convert_element_type3A_1172 = arith.sitofp %broadcast_in_dim3A_1171 : vector<16xi32> to vector<16xf32>
      %broadcast_in_dim3A_1173 = vector.broadcast %shift_right_arithmetic3A_1160 : i32 to vector<16xi32>
      %convert_element_type3A_1174 = arith.sitofp %broadcast_in_dim3A_1173 : vector<16xi32> to vector<16xf32>
      %add3A_1175 = arith.constant 5.000000e-01 : f32
      %add3A_1176 = vector.broadcast %add3A_1175 : f32 to vector<16xf32>
      %add3A_1177 = arith.addf %convert_element_type3A_1172, %add3A_1176 : vector<16xf32>
      %mul3A_1178 = arith.constant 3.125000e-02 : f32
      %mul3A_1179 = vector.broadcast %mul3A_1178 : f32 to vector<16xf32>
      %mul3A_1180 = arith.mulf %add3A_1177, %mul3A_1179 : vector<16xf32>
      %sub3A_1181 = arith.constant 5.000000e-01 : f32
      %sub3A_1182 = vector.broadcast %sub3A_1181 : f32 to vector<16xf32>
      %sub3A_1183 = arith.subf %mul3A_1180, %sub3A_1182 : vector<16xf32>
      %sub3A_1184 = arith.subf %sub3A_1183, %convert_element_type3A_1174 : vector<16xf32>
      %scan3A_1185 = arith.constant 0 : i32
      %scan3A_1186 = arith.constant 0 : i32
      %scan3A_1187 = arith.constant 12 : i32
      %scan3A_1188 = arith.addi %scan3A_1186, %scan3A_1187 : i32
      %scan3A_1189 = arith.constant 1 : i32
      scf.for %scan3A_1404 = %scan3A_1186 to %scan3A_1188 step %scan3A_1189  : i32 {
        %mul3A_1405 = arith.constant 144 : i32
        %mul3A_1406 = arith.muli %scan3A_1404, %mul3A_1405 : i32
        %mul3A_1407 = arith.constant 24576 : i32
        %mul3A_1408 = arith.muli %rem3A_173, %mul3A_1407 : i32
        %mul3A_1409 = arith.constant 2048 : i32
        %mul3A_1410 = arith.muli %scan3A_1404, %mul3A_1409 : i32
        %add3A_1411 = arith.addi %mul3A_1408, %mul3A_1410 : i32
        %mul3A_1412 = arith.constant 16 : i32
        %mul3A_1413 = arith.muli %min3A_1164, %mul3A_1412 : i32
        %add3A_1414 = arith.addi %add3A_1411, %mul3A_1413 : i32
        %mul3A_1415 = arith.constant 24576 : i32
        %mul3A_1416 = arith.muli %rem3A_173, %mul3A_1415 : i32
        %mul3A_1417 = arith.constant 2048 : i32
        %mul3A_1418 = arith.muli %scan3A_1404, %mul3A_1417 : i32
        %add3A_1419 = arith.addi %mul3A_1416, %mul3A_1418 : i32
        %mul3A_1420 = arith.constant 16 : i32
        %mul3A_1421 = arith.muli %min3A_1170, %mul3A_1420 : i32
        %add3A_1422 = arith.addi %add3A_1419, %mul3A_1421 : i32
        %add3A_1423 = arith.constant 0 : i32
        %add3A_1424 = arith.addi %add3A_1414, %add3A_1423 : i32
        %get3A = arith.index_cast %add3A_1424 : i32 to index
        %get3A_1425 = tpu.vector_load %arg9[%get3A] {strides = array<i32>} : memref<49152xf32, #tpu.memory_space<vmem>>, vector<16xf32>,
        %add3A_1426 = arith.constant 256 : i32
        %add3A_1427 = arith.addi %add3A_1414, %add3A_1426 : i32
        %get3A_1428 = arith.index_cast %add3A_1427 : i32 to index
        %get3A_1429 = tpu.vector_load %arg9[%get3A_1428] {strides = array<i32>} : memref<49152xf32, #tpu.memory_space<vmem>>, vector<16xf32>,
        %add3A_1430 = arith.constant 512 : i32
        %add3A_1431 = arith.addi %add3A_1414, %add3A_1430 : i32
        %get3A_1432 = arith.index_cast %add3A_1431 : i32 to index
        %get3A_1433 = tpu.vector_load %arg9[%get3A_1432] {strides = array<i32>} : memref<49152xf32, #tpu.memory_space<vmem>>, vector<16xf32>,
        %add3A_1434 = arith.constant 768 : i32
        %add3A_1435 = arith.addi %add3A_1414, %add3A_1434 : i32
        %get3A_1436 = arith.index_cast %add3A_1435 : i32 to index
        %get3A_1437 = tpu.vector_load %arg9[%get3A_1436] {strides = array<i32>} : memref<49152xf32, #tpu.memory_space<vmem>>, vector<16xf32>,
        %add3A_1438 = arith.constant 1024 : i32
        %add3A_1439 = arith.addi %add3A_1414, %add3A_1438 : i32
        %get3A_1440 = arith.index_cast %add3A_1439 : i32 to index
        %get3A_1441 = tpu.vector_load %arg9[%get3A_1440] {strides = array<i32>} : memref<49152xf32, #tpu.memory_space<vmem>>, vector<16xf32>,
        %add3A_1442 = arith.constant 1280 : i32
        %add3A_1443 = arith.addi %add3A_1414, %add3A_1442 : i32
        %get3A_1444 = arith.index_cast %add3A_1443 : i32 to index
        %get3A_1445 = tpu.vector_load %arg9[%get3A_1444] {strides = array<i32>} : memref<49152xf32, #tpu.memory_space<vmem>>, vector<16xf32>,
        %add3A_1446 = arith.constant 1536 : i32
        %add3A_1447 = arith.addi %add3A_1414, %add3A_1446 : i32
        %get3A_1448 = arith.index_cast %add3A_1447 : i32 to index
        %get3A_1449 = tpu.vector_load %arg9[%get3A_1448] {strides = array<i32>} : memref<49152xf32, #tpu.memory_space<vmem>>, vector<16xf32>,
        %add3A_1450 = arith.constant 1792 : i32
        %add3A_1451 = arith.addi %add3A_1414, %add3A_1450 : i32
        %get3A_1452 = arith.index_cast %add3A_1451 : i32 to index
        %get3A_1453 = tpu.vector_load %arg9[%get3A_1452] {strides = array<i32>} : memref<49152xf32, #tpu.memory_space<vmem>>, vector<16xf32>,
        %add3A_1454 = arith.constant 0 : i32
        %add3A_1455 = arith.addi %add3A_1422, %add3A_1454 : i32
        %get3A_1456 = arith.index_cast %add3A_1455 : i32 to index
        %get3A_1457 = tpu.vector_load %arg9[%get3A_1456] {strides = array<i32>} : memref<49152xf32, #tpu.memory_space<vmem>>, vector<16xf32>,
        %add3A_1458 = arith.constant 256 : i32
        %add3A_1459 = arith.addi %add3A_1422, %add3A_1458 : i32
        %get3A_1460 = arith.index_cast %add3A_1459 : i32 to index
        %get3A_1461 = tpu.vector_load %arg9[%get3A_1460] {strides = array<i32>} : memref<49152xf32, #tpu.memory_space<vmem>>, vector<16xf32>,
        %add3A_1462 = arith.constant 512 : i32
        %add3A_1463 = arith.addi %add3A_1422, %add3A_1462 : i32
        %get3A_1464 = arith.index_cast %add3A_1463 : i32 to index
        %get3A_1465 = tpu.vector_load %arg9[%get3A_1464] {strides = array<i32>} : memref<49152xf32, #tpu.memory_space<vmem>>, vector<16xf32>,
        %add3A_1466 = arith.constant 768 : i32
        %add3A_1467 = arith.addi %add3A_1422, %add3A_1466 : i32
        %get3A_1468 = arith.index_cast %add3A_1467 : i32 to index
        %get3A_1469 = tpu.vector_load %arg9[%get3A_1468] {strides = array<i32>} : memref<49152xf32, #tpu.memory_space<vmem>>, vector<16xf32>,
        %add3A_1470 = arith.constant 1024 : i32
        %add3A_1471 = arith.addi %add3A_1422, %add3A_1470 : i32
        %get3A_1472 = arith.index_cast %add3A_1471 : i32 to index
        %get3A_1473 = tpu.vector_load %arg9[%get3A_1472] {strides = array<i32>} : memref<49152xf32, #tpu.memory_space<vmem>>, vector<16xf32>,
        %add3A_1474 = arith.constant 1280 : i32
        %add3A_1475 = arith.addi %add3A_1422, %add3A_1474 : i32
        %get3A_1476 = arith.index_cast %add3A_1475 : i32 to index
        %get3A_1477 = tpu.vector_load %arg9[%get3A_1476] {strides = array<i32>} : memref<49152xf32, #tpu.memory_space<vmem>>, vector<16xf32>,
        %add3A_1478 = arith.constant 1536 : i32
        %add3A_1479 = arith.addi %add3A_1422, %add3A_1478 : i32
        %get3A_1480 = arith.index_cast %add3A_1479 : i32 to index
        %get3A_1481 = tpu.vector_load %arg9[%get3A_1480] {strides = array<i32>} : memref<49152xf32, #tpu.memory_space<vmem>>, vector<16xf32>,
        %add3A_1482 = arith.constant 1792 : i32
        %add3A_1483 = arith.addi %add3A_1422, %add3A_1482 : i32
        %get3A_1484 = arith.index_cast %add3A_1483 : i32 to index
        %get3A_1485 = tpu.vector_load %arg9[%get3A_1484] {strides = array<i32>} : memref<49152xf32, #tpu.memory_space<vmem>>, vector<16xf32>,
        %sub3A_1486 = arith.subf %get3A_1457, %get3A_1425 : vector<16xf32>
        %mul3A_1487 = arith.mulf %sub3A_1184, %sub3A_1486 : vector<16xf32>
        %add3A_1488 = arith.addf %get3A_1425, %mul3A_1487 : vector<16xf32>
        %add3A_1489 = arith.constant 0 : i32
        %add3A_1490 = arith.addi %mul3A_1406, %add3A_1489 : i32
        %swap3A = arith.index_cast %add3A_1490 : i32 to index
        %swap3A_1491 = tpu.vector_load %arg10[%swap3A] {strides = array<i32>} : memref<3457xf32, #tpu.memory_space<vmem>>, vector<16xf32>,
        tpu.vector_store %arg10[%swap3A], %add3A_1488 {strides = array<i32>} : memref<3457xf32, #tpu.memory_space<vmem>>, vector<16xf32>,
        %add3A_1492 = arith.constant 1729 : i32
        %add3A_1493 = arith.addi %add3A_1492, %mul3A_1406 : i32
        %add3A_1494 = arith.constant 0 : i32
        %add3A_1495 = arith.addi %add3A_1493, %add3A_1494 : i32
        %swap3A_1496 = arith.index_cast %add3A_1495 : i32 to index
        %swap3A_1497 = tpu.vector_load %arg10[%swap3A_1496] {strides = array<i32>} : memref<3457xf32, #tpu.memory_space<vmem>>, vector<16xf32>,
        tpu.vector_store %arg10[%swap3A_1496], %add3A_1488 {strides = array<i32>} : memref<3457xf32, #tpu.memory_space<vmem>>, vector<16xf32>,
        %sub3A_1498 = arith.subf %get3A_1461, %get3A_1429 : vector<16xf32>
        %mul3A_1499 = arith.mulf %sub3A_1184, %sub3A_1498 : vector<16xf32>
        %add3A_1500 = arith.addf %get3A_1429, %mul3A_1499 : vector<16xf32>
        %add3A_1501 = arith.constant 18 : i32
        %add3A_1502 = arith.addi %mul3A_1406, %add3A_1501 : i32
        %swap3A_1503 = arith.index_cast %add3A_1502 : i32 to index
        %swap3A_1504 = tpu.vector_load %arg10[%swap3A_1503] {strides = array<i32>} : memref<3457xf32, #tpu.memory_space<vmem>>, vector<16xf32>,
        tpu.vector_store %arg10[%swap3A_1503], %add3A_1500 {strides = array<i32>} : memref<3457xf32, #tpu.memory_space<vmem>>, vector<16xf32>,
        %add3A_1505 = arith.constant 1729 : i32
        %add3A_1506 = arith.addi %add3A_1505, %mul3A_1406 : i32
        %add3A_1507 = arith.constant 18 : i32
        %add3A_1508 = arith.addi %add3A_1506, %add3A_1507 : i32
        %swap3A_1509 = arith.index_cast %add3A_1508 : i32 to index
        %swap3A_1510 = tpu.vector_load %arg10[%swap3A_1509] {strides = array<i32>} : memref<3457xf32, #tpu.memory_space<vmem>>, vector<16xf32>,
        tpu.vector_store %arg10[%swap3A_1509], %add3A_1500 {strides = array<i32>} : memref<3457xf32, #tpu.memory_space<vmem>>, vector<16xf32>,
        %sub3A_1511 = arith.subf %get3A_1465, %get3A_1433 : vector<16xf32>
        %mul3A_1512 = arith.mulf %sub3A_1184, %sub3A_1511 : vector<16xf32>
        %add3A_1513 = arith.addf %get3A_1433, %mul3A_1512 : vector<16xf32>
        %add3A_1514 = arith.constant 36 : i32
        %add3A_1515 = arith.addi %mul3A_1406, %add3A_1514 : i32
        %swap3A_1516 = arith.index_cast %add3A_1515 : i32 to index
        %swap3A_1517 = tpu.vector_load %arg10[%swap3A_1516] {strides = array<i32>} : memref<3457xf32, #tpu.memory_space<vmem>>, vector<16xf32>,
        tpu.vector_store %arg10[%swap3A_1516], %add3A_1513 {strides = array<i32>} : memref<3457xf32, #tpu.memory_space<vmem>>, vector<16xf32>,
        %add3A_1518 = arith.constant 1729 : i32
        %add3A_1519 = arith.addi %add3A_1518, %mul3A_1406 : i32
        %add3A_1520 = arith.constant 36 : i32
        %add3A_1521 = arith.addi %add3A_1519, %add3A_1520 : i32
        %swap3A_1522 = arith.index_cast %add3A_1521 : i32 to index
        %swap3A_1523 = tpu.vector_load %arg10[%swap3A_1522] {strides = array<i32>} : memref<3457xf32, #tpu.memory_space<vmem>>, vector<16xf32>,
        tpu.vector_store %arg10[%swap3A_1522], %add3A_1513 {strides = array<i32>} : memref<3457xf32, #tpu.memory_space<vmem>>, vector<16xf32>,
        %sub3A_1524 = arith.subf %get3A_1469, %get3A_1437 : vector<16xf32>
        %mul3A_1525 = arith.mulf %sub3A_1184, %sub3A_1524 : vector<16xf32>
        %add3A_1526 = arith.addf %get3A_1437, %mul3A_1525 : vector<16xf32>
        %add3A_1527 = arith.constant 54 : i32
        %add3A_1528 = arith.addi %mul3A_1406, %add3A_1527 : i32
        %swap3A_1529 = arith.index_cast %add3A_1528 : i32 to index
        %swap3A_1530 = tpu.vector_load %arg10[%swap3A_1529] {strides = array<i32>} : memref<3457xf32, #tpu.memory_space<vmem>>, vector<16xf32>,
        tpu.vector_store %arg10[%swap3A_1529], %add3A_1526 {strides = array<i32>} : memref<3457xf32, #tpu.memory_space<vmem>>, vector<16xf32>,
        %add3A_1531 = arith.constant 1729 : i32
        %add3A_1532 = arith.addi %add3A_1531, %mul3A_1406 : i32
        %add3A_1533 = arith.constant 54 : i32
        %add3A_1534 = arith.addi %add3A_1532, %add3A_1533 : i32
        %swap3A_1535 = arith.index_cast %add3A_1534 : i32 to index
        %swap3A_1536 = tpu.vector_load %arg10[%swap3A_1535] {strides = array<i32>} : memref<3457xf32, #tpu.memory_space<vmem>>, vector<16xf32>,
        tpu.vector_store %arg10[%swap3A_1535], %add3A_1526 {strides = array<i32>} : memref<3457xf32, #tpu.memory_space<vmem>>, vector<16xf32>,
        %sub3A_1537 = arith.subf %get3A_1473, %get3A_1441 : vector<16xf32>
        %mul3A_1538 = arith.mulf %sub3A_1184, %sub3A_1537 : vector<16xf32>
        %add3A_1539 = arith.addf %get3A_1441, %mul3A_1538 : vector<16xf32>
        %add3A_1540 = arith.constant 72 : i32
        %add3A_1541 = arith.addi %mul3A_1406, %add3A_1540 : i32
        %swap3A_1542 = arith.index_cast %add3A_1541 : i32 to index
        %swap3A_1543 = tpu.vector_load %arg10[%swap3A_1542] {strides = array<i32>} : memref<3457xf32, #tpu.memory_space<vmem>>, vector<16xf32>,
        tpu.vector_store %arg10[%swap3A_1542], %add3A_1539 {strides = array<i32>} : memref<3457xf32, #tpu.memory_space<vmem>>, vector<16xf32>,
        %add3A_1544 = arith.constant 1729 : i32
        %add3A_1545 = arith.addi %add3A_1544, %mul3A_1406 : i32
        %add3A_1546 = arith.constant 72 : i32
        %add3A_1547 = arith.addi %add3A_1545, %add3A_1546 : i32
        %swap3A_1548 = arith.index_cast %add3A_1547 : i32 to index
        %swap3A_1549 = tpu.vector_load %arg10[%swap3A_1548] {strides = array<i32>} : memref<3457xf32, #tpu.memory_space<vmem>>, vector<16xf32>,
        tpu.vector_store %arg10[%swap3A_1548], %add3A_1539 {strides = array<i32>} : memref<3457xf32, #tpu.memory_space<vmem>>, vector<16xf32>,
        %sub3A_1550 = arith.subf %get3A_1477, %get3A_1445 : vector<16xf32>
        %mul3A_1551 = arith.mulf %sub3A_1184, %sub3A_1550 : vector<16xf32>
        %add3A_1552 = arith.addf %get3A_1445, %mul3A_1551 : vector<16xf32>
        %add3A_1553 = arith.constant 90 : i32
        %add3A_1554 = arith.addi %mul3A_1406, %add3A_1553 : i32
        %swap3A_1555 = arith.index_cast %add3A_1554 : i32 to index
        %swap3A_1556 = tpu.vector_load %arg10[%swap3A_1555] {strides = array<i32>} : memref<3457xf32, #tpu.memory_space<vmem>>, vector<16xf32>,
        tpu.vector_store %arg10[%swap3A_1555], %add3A_1552 {strides = array<i32>} : memref<3457xf32, #tpu.memory_space<vmem>>, vector<16xf32>,
        %add3A_1557 = arith.constant 1729 : i32
        %add3A_1558 = arith.addi %add3A_1557, %mul3A_1406 : i32
        %add3A_1559 = arith.constant 90 : i32
        %add3A_1560 = arith.addi %add3A_1558, %add3A_1559 : i32
        %swap3A_1561 = arith.index_cast %add3A_1560 : i32 to index
        %swap3A_1562 = tpu.vector_load %arg10[%swap3A_1561] {strides = array<i32>} : memref<3457xf32, #tpu.memory_space<vmem>>, vector<16xf32>,
        tpu.vector_store %arg10[%swap3A_1561], %add3A_1552 {strides = array<i32>} : memref<3457xf32, #tpu.memory_space<vmem>>, vector<16xf32>,
        %sub3A_1563 = arith.subf %get3A_1481, %get3A_1449 : vector<16xf32>
        %mul3A_1564 = arith.mulf %sub3A_1184, %sub3A_1563 : vector<16xf32>
        %add3A_1565 = arith.addf %get3A_1449, %mul3A_1564 : vector<16xf32>
        %add3A_1566 = arith.constant 108 : i32
        %add3A_1567 = arith.addi %mul3A_1406, %add3A_1566 : i32
        %swap3A_1568 = arith.index_cast %add3A_1567 : i32 to index
        %swap3A_1569 = tpu.vector_load %arg10[%swap3A_1568] {strides = array<i32>} : memref<3457xf32, #tpu.memory_space<vmem>>, vector<16xf32>,
        tpu.vector_store %arg10[%swap3A_1568], %add3A_1565 {strides = array<i32>} : memref<3457xf32, #tpu.memory_space<vmem>>, vector<16xf32>,
        %add3A_1570 = arith.constant 1729 : i32
        %add3A_1571 = arith.addi %add3A_1570, %mul3A_1406 : i32
        %add3A_1572 = arith.constant 108 : i32
        %add3A_1573 = arith.addi %add3A_1571, %add3A_1572 : i32
        %swap3A_1574 = arith.index_cast %add3A_1573 : i32 to index
        %swap3A_1575 = tpu.vector_load %arg10[%swap3A_1574] {strides = array<i32>} : memref<3457xf32, #tpu.memory_space<vmem>>, vector<16xf32>,
        tpu.vector_store %arg10[%swap3A_1574], %add3A_1565 {strides = array<i32>} : memref<3457xf32, #tpu.memory_space<vmem>>, vector<16xf32>,
        %sub3A_1576 = arith.subf %get3A_1485, %get3A_1453 : vector<16xf32>
        %mul3A_1577 = arith.mulf %sub3A_1184, %sub3A_1576 : vector<16xf32>
        %add3A_1578 = arith.addf %get3A_1453, %mul3A_1577 : vector<16xf32>
        %add3A_1579 = arith.constant 126 : i32
        %add3A_1580 = arith.addi %mul3A_1406, %add3A_1579 : i32
        %swap3A_1581 = arith.index_cast %add3A_1580 : i32 to index
        %swap3A_1582 = tpu.vector_load %arg10[%swap3A_1581] {strides = array<i32>} : memref<3457xf32, #tpu.memory_space<vmem>>, vector<16xf32>,
        tpu.vector_store %arg10[%swap3A_1581], %add3A_1578 {strides = array<i32>} : memref<3457xf32, #tpu.memory_space<vmem>>, vector<16xf32>,
        %add3A_1583 = arith.constant 1729 : i32
        %add3A_1584 = arith.addi %add3A_1583, %mul3A_1406 : i32
        %add3A_1585 = arith.constant 126 : i32
        %add3A_1586 = arith.addi %add3A_1584, %add3A_1585 : i32
        %swap3A_1587 = arith.index_cast %add3A_1586 : i32 to index
        %swap3A_1588 = tpu.vector_load %arg10[%swap3A_1587] {strides = array<i32>} : memref<3457xf32, #tpu.memory_space<vmem>>, vector<16xf32>,
        tpu.vector_store %arg10[%swap3A_1587], %add3A_1578 {strides = array<i32>} : memref<3457xf32, #tpu.memory_space<vmem>>, vector<16xf32>,
      }
      %scan3A_1190 = arith.constant 12 : i32
      %add3A_1191 = arith.constant 5 : i32
      %add3A_1192 = arith.addi %add3A_1005, %add3A_1191 : i32
      %sub3A_1193 = arith.constant 16 : i32
      %sub3A_1194 = arith.subi %add3A_1192, %sub3A_1193 : i32
      %shift_right_arithmetic3A_1195 = arith.constant 5 : i32
      %shift_right_arithmetic3A_1196 = arith.shrsi %sub3A_1194, %shift_right_arithmetic3A_1195 : i32
      %jit3A_1197 = arith.constant 0 : i32
      %jit3A_1198 = arith.constant 15 : i32
      %max3A_1199 = arith.maxsi %jit3A_1197, %shift_right_arithmetic3A_1196 : i32
      %min3A_1200 = arith.minsi %jit3A_1198, %max3A_1199 : i32
      %add3A_1201 = arith.constant 1 : i32
      %add3A_1202 = arith.addi %shift_right_arithmetic3A_1196, %add3A_1201 : i32
      %jit3A_1203 = arith.constant 0 : i32
      %jit3A_1204 = arith.constant 15 : i32
      %max3A_1205 = arith.maxsi %jit3A_1203, %add3A_1202 : i32
      %min3A_1206 = arith.minsi %jit3A_1204, %max3A_1205 : i32
      %broadcast_in_dim3A_1207 = vector.broadcast %add3A_1192 : i32 to vector<16xi32>
      %convert_element_type3A_1208 = arith.sitofp %broadcast_in_dim3A_1207 : vector<16xi32> to vector<16xf32>
      %broadcast_in_dim3A_1209 = vector.broadcast %shift_right_arithmetic3A_1196 : i32 to vector<16xi32>
      %convert_element_type3A_1210 = arith.sitofp %broadcast_in_dim3A_1209 : vector<16xi32> to vector<16xf32>
      %add3A_1211 = arith.constant 5.000000e-01 : f32
      %add3A_1212 = vector.broadcast %add3A_1211 : f32 to vector<16xf32>
      %add3A_1213 = arith.addf %convert_element_type3A_1208, %add3A_1212 : vector<16xf32>
      %mul3A_1214 = arith.constant 3.125000e-02 : f32
      %mul3A_1215 = vector.broadcast %mul3A_1214 : f32 to vector<16xf32>
      %mul3A_1216 = arith.mulf %add3A_1213, %mul3A_1215 : vector<16xf32>
      %sub3A_1217 = arith.constant 5.000000e-01 : f32
      %sub3A_1218 = vector.broadcast %sub3A_1217 : f32 to vector<16xf32>
      %sub3A_1219 = arith.subf %mul3A_1216, %sub3A_1218 : vector<16xf32>
      %sub3A_1220 = arith.subf %sub3A_1219, %convert_element_type3A_1210 : vector<16xf32>
      %scan3A_1221 = arith.constant 0 : i32
      %scan3A_1222 = arith.constant 0 : i32
      %scan3A_1223 = arith.constant 12 : i32
      %scan3A_1224 = arith.addi %scan3A_1222, %scan3A_1223 : i32
      %scan3A_1225 = arith.constant 1 : i32
      scf.for %scan3A_1404 = %scan3A_1222 to %scan3A_1224 step %scan3A_1225  : i32 {
        %mul3A_1405 = arith.constant 144 : i32
        %mul3A_1406 = arith.muli %scan3A_1404, %mul3A_1405 : i32
        %mul3A_1407 = arith.constant 24576 : i32
        %mul3A_1408 = arith.muli %rem3A_173, %mul3A_1407 : i32
        %mul3A_1409 = arith.constant 2048 : i32
        %mul3A_1410 = arith.muli %scan3A_1404, %mul3A_1409 : i32
        %add3A_1411 = arith.addi %mul3A_1408, %mul3A_1410 : i32
        %mul3A_1412 = arith.constant 16 : i32
        %mul3A_1413 = arith.muli %min3A_1200, %mul3A_1412 : i32
        %add3A_1414 = arith.addi %add3A_1411, %mul3A_1413 : i32
        %mul3A_1415 = arith.constant 24576 : i32
        %mul3A_1416 = arith.muli %rem3A_173, %mul3A_1415 : i32
        %mul3A_1417 = arith.constant 2048 : i32
        %mul3A_1418 = arith.muli %scan3A_1404, %mul3A_1417 : i32
        %add3A_1419 = arith.addi %mul3A_1416, %mul3A_1418 : i32
        %mul3A_1420 = arith.constant 16 : i32
        %mul3A_1421 = arith.muli %min3A_1206, %mul3A_1420 : i32
        %add3A_1422 = arith.addi %add3A_1419, %mul3A_1421 : i32
        %add3A_1423 = arith.constant 0 : i32
        %add3A_1424 = arith.addi %add3A_1414, %add3A_1423 : i32
        %get3A = arith.index_cast %add3A_1424 : i32 to index
        %get3A_1425 = tpu.vector_load %arg9[%get3A] {strides = array<i32>} : memref<49152xf32, #tpu.memory_space<vmem>>, vector<16xf32>,
        %add3A_1426 = arith.constant 256 : i32
        %add3A_1427 = arith.addi %add3A_1414, %add3A_1426 : i32
        %get3A_1428 = arith.index_cast %add3A_1427 : i32 to index
        %get3A_1429 = tpu.vector_load %arg9[%get3A_1428] {strides = array<i32>} : memref<49152xf32, #tpu.memory_space<vmem>>, vector<16xf32>,
        %add3A_1430 = arith.constant 512 : i32
        %add3A_1431 = arith.addi %add3A_1414, %add3A_1430 : i32
        %get3A_1432 = arith.index_cast %add3A_1431 : i32 to index
        %get3A_1433 = tpu.vector_load %arg9[%get3A_1432] {strides = array<i32>} : memref<49152xf32, #tpu.memory_space<vmem>>, vector<16xf32>,
        %add3A_1434 = arith.constant 768 : i32
        %add3A_1435 = arith.addi %add3A_1414, %add3A_1434 : i32
        %get3A_1436 = arith.index_cast %add3A_1435 : i32 to index
        %get3A_1437 = tpu.vector_load %arg9[%get3A_1436] {strides = array<i32>} : memref<49152xf32, #tpu.memory_space<vmem>>, vector<16xf32>,
        %add3A_1438 = arith.constant 1024 : i32
        %add3A_1439 = arith.addi %add3A_1414, %add3A_1438 : i32
        %get3A_1440 = arith.index_cast %add3A_1439 : i32 to index
        %get3A_1441 = tpu.vector_load %arg9[%get3A_1440] {strides = array<i32>} : memref<49152xf32, #tpu.memory_space<vmem>>, vector<16xf32>,
        %add3A_1442 = arith.constant 1280 : i32
        %add3A_1443 = arith.addi %add3A_1414, %add3A_1442 : i32
        %get3A_1444 = arith.index_cast %add3A_1443 : i32 to index
        %get3A_1445 = tpu.vector_load %arg9[%get3A_1444] {strides = array<i32>} : memref<49152xf32, #tpu.memory_space<vmem>>, vector<16xf32>,
        %add3A_1446 = arith.constant 1536 : i32
        %add3A_1447 = arith.addi %add3A_1414, %add3A_1446 : i32
        %get3A_1448 = arith.index_cast %add3A_1447 : i32 to index
        %get3A_1449 = tpu.vector_load %arg9[%get3A_1448] {strides = array<i32>} : memref<49152xf32, #tpu.memory_space<vmem>>, vector<16xf32>,
        %add3A_1450 = arith.constant 1792 : i32
        %add3A_1451 = arith.addi %add3A_1414, %add3A_1450 : i32
        %get3A_1452 = arith.index_cast %add3A_1451 : i32 to index
        %get3A_1453 = tpu.vector_load %arg9[%get3A_1452] {strides = array<i32>} : memref<49152xf32, #tpu.memory_space<vmem>>, vector<16xf32>,
        %add3A_1454 = arith.constant 0 : i32
        %add3A_1455 = arith.addi %add3A_1422, %add3A_1454 : i32
        %get3A_1456 = arith.index_cast %add3A_1455 : i32 to index
        %get3A_1457 = tpu.vector_load %arg9[%get3A_1456] {strides = array<i32>} : memref<49152xf32, #tpu.memory_space<vmem>>, vector<16xf32>,
        %add3A_1458 = arith.constant 256 : i32
        %add3A_1459 = arith.addi %add3A_1422, %add3A_1458 : i32
        %get3A_1460 = arith.index_cast %add3A_1459 : i32 to index
        %get3A_1461 = tpu.vector_load %arg9[%get3A_1460] {strides = array<i32>} : memref<49152xf32, #tpu.memory_space<vmem>>, vector<16xf32>,
        %add3A_1462 = arith.constant 512 : i32
        %add3A_1463 = arith.addi %add3A_1422, %add3A_1462 : i32
        %get3A_1464 = arith.index_cast %add3A_1463 : i32 to index
        %get3A_1465 = tpu.vector_load %arg9[%get3A_1464] {strides = array<i32>} : memref<49152xf32, #tpu.memory_space<vmem>>, vector<16xf32>,
        %add3A_1466 = arith.constant 768 : i32
        %add3A_1467 = arith.addi %add3A_1422, %add3A_1466 : i32
        %get3A_1468 = arith.index_cast %add3A_1467 : i32 to index
        %get3A_1469 = tpu.vector_load %arg9[%get3A_1468] {strides = array<i32>} : memref<49152xf32, #tpu.memory_space<vmem>>, vector<16xf32>,
        %add3A_1470 = arith.constant 1024 : i32
        %add3A_1471 = arith.addi %add3A_1422, %add3A_1470 : i32
        %get3A_1472 = arith.index_cast %add3A_1471 : i32 to index
        %get3A_1473 = tpu.vector_load %arg9[%get3A_1472] {strides = array<i32>} : memref<49152xf32, #tpu.memory_space<vmem>>, vector<16xf32>,
        %add3A_1474 = arith.constant 1280 : i32
        %add3A_1475 = arith.addi %add3A_1422, %add3A_1474 : i32
        %get3A_1476 = arith.index_cast %add3A_1475 : i32 to index
        %get3A_1477 = tpu.vector_load %arg9[%get3A_1476] {strides = array<i32>} : memref<49152xf32, #tpu.memory_space<vmem>>, vector<16xf32>,
        %add3A_1478 = arith.constant 1536 : i32
        %add3A_1479 = arith.addi %add3A_1422, %add3A_1478 : i32
        %get3A_1480 = arith.index_cast %add3A_1479 : i32 to index
        %get3A_1481 = tpu.vector_load %arg9[%get3A_1480] {strides = array<i32>} : memref<49152xf32, #tpu.memory_space<vmem>>, vector<16xf32>,
        %add3A_1482 = arith.constant 1792 : i32
        %add3A_1483 = arith.addi %add3A_1422, %add3A_1482 : i32
        %get3A_1484 = arith.index_cast %add3A_1483 : i32 to index
        %get3A_1485 = tpu.vector_load %arg9[%get3A_1484] {strides = array<i32>} : memref<49152xf32, #tpu.memory_space<vmem>>, vector<16xf32>,
        %sub3A_1486 = arith.subf %get3A_1457, %get3A_1425 : vector<16xf32>
        %mul3A_1487 = arith.mulf %sub3A_1220, %sub3A_1486 : vector<16xf32>
        %add3A_1488 = arith.addf %get3A_1425, %mul3A_1487 : vector<16xf32>
        %add3A_1489 = arith.constant 0 : i32
        %add3A_1490 = arith.addi %mul3A_1406, %add3A_1489 : i32
        %swap3A = arith.index_cast %add3A_1490 : i32 to index
        %swap3A_1491 = tpu.vector_load %arg10[%swap3A] {strides = array<i32>} : memref<3457xf32, #tpu.memory_space<vmem>>, vector<16xf32>,
        tpu.vector_store %arg10[%swap3A], %add3A_1488 {strides = array<i32>} : memref<3457xf32, #tpu.memory_space<vmem>>, vector<16xf32>,
        %add3A_1492 = arith.constant 1729 : i32
        %add3A_1493 = arith.addi %add3A_1492, %mul3A_1406 : i32
        %add3A_1494 = arith.constant 0 : i32
        %add3A_1495 = arith.addi %add3A_1493, %add3A_1494 : i32
        %swap3A_1496 = arith.index_cast %add3A_1495 : i32 to index
        %swap3A_1497 = tpu.vector_load %arg10[%swap3A_1496] {strides = array<i32>} : memref<3457xf32, #tpu.memory_space<vmem>>, vector<16xf32>,
        tpu.vector_store %arg10[%swap3A_1496], %add3A_1488 {strides = array<i32>} : memref<3457xf32, #tpu.memory_space<vmem>>, vector<16xf32>,
        %sub3A_1498 = arith.subf %get3A_1461, %get3A_1429 : vector<16xf32>
        %mul3A_1499 = arith.mulf %sub3A_1220, %sub3A_1498 : vector<16xf32>
        %add3A_1500 = arith.addf %get3A_1429, %mul3A_1499 : vector<16xf32>
        %add3A_1501 = arith.constant 18 : i32
        %add3A_1502 = arith.addi %mul3A_1406, %add3A_1501 : i32
        %swap3A_1503 = arith.index_cast %add3A_1502 : i32 to index
        %swap3A_1504 = tpu.vector_load %arg10[%swap3A_1503] {strides = array<i32>} : memref<3457xf32, #tpu.memory_space<vmem>>, vector<16xf32>,
        tpu.vector_store %arg10[%swap3A_1503], %add3A_1500 {strides = array<i32>} : memref<3457xf32, #tpu.memory_space<vmem>>, vector<16xf32>,
        %add3A_1505 = arith.constant 1729 : i32
        %add3A_1506 = arith.addi %add3A_1505, %mul3A_1406 : i32
        %add3A_1507 = arith.constant 18 : i32
        %add3A_1508 = arith.addi %add3A_1506, %add3A_1507 : i32
        %swap3A_1509 = arith.index_cast %add3A_1508 : i32 to index
        %swap3A_1510 = tpu.vector_load %arg10[%swap3A_1509] {strides = array<i32>} : memref<3457xf32, #tpu.memory_space<vmem>>, vector<16xf32>,
        tpu.vector_store %arg10[%swap3A_1509], %add3A_1500 {strides = array<i32>} : memref<3457xf32, #tpu.memory_space<vmem>>, vector<16xf32>,
        %sub3A_1511 = arith.subf %get3A_1465, %get3A_1433 : vector<16xf32>
        %mul3A_1512 = arith.mulf %sub3A_1220, %sub3A_1511 : vector<16xf32>
        %add3A_1513 = arith.addf %get3A_1433, %mul3A_1512 : vector<16xf32>
        %add3A_1514 = arith.constant 36 : i32
        %add3A_1515 = arith.addi %mul3A_1406, %add3A_1514 : i32
        %swap3A_1516 = arith.index_cast %add3A_1515 : i32 to index
        %swap3A_1517 = tpu.vector_load %arg10[%swap3A_1516] {strides = array<i32>} : memref<3457xf32, #tpu.memory_space<vmem>>, vector<16xf32>,
        tpu.vector_store %arg10[%swap3A_1516], %add3A_1513 {strides = array<i32>} : memref<3457xf32, #tpu.memory_space<vmem>>, vector<16xf32>,
        %add3A_1518 = arith.constant 1729 : i32
        %add3A_1519 = arith.addi %add3A_1518, %mul3A_1406 : i32
        %add3A_1520 = arith.constant 36 : i32
        %add3A_1521 = arith.addi %add3A_1519, %add3A_1520 : i32
        %swap3A_1522 = arith.index_cast %add3A_1521 : i32 to index
        %swap3A_1523 = tpu.vector_load %arg10[%swap3A_1522] {strides = array<i32>} : memref<3457xf32, #tpu.memory_space<vmem>>, vector<16xf32>,
        tpu.vector_store %arg10[%swap3A_1522], %add3A_1513 {strides = array<i32>} : memref<3457xf32, #tpu.memory_space<vmem>>, vector<16xf32>,
        %sub3A_1524 = arith.subf %get3A_1469, %get3A_1437 : vector<16xf32>
        %mul3A_1525 = arith.mulf %sub3A_1220, %sub3A_1524 : vector<16xf32>
        %add3A_1526 = arith.addf %get3A_1437, %mul3A_1525 : vector<16xf32>
        %add3A_1527 = arith.constant 54 : i32
        %add3A_1528 = arith.addi %mul3A_1406, %add3A_1527 : i32
        %swap3A_1529 = arith.index_cast %add3A_1528 : i32 to index
        %swap3A_1530 = tpu.vector_load %arg10[%swap3A_1529] {strides = array<i32>} : memref<3457xf32, #tpu.memory_space<vmem>>, vector<16xf32>,
        tpu.vector_store %arg10[%swap3A_1529], %add3A_1526 {strides = array<i32>} : memref<3457xf32, #tpu.memory_space<vmem>>, vector<16xf32>,
        %add3A_1531 = arith.constant 1729 : i32
        %add3A_1532 = arith.addi %add3A_1531, %mul3A_1406 : i32
        %add3A_1533 = arith.constant 54 : i32
        %add3A_1534 = arith.addi %add3A_1532, %add3A_1533 : i32
        %swap3A_1535 = arith.index_cast %add3A_1534 : i32 to index
        %swap3A_1536 = tpu.vector_load %arg10[%swap3A_1535] {strides = array<i32>} : memref<3457xf32, #tpu.memory_space<vmem>>, vector<16xf32>,
        tpu.vector_store %arg10[%swap3A_1535], %add3A_1526 {strides = array<i32>} : memref<3457xf32, #tpu.memory_space<vmem>>, vector<16xf32>,
        %sub3A_1537 = arith.subf %get3A_1473, %get3A_1441 : vector<16xf32>
        %mul3A_1538 = arith.mulf %sub3A_1220, %sub3A_1537 : vector<16xf32>
        %add3A_1539 = arith.addf %get3A_1441, %mul3A_1538 : vector<16xf32>
        %add3A_1540 = arith.constant 72 : i32
        %add3A_1541 = arith.addi %mul3A_1406, %add3A_1540 : i32
        %swap3A_1542 = arith.index_cast %add3A_1541 : i32 to index
        %swap3A_1543 = tpu.vector_load %arg10[%swap3A_1542] {strides = array<i32>} : memref<3457xf32, #tpu.memory_space<vmem>>, vector<16xf32>,
        tpu.vector_store %arg10[%swap3A_1542], %add3A_1539 {strides = array<i32>} : memref<3457xf32, #tpu.memory_space<vmem>>, vector<16xf32>,
        %add3A_1544 = arith.constant 1729 : i32
        %add3A_1545 = arith.addi %add3A_1544, %mul3A_1406 : i32
        %add3A_1546 = arith.constant 72 : i32
        %add3A_1547 = arith.addi %add3A_1545, %add3A_1546 : i32
        %swap3A_1548 = arith.index_cast %add3A_1547 : i32 to index
        %swap3A_1549 = tpu.vector_load %arg10[%swap3A_1548] {strides = array<i32>} : memref<3457xf32, #tpu.memory_space<vmem>>, vector<16xf32>,
        tpu.vector_store %arg10[%swap3A_1548], %add3A_1539 {strides = array<i32>} : memref<3457xf32, #tpu.memory_space<vmem>>, vector<16xf32>,
        %sub3A_1550 = arith.subf %get3A_1477, %get3A_1445 : vector<16xf32>
        %mul3A_1551 = arith.mulf %sub3A_1220, %sub3A_1550 : vector<16xf32>
        %add3A_1552 = arith.addf %get3A_1445, %mul3A_1551 : vector<16xf32>
        %add3A_1553 = arith.constant 90 : i32
        %add3A_1554 = arith.addi %mul3A_1406, %add3A_1553 : i32
        %swap3A_1555 = arith.index_cast %add3A_1554 : i32 to index
        %swap3A_1556 = tpu.vector_load %arg10[%swap3A_1555] {strides = array<i32>} : memref<3457xf32, #tpu.memory_space<vmem>>, vector<16xf32>,
        tpu.vector_store %arg10[%swap3A_1555], %add3A_1552 {strides = array<i32>} : memref<3457xf32, #tpu.memory_space<vmem>>, vector<16xf32>,
        %add3A_1557 = arith.constant 1729 : i32
        %add3A_1558 = arith.addi %add3A_1557, %mul3A_1406 : i32
        %add3A_1559 = arith.constant 90 : i32
        %add3A_1560 = arith.addi %add3A_1558, %add3A_1559 : i32
        %swap3A_1561 = arith.index_cast %add3A_1560 : i32 to index
        %swap3A_1562 = tpu.vector_load %arg10[%swap3A_1561] {strides = array<i32>} : memref<3457xf32, #tpu.memory_space<vmem>>, vector<16xf32>,
        tpu.vector_store %arg10[%swap3A_1561], %add3A_1552 {strides = array<i32>} : memref<3457xf32, #tpu.memory_space<vmem>>, vector<16xf32>,
        %sub3A_1563 = arith.subf %get3A_1481, %get3A_1449 : vector<16xf32>
        %mul3A_1564 = arith.mulf %sub3A_1220, %sub3A_1563 : vector<16xf32>
        %add3A_1565 = arith.addf %get3A_1449, %mul3A_1564 : vector<16xf32>
        %add3A_1566 = arith.constant 108 : i32
        %add3A_1567 = arith.addi %mul3A_1406, %add3A_1566 : i32
        %swap3A_1568 = arith.index_cast %add3A_1567 : i32 to index
        %swap3A_1569 = tpu.vector_load %arg10[%swap3A_1568] {strides = array<i32>} : memref<3457xf32, #tpu.memory_space<vmem>>, vector<16xf32>,
        tpu.vector_store %arg10[%swap3A_1568], %add3A_1565 {strides = array<i32>} : memref<3457xf32, #tpu.memory_space<vmem>>, vector<16xf32>,
        %add3A_1570 = arith.constant 1729 : i32
        %add3A_1571 = arith.addi %add3A_1570, %mul3A_1406 : i32
        %add3A_1572 = arith.constant 108 : i32
        %add3A_1573 = arith.addi %add3A_1571, %add3A_1572 : i32
        %swap3A_1574 = arith.index_cast %add3A_1573 : i32 to index
        %swap3A_1575 = tpu.vector_load %arg10[%swap3A_1574] {strides = array<i32>} : memref<3457xf32, #tpu.memory_space<vmem>>, vector<16xf32>,
        tpu.vector_store %arg10[%swap3A_1574], %add3A_1565 {strides = array<i32>} : memref<3457xf32, #tpu.memory_space<vmem>>, vector<16xf32>,
        %sub3A_1576 = arith.subf %get3A_1485, %get3A_1453 : vector<16xf32>
        %mul3A_1577 = arith.mulf %sub3A_1220, %sub3A_1576 : vector<16xf32>
        %add3A_1578 = arith.addf %get3A_1453, %mul3A_1577 : vector<16xf32>
        %add3A_1579 = arith.constant 126 : i32
        %add3A_1580 = arith.addi %mul3A_1406, %add3A_1579 : i32
        %swap3A_1581 = arith.index_cast %add3A_1580 : i32 to index
        %swap3A_1582 = tpu.vector_load %arg10[%swap3A_1581] {strides = array<i32>} : memref<3457xf32, #tpu.memory_space<vmem>>, vector<16xf32>,
        tpu.vector_store %arg10[%swap3A_1581], %add3A_1578 {strides = array<i32>} : memref<3457xf32, #tpu.memory_space<vmem>>, vector<16xf32>,
        %add3A_1583 = arith.constant 1729 : i32
        %add3A_1584 = arith.addi %add3A_1583, %mul3A_1406 : i32
        %add3A_1585 = arith.constant 126 : i32
        %add3A_1586 = arith.addi %add3A_1584, %add3A_1585 : i32
        %swap3A_1587 = arith.index_cast %add3A_1586 : i32 to index
        %swap3A_1588 = tpu.vector_load %arg10[%swap3A_1587] {strides = array<i32>} : memref<3457xf32, #tpu.memory_space<vmem>>, vector<16xf32>,
        tpu.vector_store %arg10[%swap3A_1587], %add3A_1578 {strides = array<i32>} : memref<3457xf32, #tpu.memory_space<vmem>>, vector<16xf32>,
      }
      %scan3A_1226 = arith.constant 12 : i32
      %add3A_1227 = arith.constant 6 : i32
      %add3A_1228 = arith.addi %add3A_1005, %add3A_1227 : i32
      %sub3A_1229 = arith.constant 16 : i32
      %sub3A_1230 = arith.subi %add3A_1228, %sub3A_1229 : i32
      %shift_right_arithmetic3A_1231 = arith.constant 5 : i32
      %shift_right_arithmetic3A_1232 = arith.shrsi %sub3A_1230, %shift_right_arithmetic3A_1231 : i32
      %jit3A_1233 = arith.constant 0 : i32
      %jit3A_1234 = arith.constant 15 : i32
      %max3A_1235 = arith.maxsi %jit3A_1233, %shift_right_arithmetic3A_1232 : i32
      %min3A_1236 = arith.minsi %jit3A_1234, %max3A_1235 : i32
      %add3A_1237 = arith.constant 1 : i32
      %add3A_1238 = arith.addi %shift_right_arithmetic3A_1232, %add3A_1237 : i32
      %jit3A_1239 = arith.constant 0 : i32
      %jit3A_1240 = arith.constant 15 : i32
      %max3A_1241 = arith.maxsi %jit3A_1239, %add3A_1238 : i32
      %min3A_1242 = arith.minsi %jit3A_1240, %max3A_1241 : i32
      %broadcast_in_dim3A_1243 = vector.broadcast %add3A_1228 : i32 to vector<16xi32>
      %convert_element_type3A_1244 = arith.sitofp %broadcast_in_dim3A_1243 : vector<16xi32> to vector<16xf32>
      %broadcast_in_dim3A_1245 = vector.broadcast %shift_right_arithmetic3A_1232 : i32 to vector<16xi32>
      %convert_element_type3A_1246 = arith.sitofp %broadcast_in_dim3A_1245 : vector<16xi32> to vector<16xf32>
      %add3A_1247 = arith.constant 5.000000e-01 : f32
      %add3A_1248 = vector.broadcast %add3A_1247 : f32 to vector<16xf32>
      %add3A_1249 = arith.addf %convert_element_type3A_1244, %add3A_1248 : vector<16xf32>
      %mul3A_1250 = arith.constant 3.125000e-02 : f32
      %mul3A_1251 = vector.broadcast %mul3A_1250 : f32 to vector<16xf32>
      %mul3A_1252 = arith.mulf %add3A_1249, %mul3A_1251 : vector<16xf32>
      %sub3A_1253 = arith.constant 5.000000e-01 : f32
      %sub3A_1254 = vector.broadcast %sub3A_1253 : f32 to vector<16xf32>
      %sub3A_1255 = arith.subf %mul3A_1252, %sub3A_1254 : vector<16xf32>
      %sub3A_1256 = arith.subf %sub3A_1255, %convert_element_type3A_1246 : vector<16xf32>
      %scan3A_1257 = arith.constant 0 : i32
      %scan3A_1258 = arith.constant 0 : i32
      %scan3A_1259 = arith.constant 12 : i32
      %scan3A_1260 = arith.addi %scan3A_1258, %scan3A_1259 : i32
      %scan3A_1261 = arith.constant 1 : i32
      scf.for %scan3A_1404 = %scan3A_1258 to %scan3A_1260 step %scan3A_1261  : i32 {
        %mul3A_1405 = arith.constant 144 : i32
        %mul3A_1406 = arith.muli %scan3A_1404, %mul3A_1405 : i32
        %mul3A_1407 = arith.constant 24576 : i32
        %mul3A_1408 = arith.muli %rem3A_173, %mul3A_1407 : i32
        %mul3A_1409 = arith.constant 2048 : i32
        %mul3A_1410 = arith.muli %scan3A_1404, %mul3A_1409 : i32
        %add3A_1411 = arith.addi %mul3A_1408, %mul3A_1410 : i32
        %mul3A_1412 = arith.constant 16 : i32
        %mul3A_1413 = arith.muli %min3A_1236, %mul3A_1412 : i32
        %add3A_1414 = arith.addi %add3A_1411, %mul3A_1413 : i32
        %mul3A_1415 = arith.constant 24576 : i32
        %mul3A_1416 = arith.muli %rem3A_173, %mul3A_1415 : i32
        %mul3A_1417 = arith.constant 2048 : i32
        %mul3A_1418 = arith.muli %scan3A_1404, %mul3A_1417 : i32
        %add3A_1419 = arith.addi %mul3A_1416, %mul3A_1418 : i32
        %mul3A_1420 = arith.constant 16 : i32
        %mul3A_1421 = arith.muli %min3A_1242, %mul3A_1420 : i32
        %add3A_1422 = arith.addi %add3A_1419, %mul3A_1421 : i32
        %add3A_1423 = arith.constant 0 : i32
        %add3A_1424 = arith.addi %add3A_1414, %add3A_1423 : i32
        %get3A = arith.index_cast %add3A_1424 : i32 to index
        %get3A_1425 = tpu.vector_load %arg9[%get3A] {strides = array<i32>} : memref<49152xf32, #tpu.memory_space<vmem>>, vector<16xf32>,
        %add3A_1426 = arith.constant 256 : i32
        %add3A_1427 = arith.addi %add3A_1414, %add3A_1426 : i32
        %get3A_1428 = arith.index_cast %add3A_1427 : i32 to index
        %get3A_1429 = tpu.vector_load %arg9[%get3A_1428] {strides = array<i32>} : memref<49152xf32, #tpu.memory_space<vmem>>, vector<16xf32>,
        %add3A_1430 = arith.constant 512 : i32
        %add3A_1431 = arith.addi %add3A_1414, %add3A_1430 : i32
        %get3A_1432 = arith.index_cast %add3A_1431 : i32 to index
        %get3A_1433 = tpu.vector_load %arg9[%get3A_1432] {strides = array<i32>} : memref<49152xf32, #tpu.memory_space<vmem>>, vector<16xf32>,
        %add3A_1434 = arith.constant 768 : i32
        %add3A_1435 = arith.addi %add3A_1414, %add3A_1434 : i32
        %get3A_1436 = arith.index_cast %add3A_1435 : i32 to index
        %get3A_1437 = tpu.vector_load %arg9[%get3A_1436] {strides = array<i32>} : memref<49152xf32, #tpu.memory_space<vmem>>, vector<16xf32>,
        %add3A_1438 = arith.constant 1024 : i32
        %add3A_1439 = arith.addi %add3A_1414, %add3A_1438 : i32
        %get3A_1440 = arith.index_cast %add3A_1439 : i32 to index
        %get3A_1441 = tpu.vector_load %arg9[%get3A_1440] {strides = array<i32>} : memref<49152xf32, #tpu.memory_space<vmem>>, vector<16xf32>,
        %add3A_1442 = arith.constant 1280 : i32
        %add3A_1443 = arith.addi %add3A_1414, %add3A_1442 : i32
        %get3A_1444 = arith.index_cast %add3A_1443 : i32 to index
        %get3A_1445 = tpu.vector_load %arg9[%get3A_1444] {strides = array<i32>} : memref<49152xf32, #tpu.memory_space<vmem>>, vector<16xf32>,
        %add3A_1446 = arith.constant 1536 : i32
        %add3A_1447 = arith.addi %add3A_1414, %add3A_1446 : i32
        %get3A_1448 = arith.index_cast %add3A_1447 : i32 to index
        %get3A_1449 = tpu.vector_load %arg9[%get3A_1448] {strides = array<i32>} : memref<49152xf32, #tpu.memory_space<vmem>>, vector<16xf32>,
        %add3A_1450 = arith.constant 1792 : i32
        %add3A_1451 = arith.addi %add3A_1414, %add3A_1450 : i32
        %get3A_1452 = arith.index_cast %add3A_1451 : i32 to index
        %get3A_1453 = tpu.vector_load %arg9[%get3A_1452] {strides = array<i32>} : memref<49152xf32, #tpu.memory_space<vmem>>, vector<16xf32>,
        %add3A_1454 = arith.constant 0 : i32
        %add3A_1455 = arith.addi %add3A_1422, %add3A_1454 : i32
        %get3A_1456 = arith.index_cast %add3A_1455 : i32 to index
        %get3A_1457 = tpu.vector_load %arg9[%get3A_1456] {strides = array<i32>} : memref<49152xf32, #tpu.memory_space<vmem>>, vector<16xf32>,
        %add3A_1458 = arith.constant 256 : i32
        %add3A_1459 = arith.addi %add3A_1422, %add3A_1458 : i32
        %get3A_1460 = arith.index_cast %add3A_1459 : i32 to index
        %get3A_1461 = tpu.vector_load %arg9[%get3A_1460] {strides = array<i32>} : memref<49152xf32, #tpu.memory_space<vmem>>, vector<16xf32>,
        %add3A_1462 = arith.constant 512 : i32
        %add3A_1463 = arith.addi %add3A_1422, %add3A_1462 : i32
        %get3A_1464 = arith.index_cast %add3A_1463 : i32 to index
        %get3A_1465 = tpu.vector_load %arg9[%get3A_1464] {strides = array<i32>} : memref<49152xf32, #tpu.memory_space<vmem>>, vector<16xf32>,
        %add3A_1466 = arith.constant 768 : i32
        %add3A_1467 = arith.addi %add3A_1422, %add3A_1466 : i32
        %get3A_1468 = arith.index_cast %add3A_1467 : i32 to index
        %get3A_1469 = tpu.vector_load %arg9[%get3A_1468] {strides = array<i32>} : memref<49152xf32, #tpu.memory_space<vmem>>, vector<16xf32>,
        %add3A_1470 = arith.constant 1024 : i32
        %add3A_1471 = arith.addi %add3A_1422, %add3A_1470 : i32
        %get3A_1472 = arith.index_cast %add3A_1471 : i32 to index
        %get3A_1473 = tpu.vector_load %arg9[%get3A_1472] {strides = array<i32>} : memref<49152xf32, #tpu.memory_space<vmem>>, vector<16xf32>,
        %add3A_1474 = arith.constant 1280 : i32
        %add3A_1475 = arith.addi %add3A_1422, %add3A_1474 : i32
        %get3A_1476 = arith.index_cast %add3A_1475 : i32 to index
        %get3A_1477 = tpu.vector_load %arg9[%get3A_1476] {strides = array<i32>} : memref<49152xf32, #tpu.memory_space<vmem>>, vector<16xf32>,
        %add3A_1478 = arith.constant 1536 : i32
        %add3A_1479 = arith.addi %add3A_1422, %add3A_1478 : i32
        %get3A_1480 = arith.index_cast %add3A_1479 : i32 to index
        %get3A_1481 = tpu.vector_load %arg9[%get3A_1480] {strides = array<i32>} : memref<49152xf32, #tpu.memory_space<vmem>>, vector<16xf32>,
        %add3A_1482 = arith.constant 1792 : i32
        %add3A_1483 = arith.addi %add3A_1422, %add3A_1482 : i32
        %get3A_1484 = arith.index_cast %add3A_1483 : i32 to index
        %get3A_1485 = tpu.vector_load %arg9[%get3A_1484] {strides = array<i32>} : memref<49152xf32, #tpu.memory_space<vmem>>, vector<16xf32>,
        %sub3A_1486 = arith.subf %get3A_1457, %get3A_1425 : vector<16xf32>
        %mul3A_1487 = arith.mulf %sub3A_1256, %sub3A_1486 : vector<16xf32>
        %add3A_1488 = arith.addf %get3A_1425, %mul3A_1487 : vector<16xf32>
        %add3A_1489 = arith.constant 0 : i32
        %add3A_1490 = arith.addi %mul3A_1406, %add3A_1489 : i32
        %swap3A = arith.index_cast %add3A_1490 : i32 to index
        %swap3A_1491 = tpu.vector_load %arg10[%swap3A] {strides = array<i32>} : memref<3457xf32, #tpu.memory_space<vmem>>, vector<16xf32>,
        tpu.vector_store %arg10[%swap3A], %add3A_1488 {strides = array<i32>} : memref<3457xf32, #tpu.memory_space<vmem>>, vector<16xf32>,
        %add3A_1492 = arith.constant 1729 : i32
        %add3A_1493 = arith.addi %add3A_1492, %mul3A_1406 : i32
        %add3A_1494 = arith.constant 0 : i32
        %add3A_1495 = arith.addi %add3A_1493, %add3A_1494 : i32
        %swap3A_1496 = arith.index_cast %add3A_1495 : i32 to index
        %swap3A_1497 = tpu.vector_load %arg10[%swap3A_1496] {strides = array<i32>} : memref<3457xf32, #tpu.memory_space<vmem>>, vector<16xf32>,
        tpu.vector_store %arg10[%swap3A_1496], %add3A_1488 {strides = array<i32>} : memref<3457xf32, #tpu.memory_space<vmem>>, vector<16xf32>,
        %sub3A_1498 = arith.subf %get3A_1461, %get3A_1429 : vector<16xf32>
        %mul3A_1499 = arith.mulf %sub3A_1256, %sub3A_1498 : vector<16xf32>
        %add3A_1500 = arith.addf %get3A_1429, %mul3A_1499 : vector<16xf32>
        %add3A_1501 = arith.constant 18 : i32
        %add3A_1502 = arith.addi %mul3A_1406, %add3A_1501 : i32
        %swap3A_1503 = arith.index_cast %add3A_1502 : i32 to index
        %swap3A_1504 = tpu.vector_load %arg10[%swap3A_1503] {strides = array<i32>} : memref<3457xf32, #tpu.memory_space<vmem>>, vector<16xf32>,
        tpu.vector_store %arg10[%swap3A_1503], %add3A_1500 {strides = array<i32>} : memref<3457xf32, #tpu.memory_space<vmem>>, vector<16xf32>,
        %add3A_1505 = arith.constant 1729 : i32
        %add3A_1506 = arith.addi %add3A_1505, %mul3A_1406 : i32
        %add3A_1507 = arith.constant 18 : i32
        %add3A_1508 = arith.addi %add3A_1506, %add3A_1507 : i32
        %swap3A_1509 = arith.index_cast %add3A_1508 : i32 to index
        %swap3A_1510 = tpu.vector_load %arg10[%swap3A_1509] {strides = array<i32>} : memref<3457xf32, #tpu.memory_space<vmem>>, vector<16xf32>,
        tpu.vector_store %arg10[%swap3A_1509], %add3A_1500 {strides = array<i32>} : memref<3457xf32, #tpu.memory_space<vmem>>, vector<16xf32>,
        %sub3A_1511 = arith.subf %get3A_1465, %get3A_1433 : vector<16xf32>
        %mul3A_1512 = arith.mulf %sub3A_1256, %sub3A_1511 : vector<16xf32>
        %add3A_1513 = arith.addf %get3A_1433, %mul3A_1512 : vector<16xf32>
        %add3A_1514 = arith.constant 36 : i32
        %add3A_1515 = arith.addi %mul3A_1406, %add3A_1514 : i32
        %swap3A_1516 = arith.index_cast %add3A_1515 : i32 to index
        %swap3A_1517 = tpu.vector_load %arg10[%swap3A_1516] {strides = array<i32>} : memref<3457xf32, #tpu.memory_space<vmem>>, vector<16xf32>,
        tpu.vector_store %arg10[%swap3A_1516], %add3A_1513 {strides = array<i32>} : memref<3457xf32, #tpu.memory_space<vmem>>, vector<16xf32>,
        %add3A_1518 = arith.constant 1729 : i32
        %add3A_1519 = arith.addi %add3A_1518, %mul3A_1406 : i32
        %add3A_1520 = arith.constant 36 : i32
        %add3A_1521 = arith.addi %add3A_1519, %add3A_1520 : i32
        %swap3A_1522 = arith.index_cast %add3A_1521 : i32 to index
        %swap3A_1523 = tpu.vector_load %arg10[%swap3A_1522] {strides = array<i32>} : memref<3457xf32, #tpu.memory_space<vmem>>, vector<16xf32>,
        tpu.vector_store %arg10[%swap3A_1522], %add3A_1513 {strides = array<i32>} : memref<3457xf32, #tpu.memory_space<vmem>>, vector<16xf32>,
        %sub3A_1524 = arith.subf %get3A_1469, %get3A_1437 : vector<16xf32>
        %mul3A_1525 = arith.mulf %sub3A_1256, %sub3A_1524 : vector<16xf32>
        %add3A_1526 = arith.addf %get3A_1437, %mul3A_1525 : vector<16xf32>
        %add3A_1527 = arith.constant 54 : i32
        %add3A_1528 = arith.addi %mul3A_1406, %add3A_1527 : i32
        %swap3A_1529 = arith.index_cast %add3A_1528 : i32 to index
        %swap3A_1530 = tpu.vector_load %arg10[%swap3A_1529] {strides = array<i32>} : memref<3457xf32, #tpu.memory_space<vmem>>, vector<16xf32>,
        tpu.vector_store %arg10[%swap3A_1529], %add3A_1526 {strides = array<i32>} : memref<3457xf32, #tpu.memory_space<vmem>>, vector<16xf32>,
        %add3A_1531 = arith.constant 1729 : i32
        %add3A_1532 = arith.addi %add3A_1531, %mul3A_1406 : i32
        %add3A_1533 = arith.constant 54 : i32
        %add3A_1534 = arith.addi %add3A_1532, %add3A_1533 : i32
        %swap3A_1535 = arith.index_cast %add3A_1534 : i32 to index
        %swap3A_1536 = tpu.vector_load %arg10[%swap3A_1535] {strides = array<i32>} : memref<3457xf32, #tpu.memory_space<vmem>>, vector<16xf32>,
        tpu.vector_store %arg10[%swap3A_1535], %add3A_1526 {strides = array<i32>} : memref<3457xf32, #tpu.memory_space<vmem>>, vector<16xf32>,
        %sub3A_1537 = arith.subf %get3A_1473, %get3A_1441 : vector<16xf32>
        %mul3A_1538 = arith.mulf %sub3A_1256, %sub3A_1537 : vector<16xf32>
        %add3A_1539 = arith.addf %get3A_1441, %mul3A_1538 : vector<16xf32>
        %add3A_1540 = arith.constant 72 : i32
        %add3A_1541 = arith.addi %mul3A_1406, %add3A_1540 : i32
        %swap3A_1542 = arith.index_cast %add3A_1541 : i32 to index
        %swap3A_1543 = tpu.vector_load %arg10[%swap3A_1542] {strides = array<i32>} : memref<3457xf32, #tpu.memory_space<vmem>>, vector<16xf32>,
        tpu.vector_store %arg10[%swap3A_1542], %add3A_1539 {strides = array<i32>} : memref<3457xf32, #tpu.memory_space<vmem>>, vector<16xf32>,
        %add3A_1544 = arith.constant 1729 : i32
        %add3A_1545 = arith.addi %add3A_1544, %mul3A_1406 : i32
        %add3A_1546 = arith.constant 72 : i32
        %add3A_1547 = arith.addi %add3A_1545, %add3A_1546 : i32
        %swap3A_1548 = arith.index_cast %add3A_1547 : i32 to index
        %swap3A_1549 = tpu.vector_load %arg10[%swap3A_1548] {strides = array<i32>} : memref<3457xf32, #tpu.memory_space<vmem>>, vector<16xf32>,
        tpu.vector_store %arg10[%swap3A_1548], %add3A_1539 {strides = array<i32>} : memref<3457xf32, #tpu.memory_space<vmem>>, vector<16xf32>,
        %sub3A_1550 = arith.subf %get3A_1477, %get3A_1445 : vector<16xf32>
        %mul3A_1551 = arith.mulf %sub3A_1256, %sub3A_1550 : vector<16xf32>
        %add3A_1552 = arith.addf %get3A_1445, %mul3A_1551 : vector<16xf32>
        %add3A_1553 = arith.constant 90 : i32
        %add3A_1554 = arith.addi %mul3A_1406, %add3A_1553 : i32
        %swap3A_1555 = arith.index_cast %add3A_1554 : i32 to index
        %swap3A_1556 = tpu.vector_load %arg10[%swap3A_1555] {strides = array<i32>} : memref<3457xf32, #tpu.memory_space<vmem>>, vector<16xf32>,
        tpu.vector_store %arg10[%swap3A_1555], %add3A_1552 {strides = array<i32>} : memref<3457xf32, #tpu.memory_space<vmem>>, vector<16xf32>,
        %add3A_1557 = arith.constant 1729 : i32
        %add3A_1558 = arith.addi %add3A_1557, %mul3A_1406 : i32
        %add3A_1559 = arith.constant 90 : i32
        %add3A_1560 = arith.addi %add3A_1558, %add3A_1559 : i32
        %swap3A_1561 = arith.index_cast %add3A_1560 : i32 to index
        %swap3A_1562 = tpu.vector_load %arg10[%swap3A_1561] {strides = array<i32>} : memref<3457xf32, #tpu.memory_space<vmem>>, vector<16xf32>,
        tpu.vector_store %arg10[%swap3A_1561], %add3A_1552 {strides = array<i32>} : memref<3457xf32, #tpu.memory_space<vmem>>, vector<16xf32>,
        %sub3A_1563 = arith.subf %get3A_1481, %get3A_1449 : vector<16xf32>
        %mul3A_1564 = arith.mulf %sub3A_1256, %sub3A_1563 : vector<16xf32>
        %add3A_1565 = arith.addf %get3A_1449, %mul3A_1564 : vector<16xf32>
        %add3A_1566 = arith.constant 108 : i32
        %add3A_1567 = arith.addi %mul3A_1406, %add3A_1566 : i32
        %swap3A_1568 = arith.index_cast %add3A_1567 : i32 to index
        %swap3A_1569 = tpu.vector_load %arg10[%swap3A_1568] {strides = array<i32>} : memref<3457xf32, #tpu.memory_space<vmem>>, vector<16xf32>,
        tpu.vector_store %arg10[%swap3A_1568], %add3A_1565 {strides = array<i32>} : memref<3457xf32, #tpu.memory_space<vmem>>, vector<16xf32>,
        %add3A_1570 = arith.constant 1729 : i32
        %add3A_1571 = arith.addi %add3A_1570, %mul3A_1406 : i32
        %add3A_1572 = arith.constant 108 : i32
        %add3A_1573 = arith.addi %add3A_1571, %add3A_1572 : i32
        %swap3A_1574 = arith.index_cast %add3A_1573 : i32 to index
        %swap3A_1575 = tpu.vector_load %arg10[%swap3A_1574] {strides = array<i32>} : memref<3457xf32, #tpu.memory_space<vmem>>, vector<16xf32>,
        tpu.vector_store %arg10[%swap3A_1574], %add3A_1565 {strides = array<i32>} : memref<3457xf32, #tpu.memory_space<vmem>>, vector<16xf32>,
        %sub3A_1576 = arith.subf %get3A_1485, %get3A_1453 : vector<16xf32>
        %mul3A_1577 = arith.mulf %sub3A_1256, %sub3A_1576 : vector<16xf32>
        %add3A_1578 = arith.addf %get3A_1453, %mul3A_1577 : vector<16xf32>
        %add3A_1579 = arith.constant 126 : i32
        %add3A_1580 = arith.addi %mul3A_1406, %add3A_1579 : i32
        %swap3A_1581 = arith.index_cast %add3A_1580 : i32 to index
        %swap3A_1582 = tpu.vector_load %arg10[%swap3A_1581] {strides = array<i32>} : memref<3457xf32, #tpu.memory_space<vmem>>, vector<16xf32>,
        tpu.vector_store %arg10[%swap3A_1581], %add3A_1578 {strides = array<i32>} : memref<3457xf32, #tpu.memory_space<vmem>>, vector<16xf32>,
        %add3A_1583 = arith.constant 1729 : i32
        %add3A_1584 = arith.addi %add3A_1583, %mul3A_1406 : i32
        %add3A_1585 = arith.constant 126 : i32
        %add3A_1586 = arith.addi %add3A_1584, %add3A_1585 : i32
        %swap3A_1587 = arith.index_cast %add3A_1586 : i32 to index
        %swap3A_1588 = tpu.vector_load %arg10[%swap3A_1587] {strides = array<i32>} : memref<3457xf32, #tpu.memory_space<vmem>>, vector<16xf32>,
        tpu.vector_store %arg10[%swap3A_1587], %add3A_1578 {strides = array<i32>} : memref<3457xf32, #tpu.memory_space<vmem>>, vector<16xf32>,
      }
      %scan3A_1262 = arith.constant 12 : i32
      %add3A_1263 = arith.constant 7 : i32
      %add3A_1264 = arith.addi %add3A_1005, %add3A_1263 : i32
      %sub3A_1265 = arith.constant 16 : i32
      %sub3A_1266 = arith.subi %add3A_1264, %sub3A_1265 : i32
      %shift_right_arithmetic3A_1267 = arith.constant 5 : i32
      %shift_right_arithmetic3A_1268 = arith.shrsi %sub3A_1266, %shift_right_arithmetic3A_1267 : i32
      %jit3A_1269 = arith.constant 0 : i32
      %jit3A_1270 = arith.constant 15 : i32
      %max3A_1271 = arith.maxsi %jit3A_1269, %shift_right_arithmetic3A_1268 : i32
      %min3A_1272 = arith.minsi %jit3A_1270, %max3A_1271 : i32
      %add3A_1273 = arith.constant 1 : i32
      %add3A_1274 = arith.addi %shift_right_arithmetic3A_1268, %add3A_1273 : i32
      %jit3A_1275 = arith.constant 0 : i32
      %jit3A_1276 = arith.constant 15 : i32
      %max3A_1277 = arith.maxsi %jit3A_1275, %add3A_1274 : i32
      %min3A_1278 = arith.minsi %jit3A_1276, %max3A_1277 : i32
      %broadcast_in_dim3A_1279 = vector.broadcast %add3A_1264 : i32 to vector<16xi32>
      %convert_element_type3A_1280 = arith.sitofp %broadcast_in_dim3A_1279 : vector<16xi32> to vector<16xf32>
      %broadcast_in_dim3A_1281 = vector.broadcast %shift_right_arithmetic3A_1268 : i32 to vector<16xi32>
      %convert_element_type3A_1282 = arith.sitofp %broadcast_in_dim3A_1281 : vector<16xi32> to vector<16xf32>
      %add3A_1283 = arith.constant 5.000000e-01 : f32
      %add3A_1284 = vector.broadcast %add3A_1283 : f32 to vector<16xf32>
      %add3A_1285 = arith.addf %convert_element_type3A_1280, %add3A_1284 : vector<16xf32>
      %mul3A_1286 = arith.constant 3.125000e-02 : f32
      %mul3A_1287 = vector.broadcast %mul3A_1286 : f32 to vector<16xf32>
      %mul3A_1288 = arith.mulf %add3A_1285, %mul3A_1287 : vector<16xf32>
      %sub3A_1289 = arith.constant 5.000000e-01 : f32
      %sub3A_1290 = vector.broadcast %sub3A_1289 : f32 to vector<16xf32>
      %sub3A_1291 = arith.subf %mul3A_1288, %sub3A_1290 : vector<16xf32>
      %sub3A_1292 = arith.subf %sub3A_1291, %convert_element_type3A_1282 : vector<16xf32>
      %scan3A_1293 = arith.constant 0 : i32
      %scan3A_1294 = arith.constant 0 : i32
      %scan3A_1295 = arith.constant 12 : i32
      %scan3A_1296 = arith.addi %scan3A_1294, %scan3A_1295 : i32
      %scan3A_1297 = arith.constant 1 : i32
      scf.for %scan3A_1404 = %scan3A_1294 to %scan3A_1296 step %scan3A_1297  : i32 {
        %mul3A_1405 = arith.constant 144 : i32
        %mul3A_1406 = arith.muli %scan3A_1404, %mul3A_1405 : i32
        %mul3A_1407 = arith.constant 24576 : i32
        %mul3A_1408 = arith.muli %rem3A_173, %mul3A_1407 : i32
        %mul3A_1409 = arith.constant 2048 : i32
        %mul3A_1410 = arith.muli %scan3A_1404, %mul3A_1409 : i32
        %add3A_1411 = arith.addi %mul3A_1408, %mul3A_1410 : i32
        %mul3A_1412 = arith.constant 16 : i32
        %mul3A_1413 = arith.muli %min3A_1272, %mul3A_1412 : i32
        %add3A_1414 = arith.addi %add3A_1411, %mul3A_1413 : i32
        %mul3A_1415 = arith.constant 24576 : i32
        %mul3A_1416 = arith.muli %rem3A_173, %mul3A_1415 : i32
        %mul3A_1417 = arith.constant 2048 : i32
        %mul3A_1418 = arith.muli %scan3A_1404, %mul3A_1417 : i32
        %add3A_1419 = arith.addi %mul3A_1416, %mul3A_1418 : i32
        %mul3A_1420 = arith.constant 16 : i32
        %mul3A_1421 = arith.muli %min3A_1278, %mul3A_1420 : i32
        %add3A_1422 = arith.addi %add3A_1419, %mul3A_1421 : i32
        %add3A_1423 = arith.constant 0 : i32
        %add3A_1424 = arith.addi %add3A_1414, %add3A_1423 : i32
        %get3A = arith.index_cast %add3A_1424 : i32 to index
        %get3A_1425 = tpu.vector_load %arg9[%get3A] {strides = array<i32>} : memref<49152xf32, #tpu.memory_space<vmem>>, vector<16xf32>,
        %add3A_1426 = arith.constant 256 : i32
        %add3A_1427 = arith.addi %add3A_1414, %add3A_1426 : i32
        %get3A_1428 = arith.index_cast %add3A_1427 : i32 to index
        %get3A_1429 = tpu.vector_load %arg9[%get3A_1428] {strides = array<i32>} : memref<49152xf32, #tpu.memory_space<vmem>>, vector<16xf32>,
        %add3A_1430 = arith.constant 512 : i32
        %add3A_1431 = arith.addi %add3A_1414, %add3A_1430 : i32
        %get3A_1432 = arith.index_cast %add3A_1431 : i32 to index
        %get3A_1433 = tpu.vector_load %arg9[%get3A_1432] {strides = array<i32>} : memref<49152xf32, #tpu.memory_space<vmem>>, vector<16xf32>,
        %add3A_1434 = arith.constant 768 : i32
        %add3A_1435 = arith.addi %add3A_1414, %add3A_1434 : i32
        %get3A_1436 = arith.index_cast %add3A_1435 : i32 to index
        %get3A_1437 = tpu.vector_load %arg9[%get3A_1436] {strides = array<i32>} : memref<49152xf32, #tpu.memory_space<vmem>>, vector<16xf32>,
        %add3A_1438 = arith.constant 1024 : i32
        %add3A_1439 = arith.addi %add3A_1414, %add3A_1438 : i32
        %get3A_1440 = arith.index_cast %add3A_1439 : i32 to index
        %get3A_1441 = tpu.vector_load %arg9[%get3A_1440] {strides = array<i32>} : memref<49152xf32, #tpu.memory_space<vmem>>, vector<16xf32>,
        %add3A_1442 = arith.constant 1280 : i32
        %add3A_1443 = arith.addi %add3A_1414, %add3A_1442 : i32
        %get3A_1444 = arith.index_cast %add3A_1443 : i32 to index
        %get3A_1445 = tpu.vector_load %arg9[%get3A_1444] {strides = array<i32>} : memref<49152xf32, #tpu.memory_space<vmem>>, vector<16xf32>,
        %add3A_1446 = arith.constant 1536 : i32
        %add3A_1447 = arith.addi %add3A_1414, %add3A_1446 : i32
        %get3A_1448 = arith.index_cast %add3A_1447 : i32 to index
        %get3A_1449 = tpu.vector_load %arg9[%get3A_1448] {strides = array<i32>} : memref<49152xf32, #tpu.memory_space<vmem>>, vector<16xf32>,
        %add3A_1450 = arith.constant 1792 : i32
        %add3A_1451 = arith.addi %add3A_1414, %add3A_1450 : i32
        %get3A_1452 = arith.index_cast %add3A_1451 : i32 to index
        %get3A_1453 = tpu.vector_load %arg9[%get3A_1452] {strides = array<i32>} : memref<49152xf32, #tpu.memory_space<vmem>>, vector<16xf32>,
        %add3A_1454 = arith.constant 0 : i32
        %add3A_1455 = arith.addi %add3A_1422, %add3A_1454 : i32
        %get3A_1456 = arith.index_cast %add3A_1455 : i32 to index
        %get3A_1457 = tpu.vector_load %arg9[%get3A_1456] {strides = array<i32>} : memref<49152xf32, #tpu.memory_space<vmem>>, vector<16xf32>,
        %add3A_1458 = arith.constant 256 : i32
        %add3A_1459 = arith.addi %add3A_1422, %add3A_1458 : i32
        %get3A_1460 = arith.index_cast %add3A_1459 : i32 to index
        %get3A_1461 = tpu.vector_load %arg9[%get3A_1460] {strides = array<i32>} : memref<49152xf32, #tpu.memory_space<vmem>>, vector<16xf32>,
        %add3A_1462 = arith.constant 512 : i32
        %add3A_1463 = arith.addi %add3A_1422, %add3A_1462 : i32
        %get3A_1464 = arith.index_cast %add3A_1463 : i32 to index
        %get3A_1465 = tpu.vector_load %arg9[%get3A_1464] {strides = array<i32>} : memref<49152xf32, #tpu.memory_space<vmem>>, vector<16xf32>,
        %add3A_1466 = arith.constant 768 : i32
        %add3A_1467 = arith.addi %add3A_1422, %add3A_1466 : i32
        %get3A_1468 = arith.index_cast %add3A_1467 : i32 to index
        %get3A_1469 = tpu.vector_load %arg9[%get3A_1468] {strides = array<i32>} : memref<49152xf32, #tpu.memory_space<vmem>>, vector<16xf32>,
        %add3A_1470 = arith.constant 1024 : i32
        %add3A_1471 = arith.addi %add3A_1422, %add3A_1470 : i32
        %get3A_1472 = arith.index_cast %add3A_1471 : i32 to index
        %get3A_1473 = tpu.vector_load %arg9[%get3A_1472] {strides = array<i32>} : memref<49152xf32, #tpu.memory_space<vmem>>, vector<16xf32>,
        %add3A_1474 = arith.constant 1280 : i32
        %add3A_1475 = arith.addi %add3A_1422, %add3A_1474 : i32
        %get3A_1476 = arith.index_cast %add3A_1475 : i32 to index
        %get3A_1477 = tpu.vector_load %arg9[%get3A_1476] {strides = array<i32>} : memref<49152xf32, #tpu.memory_space<vmem>>, vector<16xf32>,
        %add3A_1478 = arith.constant 1536 : i32
        %add3A_1479 = arith.addi %add3A_1422, %add3A_1478 : i32
        %get3A_1480 = arith.index_cast %add3A_1479 : i32 to index
        %get3A_1481 = tpu.vector_load %arg9[%get3A_1480] {strides = array<i32>} : memref<49152xf32, #tpu.memory_space<vmem>>, vector<16xf32>,
        %add3A_1482 = arith.constant 1792 : i32
        %add3A_1483 = arith.addi %add3A_1422, %add3A_1482 : i32
        %get3A_1484 = arith.index_cast %add3A_1483 : i32 to index
        %get3A_1485 = tpu.vector_load %arg9[%get3A_1484] {strides = array<i32>} : memref<49152xf32, #tpu.memory_space<vmem>>, vector<16xf32>,
        %sub3A_1486 = arith.subf %get3A_1457, %get3A_1425 : vector<16xf32>
        %mul3A_1487 = arith.mulf %sub3A_1292, %sub3A_1486 : vector<16xf32>
        %add3A_1488 = arith.addf %get3A_1425, %mul3A_1487 : vector<16xf32>
        %add3A_1489 = arith.constant 0 : i32
        %add3A_1490 = arith.addi %mul3A_1406, %add3A_1489 : i32
        %swap3A = arith.index_cast %add3A_1490 : i32 to index
        %swap3A_1491 = tpu.vector_load %arg10[%swap3A] {strides = array<i32>} : memref<3457xf32, #tpu.memory_space<vmem>>, vector<16xf32>,
        tpu.vector_store %arg10[%swap3A], %add3A_1488 {strides = array<i32>} : memref<3457xf32, #tpu.memory_space<vmem>>, vector<16xf32>,
        %add3A_1492 = arith.constant 1729 : i32
        %add3A_1493 = arith.addi %add3A_1492, %mul3A_1406 : i32
        %add3A_1494 = arith.constant 0 : i32
        %add3A_1495 = arith.addi %add3A_1493, %add3A_1494 : i32
        %swap3A_1496 = arith.index_cast %add3A_1495 : i32 to index
        %swap3A_1497 = tpu.vector_load %arg10[%swap3A_1496] {strides = array<i32>} : memref<3457xf32, #tpu.memory_space<vmem>>, vector<16xf32>,
        tpu.vector_store %arg10[%swap3A_1496], %add3A_1488 {strides = array<i32>} : memref<3457xf32, #tpu.memory_space<vmem>>, vector<16xf32>,
        %sub3A_1498 = arith.subf %get3A_1461, %get3A_1429 : vector<16xf32>
        %mul3A_1499 = arith.mulf %sub3A_1292, %sub3A_1498 : vector<16xf32>
        %add3A_1500 = arith.addf %get3A_1429, %mul3A_1499 : vector<16xf32>
        %add3A_1501 = arith.constant 18 : i32
        %add3A_1502 = arith.addi %mul3A_1406, %add3A_1501 : i32
        %swap3A_1503 = arith.index_cast %add3A_1502 : i32 to index
        %swap3A_1504 = tpu.vector_load %arg10[%swap3A_1503] {strides = array<i32>} : memref<3457xf32, #tpu.memory_space<vmem>>, vector<16xf32>,
        tpu.vector_store %arg10[%swap3A_1503], %add3A_1500 {strides = array<i32>} : memref<3457xf32, #tpu.memory_space<vmem>>, vector<16xf32>,
        %add3A_1505 = arith.constant 1729 : i32
        %add3A_1506 = arith.addi %add3A_1505, %mul3A_1406 : i32
        %add3A_1507 = arith.constant 18 : i32
        %add3A_1508 = arith.addi %add3A_1506, %add3A_1507 : i32
        %swap3A_1509 = arith.index_cast %add3A_1508 : i32 to index
        %swap3A_1510 = tpu.vector_load %arg10[%swap3A_1509] {strides = array<i32>} : memref<3457xf32, #tpu.memory_space<vmem>>, vector<16xf32>,
        tpu.vector_store %arg10[%swap3A_1509], %add3A_1500 {strides = array<i32>} : memref<3457xf32, #tpu.memory_space<vmem>>, vector<16xf32>,
        %sub3A_1511 = arith.subf %get3A_1465, %get3A_1433 : vector<16xf32>
        %mul3A_1512 = arith.mulf %sub3A_1292, %sub3A_1511 : vector<16xf32>
        %add3A_1513 = arith.addf %get3A_1433, %mul3A_1512 : vector<16xf32>
        %add3A_1514 = arith.constant 36 : i32
        %add3A_1515 = arith.addi %mul3A_1406, %add3A_1514 : i32
        %swap3A_1516 = arith.index_cast %add3A_1515 : i32 to index
        %swap3A_1517 = tpu.vector_load %arg10[%swap3A_1516] {strides = array<i32>} : memref<3457xf32, #tpu.memory_space<vmem>>, vector<16xf32>,
        tpu.vector_store %arg10[%swap3A_1516], %add3A_1513 {strides = array<i32>} : memref<3457xf32, #tpu.memory_space<vmem>>, vector<16xf32>,
        %add3A_1518 = arith.constant 1729 : i32
        %add3A_1519 = arith.addi %add3A_1518, %mul3A_1406 : i32
        %add3A_1520 = arith.constant 36 : i32
        %add3A_1521 = arith.addi %add3A_1519, %add3A_1520 : i32
        %swap3A_1522 = arith.index_cast %add3A_1521 : i32 to index
        %swap3A_1523 = tpu.vector_load %arg10[%swap3A_1522] {strides = array<i32>} : memref<3457xf32, #tpu.memory_space<vmem>>, vector<16xf32>,
        tpu.vector_store %arg10[%swap3A_1522], %add3A_1513 {strides = array<i32>} : memref<3457xf32, #tpu.memory_space<vmem>>, vector<16xf32>,
        %sub3A_1524 = arith.subf %get3A_1469, %get3A_1437 : vector<16xf32>
        %mul3A_1525 = arith.mulf %sub3A_1292, %sub3A_1524 : vector<16xf32>
        %add3A_1526 = arith.addf %get3A_1437, %mul3A_1525 : vector<16xf32>
        %add3A_1527 = arith.constant 54 : i32
        %add3A_1528 = arith.addi %mul3A_1406, %add3A_1527 : i32
        %swap3A_1529 = arith.index_cast %add3A_1528 : i32 to index
        %swap3A_1530 = tpu.vector_load %arg10[%swap3A_1529] {strides = array<i32>} : memref<3457xf32, #tpu.memory_space<vmem>>, vector<16xf32>,
        tpu.vector_store %arg10[%swap3A_1529], %add3A_1526 {strides = array<i32>} : memref<3457xf32, #tpu.memory_space<vmem>>, vector<16xf32>,
        %add3A_1531 = arith.constant 1729 : i32
        %add3A_1532 = arith.addi %add3A_1531, %mul3A_1406 : i32
        %add3A_1533 = arith.constant 54 : i32
        %add3A_1534 = arith.addi %add3A_1532, %add3A_1533 : i32
        %swap3A_1535 = arith.index_cast %add3A_1534 : i32 to index
        %swap3A_1536 = tpu.vector_load %arg10[%swap3A_1535] {strides = array<i32>} : memref<3457xf32, #tpu.memory_space<vmem>>, vector<16xf32>,
        tpu.vector_store %arg10[%swap3A_1535], %add3A_1526 {strides = array<i32>} : memref<3457xf32, #tpu.memory_space<vmem>>, vector<16xf32>,
        %sub3A_1537 = arith.subf %get3A_1473, %get3A_1441 : vector<16xf32>
        %mul3A_1538 = arith.mulf %sub3A_1292, %sub3A_1537 : vector<16xf32>
        %add3A_1539 = arith.addf %get3A_1441, %mul3A_1538 : vector<16xf32>
        %add3A_1540 = arith.constant 72 : i32
        %add3A_1541 = arith.addi %mul3A_1406, %add3A_1540 : i32
        %swap3A_1542 = arith.index_cast %add3A_1541 : i32 to index
        %swap3A_1543 = tpu.vector_load %arg10[%swap3A_1542] {strides = array<i32>} : memref<3457xf32, #tpu.memory_space<vmem>>, vector<16xf32>,
        tpu.vector_store %arg10[%swap3A_1542], %add3A_1539 {strides = array<i32>} : memref<3457xf32, #tpu.memory_space<vmem>>, vector<16xf32>,
        %add3A_1544 = arith.constant 1729 : i32
        %add3A_1545 = arith.addi %add3A_1544, %mul3A_1406 : i32
        %add3A_1546 = arith.constant 72 : i32
        %add3A_1547 = arith.addi %add3A_1545, %add3A_1546 : i32
        %swap3A_1548 = arith.index_cast %add3A_1547 : i32 to index
        %swap3A_1549 = tpu.vector_load %arg10[%swap3A_1548] {strides = array<i32>} : memref<3457xf32, #tpu.memory_space<vmem>>, vector<16xf32>,
        tpu.vector_store %arg10[%swap3A_1548], %add3A_1539 {strides = array<i32>} : memref<3457xf32, #tpu.memory_space<vmem>>, vector<16xf32>,
        %sub3A_1550 = arith.subf %get3A_1477, %get3A_1445 : vector<16xf32>
        %mul3A_1551 = arith.mulf %sub3A_1292, %sub3A_1550 : vector<16xf32>
        %add3A_1552 = arith.addf %get3A_1445, %mul3A_1551 : vector<16xf32>
        %add3A_1553 = arith.constant 90 : i32
        %add3A_1554 = arith.addi %mul3A_1406, %add3A_1553 : i32
        %swap3A_1555 = arith.index_cast %add3A_1554 : i32 to index
        %swap3A_1556 = tpu.vector_load %arg10[%swap3A_1555] {strides = array<i32>} : memref<3457xf32, #tpu.memory_space<vmem>>, vector<16xf32>,
        tpu.vector_store %arg10[%swap3A_1555], %add3A_1552 {strides = array<i32>} : memref<3457xf32, #tpu.memory_space<vmem>>, vector<16xf32>,
        %add3A_1557 = arith.constant 1729 : i32
        %add3A_1558 = arith.addi %add3A_1557, %mul3A_1406 : i32
        %add3A_1559 = arith.constant 90 : i32
        %add3A_1560 = arith.addi %add3A_1558, %add3A_1559 : i32
        %swap3A_1561 = arith.index_cast %add3A_1560 : i32 to index
        %swap3A_1562 = tpu.vector_load %arg10[%swap3A_1561] {strides = array<i32>} : memref<3457xf32, #tpu.memory_space<vmem>>, vector<16xf32>,
        tpu.vector_store %arg10[%swap3A_1561], %add3A_1552 {strides = array<i32>} : memref<3457xf32, #tpu.memory_space<vmem>>, vector<16xf32>,
        %sub3A_1563 = arith.subf %get3A_1481, %get3A_1449 : vector<16xf32>
        %mul3A_1564 = arith.mulf %sub3A_1292, %sub3A_1563 : vector<16xf32>
        %add3A_1565 = arith.addf %get3A_1449, %mul3A_1564 : vector<16xf32>
        %add3A_1566 = arith.constant 108 : i32
        %add3A_1567 = arith.addi %mul3A_1406, %add3A_1566 : i32
        %swap3A_1568 = arith.index_cast %add3A_1567 : i32 to index
        %swap3A_1569 = tpu.vector_load %arg10[%swap3A_1568] {strides = array<i32>} : memref<3457xf32, #tpu.memory_space<vmem>>, vector<16xf32>,
        tpu.vector_store %arg10[%swap3A_1568], %add3A_1565 {strides = array<i32>} : memref<3457xf32, #tpu.memory_space<vmem>>, vector<16xf32>,
        %add3A_1570 = arith.constant 1729 : i32
        %add3A_1571 = arith.addi %add3A_1570, %mul3A_1406 : i32
        %add3A_1572 = arith.constant 108 : i32
        %add3A_1573 = arith.addi %add3A_1571, %add3A_1572 : i32
        %swap3A_1574 = arith.index_cast %add3A_1573 : i32 to index
        %swap3A_1575 = tpu.vector_load %arg10[%swap3A_1574] {strides = array<i32>} : memref<3457xf32, #tpu.memory_space<vmem>>, vector<16xf32>,
        tpu.vector_store %arg10[%swap3A_1574], %add3A_1565 {strides = array<i32>} : memref<3457xf32, #tpu.memory_space<vmem>>, vector<16xf32>,
        %sub3A_1576 = arith.subf %get3A_1485, %get3A_1453 : vector<16xf32>
        %mul3A_1577 = arith.mulf %sub3A_1292, %sub3A_1576 : vector<16xf32>
        %add3A_1578 = arith.addf %get3A_1453, %mul3A_1577 : vector<16xf32>
        %add3A_1579 = arith.constant 126 : i32
        %add3A_1580 = arith.addi %mul3A_1406, %add3A_1579 : i32
        %swap3A_1581 = arith.index_cast %add3A_1580 : i32 to index
        %swap3A_1582 = tpu.vector_load %arg10[%swap3A_1581] {strides = array<i32>} : memref<3457xf32, #tpu.memory_space<vmem>>, vector<16xf32>,
        tpu.vector_store %arg10[%swap3A_1581], %add3A_1578 {strides = array<i32>} : memref<3457xf32, #tpu.memory_space<vmem>>, vector<16xf32>,
        %add3A_1583 = arith.constant 1729 : i32
        %add3A_1584 = arith.addi %add3A_1583, %mul3A_1406 : i32
        %add3A_1585 = arith.constant 126 : i32
        %add3A_1586 = arith.addi %add3A_1584, %add3A_1585 : i32
        %swap3A_1587 = arith.index_cast %add3A_1586 : i32 to index
        %swap3A_1588 = tpu.vector_load %arg10[%swap3A_1587] {strides = array<i32>} : memref<3457xf32, #tpu.memory_space<vmem>>, vector<16xf32>,
        tpu.vector_store %arg10[%swap3A_1587], %add3A_1578 {strides = array<i32>} : memref<3457xf32, #tpu.memory_space<vmem>>, vector<16xf32>,
      }
      %scan3A_1298 = arith.constant 12 : i32
      %jit3A_1299 = arith.constant 2 : i32
      %div3A_1300 = arith.divsi %add3A_172, %jit3A_1299 : i32
      %sign3A_1301 = arith.constant 0 : i32
      %sign3A_1302 = arith.cmpi sgt, %add3A_172, %sign3A_1301 : i32
      %sign3A_1303 = arith.extui %sign3A_1302 : i1 to i32
      %sign3A_1304 = arith.constant 0 : i32
      %sign3A_1305 = arith.cmpi slt, %add3A_172, %sign3A_1304 : i32
      %sign3A_1306 = arith.extui %sign3A_1305 : i1 to i32
      %sign3A_1307 = arith.subi %sign3A_1303, %sign3A_1306 : i32
      %sign3A_1308 = arith.constant 0 : i32
      %sign3A_1309 = arith.cmpi sgt, %jit3A_1299, %sign3A_1308 : i32
      %sign3A_1310 = arith.extui %sign3A_1309 : i1 to i32
      %sign3A_1311 = arith.constant 0 : i32
      %sign3A_1312 = arith.cmpi slt, %jit3A_1299, %sign3A_1311 : i32
      %sign3A_1313 = arith.extui %sign3A_1312 : i1 to i32
      %sign3A_1314 = arith.subi %sign3A_1310, %sign3A_1313 : i32
      %ne3A_1315 = arith.cmpi ne, %sign3A_1307, %sign3A_1314 : i32
      %rem3A_1316 = arith.remsi %add3A_172, %jit3A_1299 : i32
      %ne3A_1317 = arith.constant 0 : i32
      %ne3A_1318 = arith.cmpi ne, %rem3A_1316, %ne3A_1317 : i32
      %and3A_1319 = arith.andi %ne3A_1315, %ne3A_1318 : i1
      %sub3A_1320 = arith.constant 1 : i32
      %sub3A_1321 = arith.subi %div3A_1300, %sub3A_1320 : i32
      %select_n3A_1322 = arith.select %and3A_1319, %sub3A_1321, %div3A_1300 : i32
      %mul3A_1323 = arith.constant 16 : i32
      %mul3A_1324 = arith.muli %add3A, %mul3A_1323 : i32
      %jit3A_1325 = arith.constant 2 : i32
      %eq3A_1326 = arith.constant 0 : i32
      %eq3A_1327 = arith.cmpi eq, %jit3A_1325, %eq3A_1326 : i32
      %jit3A_1328 = arith.constant 1 : i32
      %select_n3A_1329 = arith.select %eq3A_1327, %jit3A_1328, %jit3A_1325 : i32
      %rem3A_1330 = arith.remsi %add3A_172, %select_n3A_1329 : i32
      %ne3A_1331 = arith.constant 0 : i32
      %ne3A_1332 = arith.cmpi ne, %rem3A_1330, %ne3A_1331 : i32
      %lt3A_1333 = arith.constant 0 : i32
      %lt3A_1334 = arith.cmpi slt, %rem3A_1330, %lt3A_1333 : i32
      %lt3A_1335 = arith.constant 0 : i32
      %lt3A_1336 = arith.cmpi slt, %select_n3A_1329, %lt3A_1335 : i32
      %ne3A_1337 = arith.xori %lt3A_1334, %lt3A_1336 : i1
      %and3A_1338 = arith.andi %ne3A_1337, %ne3A_1332 : i1
      %add3A_1339 = arith.addi %rem3A_1330, %select_n3A_1329 : i32
      %select_n3A_1340 = arith.select %and3A_1338, %add3A_1339, %rem3A_1330 : i32
      %mul3A_1341 = arith.constant 8 : i32
      %mul3A_1342 = arith.muli %select_n3A_1340, %mul3A_1341 : i32
      %add3A_1343 = arith.addi %mul3A_1324, %mul3A_1342 : i32
      %mul3A_1344 = arith.constant 3 : i32
      %mul3A_1345 = arith.muli %select_n3A_1322, %mul3A_1344 : i32
      %add3A_1346 = arith.constant 0 : i32
      %add3A_1347 = arith.addi %mul3A_1345, %add3A_1346 : i32
      %mul3A_1348 = arith.constant 512 : i32
      %mul3A_1349 = arith.muli %add3A_1347, %mul3A_1348 : i32
      %add3A_1350 = arith.addi %mul3A_1349, %add3A_1343 : i32
      %mul3A_1351 = arith.constant 3 : i32
      %mul3A_1352 = arith.muli %select_n3A_1322, %mul3A_1351 : i32
      %add3A_1353 = arith.constant 1 : i32
      %add3A_1354 = arith.addi %mul3A_1352, %add3A_1353 : i32
      %mul3A_1355 = arith.constant 512 : i32
      %mul3A_1356 = arith.muli %add3A_1354, %mul3A_1355 : i32
      %add3A_1357 = arith.addi %mul3A_1356, %add3A_1343 : i32
      %mul3A_1358 = arith.constant 3 : i32
      %mul3A_1359 = arith.muli %select_n3A_1322, %mul3A_1358 : i32
      %add3A_1360 = arith.constant 2 : i32
      %add3A_1361 = arith.addi %mul3A_1359, %add3A_1360 : i32
      %mul3A_1362 = arith.constant 512 : i32
      %mul3A_1363 = arith.muli %add3A_1361, %mul3A_1362 : i32
      %add3A_1364 = arith.addi %mul3A_1363, %add3A_1343 : i32
      %dma_start3A_1365 = arith.constant 0 : i32
      %dma_start3A_1366 = arith.constant 0 : i32
      %dma_start3A_1367 = arith.constant 0 : i32
      %dma_start3A_1368 = tpu.memref_slice %arg16[%dma_start3A_1365, %dma_start3A_1366, %dma_start3A_1367] : memref<3x8x512xf32, #tpu.memory_space<vmem>> -> memref<1x8x512xf32, #tpu.memory_space<vmem>>
      %dma_start3A_1369 = tpu.memref_squeeze %dma_start3A_1368 : memref<1x8x512xf32, #tpu.memory_space<vmem>> -> memref<8x512xf32, #tpu.memory_space<vmem>>
      %dma_start3A_1370 = arith.constant 0 : i32
      %dma_start3A_1371 = tpu.memref_slice %arg8[%add3A_1350, %dma_start3A_1370] : memref<6144x512xf32, #tpu.memory_space<hbm>> -> memref<8x512xf32, #tpu.memory_space<hbm>>
      %dma_start3A_1372 = arith.constant 0 : i32
      %dma_start3A_1373 = tpu.memref_slice %arg8[%add3A_1350, %dma_start3A_1372] : memref<6144x512xf32, #tpu.memory_space<hbm>> -> memref<8x512xf32, #tpu.memory_space<hbm>>
      %dma_start3A_1374 = arith.constant 0 : i32
      %dma_start3A_1375 = arith.constant 0 : i32
      %dma_start3A_1376 = tpu.memref_slice %arg16[%dma_start3A_1365, %dma_start3A_1374, %dma_start3A_1375] : memref<3x8x512xf32, #tpu.memory_space<vmem>> -> memref<1x8x512xf32, #tpu.memory_space<vmem>>
      %dma_start3A_1377 = tpu.memref_squeeze %dma_start3A_1376 : memref<1x8x512xf32, #tpu.memory_space<vmem>> -> memref<8x512xf32, #tpu.memory_space<vmem>>
      tpu.enqueue_dma source(%dma_start3A_1377 : memref<8x512xf32, #tpu.memory_space<vmem>>) target(%dma_start3A_1373 : memref<8x512xf32, #tpu.memory_space<hbm>>) target_semaphore(%arg24 : memref<!tpu.dma_semaphore, #tpu.memory_space<semaphore_mem>>)
      %dma_start3A_1378 = arith.constant 1 : i32
      %dma_start3A_1379 = arith.constant 0 : i32
      %dma_start3A_1380 = arith.constant 0 : i32
      %dma_start3A_1381 = tpu.memref_slice %arg16[%dma_start3A_1378, %dma_start3A_1379, %dma_start3A_1380] : memref<3x8x512xf32, #tpu.memory_space<vmem>> -> memref<1x8x512xf32, #tpu.memory_space<vmem>>
      %dma_start3A_1382 = tpu.memref_squeeze %dma_start3A_1381 : memref<1x8x512xf32, #tpu.memory_space<vmem>> -> memref<8x512xf32, #tpu.memory_space<vmem>>
      %dma_start3A_1383 = arith.constant 0 : i32
      %dma_start3A_1384 = tpu.memref_slice %arg8[%add3A_1357, %dma_start3A_1383] : memref<6144x512xf32, #tpu.memory_space<hbm>> -> memref<8x512xf32, #tpu.memory_space<hbm>>
      %dma_start3A_1385 = arith.constant 0 : i32
      %dma_start3A_1386 = tpu.memref_slice %arg8[%add3A_1357, %dma_start3A_1385] : memref<6144x512xf32, #tpu.memory_space<hbm>> -> memref<8x512xf32, #tpu.memory_space<hbm>>
      %dma_start3A_1387 = arith.constant 0 : i32
      %dma_start3A_1388 = arith.constant 0 : i32
      %dma_start3A_1389 = tpu.memref_slice %arg16[%dma_start3A_1378, %dma_start3A_1387, %dma_start3A_1388] : memref<3x8x512xf32, #tpu.memory_space<vmem>> -> memref<1x8x512xf32, #tpu.memory_space<vmem>>
      %dma_start3A_1390 = tpu.memref_squeeze %dma_start3A_1389 : memref<1x8x512xf32, #tpu.memory_space<vmem>> -> memref<8x512xf32, #tpu.memory_space<vmem>>
      tpu.enqueue_dma source(%dma_start3A_1390 : memref<8x512xf32, #tpu.memory_space<vmem>>) target(%dma_start3A_1386 : memref<8x512xf32, #tpu.memory_space<hbm>>) target_semaphore(%arg24 : memref<!tpu.dma_semaphore, #tpu.memory_space<semaphore_mem>>)
      %dma_start3A_1391 = arith.constant 2 : i32
      %dma_start3A_1392 = arith.constant 0 : i32
      %dma_start3A_1393 = arith.constant 0 : i32
      %dma_start3A_1394 = tpu.memref_slice %arg16[%dma_start3A_1391, %dma_start3A_1392, %dma_start3A_1393] : memref<3x8x512xf32, #tpu.memory_space<vmem>> -> memref<1x8x512xf32, #tpu.memory_space<vmem>>
      %dma_start3A_1395 = tpu.memref_squeeze %dma_start3A_1394 : memref<1x8x512xf32, #tpu.memory_space<vmem>> -> memref<8x512xf32, #tpu.memory_space<vmem>>
      %dma_start3A_1396 = arith.constant 0 : i32
      %dma_start3A_1397 = tpu.memref_slice %arg8[%add3A_1364, %dma_start3A_1396] : memref<6144x512xf32, #tpu.memory_space<hbm>> -> memref<8x512xf32, #tpu.memory_space<hbm>>
      %dma_start3A_1398 = arith.constant 0 : i32
      %dma_start3A_1399 = tpu.memref_slice %arg8[%add3A_1364, %dma_start3A_1398] : memref<6144x512xf32, #tpu.memory_space<hbm>> -> memref<8x512xf32, #tpu.memory_space<hbm>>
      %dma_start3A_1400 = arith.constant 0 : i32
      %dma_start3A_1401 = arith.constant 0 : i32
      %dma_start3A_1402 = tpu.memref_slice %arg16[%dma_start3A_1391, %dma_start3A_1400, %dma_start3A_1401] : memref<3x8x512xf32, #tpu.memory_space<vmem>> -> memref<1x8x512xf32, #tpu.memory_space<vmem>>
      %dma_start3A_1403 = tpu.memref_squeeze %dma_start3A_1402 : memref<1x8x512xf32, #tpu.memory_space<vmem>> -> memref<8x512xf32, #tpu.memory_space<vmem>>
      tpu.enqueue_dma source(%dma_start3A_1403 : memref<8x512xf32, #tpu.memory_space<vmem>>) target(%dma_start3A_1399 : memref<8x512xf32, #tpu.memory_space<hbm>>) target_semaphore(%arg24 : memref<!tpu.dma_semaphore, #tpu.memory_space<semaphore_mem>>)
    }
    %scan3A_70 = arith.constant 4 : i32
    %mul3A_71 = arith.constant 16 : i32
    %mul3A_72 = arith.muli %add3A, %mul3A_71 : i32
    %add3A_73 = arith.constant 0 : i32
    %add3A_74 = arith.addi %mul3A_72, %add3A_73 : i32
    %add3A_75 = arith.constant 4608 : i32
    %add3A_76 = arith.addi %add3A_75, %add3A_74 : i32
    %add3A_77 = arith.constant 5120 : i32
    %add3A_78 = arith.addi %add3A_77, %add3A_74 : i32
    %add3A_79 = arith.constant 5632 : i32
    %add3A_80 = arith.addi %add3A_79, %add3A_74 : i32
    %dma_wait3A = arith.constant 0 : i32
    %dma_wait3A_81 = arith.constant 0 : i32
    %dma_wait3A_82 = arith.constant 0 : i32
    %dma_wait3A_83 = tpu.memref_slice %arg15[%dma_wait3A, %dma_wait3A_81, %dma_wait3A_82] : memref<3x8x512xf32, #tpu.memory_space<vmem>> -> memref<1x8x512xf32, #tpu.memory_space<vmem>>
    %dma_wait3A_84 = tpu.memref_squeeze %dma_wait3A_83 : memref<1x8x512xf32, #tpu.memory_space<vmem>> -> memref<8x512xf32, #tpu.memory_space<vmem>>
    %dma_wait3A_85 = arith.constant 0 : i32
    %dma_wait3A_86 = tpu.memref_slice %arg8[%add3A_76, %dma_wait3A_85] : memref<6144x512xf32, #tpu.memory_space<hbm>> -> memref<8x512xf32, #tpu.memory_space<hbm>>
    %dma_wait3A_87 = arith.constant 0 : i32
    %dma_wait3A_88 = tpu.memref_slice %arg8[%add3A_76, %dma_wait3A_87] : memref<6144x512xf32, #tpu.memory_space<hbm>> -> memref<8x512xf32, #tpu.memory_space<hbm>>
    %dma_wait3A_89 = arith.constant 0 : i32
    %dma_wait3A_90 = arith.constant 0 : i32
    %dma_wait3A_91 = tpu.memref_slice %arg15[%dma_wait3A, %dma_wait3A_89, %dma_wait3A_90] : memref<3x8x512xf32, #tpu.memory_space<vmem>> -> memref<1x8x512xf32, #tpu.memory_space<vmem>>
    %dma_wait3A_92 = tpu.memref_squeeze %dma_wait3A_91 : memref<1x8x512xf32, #tpu.memory_space<vmem>> -> memref<8x512xf32, #tpu.memory_space<vmem>>
    tpu.wait_dma2 semaphore(%arg23 : memref<!tpu.dma_semaphore, #tpu.memory_space<semaphore_mem>>) src(%dma_wait3A_92 : memref<8x512xf32, #tpu.memory_space<vmem>>) dst(%dma_wait3A_88 : memref<8x512xf32, #tpu.memory_space<hbm>>)
    %dma_wait3A_93 = arith.constant 1 : i32
    %dma_wait3A_94 = arith.constant 0 : i32
    %dma_wait3A_95 = arith.constant 0 : i32
    %dma_wait3A_96 = tpu.memref_slice %arg15[%dma_wait3A_93, %dma_wait3A_94, %dma_wait3A_95] : memref<3x8x512xf32, #tpu.memory_space<vmem>> -> memref<1x8x512xf32, #tpu.memory_space<vmem>>
    %dma_wait3A_97 = tpu.memref_squeeze %dma_wait3A_96 : memref<1x8x512xf32, #tpu.memory_space<vmem>> -> memref<8x512xf32, #tpu.memory_space<vmem>>
    %dma_wait3A_98 = arith.constant 0 : i32
    %dma_wait3A_99 = tpu.memref_slice %arg8[%add3A_78, %dma_wait3A_98] : memref<6144x512xf32, #tpu.memory_space<hbm>> -> memref<8x512xf32, #tpu.memory_space<hbm>>
    %dma_wait3A_100 = arith.constant 0 : i32
    %dma_wait3A_101 = tpu.memref_slice %arg8[%add3A_78, %dma_wait3A_100] : memref<6144x512xf32, #tpu.memory_space<hbm>> -> memref<8x512xf32, #tpu.memory_space<hbm>>
    %dma_wait3A_102 = arith.constant 0 : i32
    %dma_wait3A_103 = arith.constant 0 : i32
    %dma_wait3A_104 = tpu.memref_slice %arg15[%dma_wait3A_93, %dma_wait3A_102, %dma_wait3A_103] : memref<3x8x512xf32, #tpu.memory_space<vmem>> -> memref<1x8x512xf32, #tpu.memory_space<vmem>>
    %dma_wait3A_105 = tpu.memref_squeeze %dma_wait3A_104 : memref<1x8x512xf32, #tpu.memory_space<vmem>> -> memref<8x512xf32, #tpu.memory_space<vmem>>
    tpu.wait_dma2 semaphore(%arg23 : memref<!tpu.dma_semaphore, #tpu.memory_space<semaphore_mem>>) src(%dma_wait3A_105 : memref<8x512xf32, #tpu.memory_space<vmem>>) dst(%dma_wait3A_101 : memref<8x512xf32, #tpu.memory_space<hbm>>)
    %dma_wait3A_106 = arith.constant 2 : i32
    %dma_wait3A_107 = arith.constant 0 : i32
    %dma_wait3A_108 = arith.constant 0 : i32
    %dma_wait3A_109 = tpu.memref_slice %arg15[%dma_wait3A_106, %dma_wait3A_107, %dma_wait3A_108] : memref<3x8x512xf32, #tpu.memory_space<vmem>> -> memref<1x8x512xf32, #tpu.memory_space<vmem>>
    %dma_wait3A_110 = tpu.memref_squeeze %dma_wait3A_109 : memref<1x8x512xf32, #tpu.memory_space<vmem>> -> memref<8x512xf32, #tpu.memory_space<vmem>>
    %dma_wait3A_111 = arith.constant 0 : i32
    %dma_wait3A_112 = tpu.memref_slice %arg8[%add3A_80, %dma_wait3A_111] : memref<6144x512xf32, #tpu.memory_space<hbm>> -> memref<8x512xf32, #tpu.memory_space<hbm>>
    %dma_wait3A_113 = arith.constant 0 : i32
    %dma_wait3A_114 = tpu.memref_slice %arg8[%add3A_80, %dma_wait3A_113] : memref<6144x512xf32, #tpu.memory_space<hbm>> -> memref<8x512xf32, #tpu.memory_space<hbm>>
    %dma_wait3A_115 = arith.constant 0 : i32
    %dma_wait3A_116 = arith.constant 0 : i32
    %dma_wait3A_117 = tpu.memref_slice %arg15[%dma_wait3A_106, %dma_wait3A_115, %dma_wait3A_116] : memref<3x8x512xf32, #tpu.memory_space<vmem>> -> memref<1x8x512xf32, #tpu.memory_space<vmem>>
    %dma_wait3A_118 = tpu.memref_squeeze %dma_wait3A_117 : memref<1x8x512xf32, #tpu.memory_space<vmem>> -> memref<8x512xf32, #tpu.memory_space<vmem>>
    tpu.wait_dma2 semaphore(%arg23 : memref<!tpu.dma_semaphore, #tpu.memory_space<semaphore_mem>>) src(%dma_wait3A_118 : memref<8x512xf32, #tpu.memory_space<vmem>>) dst(%dma_wait3A_114 : memref<8x512xf32, #tpu.memory_space<hbm>>)
    %mul3A_119 = arith.constant 16 : i32
    %mul3A_120 = arith.muli %add3A, %mul3A_119 : i32
    %add3A_121 = arith.constant 8 : i32
    %add3A_122 = arith.addi %mul3A_120, %add3A_121 : i32
    %add3A_123 = arith.constant 4608 : i32
    %add3A_124 = arith.addi %add3A_123, %add3A_122 : i32
    %add3A_125 = arith.constant 5120 : i32
    %add3A_126 = arith.addi %add3A_125, %add3A_122 : i32
    %add3A_127 = arith.constant 5632 : i32
    %add3A_128 = arith.addi %add3A_127, %add3A_122 : i32
    %dma_wait3A_129 = arith.constant 0 : i32
    %dma_wait3A_130 = arith.constant 0 : i32
    %dma_wait3A_131 = arith.constant 0 : i32
    %dma_wait3A_132 = tpu.memref_slice %arg16[%dma_wait3A_129, %dma_wait3A_130, %dma_wait3A_131] : memref<3x8x512xf32, #tpu.memory_space<vmem>> -> memref<1x8x512xf32, #tpu.memory_space<vmem>>
    %dma_wait3A_133 = tpu.memref_squeeze %dma_wait3A_132 : memref<1x8x512xf32, #tpu.memory_space<vmem>> -> memref<8x512xf32, #tpu.memory_space<vmem>>
    %dma_wait3A_134 = arith.constant 0 : i32
    %dma_wait3A_135 = tpu.memref_slice %arg8[%add3A_124, %dma_wait3A_134] : memref<6144x512xf32, #tpu.memory_space<hbm>> -> memref<8x512xf32, #tpu.memory_space<hbm>>
    %dma_wait3A_136 = arith.constant 0 : i32
    %dma_wait3A_137 = tpu.memref_slice %arg8[%add3A_124, %dma_wait3A_136] : memref<6144x512xf32, #tpu.memory_space<hbm>> -> memref<8x512xf32, #tpu.memory_space<hbm>>
    %dma_wait3A_138 = arith.constant 0 : i32
    %dma_wait3A_139 = arith.constant 0 : i32
    %dma_wait3A_140 = tpu.memref_slice %arg16[%dma_wait3A_129, %dma_wait3A_138, %dma_wait3A_139] : memref<3x8x512xf32, #tpu.memory_space<vmem>> -> memref<1x8x512xf32, #tpu.memory_space<vmem>>
    %dma_wait3A_141 = tpu.memref_squeeze %dma_wait3A_140 : memref<1x8x512xf32, #tpu.memory_space<vmem>> -> memref<8x512xf32, #tpu.memory_space<vmem>>
    tpu.wait_dma2 semaphore(%arg24 : memref<!tpu.dma_semaphore, #tpu.memory_space<semaphore_mem>>) src(%dma_wait3A_141 : memref<8x512xf32, #tpu.memory_space<vmem>>) dst(%dma_wait3A_137 : memref<8x512xf32, #tpu.memory_space<hbm>>)
    %dma_wait3A_142 = arith.constant 1 : i32
    %dma_wait3A_143 = arith.constant 0 : i32
    %dma_wait3A_144 = arith.constant 0 : i32
    %dma_wait3A_145 = tpu.memref_slice %arg16[%dma_wait3A_142, %dma_wait3A_143, %dma_wait3A_144] : memref<3x8x512xf32, #tpu.memory_space<vmem>> -> memref<1x8x512xf32, #tpu.memory_space<vmem>>
    %dma_wait3A_146 = tpu.memref_squeeze %dma_wait3A_145 : memref<1x8x512xf32, #tpu.memory_space<vmem>> -> memref<8x512xf32, #tpu.memory_space<vmem>>
    %dma_wait3A_147 = arith.constant 0 : i32
    %dma_wait3A_148 = tpu.memref_slice %arg8[%add3A_126, %dma_wait3A_147] : memref<6144x512xf32, #tpu.memory_space<hbm>> -> memref<8x512xf32, #tpu.memory_space<hbm>>
    %dma_wait3A_149 = arith.constant 0 : i32
    %dma_wait3A_150 = tpu.memref_slice %arg8[%add3A_126, %dma_wait3A_149] : memref<6144x512xf32, #tpu.memory_space<hbm>> -> memref<8x512xf32, #tpu.memory_space<hbm>>
    %dma_wait3A_151 = arith.constant 0 : i32
    %dma_wait3A_152 = arith.constant 0 : i32
    %dma_wait3A_153 = tpu.memref_slice %arg16[%dma_wait3A_142, %dma_wait3A_151, %dma_wait3A_152] : memref<3x8x512xf32, #tpu.memory_space<vmem>> -> memref<1x8x512xf32, #tpu.memory_space<vmem>>
    %dma_wait3A_154 = tpu.memref_squeeze %dma_wait3A_153 : memref<1x8x512xf32, #tpu.memory_space<vmem>> -> memref<8x512xf32, #tpu.memory_space<vmem>>
    tpu.wait_dma2 semaphore(%arg24 : memref<!tpu.dma_semaphore, #tpu.memory_space<semaphore_mem>>) src(%dma_wait3A_154 : memref<8x512xf32, #tpu.memory_space<vmem>>) dst(%dma_wait3A_150 : memref<8x512xf32, #tpu.memory_space<hbm>>)
    %dma_wait3A_155 = arith.constant 2 : i32
    %dma_wait3A_156 = arith.constant 0 : i32
    %dma_wait3A_157 = arith.constant 0 : i32
    %dma_wait3A_158 = tpu.memref_slice %arg16[%dma_wait3A_155, %dma_wait3A_156, %dma_wait3A_157] : memref<3x8x512xf32, #tpu.memory_space<vmem>> -> memref<1x8x512xf32, #tpu.memory_space<vmem>>
    %dma_wait3A_159 = tpu.memref_squeeze %dma_wait3A_158 : memref<1x8x512xf32, #tpu.memory_space<vmem>> -> memref<8x512xf32, #tpu.memory_space<vmem>>
    %dma_wait3A_160 = arith.constant 0 : i32
    %dma_wait3A_161 = tpu.memref_slice %arg8[%add3A_128, %dma_wait3A_160] : memref<6144x512xf32, #tpu.memory_space<hbm>> -> memref<8x512xf32, #tpu.memory_space<hbm>>
    %dma_wait3A_162 = arith.constant 0 : i32
    %dma_wait3A_163 = tpu.memref_slice %arg8[%add3A_128, %dma_wait3A_162] : memref<6144x512xf32, #tpu.memory_space<hbm>> -> memref<8x512xf32, #tpu.memory_space<hbm>>
    %dma_wait3A_164 = arith.constant 0 : i32
    %dma_wait3A_165 = arith.constant 0 : i32
    %dma_wait3A_166 = tpu.memref_slice %arg16[%dma_wait3A_155, %dma_wait3A_164, %dma_wait3A_165] : memref<3x8x512xf32, #tpu.memory_space<vmem>> -> memref<1x8x512xf32, #tpu.memory_space<vmem>>
    %dma_wait3A_167 = tpu.memref_squeeze %dma_wait3A_166 : memref<1x8x512xf32, #tpu.memory_space<vmem>> -> memref<8x512xf32, #tpu.memory_space<vmem>>
    tpu.wait_dma2 semaphore(%arg24 : memref<!tpu.dma_semaphore, #tpu.memory_space<semaphore_mem>>) src(%dma_wait3A_167 : memref<8x512xf32, #tpu.memory_space<vmem>>) dst(%dma_wait3A_163 : memref<8x512xf32, #tpu.memory_space<hbm>>)
    return
  }
}

</mosaic_0001>

<sc_bundles>
// kernel: kernel.3.cloned.1.call-start
scs
__scs_entry_jumppad:
0x0: {  	(pc) =	sbr.rel $0x88, $3  }
0x1: {  	(tag) =	ssettag $0x0;
	lr =	simm.s32 $0x1  }
0x2: {  	[smem:$0x3F9E] =	sst lr;
	_ =	strace $0xD0000000  }
0x3: {  	_ = 	snop  }
0x4: {  	_ = 	snop  }
0x5: {  	_ = 	snop  }
0x6: {  	_ = 	snop  }
0x7: {  	_ = 	snop  }
__scs_overlays_trampoline_lowered:
0x8: {  	[smem:$0x3FAD] =	sst s0  }
0x9: {  	[smem:$0x3FAE] =	sst s1  }
0xa: {  	[smem:$0x3FAF] =	sst s2  }
0xb: {  	[smem:$0x3FB0] =	sst s3  }
0xc: {  	[smem:$0x3FB1] =	sst s4  }
0xd: {  	[smem:$0x3FB2] =	sst s5  }
0xe: {  	[smem:$0x3FB3] =	sst s6  }
0xf: {  	[smem:$0x3FB4] =	sst s7  }
0x10: {  	[smem:$0x3FB5] =	sst s8  }
0x11: {  	[smem:$0x3FB6] =	sst s9;
	s0 =	simm.s32 @!p0 $0x0  }
0x12: {  	s1 =	sld [smem:$0x3F9C];
	s0 =	simm.s32 @p0 $0x1  }
0x13: {  	[smem:$0x3FB7] =	sst s0;
	s0 =	simm.s32 @!p1 $0x0  }
0x14: {  	s2 =	sld [smem:$0x3F9B];
	s0 =	simm.s32 @p1 $0x1  }
0x15: {  	[smem:$0x3FB8] =	sst s0;
	s0 =	simm.s32 @!p2 $0x0  }
0x16: {  	s3 =	sld [smem:$0x3FDB];
	s0 =	simm.s32 @p2 $0x1  }
0x17: {  	s4 =	simm.s32 $0x1BF5;
	[smem:$0x3FBA] =	sst s0  }
0x18: {  	s0 =	sld [smem:$0x3F9D];
	_ =	swait.ge [sflag:s4], $0x0  }
0x19: {  	s7 =	sld [smem:$0x3F9E]  }
0x1a: {  	s8 =	sadd.s32 $0xFFFFE003, lr  }
0x1b: {  	s9 =	sadd.s32 $0xFFFFFEF7, lr;
	s5 =	simm.s32 $0xFFFFFFFF;
	p2 =	slt.u32 s8, $0xFFFFF086  }
0x1c: {  	p1 =	slt.u32 s9, $0xF7A;
	s5 =	simm.s32 @!p2 $0x0  }
0x1d: {  	s5 =	simm.s32 @p1 $0x1;
	p0 =	seq.s32 s7, s2  }
0x1e: {  	s7 =	smul.u32 @!p0 $0xF7A, s2;
	p2 =	seq.s32 @!p0 s5, $0x0  }
0x1f: {  	s9 =	smul.u32 $0xF7A, s1;
	s8 =	simm.s32 @!p0 $0x1BF5;
	p2 =	por !p2, p0  }
0x20: {  	[sflag:s8] =	ssyncset.s32 @!p0 $0xFFFFF086;
	s6 =	sadd.s32 @!p0 s3, s7;
	s7 =	simm.s32 @!p0 $0x108  }
0x21: {  	s3 =	sadd.s32 s3, s9;
	s6 =	sadd.s32 @!p0 $0x88, s6;
	s7 =	simm.s32 @p2 $0x1082  }
0x22: {  	[simem:s7], [sflag:s8] =	dma.local @!p0 [hbm:s6], $0xF7A  }
0x23: {  	s9 =	sor.u32 $0xD0000000, s2;
	s6 =	simm.s32 $0x108;
	_ =	swait.ge @!p0 [sflag:s8], $0x0  }
0x24: {  	s3 =	sadd.s32 $0x88, s3;
	s6 =	simm.s32 @!p1 $0x1082;
	[sflag:s4] =	ssyncset.s32 $0xFFFFF086  }
0x25: {  	[simem:s6], [sflag:s4] =	dma.local [hbm:s3], $0xF7A  }
0x26: {  	[smem:$0x3F9E] =	sst s1;
	(tag) =	ssettag s2;
	_ =	strace s9  }
0x27: {  	s1 =	sld [smem:$0x3FAE]  }
0x28: {  	s2 =	sld [smem:$0x3FAF]  }
0x29: {  	s4 =	sld [smem:$0x3FB1]  }
0x2a: {  	p0 =	seq.s32 s5, $0x0;
	s5 =	sld [smem:$0x3FB2]  }
0x2b: {  	s6 =	sld [smem:$0x3FB3]  }
0x2c: {  	s7 =	sld [smem:$0x3FB4]  }
0x2d: {  	s3 =	simm.s32 $0x108;
	s8 =	sld [smem:$0x3FB5]  }
0x2e: {  	s3 =	simm.s32 @!p0 $0x1082;
	s9 =	sld [smem:$0x3FB6]  }
0x2f: {  	lr =	sadd.s32 s0, s3;
	s0 =	sld [smem:$0x3FAD]  }
0x30: {  	s3 =	sld [smem:$0x3FB0]  }
0x31: {  	[smem:$0x3FB9] =	sst s10  }
0x32: {  	s10 =	sld [smem:$0x3FB7];
	_ =	sdelay $0x3  }
0x33: {  	p0 =	seq.s32 s10, $0x1;
	s10 =	sld [smem:$0x3FB9];
	_ =	sdelay $0x3  }
0x34: {  	[smem:$0x3FB9] =	sst s10  }
0x35: {  	s10 =	sld [smem:$0x3FB8];
	_ =	sdelay $0x3  }
0x36: {  	p1 =	seq.s32 s10, $0x1;
	s10 =	sld [smem:$0x3FB9];
	_ =	sdelay $0x3  }
0x37: {  	[smem:$0x3FB9] =	sst s10  }
0x38: {  	s10 =	sld [smem:$0x3FBA]  }
0x39: {  	_ = 	snop;
	(pc) =	sbr.ind lr, $3  }
0x3a: {  	_ = 	snop  }
0x3b: {  	_ = 	snop  }
0x3c: {  	p2 =	seq.s32 s10, $0x1;
	s10 =	sld [smem:$0x3FB9]  }
0x3d: {  	_ =	shalt  }
0x3e: {  	_ =	shalt  }
0x3f: {  	_ =	shalt  }
0x40: {  	_ =	shalt  }
0x41: {  	_ =	shalt  }
0x42: {  	_ =	shalt  }
0x43: {  	_ =	shalt  }
0x44: {  	_ =	shalt  }
0x45: {  	_ =	shalt  }
0x46: {  	_ =	shalt  }
0x47: {  	_ =	shalt  }
0x48: {  	_ =	shalt  }
0x49: {  	_ =	shalt  }
0x4a: {  	_ =	shalt  }
0x4b: {  	_ =	shalt  }
0x4c: {  	_ =	shalt  }
0x4d: {  	_ =	shalt  }
0x4e: {  	_ =	shalt  }
0x4f: {  	_ =	shalt  }
0x50: {  	_ =	shalt  }
0x51: {  	_ =	shalt  }
0x52: {  	_ =	shalt  }
0x53: {  	_ =	shalt  }
0x54: {  	_ =	shalt  }
0x55: {  	_ =	shalt  }
0x56: {  	_ =	shalt  }
0x57: {  	_ =	shalt  }
0x58: {  	_ =	shalt  }
0x59: {  	_ =	shalt  }
0x5a: {  	_ =	shalt  }
0x5b: {  	_ =	shalt  }
0x5c: {  	_ =	shalt  }
0x5d: {  	_ =	shalt  }
0x5e: {  	_ =	shalt  }
0x5f: {  	_ =	shalt  }
0x60: {  	_ =	shalt  }
0x61: {  	_ =	shalt  }
0x62: {  	_ =	shalt  }
0x63: {  	_ =	shalt  }
0x64: {  	_ =	shalt  }
0x65: {  	_ =	shalt  }
0x66: {  	_ =	shalt  }
0x67: {  	_ =	shalt  }
0x68: {  	_ =	shalt  }
0x69: {  	_ =	shalt  }
0x6a: {  	_ =	shalt  }
0x6b: {  	_ =	shalt  }
0x6c: {  	_ =	shalt  }
0x6d: {  	_ =	shalt  }
0x6e: {  	_ =	shalt  }
0x6f: {  	_ =	shalt  }
0x70: {  	_ =	shalt  }
0x71: {  	_ =	shalt  }
0x72: {  	_ =	shalt  }
0x73: {  	_ =	shalt  }
0x74: {  	_ =	shalt  }
0x75: {  	_ =	shalt  }
0x76: {  	_ =	shalt  }
0x77: {  	_ =	shalt  }
0x78: {  	_ =	shalt  }
0x79: {  	_ =	shalt  }
0x7a: {  	_ =	shalt  }
0x7b: {  	_ =	shalt  }
0x7c: {  	_ =	shalt  }
0x7d: {  	_ =	shalt  }
0x7e: {  	_ =	shalt  }
0x7f: {  	_ =	shalt  }
0x80: {  	_ =	shalt  }
0x81: {  	_ =	shalt  }
0x82: {  	_ =	shalt  }
0x83: {  	_ =	shalt  }
0x84: {  	_ =	shalt  }
0x85: {  	_ =	shalt  }
0x86: {  	_ =	shalt  }
0x87: {  	_ =	shalt  }
.Lfunc_end0:
.L_simem_size_0:
called_computation_lowered:
.L_overlay_start_0:
0x88: {  	s2 =	sld [smem:$0x3FD9]  }
0x89: {  	s3 =	sld [smem:$0x3FFE];
	_ =	sdelay $0x1  }
0x8a: {  	s1 =	srdreg.scid  }
0x8b: {  	s0 =	sand.u32 $0x1, s1  }
0x8c: {  	s17 =	sshll.u32 s0, $0xA;
	s2 =	sadd.s32 s3, s2  }
0x8d: {  	s2 =	sadd.s32 s2, s17  }
0x8e: {  	[smem:$0x3FC5] =	sst s2  }
0x8f: {  	_ = 	snop  }
0x90: {  	s2 =	sld [smem:$0x3FC8]  }
0x91: {  	s18 =	sld [smem:$0x3FC7]  }
0x92: {  	s4 =	sld [smem:$0x3FD0];
	(tm) =	ssettm $0x1  }
0x93: {  	s5 =	sld [smem:$0x3FFB];
	_ =	sdelay $0x3  }
0x94: {  	_ =	strace s5  }
0x95: {  	s5 =	sld [smem:$0x3FFC];
	_ =	sdelay $0x3  }
0x96: {  	_ =	strace s5  }
0x97: {  	s5 =	sld [smem:$0x3FFD];
	_ =	sdelay $0x3  }
0x98: {  	_ =	strace s5  }
0x99: {  	_ =	strace $0x8FFFFFFF  }
0x9a: {  	s19 =	sld [smem:$0x3FDB];
	_ =	sdelay $0x1  }
0x9b: {  	s6 =	simm.s32 $_scs_section_size  }
0x9c: {  	s7 =	simm.s32 $_size__tile_overlayer_lowered;
	s8 =	simm.s32 $_tile_overlayer_lowered  }
0x9d: {  	s22 =	simm.s32 $0x1BFF;
	s21 =	sshll.u32 s8, $0x1;
	s5 =	sadd.s32 s6, s19  }
0x9e: {  	s9 =	simm.s32 $0x0;
	s20 =	sshll.u32 s7, $0x1;
	s7 =	sadd.s32 s21, s5  }
0x9f: {  	[timem:s9], [sflag:s22] =	dma.local [hbm:s7], s20  }
0xa0: {  	_ =	swait.ge [sflag:s22], s20  }
0xa1: {  	s6 =	ssub.s32 $0x0, s20;
	[sflag:s22] =	ssyncset.done $0x0  }
0xa2: {  	[sflag:s22] =	ssyncadd.s32 s6;
	_ =	sdelay $0x1  }
0xa3: {  	s23 =	simm.s32 $0x1B8B  }
0xa4: {  	_ =	swait.ge [sflag:s23], $0x1  }
0xa5: {  	[sflag:s23] =	ssyncset.done $0x0  }
0xa6: {  	s25 =	simm.s32 $0x1B8E;
	s24 =	sld [smem:$0x3FFE];
	[sflag:s23] =	ssyncadd.s32 $0xFFFFFFFF  }
0xa7: {  	s26 =	simm.s32 $execute0_lowered;
	[smem:$0x3FD2] =	sst s25  }
0xa8: {  	s7 =	sshll.u32 s26, $0x1;
	_ =	strace $0x80000046;
	[dreg:$0x1] =	wrdreg $0xFFFFFFFF  }
0xa9: {  	s28 =	simm.s32 $_size_execute0_lowered;
	s5 =	sadd.s32 s5, s7;
	[dreg:$0x0] =	wrdreg $0x0  }
0xaa: {  	s7 =	sshll.u32 s28, $0x1;
	[dreg:$0x2] =	wrdreg s5  }
0xab: {  	[dreg:$0x3] =	wrdreg s7  }
0xac: {  	[dreg:$0x4] =	wrdreg $0xC0  }
0xad: {  	_ =	task [dreg:s9], $0x5FFFF  }
0xae: {  	[dreg:$0x1] =	wrdreg $0xFFFFFFFF  }
0xaf: {  	[dreg:$0x0] =	wrdreg $0x60  }
0xb0: {  	[dreg:$0x2] =	wrdreg s24  }
0xb1: {  	[dreg:$0x3] =	wrdreg s2  }
0xb2: {  	[dreg:$0x4] =	wrdreg s18  }
0xb3: {  	[dreg:$0x5] =	wrdreg s4  }
0xb4: {  	[dreg:$0x6] =	wrdreg $0x9  }
0xb5: {  	_ =	task.clear_ibuf [dreg:s9], $0x7FFFF;
	_ =	strace $0x90000046  }
0xb6: {  	s29 =	simm.s32 $0x9;
	_ =	strace $0x80000048  }
0xb7: {  	_ =	swait.ge [sflag:s29], $0x1  }
0xb8: {  	[sflag:s29] =	ssyncadd.s32 $0xFFFFFFFF  }
0xb9: {  	_ =	strace $0x90000048  }
0xba: {  	_ =	sfence  }
0xbb: {  	s30 =	sld [smem:$0x0];
	_ =	sdelay $0x2  }
0xbc: {  	s31 =	sshll.u32 s1, $0xD;
	s1 =	sshrl.u32 s1, $0x2  }
0xbd: {  	s3 =	sand.u32 $0x4000, s31;
	s1 =	sadd.s32 s1, s30  }
0xbe: {  	s0 =	sor.u32 s3, s0;
	s1 =	sshll.u32 s1, $0x11  }
0xbf: {  	s0 =	sor.u32 s1, s0  }
0xc0: {  	s0 =	sadd.s32 $0x8F2B, s0  }
0xc1: {  	[sflag:s0] =	ssyncadd.remote.s32 $0x1  }
0xc2: {  	_ =	sfence.sel $0xFFFF  }
0xc3: {  	[dreg:$0x0] =	wrdreg $0xFFFFFFFF;
	(pc) =	sbr.abs _section_cstart, $3  }
0xc4: {  	[dreg:$0x1] =	wrdreg $0xFFFFFFFF  }
0xc5: {  	_ =	task.clear_ibuf [dreg:s9], $0x2FFFF;
	_ =	strace $0x9FFFFFFF  }
0xc6: {  	(tm) =	ssettm $0x7FFFFFFF  }
0xc7: {  	_ =	shalt  }
tec
execute0_lowered:
.L_overlay_start_1:
0x0: {  	(tag) =	ssettag $0x1  }
0x1: {  	s0 =	srdreg.scid  }
0x2: {  	s2 =	stileid.u32;
	s1 =	sand.u32 $0x1, s0  }
0x3: {  	s30 =	sshll.u32 s2, $0x5;
	s31 =	sshll.u32 s1, $0x4  }
0x4: {  	s14 =	sor.u32 s31, s30  }
0x5: {  	v0 =	vmov s14;
	s2 =	sor.u32 $0x1, s14  }
0x6: {  	s4 =	sor.u32 $0x3, s14;
	s5 =	sor.u32 $0x4, s14;
	s6 =	sor.u32 $0x5, s14;
	v0 =	vcvt.s32.f32 v0;
	v1 =	vmov s2  }
0x7: {  	s7 =	sor.u32 $0x6, s14;
	s8 =	sor.u32 $0x7, s14;
	s13 =	sor.u32 $0xA, s14;
	v3 =	vmov s4;
	v4 =	vmov s5;
	v5 =	vmov s6  }
0x8: {  	s21 =	sor.u32 $0xC, s14;
	s23 =	sor.u32 $0xD, s14;
	s24 =	sor.u32 $0xE, s14;
	v6 =	vmov s7;
	v7 =	vmov s8;
	v10 =	vmov s13  }
0x9: {  	s0 =	sadd.s32 $0xFFFFFFF0, s14;
	s25 =	sor.u32 $0xF, s14;
	v13 =	vmov s21;
	v14 =	vmov s23;
	v15 =	vmov s24  }
0xa: {  	s0 =	sshra.s32 s0, $0x5;
	v16 =	vmov s25;
	v1 =	vcvt.s32.f32 v1;
	v3 =	vcvt.s32.f32 v3  }
0xb: {  	s8 =	sor.u32 $0x8, s14;
	v2 =	vmov s0;
	v4 =	vcvt.s32.f32 v4;
	v5 =	vcvt.s32.f32 v5  }
0xc: {  	s4 =	sor.u32 $0x9, s14;
	v6 =	vcvt.s32.f32 v6;
	v7 =	vcvt.s32.f32 v7;
	v8 =	vmov s8  }
0xd: {  	s5 =	sor.u32 $0xB, s14;
	v9 =	vmov s4;
	v10 =	vcvt.s32.f32 v10;
	v13 =	vcvt.s32.f32 v13  }
0xe: {  	v11 =	vmov s5;
	v14 =	vcvt.s32.f32 v14;
	v15 =	vcvt.s32.f32 v15  }
0xf: {  	s3 =	sor.u32 $0x2, s14;
	v16 =	vcvt.s32.f32 v16;
	v12 =	vcvt.s32.f32 v2;
	v0 =	vadd.f32 $5.000000000e-01, v0  }
0x10: {  	v2 =	vmov s3;
	v1 =	vadd.f32 $5.000000000e-01, v1;
	v3 =	vadd.f32 $5.000000000e-01, v3  }
0x11: {  	v8 =	vcvt.s32.f32 v8;
	v4 =	vadd.f32 $5.000000000e-01, v4;
	v5 =	vadd.f32 $5.000000000e-01, v5  }
0x12: {  	v9 =	vcvt.s32.f32 v9;
	v6 =	vadd.f32 $5.000000000e-01, v6;
	v7 =	vadd.f32 $5.000000000e-01, v7  }
0x13: {  	v11 =	vcvt.s32.f32 v11;
	v10 =	vadd.f32 $5.000000000e-01, v10;
	v13 =	vadd.f32 $5.000000000e-01, v13  }
0x14: {  	v2 =	vcvt.s32.f32 v2;
	v14 =	vadd.f32 $5.000000000e-01, v14;
	v15 =	vadd.f32 $5.000000000e-01, v15  }
0x15: {  	v16 =	vadd.f32 $5.000000000e-01, v16;
	v0 =	vmul.f32 $3.125000000e-02, v0;
	v8 =	vadd.f32 $5.000000000e-01, v8  }
0x16: {  	v9 =	vadd.f32 $5.000000000e-01, v9;
	v1 =	vmul.f32 $3.125000000e-02, v1;
	v3 =	vmul.f32 $3.125000000e-02, v3  }
0x17: {  	v11 =	vadd.f32 $5.000000000e-01, v11;
	v4 =	vmul.f32 $3.125000000e-02, v4;
	v5 =	vmul.f32 $3.125000000e-02, v5  }
0x18: {  	v2 =	vadd.f32 $5.000000000e-01, v2;
	v6 =	vmul.f32 $3.125000000e-02, v6;
	v7 =	vmul.f32 $3.125000000e-02, v7  }
0x19: {  	v10 =	vmul.f32 $3.125000000e-02, v10;
	v13 =	vmul.f32 $3.125000000e-02, v13;
	v0 =	vadd.f32 $-5.000000000e-01, v0  }
0x1a: {  	s9 =	rddreg [dreg:$0x0];
	v14 =	vmul.f32 $3.125000000e-02, v14;
	v1 =	vadd.f32 $-5.000000000e-01, v1;
	v3 =	vadd.f32 $-5.000000000e-01, v3  }
0x1b: {  	s11 =	rddreg [dreg:$0x2];
	v15 =	vmul.f32 $3.125000000e-02, v15;
	v4 =	vadd.f32 $-5.000000000e-01, v4;
	v5 =	vadd.f32 $-5.000000000e-01, v5  }
0x1c: {  	s10 =	rddreg [dreg:$0x3];
	s12 =	simm.s32 $0x0;
	v16 =	vmul.f32 $3.125000000e-02, v16;
	v6 =	vadd.f32 $-5.000000000e-01, v6;
	v7 =	vadd.f32 $-5.000000000e-01, v7  }
0x1d: {  	[smem:$0x7FF] =	sst s12;
	v8 =	vmul.f32 $3.125000000e-02, v8;
	v10 =	vadd.f32 $-5.000000000e-01, v10;
	v13 =	vadd.f32 $-5.000000000e-01, v13  }
0x1e: {  	s6 =	sadd.s32 $0x400, s9;
	s3 =	rddreg [dreg:$0x1];
	v9 =	vmul.f32 $3.125000000e-02, v9;
	v14 =	vadd.f32 $-5.000000000e-01, v14;
	v15 =	vadd.f32 $-5.000000000e-01, v15  }
0x1f: {  	s15 =	sadd.s32 $0x3800, s9;
	_ =	strace $0x80000047;
	[dreg:$0x6] =	wrdreg s6;
	v11 =	vmul.f32 $3.125000000e-02, v11;
	v16 =	vadd.f32 $-5.000000000e-01, v16;
	v0 =	vsub.f32 v0, v12  }
0x20: {  	s16 =	sadd.s32 $0x3600, s9;
	[dreg:$0x7] =	wrdreg s15;
	v2 =	vmul.f32 $3.125000000e-02, v2;
	v8 =	vadd.f32 $-5.000000000e-01, v8;
	v9 =	vadd.f32 $-5.000000000e-01, v9  }
0x21: {  	s7 =	sshll.u32 s14, $0x6;
	s2 =	sadd.s32 $0x3400, s9;
	[dreg:$0x8] =	wrdreg s16;
	v11 =	vadd.f32 $-5.000000000e-01, v11;
	v1 =	vsub.f32 v1, v12  }
0x22: {  	s18 =	sadd.s32 s11, s7;
	[dreg:$0x9] =	wrdreg s2;
	v2 =	vadd.f32 $-5.000000000e-01, v2;
	v3 =	vsub.f32 v3, v12  }
0x23: {  	s1 =	ssub.s32 $0x2, s1;
	[dreg:$0xa] =	wrdreg s18;
	v4 =	vsub.f32 v4, v12;
	v5 =	vsub.f32 v5, v12  }
0x24: {  	s17 =	sshrl.u32 s1, $0x1;
	s26 =	sor.u32 $0x200, s14;
	[dreg:$0x5] =	wrdreg s8;
	v6 =	vsub.f32 v6, v12;
	v7 =	vsub.f32 v7, v12  }
0x25: {  	s1 =	ssub.s32 s1, s17;
	s28 =	sor.u32 $0x400, s14;
	[dreg:$0xf] =	wrdreg s26;
	v10 =	vsub.f32 v10, v12;
	v13 =	vsub.f32 v13, v12  }
0x26: {  	s30 =	smax.u32 s1, $0x1;
	p0 =	sgt.s32 s0, $0x0;
	[dreg:$0x11] =	wrdreg s28;
	v14 =	vsub.f32 v14, v12;
	v15 =	vsub.f32 v15, v12  }
0x27: {  	s4 =	smov.u32 s0;
	s20 =	sadd.s32 $0x8000, s18;
	[dreg:$0x12] =	wrdreg s30;
	v16 =	vsub.f32 v16, v12;
	v0 =	vbroadcast v0, $0x0;
	v1 =	vbroadcast v1, $0x0  }
0x28: {  	p1 =	slt.s32 s0, $0xE;
	s5 =	sadd.s32 $0x10000, s18;
	[dreg:$0xc] =	wrdreg s20;
	v8 =	vsub.f32 v8, v12;
	v3 =	vbroadcast v3, $0x0;
	v4 =	vbroadcast v4, $0x0  }
0x29: {  	s22 =	sshll.u32 s8, $0x6;
	s19 =	sadd.s32 s3, s7;
	[dreg:$0xd] =	wrdreg s5;
	v9 =	vsub.f32 v9, v12;
	v5 =	vbroadcast v5, $0x0;
	v6 =	vbroadcast v6, $0x0  }
0x2a: {  	s0 =	simm.s32 @!p1 $0xE;
	s3 =	sadd.s32 s3, s22;
	[dreg:$0xb] =	wrdreg s19;
	v11 =	vsub.f32 v11, v12;
	v7 =	vbroadcast v7, $0x0;
	v10 =	vbroadcast v10, $0x0  }
0x2b: {  	s4 =	simm.s32 @!p0 $0x0;
	s0 =	sshll.u32 s0, $0x4;
	[dreg:$0xe] =	wrdreg s3;
	v2 =	vsub.f32 v2, v12;
	v12 =	vbroadcast v13, $0x0;
	v13 =	vbroadcast v14, $0x0  }
0x2c: {  	s29 =	sshll.u32 s4, $0x6;
	s4 =	simm.s32 $0x2;
	[dreg:$0x10] =	wrdreg s0;
	v14 =	vbroadcast v15, $0x0;
	v15 =	vbroadcast v16, $0x0  }
0x2d: {  	s0 =	sadd.s32 $0x10, s0;
	s31 =	sshra.s32 s29, $0x2;
	s3 =	simm.s32 $0x0;
	v8 =	vbroadcast v8, $0x0;
	v9 =	vbroadcast v9, $0x0  }
0x2e: {  	s19 =	sand.u32 $0x70, s0;
	s21 =	sadd.s32 $0x400, s31;
	s0 =	simm.s32 $0x1;
	v11 =	vbroadcast v11, $0x0;
	v2 =	vbroadcast v2, $0x0  }
.LBB2_1:
0x2f: {  	[dreg:$0x13] =	wrdreg s3  }
0x30: {  	s1 =	rddreg [dreg:$0x7];
	s2 =	simm.s32 $0x1AE00;
	s9 =	simm.s32 $0x6  }
0x31: {  	[tilespmem:s2], [sflag:$0x6] =	stream.linear.gather [hbm4b:s1+s12], $0x200, $0x38;
	[tilespmem:$0x1B400] =	vst v63  }
0x32: {  	_ =	swait.ge [sflag:s9], $0x200  }
0x33: {  	[sflag:s9] =	ssyncset.done $0x0  }
0x34: {  	s15 =	simm.s32 $0x1B000;
	s13 =	rddreg [dreg:$0x8];
	[sflag:s9] =	ssyncadd.s32 $0xFFFFFE00  }
0x35: {  	[tilespmem:s15], [sflag:$0x6] =	stream.linear.gather [hbm4b:s13+s12], $0x200, $0x38;
	[tilespmem:$0x1B400] =	vst v63  }
0x36: {  	_ =	swait.ge [sflag:s9], $0x200  }
0x37: {  	[sflag:s9] =	ssyncset.done $0x0  }
0x38: {  	s17 =	simm.s32 $0x1B200;
	s16 =	rddreg [dreg:$0x9];
	[sflag:s9] =	ssyncadd.s32 $0xFFFFFE00  }
0x39: {  	[tilespmem:s17], [sflag:$0x6] =	stream.linear.gather [hbm4b:s16+s12], $0x200, $0x38;
	[tilespmem:$0x1B400] =	vst v63  }
0x3a: {  	_ =	swait.ge [sflag:s9], $0x200  }
0x3b: {  	s20 =	simm.s32 $0x80;
	[sflag:s9] =	ssyncset.done $0x0  }
0x3c: {  	s22 =	simm.s32 $0x200;
	s18 =	rddreg [dreg:$0x6];
	[sflag:s9] =	ssyncadd.s32 $0xFFFFFE00  }
0x3d: {  	[tilespmem:s12], [sflag:$0x3] =	stream.strided.gather [hbm4b:s18+s20], $0x6000, s22, s20, $0x38;
	[tilespmem:$0x1B400] =	vst v63  }
0x3e: {  	s24 =	simm.s32 $0xCE00;
	s23 =	rddreg [dreg:$0xb]  }
0x3f: {  	[tilespmem:s24], [sflag:$0x1] =	stream.linear.gather [hbm4b:s23+s12], $0x1000, $0x38;
	[tilespmem:$0x1B400] =	vst v63  }
0x40: {  	s26 =	simm.s32 $0xDE00;
	s25 =	rddreg [dreg:$0xa]  }
0x41: {  	[tilespmem:s26], [sflag:$0x1] =	stream.linear.gather [hbm4b:s25+s12], $0x1000, $0x38;
	[tilespmem:$0x1B400] =	vst v63  }
0x42: {  	s29 =	simm.s32 $0xEE00;
	s31 =	simm.s32 $0xFE00;
	s28 =	rddreg [dreg:$0xc]  }
0x43: {  	[tilespmem:s29], [sflag:$0x1] =	stream.linear.gather [hbm4b:s28+s12], $0x1000, $0x38;
	[tilespmem:$0x1B400] =	vst v63  }
0x44: {  	p0 =	por $0x0, $0x0;
	s30 =	rddreg [dreg:$0xd];
	s23 =	simm.s32 $0x0  }
0x45: {  	[tilespmem:s31], [sflag:$0x1] =	stream.linear.gather [hbm4b:s30+s12], $0x1000, $0x38;
	[tilespmem:$0x1B400] =	vst v63  }
.LBB2_2:
0x46: {  	s6 =	smov.u32 s10  }
0x47: {  	s1 =	smov.u32 s23;
	s5 =	smul.u32 $0x600, s23;
	s7 =	rddreg [dreg:$0x5]  }
0x48: {  	s2 =	sshll.u32 s23, $0xF;
	s8 =	rddreg [dreg:$0xe];
	s20 =	simm.s32 $0x10E00  }
0x49: {  	s24 =	simm.s32 $0x11E00;
	s16 =	smov.u32 s11;
	s23 =	sadd.s32 $0x1, s23  }
0x4a: {  	s2 =	sadd.s32 s2, s8;
	s8 =	simm.s32 $0x12E00;
	p1 =	seq.s32 s1, $0x3  }
0x4b: {  	[tilespmem:s20], [sflag:$0x2] =	stream.linear.gather [hbm4b:s2+s12], $0x1000, $0x38;
	[tilespmem:$0x1B400] =	vst v63  }
0x4c: {  	s3 =	sor.u32 s7, s5;
	s10 =	sadd.s32 $0x200, s5;
	s9 =	sadd.s32 $0x400, s5  }
0x4d: {  	s3 =	sshll.u32 s3, $0x6;
	s22 =	sor.u32 s7, s10;
	s26 =	sor.u32 s7, s9  }
0x4e: {  	[dreg:$0x14] =	wrdreg s3;
	s3 =	sadd.s32 s11, s3;
	s25 =	sshll.u32 s22, $0x6  }
0x4f: {  	[tilespmem:s24], [sflag:$0x2] =	stream.linear.gather [hbm4b:s3+s12], $0x1000, $0x38;
	[tilespmem:$0x1B400] =	vst v63  }
0x50: {  	s7 =	sshll.u32 @!p1 s23, $0x7;
	s2 =	sshll.u32 s26, $0x6;
	[dreg:$0x15] =	wrdreg s25  }
0x51: {  	s7 =	sand.u32 @!p1 $0x180, s7;
	s3 =	sadd.s32 s11, s25;
	[dreg:$0x16] =	wrdreg s2  }
0x52: {  	[tilespmem:s8], [sflag:$0x2] =	stream.linear.gather [hbm4b:s3+s12], $0x1000, $0x38;
	[tilespmem:$0x1B400] =	vst v63  }
0x53: {  	s2 =	sadd.s32 s11, s2;
	s11 =	simm.s32 $0x13E00;
	s3 =	sshrl.u32 @!p1 s23, $0x2  }
0x54: {  	[tilespmem:s11], [sflag:$0x2] =	stream.linear.gather [hbm4b:s2+s12], $0x1000, $0x38;
	[tilespmem:$0x1B400] =	vst v63  }
0x55: {  	s3 =	smul.u32 @!p1 $0x18000, s3;
	s2 =	sand.u32 $0x1, s1;
	s12 =	simm.s32 $0x3  }
0x56: {  	s8 =	simm.s32 @!p1 $0x200;
	s2 =	sxor.u32 @!p1 $0x1, s2;
	_ =	swait.ge [sflag:s12], $0x6000  }
0x57: {  	s3 =	sor.u32 @!p1 s7, s3;
	s2 =	smul.u32 @!p1 $0x18000, s2;
	[sflag:s12] =	ssyncset.done $0x0  }
0x58: {  	s3 =	sshrl.u32 @!p1 s3, $0x3;
	s7 =	rddreg [dreg:$0x6];
	[sflag:s12] =	ssyncadd.s32 $0xFFFFA000  }
0x59: {  	s3 =	sadd.s32 @!p1 s7, s3;
	s7 =	simm.s32 @!p1 $0x80;
	s2 =	sshrl.u32 @!p1 s2, $0x2  }
0x5a: {  	[tilespmem:s2], [sflag:$0x3] =	stream.strided.gather @!p1 [hbm4b:s3+s7], $0x6000, s8, s7, $0x38;
	[tilespmem:$0x1B400] =	vst v63  }
0x5b: {  	_ =	swait.ge [sflag:s0], $0x1000  }
0x5c: {  	[sflag:s0] =	ssyncset.done $0x0  }
0x5d: {  	[sflag:s0] =	ssyncadd.s32 $0xFFFFF000  }
0x5e: {  	_ =	swait.ge [sflag:s0], $0x1000  }
0x5f: {  	[sflag:s0] =	ssyncset.done $0x0  }
0x60: {  	[sflag:s0] =	ssyncadd.s32 $0xFFFFF000  }
0x61: {  	_ =	swait.ge [sflag:s0], $0x1000  }
0x62: {  	[sflag:s0] =	ssyncset.done $0x0  }
0x63: {  	[sflag:s0] =	ssyncadd.s32 $0xFFFFF000  }
0x64: {  	_ =	swait.ge [sflag:s0], $0x1000  }
0x65: {  	p2 =	seq.s32 s1, $0x0;
	[sflag:s0] =	ssyncset.done $0x0  }
0x66: {  	s2 =	simm.s32 @!p2 $0x4;
	[sflag:s0] =	ssyncadd.s32 $0xFFFFF000  }
0x67: {  	_ =	swait.ge @!p2 [sflag:s2], $0x1000  }
0x68: {  	[sflag:s2] =	ssyncset.done @!p2 $0x0  }
0x69: {  	[sflag:s2] =	ssyncadd.s32 @!p2 $0xFFFFF000  }
0x6a: {  	s3 =	simm.s32 $0x1;
	_ =	swait.ge @!p2 [sflag:s2], $0x1000  }
0x6b: {  	s3 =	simm.s32 @!p0 $0x0;
	[sflag:s2] =	ssyncset.done @!p2 $0x0  }
0x6c: {  	s13 =	smul.u32 $0x18000, s3;
	[sflag:s2] =	ssyncadd.s32 @!p2 $0xFFFFF000  }
0x6d: {  	_ =	swait.ge @!p2 [sflag:s2], $0x1000  }
0x6e: {  	s15 =	sshrl.u32 s13, $0x2;
	[sflag:s2] =	ssyncset.done @!p2 $0x0  }
0x6f: {  	s3 =	smul.u32 $0x6000, s3;
	s13 =	sadd.s32 s15, s21;
	[sflag:s2] =	ssyncadd.s32 @!p2 $0xFFFFF000  }
0x70: {  	s26 =	rddreg [dreg:$0x10];
	v16 =	vld [tilespmem:s13+$0x200]  }
0x71: {  	s20 =	sadd.s32 s3, s26;
	v17 =	vld [tilespmem:s13+$0xFFFFFF00]  }
0x72: {  	s2 =	sadd.s32 $0x10, s20;
	v19 =	vld [tilespmem:s13+$0x0]  }
0x73: {  	v18 =	vld [tilespmem:s13+$0x100];
	s2 =	sand.u32 $0xFFFFFF80, s2  }
0x74: {  	v25 =	vld [tilespmem:s13+$0x300];
	s3 =	sor.u32 s19, s2  }
0x75: {  	v20 =	vld [tilespmem:s3+$0x700]  }
0x76: {  	s5 =	sor.u32 s14, s5;
	v21 =	vld [tilespmem:s3+$0x500]  }
0x77: {  	s10 =	sor.u32 s14, s10;
	s1 =	sshll.u32 s1, $0x1;
	s22 =	sadd.s32 s15, s21;
	v22 =	vld [tilespmem:s3+$0x400]  }
0x78: {  	s24 =	sadd.s32 s15, s21;
	s25 =	sadd.s32 s15, s21;
	s29 =	sadd.s32 s15, s21;
	v26 =	vld [tilespmem:s3+$0x300]  }
0x79: {  	s30 =	sadd.s32 s15, s21;
	s31 =	sadd.s32 s15, s21;
	s8 =	sadd.s32 s15, s21;
	v23 =	vld [tilespmem:s13+$0xFFFFFC00]  }
0x7a: {  	s17 =	sadd.s32 s15, s21;
	s18 =	sadd.s32 s15, s21;
	[dreg:$0x17] =	wrdreg s1;
	v28 =	vld [tilespmem:s3+$0x600];
	v27 =	vsub.f32 v20, v25  }
0x7b: {  	s7 =	sadd.s32 s15, s21;
	s12 =	sadd.s32 s15, s21;
	[dreg:$0x19] =	wrdreg s5;
	v24 =	vld [tilespmem:s3+$0x0]  }
0x7c: {  	s28 =	sadd.s32 s15, s21;
	s11 =	sadd.s32 s15, s21;
	[dreg:$0x1a] =	wrdreg s10;
	v20 =	vld [tilespmem:s3+$0x100];
	v30 =	vsub.f32 v21, v18;
	v29 =	vsub.f32 v22, v19;
	v31 =	vmul.f32 v27, v0  }
0x7d: {  	s5 =	simm.s32 $0xC000;
	s1 =	simm.s32 $0x810;
	s26 =	sadd.s32 s15, s21;
	v21 =	vld [tilespmem:s13+$0xFFFFFE00];
	v32 =	vsub.f32 v26, v17  }
0x7e: {  	s2 =	sadd.s32 s15, s21;
	s15 =	smov.u32 s14;
	s14 =	sor.u32 s14, s9;
	v22 =	vld [tilespmem:s13+$0xFFFFFD00];
	v29 =	vmul.f32 v29, v0;
	v27 =	vmul.f32 v30, v0;
	v26 =	vadd.f32 v31, v25  }
0x7f: {  	s9 =	simm.s32 $0xC000;
	[dreg:$0x18] =	wrdreg s14;
	s14 =	simm.s32 $0xC000;
	v28 =	vsub.f32 v28, v16;
	v30 =	vmul.f32 v32, v0;
	v25 =	vld [tilespmem:s3+$0x200]  }
.LBB2_3:
0x80: {  	p3 =	sne.s32 s1, $0x5810;
	v19 =	vadd.f32 v29, v19;
	v18 =	vadd.f32 v27, v18;
	[tilespmem:s14+$0x73F] =	vst v26;
	s9 =	sadd.s32 $0x90, s9;
	s13 =	sadd.s32 $0x800, s13  }
0x81: {  	s10 =	smov.u32 s1;
	s1 =	sadd.s32 $0x800, s1;
	v24 =	vsub.f32 v24, v23;
	v17 =	vadd.f32 v30, v17;
	v27 =	vmul.f32 v28, v0;
	[tilespmem:s14+$0x7E] =	vst v26  }
0x82: {  	[tilespmem:s14+$0x709] =	vst v19  }
0x83: {  	v24 =	vmul.f32 v24, v0;
	[tilespmem:s14+$0x6F7] =	vst v17;
	v16 =	vadd.f32 v27, v16  }
0x84: {  	v25 =	vsub.f32 v25, v21;
	[tilespmem:s14+$0x48] =	vst v19  }
0x85: {  	v20 =	vsub.f32 v20, v22;
	v19 =	vadd.f32 v24, v23;
	[tilespmem:s14+$0x36] =	vst v17  }
0x86: {  	v17 =	vmul.f32 v25, v0;
	[tilespmem:s14+$0x71B] =	vst v18  }
0x87: {  	v20 =	vmul.f32 v20, v0;
	[tilespmem:s14+$0x72D] =	vst v16  }
0x88: {  	v17 =	vadd.f32 v17, v21;
	[tilespmem:s14+$0x6C] =	vst v16  }
0x89: {  	v16 =	vadd.f32 v20, v22;
	[tilespmem:s14+$0x5A] =	vst v18  }
0x8a: {  	[tilespmem:s14+$0x6C1] =	vst v19  }
0x8b: {  	[tilespmem:s14+$0x0] =	vst v19  }
0x8c: {  	[tilespmem:s14+$0x24] =	vst v17  }
0x8d: {  	[tilespmem:s14+$0x6D3] =	vst v16  }
0x8e: {  	[tilespmem:s14+$0x6E5] =	vst v17  }
0x8f: {  	[tilespmem:s14+$0x12] =	vst v16;
	s14 =	smov.u32 s9  }
0x90: {  	v16 =	vld [tilespmem:s13+$0x200]  }
0x91: {  	v17 =	vld [tilespmem:s13+$0xFFFFFF00]  }
0x92: {  	s10 =	sadd.s32 s10, s20;
	v19 =	vld [tilespmem:s13+$0x0]  }
0x93: {  	s10 =	sand.u32 $0xFFFFFF80, s10;
	v18 =	vld [tilespmem:s13+$0x100]  }
0x94: {  	s10 =	sor.u32 s19, s10;
	v25 =	vld [tilespmem:s13+$0x300]  }
0x95: {  	v20 =	vld [tilespmem:s10+$0x700]  }
0x96: {  	v21 =	vld [tilespmem:s10+$0x500]  }
0x97: {  	v22 =	vld [tilespmem:s10+$0x400]  }
0x98: {  	v26 =	vld [tilespmem:s10+$0x300]  }
0x99: {  	v24 =	vld [tilespmem:s10+$0x0]  }
0x9a: {  	v28 =	vld [tilespmem:s10+$0x600];
	v27 =	vsub.f32 v20, v25  }
.Ltmp0:
0x9b: {  	v20 =	vld [tilespmem:s10+$0x100];
	v30 =	vsub.f32 v21, v18;
	(pc) =	sbr.rel @p3 .LBB2_3-.Ltmp0, $4  }
0x9c: {  	v23 =	vld [tilespmem:s13+$0xFFFFFC00];
	v29 =	vsub.f32 v22, v19;
	v31 =	vmul.f32 v27, v0  }
0x9d: {  	v21 =	vld [tilespmem:s13+$0xFFFFFE00];
	v32 =	vsub.f32 v26, v17  }
0x9e: {  	v27 =	vmul.f32 v30, v0;
	v22 =	vld [tilespmem:s13+$0xFFFFFD00];
	v29 =	vmul.f32 v29, v0;
	v26 =	vadd.f32 v31, v25  }
0x9f: {  	v25 =	vld [tilespmem:s10+$0x200];
	v30 =	vmul.f32 v32, v0;
	v28 =	vsub.f32 v28, v16  }
0xa0: {  	v19 =	vadd.f32 v29, v19;
	[tilespmem:s14+$0x73F] =	vst v26  }
0xa1: {  	[tilespmem:s14+$0x7E] =	vst v26  }
0xa2: {  	v18 =	vadd.f32 v27, v18;
	[tilespmem:s14+$0x709] =	vst v19  }
0xa3: {  	v17 =	vadd.f32 v30, v17;
	v26 =	vmul.f32 v28, v0;
	[tilespmem:s14+$0x48] =	vst v19  }
0xa4: {  	v24 =	vsub.f32 v24, v23;
	[tilespmem:s14+$0x71B] =	vst v18  }
0xa5: {  	[tilespmem:s14+$0x6F7] =	vst v17;
	v16 =	vadd.f32 v26, v16  }
0xa6: {  	[tilespmem:s14+$0x36] =	vst v17;
	v17 =	vmul.f32 v24, v0;
	v20 =	vsub.f32 v20, v22  }
0xa7: {  	[tilespmem:s14+$0x72D] =	vst v16  }
0xa8: {  	v19 =	vsub.f32 v25, v21;
	v17 =	vadd.f32 v17, v23;
	[tilespmem:s14+$0x6C] =	vst v16;
	v16 =	vmul.f32 v20, v0  }
0xa9: {  	[tilespmem:s14+$0x5A] =	vst v18  }
0xaa: {  	v19 =	vmul.f32 v19, v0;
	[tilespmem:s14+$0x6C1] =	vst v17;
	v16 =	vadd.f32 v16, v22  }
0xab: {  	[tilespmem:s14+$0x0] =	vst v17  }
0xac: {  	v18 =	vadd.f32 v19, v21;
	[tilespmem:s14+$0x6D3] =	vst v16  }
0xad: {  	[tilespmem:s14+$0x12] =	vst v16  }
0xae: {  	[tilespmem:s14+$0x24] =	vst v18  }
0xaf: {  	[tilespmem:s14+$0x6E5] =	vst v18  }
0xb0: {  	v16 =	vld [tilespmem:s11+$0x200]  }
0xb1: {  	v17 =	vld [tilespmem:s11+$0xFFFFFF00]  }
0xb2: {  	v23 =	vld [tilespmem:s11+$0x0]  }
0xb3: {  	v21 =	vld [tilespmem:s11+$0x100]  }
0xb4: {  	v25 =	vld [tilespmem:s11+$0x300]  }
0xb5: {  	v18 =	vld [tilespmem:s3+$0x700]  }
0xb6: {  	v19 =	vld [tilespmem:s3+$0x500]  }
0xb7: {  	v26 =	vld [tilespmem:s3+$0x400]  }
0xb8: {  	v27 =	vld [tilespmem:s3+$0x300]  }
0xb9: {  	v24 =	vld [tilespmem:s3+$0x0]  }
0xba: {  	v28 =	vld [tilespmem:s3+$0x600];
	v18 =	vsub.f32 v18, v25  }
0xbb: {  	v20 =	vld [tilespmem:s3+$0x100]  }
0xbc: {  	v22 =	vld [tilespmem:s11+$0xFFFFFC00];
	v30 =	vsub.f32 v19, v21;
	v26 =	vsub.f32 v26, v23;
	v31 =	vmul.f32 v18, v1  }
0xbd: {  	v32 =	vsub.f32 v27, v17;
	v19 =	vld [tilespmem:s11+$0xFFFFFD00]  }
0xbe: {  	v18 =	vld [tilespmem:s11+$0xFFFFFE00];
	v29 =	vmul.f32 v26, v1;
	v27 =	vmul.f32 v30, v1;
	v26 =	vadd.f32 v31, v25  }
0xbf: {  	s13 =	simm.s32 $0x810;
	s1 =	simm.s32 $0xC000;
	v28 =	vsub.f32 v28, v16;
	v30 =	vmul.f32 v32, v1;
	v25 =	vld [tilespmem:s3+$0x200]  }
.LBB2_5:
0xc0: {  	p3 =	sne.s32 s13, $0x5810;
	v23 =	vadd.f32 v29, v23;
	v21 =	vadd.f32 v27, v21;
	[tilespmem:s5+$0x73F] =	vst v26;
	s1 =	sadd.s32 $0x90, s1;
	s11 =	sadd.s32 $0x800, s11  }
0xc1: {  	s3 =	smov.u32 s13;
	s13 =	sadd.s32 $0x800, s13;
	v24 =	vsub.f32 v24, v22;
	v17 =	vadd.f32 v30, v17;
	v27 =	vmul.f32 v28, v1;
	[tilespmem:s5+$0x7E] =	vst v26  }
0xc2: {  	[tilespmem:s5+$0x48] =	vst v23  }
0xc3: {  	v24 =	vmul.f32 v24, v1;
	[tilespmem:s5+$0x6F7] =	vst v17;
	v16 =	vadd.f32 v27, v16  }
0xc4: {  	v25 =	vsub.f32 v25, v18;
	[tilespmem:s5+$0x709] =	vst v23  }
0xc5: {  	v20 =	vsub.f32 v20, v19;
	v22 =	vadd.f32 v24, v22;
	[tilespmem:s5+$0x36] =	vst v17  }
0xc6: {  	v17 =	vmul.f32 v25, v1;
	[tilespmem:s5+$0x71B] =	vst v21  }
0xc7: {  	v20 =	vmul.f32 v20, v1;
	[tilespmem:s5+$0x72D] =	vst v16  }
0xc8: {  	v17 =	vadd.f32 v17, v18;
	[tilespmem:s5+$0x6C] =	vst v16  }
0xc9: {  	v16 =	vadd.f32 v20, v19;
	[tilespmem:s5+$0x5A] =	vst v21  }
0xca: {  	[tilespmem:s5+$0x6C1] =	vst v22  }
0xcb: {  	[tilespmem:s5+$0x0] =	vst v22  }
0xcc: {  	[tilespmem:s5+$0x24] =	vst v17  }
0xcd: {  	[tilespmem:s5+$0x6D3] =	vst v16  }
0xce: {  	[tilespmem:s5+$0x6E5] =	vst v17  }
0xcf: {  	[tilespmem:s5+$0x12] =	vst v16;
	s5 =	smov.u32 s1  }
0xd0: {  	v16 =	vld [tilespmem:s11+$0x200]  }
0xd1: {  	v17 =	vld [tilespmem:s11+$0xFFFFFF00]  }
0xd2: {  	s3 =	sadd.s32 s3, s20;
	v23 =	vld [tilespmem:s11+$0x0]  }
0xd3: {  	s3 =	sand.u32 $0xFFFFFF80, s3;
	v21 =	vld [tilespmem:s11+$0x100]  }
0xd4: {  	s3 =	sor.u32 s19, s3;
	v25 =	vld [tilespmem:s11+$0x300]  }
0xd5: {  	v18 =	vld [tilespmem:s3+$0x700]  }
0xd6: {  	v19 =	vld [tilespmem:s3+$0x500]  }
0xd7: {  	v26 =	vld [tilespmem:s3+$0x400]  }
0xd8: {  	v27 =	vld [tilespmem:s3+$0x300]  }
0xd9: {  	v24 =	vld [tilespmem:s3+$0x0]  }
0xda: {  	v28 =	vld [tilespmem:s3+$0x600];
	v18 =	vsub.f32 v18, v25  }
.Ltmp1:
0xdb: {  	v20 =	vld [tilespmem:s3+$0x100];
	v30 =	vsub.f32 v19, v21;
	(pc) =	sbr.rel @p3 .LBB2_5-.Ltmp1, $4  }
0xdc: {  	v22 =	vld [tilespmem:s11+$0xFFFFFC00];
	v26 =	vsub.f32 v26, v23;
	v31 =	vmul.f32 v18, v1  }
0xdd: {  	v18 =	vld [tilespmem:s11+$0xFFFFFE00];
	v32 =	vsub.f32 v27, v17  }
0xde: {  	v27 =	vmul.f32 v30, v1;
	v19 =	vld [tilespmem:s11+$0xFFFFFD00];
	v29 =	vmul.f32 v26, v1;
	v26 =	vadd.f32 v31, v25  }
0xdf: {  	v25 =	vld [tilespmem:s3+$0x200];
	v30 =	vmul.f32 v32, v1;
	v28 =	vsub.f32 v28, v16;
	s3 =	simm.s32 $0xC000  }
0xe0: {  	v23 =	vadd.f32 v29, v23;
	[tilespmem:s5+$0x73F] =	vst v26  }
0xe1: {  	[tilespmem:s5+$0x7E] =	vst v26  }
0xe2: {  	v21 =	vadd.f32 v27, v21;
	[tilespmem:s5+$0x48] =	vst v23  }
0xe3: {  	v17 =	vadd.f32 v30, v17;
	v26 =	vmul.f32 v28, v1;
	[tilespmem:s5+$0x709] =	vst v23  }
0xe4: {  	v24 =	vsub.f32 v24, v22;
	[tilespmem:s5+$0x71B] =	vst v21  }
0xe5: {  	[tilespmem:s5+$0x6F7] =	vst v17;
	v16 =	vadd.f32 v26, v16  }
0xe6: {  	[tilespmem:s5+$0x36] =	vst v17;
	v17 =	vmul.f32 v24, v1;
	v20 =	vsub.f32 v20, v19  }
0xe7: {  	[tilespmem:s5+$0x72D] =	vst v16  }
0xe8: {  	v23 =	vsub.f32 v25, v18;
	v17 =	vadd.f32 v17, v22;
	[tilespmem:s5+$0x6C] =	vst v16;
	v16 =	vmul.f32 v20, v1  }
0xe9: {  	[tilespmem:s5+$0x5A] =	vst v21  }
0xea: {  	v22 =	vmul.f32 v23, v1;
	[tilespmem:s5+$0x6C1] =	vst v17;
	v16 =	vadd.f32 v16, v19  }
0xeb: {  	[tilespmem:s5+$0x0] =	vst v17  }
0xec: {  	v18 =	vadd.f32 v22, v18;
	[tilespmem:s5+$0x6D3] =	vst v16  }
0xed: {  	[tilespmem:s5+$0x12] =	vst v16  }
0xee: {  	[tilespmem:s5+$0x24] =	vst v18  }
0xef: {  	[tilespmem:s5+$0x6E5] =	vst v18  }
0xf0: {  	v16 =	vld [tilespmem:s2+$0x200]  }
0xf1: {  	v17 =	vld [tilespmem:s2+$0xFFFFFF00]  }
0xf2: {  	s1 =	sadd.s32 $0x10, s20;
	v23 =	vld [tilespmem:s2+$0x0]  }
0xf3: {  	s1 =	sand.u32 $0xFFFFFF80, s1;
	v20 =	vld [tilespmem:s2+$0x100]  }
0xf4: {  	s5 =	sor.u32 s19, s1;
	v25 =	vld [tilespmem:s2+$0x300]  }
0xf5: {  	v18 =	vld [tilespmem:s5+$0x700]  }
0xf6: {  	v19 =	vld [tilespmem:s5+$0x500]  }
0xf7: {  	v26 =	vld [tilespmem:s5+$0x400]  }
0xf8: {  	v27 =	vld [tilespmem:s5+$0x300]  }
0xf9: {  	v24 =	vld [tilespmem:s5+$0x0]  }
0xfa: {  	v28 =	vld [tilespmem:s5+$0x600];
	v18 =	vsub.f32 v18, v25  }
0xfb: {  	v21 =	vld [tilespmem:s5+$0x100]  }
0xfc: {  	v22 =	vld [tilespmem:s2+$0xFFFFFC00];
	v30 =	vsub.f32 v19, v20;
	v26 =	vsub.f32 v26, v23;
	v31 =	vmul.f32 v18, v2  }
0xfd: {  	v32 =	vsub.f32 v27, v17;
	v19 =	vld [tilespmem:s2+$0xFFFFFD00]  }
0xfe: {  	s13 =	simm.s32 $0x810;
	s11 =	simm.s32 $0xC000;
	v18 =	vld [tilespmem:s2+$0xFFFFFE00];
	v29 =	vmul.f32 v26, v2;
	v27 =	vmul.f32 v30, v2;
	v26 =	vadd.f32 v31, v25  }
0xff: {  	s14 =	smov.u32 s15;
	s10 =	smov.u32 s6;
	s1 =	simm.s32 $0xC000;
	v28 =	vsub.f32 v28, v16;
	v30 =	vmul.f32 v32, v2;
	v25 =	vld [tilespmem:s5+$0x200]  }
.LBB2_7:
0x100: {  	p3 =	sne.s32 s13, $0x5810;
	v23 =	vadd.f32 v29, v23;
	v20 =	vadd.f32 v27, v20;
	[tilespmem:s11+$0x73F] =	vst v26;
	s1 =	sadd.s32 $0x90, s1;
	s2 =	sadd.s32 $0x800, s2  }
0x101: {  	s9 =	smov.u32 s13;
	s13 =	sadd.s32 $0x800, s13;
	v24 =	vsub.f32 v24, v22;
	v17 =	vadd.f32 v30, v17;
	v27 =	vmul.f32 v28, v2;
	[tilespmem:s11+$0x7E] =	vst v26  }
0x102: {  	[tilespmem:s11+$0x709] =	vst v23  }
0x103: {  	v24 =	vmul.f32 v24, v2;
	[tilespmem:s11+$0x6F7] =	vst v17;
	v16 =	vadd.f32 v27, v16  }
0x104: {  	v25 =	vsub.f32 v25, v18;
	[tilespmem:s11+$0x48] =	vst v23  }
0x105: {  	v21 =	vsub.f32 v21, v19;
	v22 =	vadd.f32 v24, v22;
	[tilespmem:s11+$0x36] =	vst v17  }
0x106: {  	v17 =	vmul.f32 v25, v2;
	[tilespmem:s11+$0x71B] =	vst v20  }
0x107: {  	v21 =	vmul.f32 v21, v2;
	[tilespmem:s11+$0x72D] =	vst v16  }
0x108: {  	v17 =	vadd.f32 v17, v18;
	[tilespmem:s11+$0x6C] =	vst v16  }
0x109: {  	v16 =	vadd.f32 v21, v19;
	[tilespmem:s11+$0x5A] =	vst v20  }
0x10a: {  	[tilespmem:s11+$0x6C1] =	vst v22  }
0x10b: {  	[tilespmem:s11+$0x0] =	vst v22  }
0x10c: {  	[tilespmem:s11+$0x24] =	vst v17  }
0x10d: {  	[tilespmem:s11+$0x6D3] =	vst v16  }
0x10e: {  	[tilespmem:s11+$0x6E5] =	vst v17  }
0x10f: {  	[tilespmem:s11+$0x12] =	vst v16;
	s11 =	smov.u32 s1  }
0x110: {  	v16 =	vld [tilespmem:s2+$0x200]  }
0x111: {  	v17 =	vld [tilespmem:s2+$0xFFFFFF00]  }
0x112: {  	s9 =	sadd.s32 s9, s20;
	v23 =	vld [tilespmem:s2+$0x0]  }
0x113: {  	s9 =	sand.u32 $0xFFFFFF80, s9;
	v20 =	vld [tilespmem:s2+$0x100]  }
0x114: {  	s9 =	sor.u32 s19, s9;
	v25 =	vld [tilespmem:s2+$0x300]  }
0x115: {  	v18 =	vld [tilespmem:s9+$0x700]  }
0x116: {  	v19 =	vld [tilespmem:s9+$0x500]  }
0x117: {  	v26 =	vld [tilespmem:s9+$0x400]  }
0x118: {  	v27 =	vld [tilespmem:s9+$0x300]  }
0x119: {  	v24 =	vld [tilespmem:s9+$0x0]  }
0x11a: {  	v28 =	vld [tilespmem:s9+$0x600];
	v18 =	vsub.f32 v18, v25  }
.Ltmp2:
0x11b: {  	v21 =	vld [tilespmem:s9+$0x100];
	v30 =	vsub.f32 v19, v20;
	(pc) =	sbr.rel @p3 .LBB2_7-.Ltmp2, $4  }
0x11c: {  	v22 =	vld [tilespmem:s2+$0xFFFFFC00];
	v26 =	vsub.f32 v26, v23;
	v31 =	vmul.f32 v18, v2  }
0x11d: {  	v18 =	vld [tilespmem:s2+$0xFFFFFE00];
	v32 =	vsub.f32 v27, v17  }
0x11e: {  	v27 =	vmul.f32 v30, v2;
	v19 =	vld [tilespmem:s2+$0xFFFFFD00];
	v29 =	vmul.f32 v26, v2;
	v26 =	vadd.f32 v31, v25  }
0x11f: {  	v25 =	vld [tilespmem:s9+$0x200];
	v30 =	vmul.f32 v32, v2;
	v28 =	vsub.f32 v28, v16  }
0x120: {  	v23 =	vadd.f32 v29, v23;
	[tilespmem:s11+$0x73F] =	vst v26  }
0x121: {  	[tilespmem:s11+$0x7E] =	vst v26  }
0x122: {  	v20 =	vadd.f32 v27, v20;
	[tilespmem:s11+$0x709] =	vst v23  }
0x123: {  	v17 =	vadd.f32 v30, v17;
	v26 =	vmul.f32 v28, v2;
	[tilespmem:s11+$0x48] =	vst v23  }
0x124: {  	v24 =	vsub.f32 v24, v22;
	[tilespmem:s11+$0x71B] =	vst v20  }
0x125: {  	[tilespmem:s11+$0x6F7] =	vst v17;
	v16 =	vadd.f32 v26, v16  }
0x126: {  	[tilespmem:s11+$0x36] =	vst v17;
	v17 =	vmul.f32 v24, v2;
	v21 =	vsub.f32 v21, v19  }
0x127: {  	[tilespmem:s11+$0x72D] =	vst v16  }
0x128: {  	v23 =	vsub.f32 v25, v18;
	v17 =	vadd.f32 v17, v22;
	[tilespmem:s11+$0x6C] =	vst v16;
	v16 =	vmul.f32 v21, v2  }
0x129: {  	[tilespmem:s11+$0x5A] =	vst v20  }
0x12a: {  	v22 =	vmul.f32 v23, v2;
	[tilespmem:s11+$0x6C1] =	vst v17;
	v16 =	vadd.f32 v16, v19  }
0x12b: {  	[tilespmem:s11+$0x0] =	vst v17  }
0x12c: {  	v18 =	vadd.f32 v22, v18;
	[tilespmem:s11+$0x6D3] =	vst v16  }
0x12d: {  	[tilespmem:s11+$0x12] =	vst v16  }
0x12e: {  	[tilespmem:s11+$0x24] =	vst v18  }
0x12f: {  	[tilespmem:s11+$0x6E5] =	vst v18  }
0x130: {  	v16 =	vld [tilespmem:s28+$0x200]  }
0x131: {  	v17 =	vld [tilespmem:s28+$0xFFFFFF00]  }
0x132: {  	v23 =	vld [tilespmem:s28+$0x0]  }
0x133: {  	v21 =	vld [tilespmem:s28+$0x100]  }
0x134: {  	v25 =	vld [tilespmem:s28+$0x300]  }
0x135: {  	v18 =	vld [tilespmem:s5+$0x700]  }
0x136: {  	v19 =	vld [tilespmem:s5+$0x500]  }
0x137: {  	v26 =	vld [tilespmem:s5+$0x400]  }
0x138: {  	v27 =	vld [tilespmem:s5+$0x300]  }
0x139: {  	v24 =	vld [tilespmem:s5+$0x0]  }
0x13a: {  	v28 =	vld [tilespmem:s5+$0x600];
	v18 =	vsub.f32 v18, v25  }
0x13b: {  	v20 =	vld [tilespmem:s5+$0x100]  }
0x13c: {  	v22 =	vld [tilespmem:s28+$0xFFFFFC00];
	v30 =	vsub.f32 v19, v21;
	v26 =	vsub.f32 v26, v23;
	v31 =	vmul.f32 v18, v3  }
0x13d: {  	v32 =	vsub.f32 v27, v17;
	v19 =	vld [tilespmem:s28+$0xFFFFFD00]  }
0x13e: {  	v18 =	vld [tilespmem:s28+$0xFFFFFE00];
	v29 =	vmul.f32 v26, v3;
	v27 =	vmul.f32 v30, v3;
	v26 =	vadd.f32 v31, v25  }
0x13f: {  	s1 =	simm.s32 $0xC000;
	s11 =	simm.s32 $0x810;
	v28 =	vsub.f32 v28, v16;
	v30 =	vmul.f32 v32, v3;
	v25 =	vld [tilespmem:s5+$0x200]  }
.LBB2_9:
0x140: {  	p3 =	sne.s32 s11, $0x5810;
	v23 =	vadd.f32 v29, v23;
	v21 =	vadd.f32 v27, v21;
	[tilespmem:s3+$0x73F] =	vst v26;
	s1 =	sadd.s32 $0x90, s1;
	s28 =	sadd.s32 $0x800, s28  }
0x141: {  	s2 =	smov.u32 s11;
	s11 =	sadd.s32 $0x800, s11;
	v24 =	vsub.f32 v24, v22;
	v17 =	vadd.f32 v30, v17;
	v27 =	vmul.f32 v28, v3;
	[tilespmem:s3+$0x7E] =	vst v26  }
0x142: {  	[tilespmem:s3+$0x48] =	vst v23  }
0x143: {  	v24 =	vmul.f32 v24, v3;
	[tilespmem:s3+$0x6F7] =	vst v17;
	v16 =	vadd.f32 v27, v16  }
0x144: {  	v25 =	vsub.f32 v25, v18;
	[tilespmem:s3+$0x709] =	vst v23  }
0x145: {  	v20 =	vsub.f32 v20, v19;
	v22 =	vadd.f32 v24, v22;
	[tilespmem:s3+$0x36] =	vst v17  }
0x146: {  	v17 =	vmul.f32 v25, v3;
	[tilespmem:s3+$0x71B] =	vst v21  }
0x147: {  	v20 =	vmul.f32 v20, v3;
	[tilespmem:s3+$0x72D] =	vst v16  }
0x148: {  	v17 =	vadd.f32 v17, v18;
	[tilespmem:s3+$0x6C] =	vst v16  }
0x149: {  	v16 =	vadd.f32 v20, v19;
	[tilespmem:s3+$0x5A] =	vst v21  }
0x14a: {  	[tilespmem:s3+$0x6C1] =	vst v22  }
0x14b: {  	[tilespmem:s3+$0x0] =	vst v22  }
0x14c: {  	[tilespmem:s3+$0x24] =	vst v17  }
0x14d: {  	[tilespmem:s3+$0x6D3] =	vst v16  }
0x14e: {  	[tilespmem:s3+$0x6E5] =	vst v17  }
0x14f: {  	[tilespmem:s3+$0x12] =	vst v16;
	s3 =	smov.u32 s1  }
0x150: {  	v16 =	vld [tilespmem:s28+$0x200]  }
0x151: {  	v17 =	vld [tilespmem:s28+$0xFFFFFF00]  }
0x152: {  	s2 =	sadd.s32 s2, s20;
	v23 =	vld [tilespmem:s28+$0x0]  }
0x153: {  	s2 =	sand.u32 $0xFFFFFF80, s2;
	v21 =	vld [tilespmem:s28+$0x100]  }
0x154: {  	s2 =	sor.u32 s19, s2;
	v25 =	vld [tilespmem:s28+$0x300]  }
0x155: {  	v18 =	vld [tilespmem:s2+$0x700]  }
0x156: {  	v19 =	vld [tilespmem:s2+$0x500]  }
0x157: {  	v26 =	vld [tilespmem:s2+$0x400]  }
0x158: {  	v27 =	vld [tilespmem:s2+$0x300]  }
0x159: {  	v24 =	vld [tilespmem:s2+$0x0]  }
0x15a: {  	v28 =	vld [tilespmem:s2+$0x600];
	v18 =	vsub.f32 v18, v25  }
.Ltmp3:
0x15b: {  	v20 =	vld [tilespmem:s2+$0x100];
	v30 =	vsub.f32 v19, v21;
	(pc) =	sbr.rel @p3 .LBB2_9-.Ltmp3, $4  }
0x15c: {  	v22 =	vld [tilespmem:s28+$0xFFFFFC00];
	v26 =	vsub.f32 v26, v23;
	v31 =	vmul.f32 v18, v3  }
0x15d: {  	v18 =	vld [tilespmem:s28+$0xFFFFFE00];
	v32 =	vsub.f32 v27, v17  }
0x15e: {  	v27 =	vmul.f32 v30, v3;
	v19 =	vld [tilespmem:s28+$0xFFFFFD00];
	v29 =	vmul.f32 v26, v3;
	v26 =	vadd.f32 v31, v25  }
0x15f: {  	v25 =	vld [tilespmem:s2+$0x200];
	v30 =	vmul.f32 v32, v3;
	v28 =	vsub.f32 v28, v16;
	s2 =	simm.s32 $0xC000  }
0x160: {  	v23 =	vadd.f32 v29, v23;
	[tilespmem:s3+$0x73F] =	vst v26  }
0x161: {  	[tilespmem:s3+$0x7E] =	vst v26  }
0x162: {  	v21 =	vadd.f32 v27, v21;
	[tilespmem:s3+$0x48] =	vst v23  }
0x163: {  	v17 =	vadd.f32 v30, v17;
	v26 =	vmul.f32 v28, v3;
	[tilespmem:s3+$0x709] =	vst v23  }
0x164: {  	v24 =	vsub.f32 v24, v22;
	[tilespmem:s3+$0x71B] =	vst v21  }
0x165: {  	[tilespmem:s3+$0x6F7] =	vst v17;
	v16 =	vadd.f32 v26, v16  }
0x166: {  	[tilespmem:s3+$0x36] =	vst v17;
	v17 =	vmul.f32 v24, v3;
	v20 =	vsub.f32 v20, v19  }
0x167: {  	[tilespmem:s3+$0x72D] =	vst v16  }
0x168: {  	v23 =	vsub.f32 v25, v18;
	v17 =	vadd.f32 v17, v22;
	[tilespmem:s3+$0x6C] =	vst v16;
	v16 =	vmul.f32 v20, v3  }
0x169: {  	[tilespmem:s3+$0x5A] =	vst v21  }
0x16a: {  	v22 =	vmul.f32 v23, v3;
	[tilespmem:s3+$0x6C1] =	vst v17;
	v16 =	vadd.f32 v16, v19  }
0x16b: {  	[tilespmem:s3+$0x0] =	vst v17  }
0x16c: {  	v18 =	vadd.f32 v22, v18;
	[tilespmem:s3+$0x6D3] =	vst v16  }
0x16d: {  	[tilespmem:s3+$0x12] =	vst v16  }
0x16e: {  	[tilespmem:s3+$0x24] =	vst v18  }
0x16f: {  	[tilespmem:s3+$0x6E5] =	vst v18  }
0x170: {  	v16 =	vld [tilespmem:s12+$0x200]  }
0x171: {  	v17 =	vld [tilespmem:s12+$0xFFFFFF00]  }
0x172: {  	s1 =	sadd.s32 $0x10, s20;
	v23 =	vld [tilespmem:s12+$0x0]  }
0x173: {  	s1 =	sand.u32 $0xFFFFFF80, s1;
	v20 =	vld [tilespmem:s12+$0x100]  }
0x174: {  	s3 =	sor.u32 s19, s1;
	v25 =	vld [tilespmem:s12+$0x300]  }
0x175: {  	v18 =	vld [tilespmem:s3+$0x700]  }
0x176: {  	v19 =	vld [tilespmem:s3+$0x500]  }
0x177: {  	v26 =	vld [tilespmem:s3+$0x400]  }
0x178: {  	v27 =	vld [tilespmem:s3+$0x300]  }
0x179: {  	v24 =	vld [tilespmem:s3+$0x0]  }
0x17a: {  	v28 =	vld [tilespmem:s3+$0x600];
	v18 =	vsub.f32 v18, v25  }
0x17b: {  	v21 =	vld [tilespmem:s3+$0x100]  }
0x17c: {  	v22 =	vld [tilespmem:s12+$0xFFFFFC00];
	v30 =	vsub.f32 v19, v20;
	v26 =	vsub.f32 v26, v23;
	v31 =	vmul.f32 v18, v4  }
0x17d: {  	v32 =	vsub.f32 v27, v17;
	v19 =	vld [tilespmem:s12+$0xFFFFFD00]  }
0x17e: {  	v18 =	vld [tilespmem:s12+$0xFFFFFE00];
	v29 =	vmul.f32 v26, v4;
	v27 =	vmul.f32 v30, v4;
	v26 =	vadd.f32 v31, v25  }
0x17f: {  	s11 =	simm.s32 $0x810;
	s5 =	simm.s32 $0xC000;
	s1 =	simm.s32 $0xC000;
	v28 =	vsub.f32 v28, v16;
	v30 =	vmul.f32 v32, v4;
	v25 =	vld [tilespmem:s3+$0x200]  }
.LBB2_11:
0x180: {  	p3 =	sne.s32 s11, $0x5810;
	v23 =	vadd.f32 v29, v23;
	v20 =	vadd.f32 v27, v20;
	[tilespmem:s5+$0x73F] =	vst v26;
	s1 =	sadd.s32 $0x90, s1;
	s12 =	sadd.s32 $0x800, s12  }
0x181: {  	s9 =	smov.u32 s11;
	s11 =	sadd.s32 $0x800, s11;
	v24 =	vsub.f32 v24, v22;
	v17 =	vadd.f32 v30, v17;
	v27 =	vmul.f32 v28, v4;
	[tilespmem:s5+$0x7E] =	vst v26  }
0x182: {  	[tilespmem:s5+$0x709] =	vst v23  }
0x183: {  	v24 =	vmul.f32 v24, v4;
	[tilespmem:s5+$0x6F7] =	vst v17;
	v16 =	vadd.f32 v27, v16  }
0x184: {  	v25 =	vsub.f32 v25, v18;
	[tilespmem:s5+$0x48] =	vst v23  }
0x185: {  	v21 =	vsub.f32 v21, v19;
	v22 =	vadd.f32 v24, v22;
	[tilespmem:s5+$0x36] =	vst v17  }
0x186: {  	v17 =	vmul.f32 v25, v4;
	[tilespmem:s5+$0x71B] =	vst v20  }
0x187: {  	v21 =	vmul.f32 v21, v4;
	[tilespmem:s5+$0x72D] =	vst v16  }
0x188: {  	v17 =	vadd.f32 v17, v18;
	[tilespmem:s5+$0x6C] =	vst v16  }
0x189: {  	v16 =	vadd.f32 v21, v19;
	[tilespmem:s5+$0x5A] =	vst v20  }
0x18a: {  	[tilespmem:s5+$0x6C1] =	vst v22  }
0x18b: {  	[tilespmem:s5+$0x0] =	vst v22  }
0x18c: {  	[tilespmem:s5+$0x24] =	vst v17  }
0x18d: {  	[tilespmem:s5+$0x6D3] =	vst v16  }
0x18e: {  	[tilespmem:s5+$0x6E5] =	vst v17  }
0x18f: {  	[tilespmem:s5+$0x12] =	vst v16;
	s5 =	smov.u32 s1  }
0x190: {  	v16 =	vld [tilespmem:s12+$0x200]  }
0x191: {  	v17 =	vld [tilespmem:s12+$0xFFFFFF00]  }
0x192: {  	s9 =	sadd.s32 s9, s20;
	v23 =	vld [tilespmem:s12+$0x0]  }
0x193: {  	s9 =	sand.u32 $0xFFFFFF80, s9;
	v20 =	vld [tilespmem:s12+$0x100]  }
0x194: {  	s9 =	sor.u32 s19, s9;
	v25 =	vld [tilespmem:s12+$0x300]  }
0x195: {  	v18 =	vld [tilespmem:s9+$0x700]  }
0x196: {  	v19 =	vld [tilespmem:s9+$0x500]  }
0x197: {  	v26 =	vld [tilespmem:s9+$0x400]  }
0x198: {  	v27 =	vld [tilespmem:s9+$0x300]  }
0x199: {  	v24 =	vld [tilespmem:s9+$0x0]  }
0x19a: {  	v28 =	vld [tilespmem:s9+$0x600];
	v18 =	vsub.f32 v18, v25  }
.Ltmp4:
0x19b: {  	v21 =	vld [tilespmem:s9+$0x100];
	v30 =	vsub.f32 v19, v20;
	(pc) =	sbr.rel @p3 .LBB2_11-.Ltmp4, $4  }
0x19c: {  	v22 =	vld [tilespmem:s12+$0xFFFFFC00];
	v26 =	vsub.f32 v26, v23;
	v31 =	vmul.f32 v18, v4  }
0x19d: {  	v18 =	vld [tilespmem:s12+$0xFFFFFE00];
	v32 =	vsub.f32 v27, v17  }
0x19e: {  	v27 =	vmul.f32 v30, v4;
	v19 =	vld [tilespmem:s12+$0xFFFFFD00];
	v29 =	vmul.f32 v26, v4;
	v26 =	vadd.f32 v31, v25  }
0x19f: {  	v25 =	vld [tilespmem:s9+$0x200];
	v30 =	vmul.f32 v32, v4;
	v28 =	vsub.f32 v28, v16  }
0x1a0: {  	v23 =	vadd.f32 v29, v23;
	[tilespmem:s5+$0x73F] =	vst v26  }
0x1a1: {  	[tilespmem:s5+$0x7E] =	vst v26  }
0x1a2: {  	v20 =	vadd.f32 v27, v20;
	[tilespmem:s5+$0x709] =	vst v23  }
0x1a3: {  	v17 =	vadd.f32 v30, v17;
	v26 =	vmul.f32 v28, v4;
	[tilespmem:s5+$0x48] =	vst v23  }
0x1a4: {  	v24 =	vsub.f32 v24, v22;
	[tilespmem:s5+$0x71B] =	vst v20  }
0x1a5: {  	[tilespmem:s5+$0x6F7] =	vst v17;
	v16 =	vadd.f32 v26, v16  }
0x1a6: {  	[tilespmem:s5+$0x36] =	vst v17;
	v17 =	vmul.f32 v24, v4;
	v21 =	vsub.f32 v21, v19  }
0x1a7: {  	[tilespmem:s5+$0x72D] =	vst v16  }
0x1a8: {  	v23 =	vsub.f32 v25, v18;
	v17 =	vadd.f32 v17, v22;
	[tilespmem:s5+$0x6C] =	vst v16;
	v16 =	vmul.f32 v21, v4  }
0x1a9: {  	[tilespmem:s5+$0x5A] =	vst v20  }
0x1aa: {  	v22 =	vmul.f32 v23, v4;
	[tilespmem:s5+$0x6C1] =	vst v17;
	v16 =	vadd.f32 v16, v19  }
0x1ab: {  	[tilespmem:s5+$0x0] =	vst v17  }
0x1ac: {  	v18 =	vadd.f32 v22, v18;
	[tilespmem:s5+$0x6D3] =	vst v16  }
0x1ad: {  	[tilespmem:s5+$0x12] =	vst v16  }
0x1ae: {  	[tilespmem:s5+$0x24] =	vst v18  }
0x1af: {  	[tilespmem:s5+$0x6E5] =	vst v18  }
0x1b0: {  	v16 =	vld [tilespmem:s7+$0x200]  }
0x1b1: {  	v17 =	vld [tilespmem:s7+$0xFFFFFF00]  }
0x1b2: {  	v23 =	vld [tilespmem:s7+$0x0]  }
0x1b3: {  	v21 =	vld [tilespmem:s7+$0x100]  }
0x1b4: {  	v25 =	vld [tilespmem:s7+$0x300]  }
0x1b5: {  	v18 =	vld [tilespmem:s3+$0x700]  }
0x1b6: {  	v19 =	vld [tilespmem:s3+$0x500]  }
0x1b7: {  	v26 =	vld [tilespmem:s3+$0x400]  }
0x1b8: {  	v27 =	vld [tilespmem:s3+$0x300]  }
0x1b9: {  	v24 =	vld [tilespmem:s3+$0x0]  }
0x1ba: {  	v28 =	vld [tilespmem:s3+$0x600];
	v18 =	vsub.f32 v18, v25  }
0x1bb: {  	v20 =	vld [tilespmem:s3+$0x100]  }
0x1bc: {  	v22 =	vld [tilespmem:s7+$0xFFFFFC00];
	v30 =	vsub.f32 v19, v21;
	v26 =	vsub.f32 v26, v23;
	v31 =	vmul.f32 v18, v5  }
0x1bd: {  	v32 =	vsub.f32 v27, v17;
	v19 =	vld [tilespmem:s7+$0xFFFFFD00]  }
0x1be: {  	v18 =	vld [tilespmem:s7+$0xFFFFFE00];
	v29 =	vmul.f32 v26, v5;
	v27 =	vmul.f32 v30, v5;
	v26 =	vadd.f32 v31, v25  }
0x1bf: {  	s1 =	simm.s32 $0xC000;
	s5 =	simm.s32 $0x810;
	v28 =	vsub.f32 v28, v16;
	v30 =	vmul.f32 v32, v5;
	v25 =	vld [tilespmem:s3+$0x200]  }
.LBB2_13:
0x1c0: {  	p3 =	sne.s32 s5, $0x5810;
	v23 =	vadd.f32 v29, v23;
	v21 =	vadd.f32 v27, v21;
	[tilespmem:s2+$0x73F] =	vst v26;
	s1 =	sadd.s32 $0x90, s1;
	s7 =	sadd.s32 $0x800, s7  }
0x1c1: {  	s3 =	smov.u32 s5;
	s5 =	sadd.s32 $0x800, s5;
	v24 =	vsub.f32 v24, v22;
	v17 =	vadd.f32 v30, v17;
	v27 =	vmul.f32 v28, v5;
	[tilespmem:s2+$0x7E] =	vst v26  }
0x1c2: {  	[tilespmem:s2+$0x48] =	vst v23  }
0x1c3: {  	v24 =	vmul.f32 v24, v5;
	[tilespmem:s2+$0x6F7] =	vst v17;
	v16 =	vadd.f32 v27, v16  }
0x1c4: {  	v25 =	vsub.f32 v25, v18;
	[tilespmem:s2+$0x709] =	vst v23  }
0x1c5: {  	v20 =	vsub.f32 v20, v19;
	v22 =	vadd.f32 v24, v22;
	[tilespmem:s2+$0x36] =	vst v17  }
0x1c6: {  	v17 =	vmul.f32 v25, v5;
	[tilespmem:s2+$0x71B] =	vst v21  }
0x1c7: {  	v20 =	vmul.f32 v20, v5;
	[tilespmem:s2+$0x72D] =	vst v16  }
0x1c8: {  	v17 =	vadd.f32 v17, v18;
	[tilespmem:s2+$0x6C] =	vst v16  }
0x1c9: {  	v16 =	vadd.f32 v20, v19;
	[tilespmem:s2+$0x5A] =	vst v21  }
0x1ca: {  	[tilespmem:s2+$0x6C1] =	vst v22  }
0x1cb: {  	[tilespmem:s2+$0x0] =	vst v22  }
0x1cc: {  	[tilespmem:s2+$0x24] =	vst v17  }
0x1cd: {  	[tilespmem:s2+$0x6D3] =	vst v16  }
0x1ce: {  	[tilespmem:s2+$0x6E5] =	vst v17  }
0x1cf: {  	[tilespmem:s2+$0x12] =	vst v16;
	s2 =	smov.u32 s1  }
0x1d0: {  	v16 =	vld [tilespmem:s7+$0x200]  }
0x1d1: {  	v17 =	vld [tilespmem:s7+$0xFFFFFF00]  }
0x1d2: {  	s3 =	sadd.s32 s3, s20;
	v23 =	vld [tilespmem:s7+$0x0]  }
0x1d3: {  	s3 =	sand.u32 $0xFFFFFF80, s3;
	v21 =	vld [tilespmem:s7+$0x100]  }
0x1d4: {  	s3 =	sor.u32 s19, s3;
	v25 =	vld [tilespmem:s7+$0x300]  }
0x1d5: {  	v18 =	vld [tilespmem:s3+$0x700]  }
0x1d6: {  	v19 =	vld [tilespmem:s3+$0x500]  }
0x1d7: {  	v26 =	vld [tilespmem:s3+$0x400]  }
0x1d8: {  	v27 =	vld [tilespmem:s3+$0x300]  }
0x1d9: {  	v24 =	vld [tilespmem:s3+$0x0]  }
0x1da: {  	v28 =	vld [tilespmem:s3+$0x600];
	v18 =	vsub.f32 v18, v25  }
.Ltmp5:
0x1db: {  	v20 =	vld [tilespmem:s3+$0x100];
	v30 =	vsub.f32 v19, v21;
	(pc) =	sbr.rel @p3 .LBB2_13-.Ltmp5, $4  }
0x1dc: {  	v22 =	vld [tilespmem:s7+$0xFFFFFC00];
	v26 =	vsub.f32 v26, v23;
	v31 =	vmul.f32 v18, v5  }
0x1dd: {  	v18 =	vld [tilespmem:s7+$0xFFFFFE00];
	v32 =	vsub.f32 v27, v17  }
0x1de: {  	v27 =	vmul.f32 v30, v5;
	v19 =	vld [tilespmem:s7+$0xFFFFFD00];
	v29 =	vmul.f32 v26, v5;
	v26 =	vadd.f32 v31, v25  }
0x1df: {  	v25 =	vld [tilespmem:s3+$0x200];
	v30 =	vmul.f32 v32, v5;
	v28 =	vsub.f32 v28, v16;
	s3 =	simm.s32 $0xC000  }
0x1e0: {  	v23 =	vadd.f32 v29, v23;
	[tilespmem:s2+$0x73F] =	vst v26  }
0x1e1: {  	[tilespmem:s2+$0x7E] =	vst v26  }
0x1e2: {  	v21 =	vadd.f32 v27, v21;
	[tilespmem:s2+$0x48] =	vst v23  }
0x1e3: {  	v17 =	vadd.f32 v30, v17;
	v26 =	vmul.f32 v28, v5;
	[tilespmem:s2+$0x709] =	vst v23  }
0x1e4: {  	v24 =	vsub.f32 v24, v22;
	[tilespmem:s2+$0x71B] =	vst v21  }
0x1e5: {  	[tilespmem:s2+$0x6F7] =	vst v17;
	v16 =	vadd.f32 v26, v16  }
0x1e6: {  	[tilespmem:s2+$0x36] =	vst v17;
	v17 =	vmul.f32 v24, v5;
	v20 =	vsub.f32 v20, v19  }
0x1e7: {  	[tilespmem:s2+$0x72D] =	vst v16  }
0x1e8: {  	v23 =	vsub.f32 v25, v18;
	v17 =	vadd.f32 v17, v22;
	[tilespmem:s2+$0x6C] =	vst v16;
	v16 =	vmul.f32 v20, v5  }
0x1e9: {  	[tilespmem:s2+$0x5A] =	vst v21  }
0x1ea: {  	v22 =	vmul.f32 v23, v5;
	[tilespmem:s2+$0x6C1] =	vst v17;
	v16 =	vadd.f32 v16, v19  }
0x1eb: {  	[tilespmem:s2+$0x0] =	vst v17  }
0x1ec: {  	v18 =	vadd.f32 v22, v18;
	[tilespmem:s2+$0x6D3] =	vst v16  }
0x1ed: {  	[tilespmem:s2+$0x12] =	vst v16  }
0x1ee: {  	[tilespmem:s2+$0x24] =	vst v18  }
0x1ef: {  	[tilespmem:s2+$0x6E5] =	vst v18  }
0x1f0: {  	v16 =	vld [tilespmem:s18+$0x200]  }
0x1f1: {  	v17 =	vld [tilespmem:s18+$0xFFFFFF00]  }
0x1f2: {  	s1 =	sadd.s32 $0x10, s20;
	v23 =	vld [tilespmem:s18+$0x0]  }
0x1f3: {  	s1 =	sand.u32 $0xFFFFFF80, s1;
	v20 =	vld [tilespmem:s18+$0x100]  }
0x1f4: {  	s2 =	sor.u32 s19, s1;
	v25 =	vld [tilespmem:s18+$0x300]  }
0x1f5: {  	v18 =	vld [tilespmem:s2+$0x700]  }
0x1f6: {  	v19 =	vld [tilespmem:s2+$0x500]  }
0x1f7: {  	v26 =	vld [tilespmem:s2+$0x400]  }
0x1f8: {  	v27 =	vld [tilespmem:s2+$0x300]  }
0x1f9: {  	v24 =	vld [tilespmem:s2+$0x0]  }
0x1fa: {  	v28 =	vld [tilespmem:s2+$0x600];
	v18 =	vsub.f32 v18, v25  }
0x1fb: {  	v21 =	vld [tilespmem:s2+$0x100]  }
0x1fc: {  	v22 =	vld [tilespmem:s18+$0xFFFFFC00];
	v30 =	vsub.f32 v19, v20;
	v26 =	vsub.f32 v26, v23;
	v31 =	vmul.f32 v18, v6  }
0x1fd: {  	v32 =	vsub.f32 v27, v17;
	v19 =	vld [tilespmem:s18+$0xFFFFFD00]  }
0x1fe: {  	s7 =	simm.s32 $0x810;
	s5 =	simm.s32 $0xC000;
	v18 =	vld [tilespmem:s18+$0xFFFFFE00];
	v29 =	vmul.f32 v26, v6;
	v27 =	vmul.f32 v30, v6;
	v26 =	vadd.f32 v31, v25  }
0x1ff: {  	s11 =	smov.u32 s16;
	s12 =	simm.s32 $0x0;
	s1 =	simm.s32 $0xC000;
	v28 =	vsub.f32 v28, v16;
	v30 =	vmul.f32 v32, v6;
	v25 =	vld [tilespmem:s2+$0x200]  }
.LBB2_15:
0x200: {  	p3 =	sne.s32 s7, $0x5810;
	v23 =	vadd.f32 v29, v23;
	v20 =	vadd.f32 v27, v20;
	[tilespmem:s5+$0x73F] =	vst v26;
	s1 =	sadd.s32 $0x90, s1;
	s18 =	sadd.s32 $0x800, s18  }
0x201: {  	s9 =	smov.u32 s7;
	s7 =	sadd.s32 $0x800, s7;
	v24 =	vsub.f32 v24, v22;
	v17 =	vadd.f32 v30, v17;
	v27 =	vmul.f32 v28, v6;
	[tilespmem:s5+$0x7E] =	vst v26  }
0x202: {  	[tilespmem:s5+$0x709] =	vst v23  }
0x203: {  	v24 =	vmul.f32 v24, v6;
	[tilespmem:s5+$0x6F7] =	vst v17;
	v16 =	vadd.f32 v27, v16  }
0x204: {  	v25 =	vsub.f32 v25, v18;
	[tilespmem:s5+$0x48] =	vst v23  }
0x205: {  	v21 =	vsub.f32 v21, v19;
	v22 =	vadd.f32 v24, v22;
	[tilespmem:s5+$0x36] =	vst v17  }
0x206: {  	v17 =	vmul.f32 v25, v6;
	[tilespmem:s5+$0x71B] =	vst v20  }
0x207: {  	v21 =	vmul.f32 v21, v6;
	[tilespmem:s5+$0x72D] =	vst v16  }
0x208: {  	v17 =	vadd.f32 v17, v18;
	[tilespmem:s5+$0x6C] =	vst v16  }
0x209: {  	v16 =	vadd.f32 v21, v19;
	[tilespmem:s5+$0x5A] =	vst v20  }
0x20a: {  	[tilespmem:s5+$0x6C1] =	vst v22  }
0x20b: {  	[tilespmem:s5+$0x0] =	vst v22  }
0x20c: {  	[tilespmem:s5+$0x24] =	vst v17  }
0x20d: {  	[tilespmem:s5+$0x6D3] =	vst v16  }
0x20e: {  	[tilespmem:s5+$0x6E5] =	vst v17  }
0x20f: {  	[tilespmem:s5+$0x12] =	vst v16;
	s5 =	smov.u32 s1  }
0x210: {  	v16 =	vld [tilespmem:s18+$0x200]  }
0x211: {  	v17 =	vld [tilespmem:s18+$0xFFFFFF00]  }
0x212: {  	s9 =	sadd.s32 s9, s20;
	v23 =	vld [tilespmem:s18+$0x0]  }
0x213: {  	s9 =	sand.u32 $0xFFFFFF80, s9;
	v20 =	vld [tilespmem:s18+$0x100]  }
0x214: {  	s9 =	sor.u32 s19, s9;
	v25 =	vld [tilespmem:s18+$0x300]  }
0x215: {  	v18 =	vld [tilespmem:s9+$0x700]  }
0x216: {  	v19 =	vld [tilespmem:s9+$0x500]  }
0x217: {  	v26 =	vld [tilespmem:s9+$0x400]  }
0x218: {  	v27 =	vld [tilespmem:s9+$0x300]  }
0x219: {  	v24 =	vld [tilespmem:s9+$0x0]  }
0x21a: {  	v28 =	vld [tilespmem:s9+$0x600];
	v18 =	vsub.f32 v18, v25  }
.Ltmp6:
0x21b: {  	v21 =	vld [tilespmem:s9+$0x100];
	v30 =	vsub.f32 v19, v20;
	(pc) =	sbr.rel @p3 .LBB2_15-.Ltmp6, $4  }
0x21c: {  	v22 =	vld [tilespmem:s18+$0xFFFFFC00];
	v26 =	vsub.f32 v26, v23;
	v31 =	vmul.f32 v18, v6  }
0x21d: {  	v18 =	vld [tilespmem:s18+$0xFFFFFE00];
	v32 =	vsub.f32 v27, v17  }
0x21e: {  	v27 =	vmul.f32 v30, v6;
	v19 =	vld [tilespmem:s18+$0xFFFFFD00];
	v29 =	vmul.f32 v26, v6;
	v26 =	vadd.f32 v31, v25  }
0x21f: {  	v25 =	vld [tilespmem:s9+$0x200];
	v30 =	vmul.f32 v32, v6;
	v28 =	vsub.f32 v28, v16  }
0x220: {  	v23 =	vadd.f32 v29, v23;
	[tilespmem:s5+$0x73F] =	vst v26  }
0x221: {  	[tilespmem:s5+$0x7E] =	vst v26  }
0x222: {  	v20 =	vadd.f32 v27, v20;
	[tilespmem:s5+$0x709] =	vst v23  }
0x223: {  	v17 =	vadd.f32 v30, v17;
	v26 =	vmul.f32 v28, v6;
	[tilespmem:s5+$0x48] =	vst v23  }
0x224: {  	v24 =	vsub.f32 v24, v22;
	[tilespmem:s5+$0x71B] =	vst v20  }
0x225: {  	[tilespmem:s5+$0x6F7] =	vst v17;
	v16 =	vadd.f32 v26, v16  }
0x226: {  	[tilespmem:s5+$0x36] =	vst v17;
	v17 =	vmul.f32 v24, v6;
	v21 =	vsub.f32 v21, v19  }
0x227: {  	[tilespmem:s5+$0x72D] =	vst v16  }
0x228: {  	v23 =	vsub.f32 v25, v18;
	v17 =	vadd.f32 v17, v22;
	[tilespmem:s5+$0x6C] =	vst v16;
	v16 =	vmul.f32 v21, v6  }
0x229: {  	[tilespmem:s5+$0x5A] =	vst v20  }
0x22a: {  	v22 =	vmul.f32 v23, v6;
	[tilespmem:s5+$0x6C1] =	vst v17;
	v16 =	vadd.f32 v16, v19  }
0x22b: {  	[tilespmem:s5+$0x0] =	vst v17  }
0x22c: {  	v18 =	vadd.f32 v22, v18;
	[tilespmem:s5+$0x6D3] =	vst v16  }
0x22d: {  	[tilespmem:s5+$0x12] =	vst v16  }
0x22e: {  	[tilespmem:s5+$0x24] =	vst v18  }
0x22f: {  	[tilespmem:s5+$0x6E5] =	vst v18  }
0x230: {  	v16 =	vld [tilespmem:s17+$0x200]  }
0x231: {  	v17 =	vld [tilespmem:s17+$0xFFFFFF00]  }
0x232: {  	v23 =	vld [tilespmem:s17+$0x0]  }
0x233: {  	v21 =	vld [tilespmem:s17+$0x100]  }
0x234: {  	v25 =	vld [tilespmem:s17+$0x300]  }
0x235: {  	v18 =	vld [tilespmem:s2+$0x700]  }
0x236: {  	v19 =	vld [tilespmem:s2+$0x500]  }
0x237: {  	v26 =	vld [tilespmem:s2+$0x400]  }
0x238: {  	v27 =	vld [tilespmem:s2+$0x300]  }
0x239: {  	v24 =	vld [tilespmem:s2+$0x0]  }
0x23a: {  	v28 =	vld [tilespmem:s2+$0x600];
	v18 =	vsub.f32 v18, v25  }
0x23b: {  	v20 =	vld [tilespmem:s2+$0x100]  }
0x23c: {  	v22 =	vld [tilespmem:s17+$0xFFFFFC00];
	v30 =	vsub.f32 v19, v21;
	v26 =	vsub.f32 v26, v23;
	v31 =	vmul.f32 v18, v7  }
0x23d: {  	v32 =	vsub.f32 v27, v17;
	v19 =	vld [tilespmem:s17+$0xFFFFFD00]  }
0x23e: {  	v18 =	vld [tilespmem:s17+$0xFFFFFE00];
	v29 =	vmul.f32 v26, v7;
	v27 =	vmul.f32 v30, v7;
	v26 =	vadd.f32 v31, v25  }
0x23f: {  	s1 =	simm.s32 $0xC000;
	s5 =	simm.s32 $0x810;
	v28 =	vsub.f32 v28, v16;
	v30 =	vmul.f32 v32, v7;
	v25 =	vld [tilespmem:s2+$0x200]  }
.LBB2_17:
0x240: {  	p3 =	sne.s32 s5, $0x5810;
	v23 =	vadd.f32 v29, v23;
	v21 =	vadd.f32 v27, v21;
	[tilespmem:s3+$0x73F] =	vst v26;
	s1 =	sadd.s32 $0x90, s1;
	s17 =	sadd.s32 $0x800, s17  }
0x241: {  	s2 =	smov.u32 s5;
	s5 =	sadd.s32 $0x800, s5;
	v24 =	vsub.f32 v24, v22;
	v17 =	vadd.f32 v30, v17;
	v27 =	vmul.f32 v28, v7;
	[tilespmem:s3+$0x7E] =	vst v26  }
0x242: {  	[tilespmem:s3+$0x709] =	vst v23  }
0x243: {  	v24 =	vmul.f32 v24, v7;
	[tilespmem:s3+$0x6F7] =	vst v17;
	v16 =	vadd.f32 v27, v16  }
0x244: {  	v25 =	vsub.f32 v25, v18;
	[tilespmem:s3+$0x48] =	vst v23  }
0x245: {  	v20 =	vsub.f32 v20, v19;
	v22 =	vadd.f32 v24, v22;
	[tilespmem:s3+$0x36] =	vst v17  }
0x246: {  	v17 =	vmul.f32 v25, v7;
	[tilespmem:s3+$0x71B] =	vst v21  }
0x247: {  	v20 =	vmul.f32 v20, v7;
	[tilespmem:s3+$0x72D] =	vst v16  }
0x248: {  	v17 =	vadd.f32 v17, v18;
	[tilespmem:s3+$0x6C] =	vst v16  }
0x249: {  	v16 =	vadd.f32 v20, v19;
	[tilespmem:s3+$0x5A] =	vst v21  }
0x24a: {  	[tilespmem:s3+$0x6C1] =	vst v22  }
0x24b: {  	[tilespmem:s3+$0x0] =	vst v22  }
0x24c: {  	[tilespmem:s3+$0x24] =	vst v17  }
0x24d: {  	[tilespmem:s3+$0x6D3] =	vst v16  }
0x24e: {  	[tilespmem:s3+$0x6E5] =	vst v17  }
0x24f: {  	[tilespmem:s3+$0x12] =	vst v16;
	s3 =	smov.u32 s1  }
0x250: {  	v16 =	vld [tilespmem:s17+$0x200]  }
0x251: {  	v17 =	vld [tilespmem:s17+$0xFFFFFF00]  }
0x252: {  	s2 =	sadd.s32 s2, s20;
	v23 =	vld [tilespmem:s17+$0x0]  }
0x253: {  	s2 =	sand.u32 $0xFFFFFF80, s2;
	v21 =	vld [tilespmem:s17+$0x100]  }
0x254: {  	s2 =	sor.u32 s19, s2;
	v25 =	vld [tilespmem:s17+$0x300]  }
0x255: {  	v18 =	vld [tilespmem:s2+$0x700]  }
0x256: {  	v19 =	vld [tilespmem:s2+$0x500]  }
0x257: {  	v26 =	vld [tilespmem:s2+$0x400]  }
0x258: {  	v27 =	vld [tilespmem:s2+$0x300]  }
0x259: {  	v24 =	vld [tilespmem:s2+$0x0]  }
0x25a: {  	v28 =	vld [tilespmem:s2+$0x600];
	v18 =	vsub.f32 v18, v25  }
.Ltmp7:
0x25b: {  	v20 =	vld [tilespmem:s2+$0x100];
	v30 =	vsub.f32 v19, v21;
	(pc) =	sbr.rel @p3 .LBB2_17-.Ltmp7, $4  }
0x25c: {  	v22 =	vld [tilespmem:s17+$0xFFFFFC00];
	v26 =	vsub.f32 v26, v23;
	v31 =	vmul.f32 v18, v7  }
0x25d: {  	v18 =	vld [tilespmem:s17+$0xFFFFFE00];
	v32 =	vsub.f32 v27, v17  }
0x25e: {  	v27 =	vmul.f32 v30, v7;
	v19 =	vld [tilespmem:s17+$0xFFFFFD00];
	v29 =	vmul.f32 v26, v7;
	v26 =	vadd.f32 v31, v25  }
0x25f: {  	v25 =	vld [tilespmem:s2+$0x200];
	v30 =	vmul.f32 v32, v7;
	v28 =	vsub.f32 v28, v16  }
0x260: {  	v23 =	vadd.f32 v29, v23;
	[tilespmem:s3+$0x73F] =	vst v26  }
0x261: {  	[tilespmem:s3+$0x7E] =	vst v26  }
0x262: {  	v21 =	vadd.f32 v27, v21;
	[tilespmem:s3+$0x709] =	vst v23  }
0x263: {  	v17 =	vadd.f32 v30, v17;
	v26 =	vmul.f32 v28, v7;
	[tilespmem:s3+$0x48] =	vst v23  }
0x264: {  	v24 =	vsub.f32 v24, v22;
	[tilespmem:s3+$0x71B] =	vst v21  }
0x265: {  	[tilespmem:s3+$0x6F7] =	vst v17;
	v16 =	vadd.f32 v26, v16  }
0x266: {  	[tilespmem:s3+$0x36] =	vst v17;
	v17 =	vmul.f32 v24, v7;
	v20 =	vsub.f32 v20, v19  }
0x267: {  	[tilespmem:s3+$0x72D] =	vst v16  }
0x268: {  	v23 =	vsub.f32 v25, v18;
	v17 =	vadd.f32 v17, v22;
	[tilespmem:s3+$0x6C] =	vst v16;
	v16 =	vmul.f32 v20, v7  }
0x269: {  	[tilespmem:s3+$0x5A] =	vst v21  }
0x26a: {  	v22 =	vmul.f32 v23, v7;
	[tilespmem:s3+$0x6C1] =	vst v17;
	v16 =	vadd.f32 v16, v19  }
0x26b: {  	[tilespmem:s3+$0x0] =	vst v17  }
0x26c: {  	v18 =	vadd.f32 v22, v18;
	[tilespmem:s3+$0x6D3] =	vst v16  }
0x26d: {  	s1 =	rddreg [dreg:$0x19];
	[tilespmem:s3+$0x12] =	vst v16  }
0x26e: {  	s1 =	sshll.u32 s1, $0x6;
	[tilespmem:s3+$0x24] =	vst v18  }
0x26f: {  	s2 =	simm.s32 $0x14E00;
	s16 =	rddreg [dreg:$0x1a];
	s1 =	sadd.s32 s10, s1;
	[tilespmem:s3+$0x6E5] =	vst v18  }
0x270: {  	[hbm4b:s1+s12] =	stream.linear.scatter [tilespmem:s2], [sflag:$0x4], $0x1000, $0x38;
	[tilespmem:$0x1B400] =	vst v63  }
0x271: {  	s1 =	sshll.u32 s16, $0x6  }
0x272: {  	s17 =	simm.s32 $0x15E00;
	s18 =	rddreg [dreg:$0x18];
	s1 =	sadd.s32 s10, s1  }
0x273: {  	[hbm4b:s1+s12] =	stream.linear.scatter [tilespmem:s17], [sflag:$0x4], $0x1000, $0x38;
	[tilespmem:$0x1B400] =	vst v63  }
0x274: {  	s1 =	rddreg [dreg:$0x17]  }
0x275: {  	s2 =	sshll.u32 s18, $0x6;
	s1 =	sadd.s32 @!p1 $0x2, s1  }
0x276: {  	s6 =	simm.s32 $0x16E00;
	s2 =	sadd.s32 s10, s2;
	s3 =	sshrl.u32 @!p1 s1, $0x1  }
0x277: {  	[hbm4b:s2+s12] =	stream.linear.scatter [tilespmem:s6], [sflag:$0x4], $0x1000, $0x38;
	[tilespmem:$0x1B400] =	vst v63  }
0x278: {  	s5 =	smul.u32 @!p1 $0x600, s3  }
0x279: {  	s3 =	sadd.s32 @!p1 s1, s3  }
0x27a: {  	s1 =	sshll.u32 @!p1 s1, $0xE;
	s2 =	sor.u32 @!p1 s14, s5;
	s5 =	rddreg [dreg:$0xb]  }
0x27b: {  	s7 =	simm.s32 @!p1 $0xCE00;
	s1 =	sadd.s32 @!p1 s1, s5;
	s5 =	simm.s32 @!p1 $0x0  }
0x27c: {  	[tilespmem:s7], [sflag:$0x1] =	stream.linear.gather @!p1 [hbm4b:s1+s5], $0x1000, $0x38;
	[tilespmem:$0x1B400] =	vst v63  }
0x27d: {  	s2 =	sshll.u32 @!p1 s2, $0x6;
	s1 =	sshll.u32 @!p1 s3, $0x9;
	s3 =	rddreg [dreg:$0xf]  }
0x27e: {  	s2 =	sadd.s32 @!p1 s11, s2;
	s7 =	simm.s32 @!p1 $0xDE00;
	s3 =	sadd.s32 @!p1 s3, s1  }
0x27f: {  	[tilespmem:s7], [sflag:$0x1] =	stream.linear.gather @!p1 [hbm4b:s2+s5], $0x1000, $0x38;
	[tilespmem:$0x1B400] =	vst v63  }
0x280: {  	s2 =	sshll.u32 @!p1 s3, $0x6;
	s3 =	rddreg [dreg:$0x11]  }
0x281: {  	s1 =	sadd.s32 @!p1 s3, s1;
	s2 =	sadd.s32 @!p1 s11, s2;
	s3 =	simm.s32 @!p1 $0xEE00  }
0x282: {  	[tilespmem:s3], [sflag:$0x1] =	stream.linear.gather @!p1 [hbm4b:s2+s5], $0x1000, $0x38;
	[tilespmem:$0x1B400] =	vst v63  }
0x283: {  	s1 =	sshll.u32 @!p1 s1, $0x6  }
0x284: {  	s2 =	simm.s32 @!p1 $0xFE00;
	s1 =	sadd.s32 @!p1 s11, s1  }
0x285: {  	[tilespmem:s2], [sflag:$0x1] =	stream.linear.gather @!p1 [hbm4b:s1+s5], $0x1000, $0x38;
	[tilespmem:$0x1B400] =	vst v63  }
0x286: {  	_ =	swait.ge [sflag:s4], $0x1000  }
0x287: {  	[sflag:s4] =	ssyncset.done $0x0  }
0x288: {  	[sflag:s4] =	ssyncadd.s32 $0xFFFFF000  }
0x289: {  	_ =	swait.ge [sflag:s4], $0x1000  }
0x28a: {  	[sflag:s4] =	ssyncset.done $0x0  }
0x28b: {  	[sflag:s4] =	ssyncadd.s32 $0xFFFFF000  }
0x28c: {  	_ =	swait.ge [sflag:s4], $0x1000  }
0x28d: {  	[sflag:s4] =	ssyncset.done $0x0  }
0x28e: {  	[sflag:s4] =	ssyncadd.s32 $0xFFFFF000  }
0x28f: {  	_ =	swait.ge [sflag:s4], $0x1000  }
0x290: {  	[sflag:s4] =	ssyncset.done $0x0  }
0x291: {  	s1 =	simm.s32 @!p2 $0x5;
	[sflag:s4] =	ssyncadd.s32 $0xFFFFF000  }
0x292: {  	_ =	swait.ge @!p2 [sflag:s1], $0x1000  }
0x293: {  	[sflag:s1] =	ssyncset.done @!p2 $0x0  }
0x294: {  	[sflag:s1] =	ssyncadd.s32 @!p2 $0xFFFFF000  }
0x295: {  	_ =	swait.ge @!p2 [sflag:s1], $0x1000  }
0x296: {  	[sflag:s1] =	ssyncset.done @!p2 $0x0  }
0x297: {  	[sflag:s1] =	ssyncadd.s32 @!p2 $0xFFFFF000  }
0x298: {  	_ =	swait.ge @!p2 [sflag:s1], $0x1000  }
0x299: {  	[sflag:s1] =	ssyncset.done @!p2 $0x0  }
0x29a: {  	[sflag:s1] =	ssyncadd.s32 @!p2 $0xFFFFF000  }
0x29b: {  	v16 =	vld [tilespmem:s8+$0x200]  }
0x29c: {  	v17 =	vld [tilespmem:s8+$0xFFFFFF00]  }
0x29d: {  	s28 =	sadd.s32 $0x10, s20;
	v23 =	vld [tilespmem:s8+$0x0]  }
0x29e: {  	s1 =	sand.u32 $0xFFFFFF80, s28;
	v20 =	vld [tilespmem:s8+$0x100]  }
0x29f: {  	v25 =	vld [tilespmem:s8+$0x300];
	s2 =	sor.u32 s19, s1  }
0x2a0: {  	v18 =	vld [tilespmem:s2+$0x700]  }
0x2a1: {  	v19 =	vld [tilespmem:s2+$0x500]  }
0x2a2: {  	v26 =	vld [tilespmem:s2+$0x400]  }
0x2a3: {  	v27 =	vld [tilespmem:s2+$0x300]  }
0x2a4: {  	v22 =	vld [tilespmem:s8+$0xFFFFFC00]  }
0x2a5: {  	v28 =	vld [tilespmem:s2+$0x600];
	v18 =	vsub.f32 v18, v25  }
0x2a6: {  	v24 =	vld [tilespmem:s2+$0x0]  }
0x2a7: {  	v21 =	vld [tilespmem:s2+$0x100];
	v30 =	vsub.f32 v19, v20;
	v26 =	vsub.f32 v26, v23;
	v31 =	vmul.f32 v18, v8  }
0x2a8: {  	v32 =	vsub.f32 v27, v17;
	v19 =	vld [tilespmem:s8+$0xFFFFFD00]  }
0x2a9: {  	s7 =	simm.s32 $0x810;
	v18 =	vld [tilespmem:s8+$0xFFFFFE00];
	v29 =	vmul.f32 v26, v8;
	v27 =	vmul.f32 v30, v8;
	v26 =	vadd.f32 v31, v25  }
0x2aa: {  	s3 =	simm.s32 $0xC000;
	s5 =	simm.s32 $0xC000;
	s1 =	simm.s32 $0xC000;
	v28 =	vsub.f32 v28, v16;
	v30 =	vmul.f32 v32, v8;
	v25 =	vld [tilespmem:s2+$0x200]  }
.LBB2_19:
0x2ab: {  	p1 =	sne.s32 s7, $0x5810;
	v23 =	vadd.f32 v29, v23;
	v20 =	vadd.f32 v27, v20;
	[tilespmem:s5+$0x73F] =	vst v26;
	s1 =	sadd.s32 $0x90, s1;
	s8 =	sadd.s32 $0x800, s8  }
0x2ac: {  	s9 =	smov.u32 s7;
	s7 =	sadd.s32 $0x800, s7;
	v24 =	vsub.f32 v24, v22;
	v17 =	vadd.f32 v30, v17;
	v27 =	vmul.f32 v28, v8;
	[tilespmem:s5+$0x7E] =	vst v26  }
0x2ad: {  	[tilespmem:s5+$0x709] =	vst v23  }
0x2ae: {  	v24 =	vmul.f32 v24, v8;
	[tilespmem:s5+$0x6F7] =	vst v17;
	v16 =	vadd.f32 v27, v16  }
0x2af: {  	v25 =	vsub.f32 v25, v18;
	[tilespmem:s5+$0x48] =	vst v23  }
0x2b0: {  	v21 =	vsub.f32 v21, v19;
	v22 =	vadd.f32 v24, v22;
	[tilespmem:s5+$0x36] =	vst v17  }
0x2b1: {  	v17 =	vmul.f32 v25, v8;
	[tilespmem:s5+$0x71B] =	vst v20  }
0x2b2: {  	v21 =	vmul.f32 v21, v8;
	[tilespmem:s5+$0x72D] =	vst v16  }
0x2b3: {  	v17 =	vadd.f32 v17, v18;
	[tilespmem:s5+$0x6C] =	vst v16  }
0x2b4: {  	v16 =	vadd.f32 v21, v19;
	[tilespmem:s5+$0x5A] =	vst v20  }
0x2b5: {  	[tilespmem:s5+$0x6C1] =	vst v22  }
0x2b6: {  	[tilespmem:s5+$0x0] =	vst v22  }
0x2b7: {  	[tilespmem:s5+$0x24] =	vst v17  }
0x2b8: {  	[tilespmem:s5+$0x6D3] =	vst v16  }
0x2b9: {  	[tilespmem:s5+$0x6E5] =	vst v17  }
0x2ba: {  	[tilespmem:s5+$0x12] =	vst v16;
	s5 =	smov.u32 s1  }
0x2bb: {  	v16 =	vld [tilespmem:s8+$0x200]  }
0x2bc: {  	v17 =	vld [tilespmem:s8+$0xFFFFFF00]  }
0x2bd: {  	s9 =	sadd.s32 s9, s20;
	v23 =	vld [tilespmem:s8+$0x0]  }
0x2be: {  	s9 =	sand.u32 $0xFFFFFF80, s9;
	v20 =	vld [tilespmem:s8+$0x100]  }
0x2bf: {  	s9 =	sor.u32 s19, s9;
	v25 =	vld [tilespmem:s8+$0x300]  }
0x2c0: {  	v18 =	vld [tilespmem:s9+$0x700]  }
0x2c1: {  	v19 =	vld [tilespmem:s9+$0x500]  }
0x2c2: {  	v26 =	vld [tilespmem:s9+$0x400]  }
0x2c3: {  	v27 =	vld [tilespmem:s9+$0x300]  }
0x2c4: {  	v24 =	vld [tilespmem:s9+$0x0]  }
0x2c5: {  	v28 =	vld [tilespmem:s9+$0x600];
	v18 =	vsub.f32 v18, v25  }
.Ltmp8:
0x2c6: {  	v21 =	vld [tilespmem:s9+$0x100];
	v30 =	vsub.f32 v19, v20;
	(pc) =	sbr.rel @p1 .LBB2_19-.Ltmp8, $4  }
0x2c7: {  	v22 =	vld [tilespmem:s8+$0xFFFFFC00];
	v26 =	vsub.f32 v26, v23;
	v31 =	vmul.f32 v18, v8  }
0x2c8: {  	v18 =	vld [tilespmem:s8+$0xFFFFFE00];
	v32 =	vsub.f32 v27, v17  }
0x2c9: {  	v27 =	vmul.f32 v30, v8;
	v19 =	vld [tilespmem:s8+$0xFFFFFD00];
	v29 =	vmul.f32 v26, v8;
	v26 =	vadd.f32 v31, v25  }
0x2ca: {  	v25 =	vld [tilespmem:s9+$0x200];
	v30 =	vmul.f32 v32, v8;
	v28 =	vsub.f32 v28, v16  }
0x2cb: {  	v23 =	vadd.f32 v29, v23;
	[tilespmem:s5+$0x73F] =	vst v26  }
0x2cc: {  	[tilespmem:s5+$0x7E] =	vst v26  }
0x2cd: {  	v20 =	vadd.f32 v27, v20;
	[tilespmem:s5+$0x709] =	vst v23  }
0x2ce: {  	v17 =	vadd.f32 v30, v17;
	v26 =	vmul.f32 v28, v8;
	[tilespmem:s5+$0x48] =	vst v23  }
0x2cf: {  	v24 =	vsub.f32 v24, v22;
	[tilespmem:s5+$0x71B] =	vst v20  }
0x2d0: {  	[tilespmem:s5+$0x6F7] =	vst v17;
	v16 =	vadd.f32 v26, v16  }
0x2d1: {  	[tilespmem:s5+$0x36] =	vst v17;
	v17 =	vmul.f32 v24, v8;
	v21 =	vsub.f32 v21, v19  }
0x2d2: {  	[tilespmem:s5+$0x72D] =	vst v16  }
0x2d3: {  	v23 =	vsub.f32 v25, v18;
	v17 =	vadd.f32 v17, v22;
	[tilespmem:s5+$0x6C] =	vst v16;
	v16 =	vmul.f32 v21, v8  }
0x2d4: {  	[tilespmem:s5+$0x5A] =	vst v20  }
0x2d5: {  	v22 =	vmul.f32 v23, v8;
	[tilespmem:s5+$0x6C1] =	vst v17;
	v16 =	vadd.f32 v16, v19  }
0x2d6: {  	[tilespmem:s5+$0x0] =	vst v17  }
0x2d7: {  	v18 =	vadd.f32 v22, v18;
	[tilespmem:s5+$0x6D3] =	vst v16  }
0x2d8: {  	[tilespmem:s5+$0x12] =	vst v16  }
0x2d9: {  	[tilespmem:s5+$0x24] =	vst v18  }
0x2da: {  	[tilespmem:s5+$0x6E5] =	vst v18  }
0x2db: {  	v16 =	vld [tilespmem:s31+$0x200]  }
0x2dc: {  	v17 =	vld [tilespmem:s31+$0xFFFFFF00]  }
0x2dd: {  	v23 =	vld [tilespmem:s31+$0x0]  }
0x2de: {  	v21 =	vld [tilespmem:s31+$0x100]  }
0x2df: {  	v25 =	vld [tilespmem:s31+$0x300]  }
0x2e0: {  	v18 =	vld [tilespmem:s2+$0x700]  }
0x2e1: {  	v19 =	vld [tilespmem:s2+$0x500]  }
0x2e2: {  	v26 =	vld [tilespmem:s2+$0x400]  }
0x2e3: {  	v27 =	vld [tilespmem:s2+$0x300]  }
0x2e4: {  	v24 =	vld [tilespmem:s2+$0x0]  }
0x2e5: {  	v28 =	vld [tilespmem:s2+$0x600];
	v18 =	vsub.f32 v18, v25  }
0x2e6: {  	v20 =	vld [tilespmem:s2+$0x100]  }
0x2e7: {  	v22 =	vld [tilespmem:s31+$0xFFFFFC00];
	v30 =	vsub.f32 v19, v21;
	v26 =	vsub.f32 v26, v23;
	v31 =	vmul.f32 v18, v9  }
0x2e8: {  	v32 =	vsub.f32 v27, v17;
	v19 =	vld [tilespmem:s31+$0xFFFFFD00]  }
0x2e9: {  	v18 =	vld [tilespmem:s31+$0xFFFFFE00];
	v29 =	vmul.f32 v26, v9;
	v27 =	vmul.f32 v30, v9;
	v26 =	vadd.f32 v31, v25  }
0x2ea: {  	s1 =	simm.s32 $0xC000;
	s5 =	simm.s32 $0x810;
	v28 =	vsub.f32 v28, v16;
	v30 =	vmul.f32 v32, v9;
	v25 =	vld [tilespmem:s2+$0x200]  }
.LBB2_21:
0x2eb: {  	p1 =	sne.s32 s5, $0x5810;
	v23 =	vadd.f32 v29, v23;
	v21 =	vadd.f32 v27, v21;
	[tilespmem:s3+$0x73F] =	vst v26;
	s1 =	sadd.s32 $0x90, s1;
	s31 =	sadd.s32 $0x800, s31  }
0x2ec: {  	s2 =	smov.u32 s5;
	s5 =	sadd.s32 $0x800, s5;
	v24 =	vsub.f32 v24, v22;
	v17 =	vadd.f32 v30, v17;
	v27 =	vmul.f32 v28, v9;
	[tilespmem:s3+$0x7E] =	vst v26  }
0x2ed: {  	[tilespmem:s3+$0x48] =	vst v23  }
0x2ee: {  	v24 =	vmul.f32 v24, v9;
	[tilespmem:s3+$0x6F7] =	vst v17;
	v16 =	vadd.f32 v27, v16  }
0x2ef: {  	v25 =	vsub.f32 v25, v18;
	[tilespmem:s3+$0x709] =	vst v23  }
0x2f0: {  	v20 =	vsub.f32 v20, v19;
	v22 =	vadd.f32 v24, v22;
	[tilespmem:s3+$0x36] =	vst v17  }
0x2f1: {  	v17 =	vmul.f32 v25, v9;
	[tilespmem:s3+$0x71B] =	vst v21  }
0x2f2: {  	v20 =	vmul.f32 v20, v9;
	[tilespmem:s3+$0x72D] =	vst v16  }
0x2f3: {  	v17 =	vadd.f32 v17, v18;
	[tilespmem:s3+$0x6C] =	vst v16  }
0x2f4: {  	v16 =	vadd.f32 v20, v19;
	[tilespmem:s3+$0x5A] =	vst v21  }
0x2f5: {  	[tilespmem:s3+$0x6C1] =	vst v22  }
0x2f6: {  	[tilespmem:s3+$0x0] =	vst v22  }
0x2f7: {  	[tilespmem:s3+$0x24] =	vst v17  }
0x2f8: {  	[tilespmem:s3+$0x6D3] =	vst v16  }
0x2f9: {  	[tilespmem:s3+$0x6E5] =	vst v17  }
0x2fa: {  	[tilespmem:s3+$0x12] =	vst v16;
	s3 =	smov.u32 s1  }
0x2fb: {  	v16 =	vld [tilespmem:s31+$0x200]  }
0x2fc: {  	v17 =	vld [tilespmem:s31+$0xFFFFFF00]  }
0x2fd: {  	s2 =	sadd.s32 s2, s20;
	v23 =	vld [tilespmem:s31+$0x0]  }
0x2fe: {  	s2 =	sand.u32 $0xFFFFFF80, s2;
	v21 =	vld [tilespmem:s31+$0x100]  }
0x2ff: {  	s2 =	sor.u32 s19, s2;
	v25 =	vld [tilespmem:s31+$0x300]  }
0x300: {  	v18 =	vld [tilespmem:s2+$0x700]  }
0x301: {  	v19 =	vld [tilespmem:s2+$0x500]  }
0x302: {  	v26 =	vld [tilespmem:s2+$0x400]  }
0x303: {  	v27 =	vld [tilespmem:s2+$0x300]  }
0x304: {  	v24 =	vld [tilespmem:s2+$0x0]  }
0x305: {  	v28 =	vld [tilespmem:s2+$0x600];
	v18 =	vsub.f32 v18, v25  }
.Ltmp9:
0x306: {  	v20 =	vld [tilespmem:s2+$0x100];
	v30 =	vsub.f32 v19, v21;
	(pc) =	sbr.rel @p1 .LBB2_21-.Ltmp9, $4  }
0x307: {  	v22 =	vld [tilespmem:s31+$0xFFFFFC00];
	v26 =	vsub.f32 v26, v23;
	v31 =	vmul.f32 v18, v9  }
0x308: {  	v18 =	vld [tilespmem:s31+$0xFFFFFE00];
	v32 =	vsub.f32 v27, v17  }
0x309: {  	v27 =	vmul.f32 v30, v9;
	v19 =	vld [tilespmem:s31+$0xFFFFFD00];
	v29 =	vmul.f32 v26, v9;
	v26 =	vadd.f32 v31, v25  }
0x30a: {  	v25 =	vld [tilespmem:s2+$0x200];
	v30 =	vmul.f32 v32, v9;
	v28 =	vsub.f32 v28, v16;
	s2 =	simm.s32 $0xC000  }
0x30b: {  	v23 =	vadd.f32 v29, v23;
	[tilespmem:s3+$0x73F] =	vst v26  }
0x30c: {  	[tilespmem:s3+$0x7E] =	vst v26  }
0x30d: {  	v21 =	vadd.f32 v27, v21;
	[tilespmem:s3+$0x48] =	vst v23  }
0x30e: {  	v17 =	vadd.f32 v30, v17;
	v26 =	vmul.f32 v28, v9;
	[tilespmem:s3+$0x709] =	vst v23  }
0x30f: {  	v24 =	vsub.f32 v24, v22;
	[tilespmem:s3+$0x71B] =	vst v21  }
0x310: {  	[tilespmem:s3+$0x6F7] =	vst v17;
	v16 =	vadd.f32 v26, v16  }
0x311: {  	[tilespmem:s3+$0x36] =	vst v17;
	v17 =	vmul.f32 v24, v9;
	v20 =	vsub.f32 v20, v19  }
0x312: {  	[tilespmem:s3+$0x72D] =	vst v16  }
0x313: {  	v23 =	vsub.f32 v25, v18;
	v17 =	vadd.f32 v17, v22;
	[tilespmem:s3+$0x6C] =	vst v16;
	v16 =	vmul.f32 v20, v9  }
0x314: {  	[tilespmem:s3+$0x5A] =	vst v21  }
0x315: {  	v22 =	vmul.f32 v23, v9;
	[tilespmem:s3+$0x6C1] =	vst v17;
	v16 =	vadd.f32 v16, v19  }
0x316: {  	[tilespmem:s3+$0x0] =	vst v17  }
0x317: {  	v18 =	vadd.f32 v22, v18;
	[tilespmem:s3+$0x6D3] =	vst v16  }
0x318: {  	[tilespmem:s3+$0x12] =	vst v16  }
0x319: {  	[tilespmem:s3+$0x24] =	vst v18  }
0x31a: {  	[tilespmem:s3+$0x6E5] =	vst v18  }
0x31b: {  	v16 =	vld [tilespmem:s30+$0x200]  }
0x31c: {  	v17 =	vld [tilespmem:s30+$0xFFFFFF00]  }
0x31d: {  	s1 =	sadd.s32 $0x10, s20;
	v23 =	vld [tilespmem:s30+$0x0]  }
0x31e: {  	s1 =	sand.u32 $0xFFFFFF80, s1;
	v20 =	vld [tilespmem:s30+$0x100]  }
0x31f: {  	s3 =	sor.u32 s19, s1;
	v25 =	vld [tilespmem:s30+$0x300]  }
0x320: {  	v18 =	vld [tilespmem:s3+$0x700]  }
0x321: {  	v19 =	vld [tilespmem:s3+$0x500]  }
0x322: {  	v26 =	vld [tilespmem:s3+$0x400]  }
0x323: {  	v27 =	vld [tilespmem:s3+$0x300]  }
0x324: {  	v24 =	vld [tilespmem:s3+$0x0]  }
0x325: {  	v28 =	vld [tilespmem:s3+$0x600];
	v18 =	vsub.f32 v18, v25  }
0x326: {  	v21 =	vld [tilespmem:s3+$0x100]  }
0x327: {  	v22 =	vld [tilespmem:s30+$0xFFFFFC00];
	v30 =	vsub.f32 v19, v20;
	v26 =	vsub.f32 v26, v23;
	v31 =	vmul.f32 v18, v10  }
0x328: {  	v32 =	vsub.f32 v27, v17;
	v19 =	vld [tilespmem:s30+$0xFFFFFD00]  }
0x329: {  	v18 =	vld [tilespmem:s30+$0xFFFFFE00];
	v29 =	vmul.f32 v26, v10;
	v27 =	vmul.f32 v30, v10;
	v26 =	vadd.f32 v31, v25  }
0x32a: {  	s7 =	simm.s32 $0x810;
	s5 =	simm.s32 $0xC000;
	s1 =	simm.s32 $0xC000;
	v28 =	vsub.f32 v28, v16;
	v30 =	vmul.f32 v32, v10;
	v25 =	vld [tilespmem:s3+$0x200]  }
.LBB2_23:
0x32b: {  	p1 =	sne.s32 s7, $0x5810;
	v23 =	vadd.f32 v29, v23;
	v20 =	vadd.f32 v27, v20;
	[tilespmem:s5+$0x73F] =	vst v26;
	s1 =	sadd.s32 $0x90, s1;
	s30 =	sadd.s32 $0x800, s30  }
0x32c: {  	s8 =	smov.u32 s7;
	s7 =	sadd.s32 $0x800, s7;
	v24 =	vsub.f32 v24, v22;
	v17 =	vadd.f32 v30, v17;
	v27 =	vmul.f32 v28, v10;
	[tilespmem:s5+$0x7E] =	vst v26  }
0x32d: {  	[tilespmem:s5+$0x709] =	vst v23  }
0x32e: {  	v24 =	vmul.f32 v24, v10;
	[tilespmem:s5+$0x6F7] =	vst v17;
	v16 =	vadd.f32 v27, v16  }
0x32f: {  	v25 =	vsub.f32 v25, v18;
	[tilespmem:s5+$0x48] =	vst v23  }
0x330: {  	v21 =	vsub.f32 v21, v19;
	v22 =	vadd.f32 v24, v22;
	[tilespmem:s5+$0x36] =	vst v17  }
0x331: {  	v17 =	vmul.f32 v25, v10;
	[tilespmem:s5+$0x71B] =	vst v20  }
0x332: {  	v21 =	vmul.f32 v21, v10;
	[tilespmem:s5+$0x72D] =	vst v16  }
0x333: {  	v17 =	vadd.f32 v17, v18;
	[tilespmem:s5+$0x6C] =	vst v16  }
0x334: {  	v16 =	vadd.f32 v21, v19;
	[tilespmem:s5+$0x5A] =	vst v20  }
0x335: {  	[tilespmem:s5+$0x6C1] =	vst v22  }
0x336: {  	[tilespmem:s5+$0x0] =	vst v22  }
0x337: {  	[tilespmem:s5+$0x24] =	vst v17  }
0x338: {  	[tilespmem:s5+$0x6D3] =	vst v16  }
0x339: {  	[tilespmem:s5+$0x6E5] =	vst v17  }
0x33a: {  	[tilespmem:s5+$0x12] =	vst v16;
	s5 =	smov.u32 s1  }
0x33b: {  	v16 =	vld [tilespmem:s30+$0x200]  }
0x33c: {  	v17 =	vld [tilespmem:s30+$0xFFFFFF00]  }
0x33d: {  	s8 =	sadd.s32 s8, s20;
	v23 =	vld [tilespmem:s30+$0x0]  }
0x33e: {  	s8 =	sand.u32 $0xFFFFFF80, s8;
	v20 =	vld [tilespmem:s30+$0x100]  }
0x33f: {  	s8 =	sor.u32 s19, s8;
	v25 =	vld [tilespmem:s30+$0x300]  }
0x340: {  	v18 =	vld [tilespmem:s8+$0x700]  }
0x341: {  	v19 =	vld [tilespmem:s8+$0x500]  }
0x342: {  	v26 =	vld [tilespmem:s8+$0x400]  }
0x343: {  	v27 =	vld [tilespmem:s8+$0x300]  }
0x344: {  	v24 =	vld [tilespmem:s8+$0x0]  }
0x345: {  	v28 =	vld [tilespmem:s8+$0x600];
	v18 =	vsub.f32 v18, v25  }
.Ltmp10:
0x346: {  	v21 =	vld [tilespmem:s8+$0x100];
	v30 =	vsub.f32 v19, v20;
	(pc) =	sbr.rel @p1 .LBB2_23-.Ltmp10, $4  }
0x347: {  	v22 =	vld [tilespmem:s30+$0xFFFFFC00];
	v26 =	vsub.f32 v26, v23;
	v31 =	vmul.f32 v18, v10  }
0x348: {  	v18 =	vld [tilespmem:s30+$0xFFFFFE00];
	v32 =	vsub.f32 v27, v17  }
0x349: {  	v27 =	vmul.f32 v30, v10;
	v19 =	vld [tilespmem:s30+$0xFFFFFD00];
	v29 =	vmul.f32 v26, v10;
	v26 =	vadd.f32 v31, v25  }
0x34a: {  	v25 =	vld [tilespmem:s8+$0x200];
	v30 =	vmul.f32 v32, v10;
	v28 =	vsub.f32 v28, v16  }
0x34b: {  	v23 =	vadd.f32 v29, v23;
	[tilespmem:s5+$0x73F] =	vst v26  }
0x34c: {  	[tilespmem:s5+$0x7E] =	vst v26  }
0x34d: {  	v20 =	vadd.f32 v27, v20;
	[tilespmem:s5+$0x709] =	vst v23  }
0x34e: {  	v17 =	vadd.f32 v30, v17;
	v26 =	vmul.f32 v28, v10;
	[tilespmem:s5+$0x48] =	vst v23  }
0x34f: {  	v24 =	vsub.f32 v24, v22;
	[tilespmem:s5+$0x71B] =	vst v20  }
0x350: {  	[tilespmem:s5+$0x6F7] =	vst v17;
	v16 =	vadd.f32 v26, v16  }
0x351: {  	[tilespmem:s5+$0x36] =	vst v17;
	v17 =	vmul.f32 v24, v10;
	v21 =	vsub.f32 v21, v19  }
0x352: {  	[tilespmem:s5+$0x72D] =	vst v16  }
0x353: {  	v23 =	vsub.f32 v25, v18;
	v17 =	vadd.f32 v17, v22;
	[tilespmem:s5+$0x6C] =	vst v16;
	v16 =	vmul.f32 v21, v10  }
0x354: {  	[tilespmem:s5+$0x5A] =	vst v20  }
0x355: {  	v22 =	vmul.f32 v23, v10;
	[tilespmem:s5+$0x6C1] =	vst v17;
	v16 =	vadd.f32 v16, v19  }
0x356: {  	[tilespmem:s5+$0x0] =	vst v17  }
0x357: {  	v18 =	vadd.f32 v22, v18;
	[tilespmem:s5+$0x6D3] =	vst v16  }
0x358: {  	[tilespmem:s5+$0x12] =	vst v16  }
0x359: {  	[tilespmem:s5+$0x24] =	vst v18  }
0x35a: {  	[tilespmem:s5+$0x6E5] =	vst v18  }
0x35b: {  	v16 =	vld [tilespmem:s29+$0x200]  }
0x35c: {  	v17 =	vld [tilespmem:s29+$0xFFFFFF00]  }
0x35d: {  	v23 =	vld [tilespmem:s29+$0x0]  }
0x35e: {  	v21 =	vld [tilespmem:s29+$0x100]  }
0x35f: {  	v25 =	vld [tilespmem:s29+$0x300]  }
0x360: {  	v18 =	vld [tilespmem:s3+$0x700]  }
0x361: {  	v19 =	vld [tilespmem:s3+$0x500]  }
0x362: {  	v26 =	vld [tilespmem:s3+$0x400]  }
0x363: {  	v27 =	vld [tilespmem:s3+$0x300]  }
0x364: {  	v24 =	vld [tilespmem:s3+$0x0]  }
0x365: {  	v28 =	vld [tilespmem:s3+$0x600];
	v18 =	vsub.f32 v18, v25  }
0x366: {  	v20 =	vld [tilespmem:s3+$0x100]  }
0x367: {  	v22 =	vld [tilespmem:s29+$0xFFFFFC00];
	v30 =	vsub.f32 v19, v21;
	v26 =	vsub.f32 v26, v23;
	v31 =	vmul.f32 v18, v11  }
0x368: {  	v32 =	vsub.f32 v27, v17;
	v19 =	vld [tilespmem:s29+$0xFFFFFD00]  }
0x369: {  	v18 =	vld [tilespmem:s29+$0xFFFFFE00];
	v29 =	vmul.f32 v26, v11;
	v27 =	vmul.f32 v30, v11;
	v26 =	vadd.f32 v31, v25  }
0x36a: {  	s1 =	simm.s32 $0xC000;
	s5 =	simm.s32 $0x810;
	v28 =	vsub.f32 v28, v16;
	v30 =	vmul.f32 v32, v11;
	v25 =	vld [tilespmem:s3+$0x200]  }
.LBB2_25:
0x36b: {  	p1 =	sne.s32 s5, $0x5810;
	v23 =	vadd.f32 v29, v23;
	v21 =	vadd.f32 v27, v21;
	[tilespmem:s2+$0x73F] =	vst v26;
	s1 =	sadd.s32 $0x90, s1;
	s29 =	sadd.s32 $0x800, s29  }
0x36c: {  	s3 =	smov.u32 s5;
	s5 =	sadd.s32 $0x800, s5;
	v24 =	vsub.f32 v24, v22;
	v17 =	vadd.f32 v30, v17;
	v27 =	vmul.f32 v28, v11;
	[tilespmem:s2+$0x7E] =	vst v26  }
0x36d: {  	[tilespmem:s2+$0x48] =	vst v23  }
0x36e: {  	v24 =	vmul.f32 v24, v11;
	[tilespmem:s2+$0x6F7] =	vst v17;
	v16 =	vadd.f32 v27, v16  }
0x36f: {  	v25 =	vsub.f32 v25, v18;
	[tilespmem:s2+$0x709] =	vst v23  }
0x370: {  	v20 =	vsub.f32 v20, v19;
	v22 =	vadd.f32 v24, v22;
	[tilespmem:s2+$0x36] =	vst v17  }
0x371: {  	v17 =	vmul.f32 v25, v11;
	[tilespmem:s2+$0x71B] =	vst v21  }
0x372: {  	v20 =	vmul.f32 v20, v11;
	[tilespmem:s2+$0x72D] =	vst v16  }
0x373: {  	v17 =	vadd.f32 v17, v18;
	[tilespmem:s2+$0x6C] =	vst v16  }
0x374: {  	v16 =	vadd.f32 v20, v19;
	[tilespmem:s2+$0x5A] =	vst v21  }
0x375: {  	[tilespmem:s2+$0x6C1] =	vst v22  }
0x376: {  	[tilespmem:s2+$0x0] =	vst v22  }
0x377: {  	[tilespmem:s2+$0x24] =	vst v17  }
0x378: {  	[tilespmem:s2+$0x6D3] =	vst v16  }
0x379: {  	[tilespmem:s2+$0x6E5] =	vst v17  }
0x37a: {  	[tilespmem:s2+$0x12] =	vst v16;
	s2 =	smov.u32 s1  }
0x37b: {  	v16 =	vld [tilespmem:s29+$0x200]  }
0x37c: {  	v17 =	vld [tilespmem:s29+$0xFFFFFF00]  }
0x37d: {  	s3 =	sadd.s32 s3, s20;
	v23 =	vld [tilespmem:s29+$0x0]  }
0x37e: {  	s3 =	sand.u32 $0xFFFFFF80, s3;
	v21 =	vld [tilespmem:s29+$0x100]  }
0x37f: {  	s3 =	sor.u32 s19, s3;
	v25 =	vld [tilespmem:s29+$0x300]  }
0x380: {  	v18 =	vld [tilespmem:s3+$0x700]  }
0x381: {  	v19 =	vld [tilespmem:s3+$0x500]  }
0x382: {  	v26 =	vld [tilespmem:s3+$0x400]  }
0x383: {  	v27 =	vld [tilespmem:s3+$0x300]  }
0x384: {  	v24 =	vld [tilespmem:s3+$0x0]  }
0x385: {  	v28 =	vld [tilespmem:s3+$0x600];
	v18 =	vsub.f32 v18, v25  }
.Ltmp11:
0x386: {  	v20 =	vld [tilespmem:s3+$0x100];
	v30 =	vsub.f32 v19, v21;
	(pc) =	sbr.rel @p1 .LBB2_25-.Ltmp11, $4  }
0x387: {  	v22 =	vld [tilespmem:s29+$0xFFFFFC00];
	v26 =	vsub.f32 v26, v23;
	v31 =	vmul.f32 v18, v11  }
0x388: {  	v18 =	vld [tilespmem:s29+$0xFFFFFE00];
	v32 =	vsub.f32 v27, v17  }
0x389: {  	v27 =	vmul.f32 v30, v11;
	v19 =	vld [tilespmem:s29+$0xFFFFFD00];
	v29 =	vmul.f32 v26, v11;
	v26 =	vadd.f32 v31, v25  }
0x38a: {  	v25 =	vld [tilespmem:s3+$0x200];
	v30 =	vmul.f32 v32, v11;
	v28 =	vsub.f32 v28, v16;
	s3 =	simm.s32 $0xC000  }
0x38b: {  	v23 =	vadd.f32 v29, v23;
	[tilespmem:s2+$0x73F] =	vst v26  }
0x38c: {  	[tilespmem:s2+$0x7E] =	vst v26  }
0x38d: {  	v21 =	vadd.f32 v27, v21;
	[tilespmem:s2+$0x48] =	vst v23  }
0x38e: {  	v17 =	vadd.f32 v30, v17;
	v26 =	vmul.f32 v28, v11;
	[tilespmem:s2+$0x709] =	vst v23  }
0x38f: {  	v24 =	vsub.f32 v24, v22;
	[tilespmem:s2+$0x71B] =	vst v21  }
0x390: {  	[tilespmem:s2+$0x6F7] =	vst v17;
	v16 =	vadd.f32 v26, v16  }
0x391: {  	[tilespmem:s2+$0x36] =	vst v17;
	v17 =	vmul.f32 v24, v11;
	v20 =	vsub.f32 v20, v19  }
0x392: {  	[tilespmem:s2+$0x72D] =	vst v16  }
0x393: {  	v23 =	vsub.f32 v25, v18;
	v17 =	vadd.f32 v17, v22;
	[tilespmem:s2+$0x6C] =	vst v16;
	v16 =	vmul.f32 v20, v11  }
0x394: {  	[tilespmem:s2+$0x5A] =	vst v21  }
0x395: {  	v22 =	vmul.f32 v23, v11;
	[tilespmem:s2+$0x6C1] =	vst v17;
	v16 =	vadd.f32 v16, v19  }
0x396: {  	[tilespmem:s2+$0x0] =	vst v17  }
0x397: {  	v18 =	vadd.f32 v22, v18;
	[tilespmem:s2+$0x6D3] =	vst v16  }
0x398: {  	[tilespmem:s2+$0x12] =	vst v16  }
0x399: {  	[tilespmem:s2+$0x24] =	vst v18  }
0x39a: {  	[tilespmem:s2+$0x6E5] =	vst v18  }
0x39b: {  	v16 =	vld [tilespmem:s26+$0x200]  }
0x39c: {  	v17 =	vld [tilespmem:s26+$0xFFFFFF00]  }
0x39d: {  	s1 =	sadd.s32 $0x10, s20;
	v23 =	vld [tilespmem:s26+$0x0]  }
0x39e: {  	s1 =	sand.u32 $0xFFFFFF80, s1;
	v20 =	vld [tilespmem:s26+$0x100]  }
0x39f: {  	s2 =	sor.u32 s19, s1;
	v25 =	vld [tilespmem:s26+$0x300]  }
0x3a0: {  	v18 =	vld [tilespmem:s2+$0x700]  }
0x3a1: {  	v19 =	vld [tilespmem:s2+$0x500]  }
0x3a2: {  	v26 =	vld [tilespmem:s2+$0x400]  }
0x3a3: {  	v27 =	vld [tilespmem:s2+$0x300]  }
0x3a4: {  	v24 =	vld [tilespmem:s2+$0x0]  }
0x3a5: {  	v28 =	vld [tilespmem:s2+$0x600];
	v18 =	vsub.f32 v18, v25  }
0x3a6: {  	v21 =	vld [tilespmem:s2+$0x100]  }
0x3a7: {  	v22 =	vld [tilespmem:s26+$0xFFFFFC00];
	v30 =	vsub.f32 v19, v20;
	v26 =	vsub.f32 v26, v23;
	v31 =	vmul.f32 v18, v12  }
0x3a8: {  	v32 =	vsub.f32 v27, v17;
	v19 =	vld [tilespmem:s26+$0xFFFFFD00]  }
0x3a9: {  	v18 =	vld [tilespmem:s26+$0xFFFFFE00];
	v29 =	vmul.f32 v26, v12;
	v27 =	vmul.f32 v30, v12;
	v26 =	vadd.f32 v31, v25  }
0x3aa: {  	s7 =	simm.s32 $0x810;
	s5 =	simm.s32 $0xC000;
	s1 =	simm.s32 $0xC000;
	v28 =	vsub.f32 v28, v16;
	v30 =	vmul.f32 v32, v12;
	v25 =	vld [tilespmem:s2+$0x200]  }
.LBB2_27:
0x3ab: {  	p1 =	sne.s32 s7, $0x5810;
	v23 =	vadd.f32 v29, v23;
	v20 =	vadd.f32 v27, v20;
	[tilespmem:s5+$0x73F] =	vst v26;
	s1 =	sadd.s32 $0x90, s1;
	s26 =	sadd.s32 $0x800, s26  }
0x3ac: {  	s8 =	smov.u32 s7;
	s7 =	sadd.s32 $0x800, s7;
	v24 =	vsub.f32 v24, v22;
	v17 =	vadd.f32 v30, v17;
	v27 =	vmul.f32 v28, v12;
	[tilespmem:s5+$0x7E] =	vst v26  }
0x3ad: {  	[tilespmem:s5+$0x709] =	vst v23  }
0x3ae: {  	v24 =	vmul.f32 v24, v12;
	[tilespmem:s5+$0x6F7] =	vst v17;
	v16 =	vadd.f32 v27, v16  }
0x3af: {  	v25 =	vsub.f32 v25, v18;
	[tilespmem:s5+$0x48] =	vst v23  }
0x3b0: {  	v21 =	vsub.f32 v21, v19;
	v22 =	vadd.f32 v24, v22;
	[tilespmem:s5+$0x36] =	vst v17  }
0x3b1: {  	v17 =	vmul.f32 v25, v12;
	[tilespmem:s5+$0x71B] =	vst v20  }
0x3b2: {  	v21 =	vmul.f32 v21, v12;
	[tilespmem:s5+$0x72D] =	vst v16  }
0x3b3: {  	v17 =	vadd.f32 v17, v18;
	[tilespmem:s5+$0x6C] =	vst v16  }
0x3b4: {  	v16 =	vadd.f32 v21, v19;
	[tilespmem:s5+$0x5A] =	vst v20  }
0x3b5: {  	[tilespmem:s5+$0x6C1] =	vst v22  }
0x3b6: {  	[tilespmem:s5+$0x0] =	vst v22  }
0x3b7: {  	[tilespmem:s5+$0x24] =	vst v17  }
0x3b8: {  	[tilespmem:s5+$0x6D3] =	vst v16  }
0x3b9: {  	[tilespmem:s5+$0x6E5] =	vst v17  }
0x3ba: {  	[tilespmem:s5+$0x12] =	vst v16;
	s5 =	smov.u32 s1  }
0x3bb: {  	v16 =	vld [tilespmem:s26+$0x200]  }
0x3bc: {  	v17 =	vld [tilespmem:s26+$0xFFFFFF00]  }
0x3bd: {  	s8 =	sadd.s32 s8, s20;
	v23 =	vld [tilespmem:s26+$0x0]  }
0x3be: {  	s8 =	sand.u32 $0xFFFFFF80, s8;
	v20 =	vld [tilespmem:s26+$0x100]  }
0x3bf: {  	s8 =	sor.u32 s19, s8;
	v25 =	vld [tilespmem:s26+$0x300]  }
0x3c0: {  	v18 =	vld [tilespmem:s8+$0x700]  }
0x3c1: {  	v19 =	vld [tilespmem:s8+$0x500]  }
0x3c2: {  	v26 =	vld [tilespmem:s8+$0x400]  }
0x3c3: {  	v27 =	vld [tilespmem:s8+$0x300]  }
0x3c4: {  	v24 =	vld [tilespmem:s8+$0x0]  }
0x3c5: {  	v28 =	vld [tilespmem:s8+$0x600];
	v18 =	vsub.f32 v18, v25  }
.Ltmp12:
0x3c6: {  	v21 =	vld [tilespmem:s8+$0x100];
	v30 =	vsub.f32 v19, v20;
	(pc) =	sbr.rel @p1 .LBB2_27-.Ltmp12, $4  }
0x3c7: {  	v22 =	vld [tilespmem:s26+$0xFFFFFC00];
	v26 =	vsub.f32 v26, v23;
	v31 =	vmul.f32 v18, v12  }
0x3c8: {  	v18 =	vld [tilespmem:s26+$0xFFFFFE00];
	v32 =	vsub.f32 v27, v17  }
0x3c9: {  	v27 =	vmul.f32 v30, v12;
	v19 =	vld [tilespmem:s26+$0xFFFFFD00];
	v29 =	vmul.f32 v26, v12;
	v26 =	vadd.f32 v31, v25  }
0x3ca: {  	v25 =	vld [tilespmem:s8+$0x200];
	v30 =	vmul.f32 v32, v12;
	v28 =	vsub.f32 v28, v16  }
0x3cb: {  	v23 =	vadd.f32 v29, v23;
	[tilespmem:s5+$0x73F] =	vst v26  }
0x3cc: {  	[tilespmem:s5+$0x7E] =	vst v26  }
0x3cd: {  	v20 =	vadd.f32 v27, v20;
	[tilespmem:s5+$0x709] =	vst v23  }
0x3ce: {  	v17 =	vadd.f32 v30, v17;
	v26 =	vmul.f32 v28, v12;
	[tilespmem:s5+$0x48] =	vst v23  }
0x3cf: {  	v24 =	vsub.f32 v24, v22;
	[tilespmem:s5+$0x71B] =	vst v20  }
0x3d0: {  	[tilespmem:s5+$0x6F7] =	vst v17;
	v16 =	vadd.f32 v26, v16  }
0x3d1: {  	[tilespmem:s5+$0x36] =	vst v17;
	v17 =	vmul.f32 v24, v12;
	v21 =	vsub.f32 v21, v19  }
0x3d2: {  	[tilespmem:s5+$0x72D] =	vst v16  }
0x3d3: {  	v23 =	vsub.f32 v25, v18;
	v17 =	vadd.f32 v17, v22;
	[tilespmem:s5+$0x6C] =	vst v16;
	v16 =	vmul.f32 v21, v12  }
0x3d4: {  	[tilespmem:s5+$0x5A] =	vst v20  }
0x3d5: {  	v22 =	vmul.f32 v23, v12;
	[tilespmem:s5+$0x6C1] =	vst v17;
	v16 =	vadd.f32 v16, v19  }
0x3d6: {  	[tilespmem:s5+$0x0] =	vst v17  }
0x3d7: {  	v18 =	vadd.f32 v22, v18;
	[tilespmem:s5+$0x6D3] =	vst v16  }
0x3d8: {  	[tilespmem:s5+$0x12] =	vst v16  }
0x3d9: {  	[tilespmem:s5+$0x24] =	vst v18  }
0x3da: {  	[tilespmem:s5+$0x6E5] =	vst v18  }
0x3db: {  	v16 =	vld [tilespmem:s25+$0x200]  }
0x3dc: {  	v17 =	vld [tilespmem:s25+$0xFFFFFF00]  }
0x3dd: {  	v23 =	vld [tilespmem:s25+$0x0]  }
0x3de: {  	v21 =	vld [tilespmem:s25+$0x100]  }
0x3df: {  	v25 =	vld [tilespmem:s25+$0x300]  }
0x3e0: {  	v18 =	vld [tilespmem:s2+$0x700]  }
0x3e1: {  	v19 =	vld [tilespmem:s2+$0x500]  }
0x3e2: {  	v26 =	vld [tilespmem:s2+$0x400]  }
0x3e3: {  	v27 =	vld [tilespmem:s2+$0x300]  }
0x3e4: {  	v24 =	vld [tilespmem:s2+$0x0]  }
0x3e5: {  	v28 =	vld [tilespmem:s2+$0x600];
	v18 =	vsub.f32 v18, v25  }
0x3e6: {  	v20 =	vld [tilespmem:s2+$0x100]  }
0x3e7: {  	v22 =	vld [tilespmem:s25+$0xFFFFFC00];
	v30 =	vsub.f32 v19, v21;
	v26 =	vsub.f32 v26, v23;
	v31 =	vmul.f32 v18, v13  }
0x3e8: {  	v32 =	vsub.f32 v27, v17;
	v19 =	vld [tilespmem:s25+$0xFFFFFD00]  }
0x3e9: {  	v18 =	vld [tilespmem:s25+$0xFFFFFE00];
	v29 =	vmul.f32 v26, v13;
	v27 =	vmul.f32 v30, v13;
	v26 =	vadd.f32 v31, v25  }
0x3ea: {  	s1 =	simm.s32 $0xC000;
	s5 =	simm.s32 $0x810;
	v28 =	vsub.f32 v28, v16;
	v30 =	vmul.f32 v32, v13;
	v25 =	vld [tilespmem:s2+$0x200]  }
.LBB2_29:
0x3eb: {  	p1 =	sne.s32 s5, $0x5810;
	v23 =	vadd.f32 v29, v23;
	v21 =	vadd.f32 v27, v21;
	[tilespmem:s3+$0x73F] =	vst v26;
	s1 =	sadd.s32 $0x90, s1;
	s25 =	sadd.s32 $0x800, s25  }
0x3ec: {  	s2 =	smov.u32 s5;
	s5 =	sadd.s32 $0x800, s5;
	v24 =	vsub.f32 v24, v22;
	v17 =	vadd.f32 v30, v17;
	v27 =	vmul.f32 v28, v13;
	[tilespmem:s3+$0x7E] =	vst v26  }
0x3ed: {  	[tilespmem:s3+$0x48] =	vst v23  }
0x3ee: {  	v24 =	vmul.f32 v24, v13;
	[tilespmem:s3+$0x6F7] =	vst v17;
	v16 =	vadd.f32 v27, v16  }
0x3ef: {  	v25 =	vsub.f32 v25, v18;
	[tilespmem:s3+$0x709] =	vst v23  }
0x3f0: {  	v20 =	vsub.f32 v20, v19;
	v22 =	vadd.f32 v24, v22;
	[tilespmem:s3+$0x36] =	vst v17  }
0x3f1: {  	v17 =	vmul.f32 v25, v13;
	[tilespmem:s3+$0x71B] =	vst v21  }
0x3f2: {  	v20 =	vmul.f32 v20, v13;
	[tilespmem:s3+$0x72D] =	vst v16  }
0x3f3: {  	v17 =	vadd.f32 v17, v18;
	[tilespmem:s3+$0x6C] =	vst v16  }
0x3f4: {  	v16 =	vadd.f32 v20, v19;
	[tilespmem:s3+$0x5A] =	vst v21  }
0x3f5: {  	[tilespmem:s3+$0x6C1] =	vst v22  }
0x3f6: {  	[tilespmem:s3+$0x0] =	vst v22  }
0x3f7: {  	[tilespmem:s3+$0x24] =	vst v17  }
0x3f8: {  	[tilespmem:s3+$0x6D3] =	vst v16  }
0x3f9: {  	[tilespmem:s3+$0x6E5] =	vst v17  }
0x3fa: {  	[tilespmem:s3+$0x12] =	vst v16;
	s3 =	smov.u32 s1  }
0x3fb: {  	v16 =	vld [tilespmem:s25+$0x200]  }
0x3fc: {  	v17 =	vld [tilespmem:s25+$0xFFFFFF00]  }
0x3fd: {  	s2 =	sadd.s32 s2, s20;
	v23 =	vld [tilespmem:s25+$0x0]  }
0x3fe: {  	s2 =	sand.u32 $0xFFFFFF80, s2;
	v21 =	vld [tilespmem:s25+$0x100]  }
0x3ff: {  	s2 =	sor.u32 s19, s2;
	v25 =	vld [tilespmem:s25+$0x300]  }
0x400: {  	v18 =	vld [tilespmem:s2+$0x700]  }
0x401: {  	v19 =	vld [tilespmem:s2+$0x500]  }
0x402: {  	v26 =	vld [tilespmem:s2+$0x400]  }
0x403: {  	v27 =	vld [tilespmem:s2+$0x300]  }
0x404: {  	v24 =	vld [tilespmem:s2+$0x0]  }
0x405: {  	v28 =	vld [tilespmem:s2+$0x600];
	v18 =	vsub.f32 v18, v25  }
.Ltmp13:
0x406: {  	v20 =	vld [tilespmem:s2+$0x100];
	v30 =	vsub.f32 v19, v21;
	(pc) =	sbr.rel @p1 .LBB2_29-.Ltmp13, $4  }
0x407: {  	v22 =	vld [tilespmem:s25+$0xFFFFFC00];
	v26 =	vsub.f32 v26, v23;
	v31 =	vmul.f32 v18, v13  }
0x408: {  	v18 =	vld [tilespmem:s25+$0xFFFFFE00];
	v32 =	vsub.f32 v27, v17  }
0x409: {  	v27 =	vmul.f32 v30, v13;
	v19 =	vld [tilespmem:s25+$0xFFFFFD00];
	v29 =	vmul.f32 v26, v13;
	v26 =	vadd.f32 v31, v25  }
0x40a: {  	v25 =	vld [tilespmem:s2+$0x200];
	v30 =	vmul.f32 v32, v13;
	v28 =	vsub.f32 v28, v16;
	s2 =	simm.s32 $0xC000  }
0x40b: {  	v23 =	vadd.f32 v29, v23;
	[tilespmem:s3+$0x73F] =	vst v26  }
0x40c: {  	[tilespmem:s3+$0x7E] =	vst v26  }
0x40d: {  	v21 =	vadd.f32 v27, v21;
	[tilespmem:s3+$0x48] =	vst v23  }
0x40e: {  	v17 =	vadd.f32 v30, v17;
	v26 =	vmul.f32 v28, v13;
	[tilespmem:s3+$0x709] =	vst v23  }
0x40f: {  	v24 =	vsub.f32 v24, v22;
	[tilespmem:s3+$0x71B] =	vst v21  }
0x410: {  	[tilespmem:s3+$0x6F7] =	vst v17;
	v16 =	vadd.f32 v26, v16  }
0x411: {  	[tilespmem:s3+$0x36] =	vst v17;
	v17 =	vmul.f32 v24, v13;
	v20 =	vsub.f32 v20, v19  }
0x412: {  	[tilespmem:s3+$0x72D] =	vst v16  }
0x413: {  	v23 =	vsub.f32 v25, v18;
	v17 =	vadd.f32 v17, v22;
	[tilespmem:s3+$0x6C] =	vst v16;
	v16 =	vmul.f32 v20, v13  }
0x414: {  	[tilespmem:s3+$0x5A] =	vst v21  }
0x415: {  	v22 =	vmul.f32 v23, v13;
	[tilespmem:s3+$0x6C1] =	vst v17;
	v16 =	vadd.f32 v16, v19  }
0x416: {  	[tilespmem:s3+$0x0] =	vst v17  }
0x417: {  	v18 =	vadd.f32 v22, v18;
	[tilespmem:s3+$0x6D3] =	vst v16  }
0x418: {  	[tilespmem:s3+$0x12] =	vst v16  }
0x419: {  	[tilespmem:s3+$0x24] =	vst v18  }
0x41a: {  	[tilespmem:s3+$0x6E5] =	vst v18  }
0x41b: {  	v16 =	vld [tilespmem:s24+$0x200]  }
0x41c: {  	v17 =	vld [tilespmem:s24+$0xFFFFFF00]  }
0x41d: {  	s1 =	sadd.s32 $0x10, s20;
	v23 =	vld [tilespmem:s24+$0x0]  }
0x41e: {  	s1 =	sand.u32 $0xFFFFFF80, s1;
	v20 =	vld [tilespmem:s24+$0x100]  }
0x41f: {  	s3 =	sor.u32 s19, s1;
	v25 =	vld [tilespmem:s24+$0x300]  }
0x420: {  	v18 =	vld [tilespmem:s3+$0x700]  }
0x421: {  	v19 =	vld [tilespmem:s3+$0x500]  }
0x422: {  	v26 =	vld [tilespmem:s3+$0x400]  }
0x423: {  	v27 =	vld [tilespmem:s3+$0x300]  }
0x424: {  	v24 =	vld [tilespmem:s3+$0x0]  }
0x425: {  	v28 =	vld [tilespmem:s3+$0x600];
	v18 =	vsub.f32 v18, v25  }
0x426: {  	v21 =	vld [tilespmem:s3+$0x100]  }
0x427: {  	v22 =	vld [tilespmem:s24+$0xFFFFFC00];
	v30 =	vsub.f32 v19, v20;
	v26 =	vsub.f32 v26, v23;
	v31 =	vmul.f32 v18, v14  }
0x428: {  	v32 =	vsub.f32 v27, v17;
	v19 =	vld [tilespmem:s24+$0xFFFFFD00]  }
0x429: {  	v18 =	vld [tilespmem:s24+$0xFFFFFE00];
	v29 =	vmul.f32 v26, v14;
	v27 =	vmul.f32 v30, v14;
	v26 =	vadd.f32 v31, v25  }
0x42a: {  	s7 =	simm.s32 $0x810;
	s5 =	simm.s32 $0xC000;
	s1 =	simm.s32 $0xC000;
	v28 =	vsub.f32 v28, v16;
	v30 =	vmul.f32 v32, v14;
	v25 =	vld [tilespmem:s3+$0x200]  }
.LBB2_31:
0x42b: {  	p1 =	sne.s32 s7, $0x5810;
	v23 =	vadd.f32 v29, v23;
	v20 =	vadd.f32 v27, v20;
	[tilespmem:s5+$0x73F] =	vst v26;
	s1 =	sadd.s32 $0x90, s1;
	s24 =	sadd.s32 $0x800, s24  }
0x42c: {  	s8 =	smov.u32 s7;
	s7 =	sadd.s32 $0x800, s7;
	v24 =	vsub.f32 v24, v22;
	v17 =	vadd.f32 v30, v17;
	v27 =	vmul.f32 v28, v14;
	[tilespmem:s5+$0x7E] =	vst v26  }
0x42d: {  	[tilespmem:s5+$0x709] =	vst v23  }
0x42e: {  	v24 =	vmul.f32 v24, v14;
	[tilespmem:s5+$0x6F7] =	vst v17;
	v16 =	vadd.f32 v27, v16  }
0x42f: {  	v25 =	vsub.f32 v25, v18;
	[tilespmem:s5+$0x48] =	vst v23  }
0x430: {  	v21 =	vsub.f32 v21, v19;
	v22 =	vadd.f32 v24, v22;
	[tilespmem:s5+$0x36] =	vst v17  }
0x431: {  	v17 =	vmul.f32 v25, v14;
	[tilespmem:s5+$0x71B] =	vst v20  }
0x432: {  	v21 =	vmul.f32 v21, v14;
	[tilespmem:s5+$0x72D] =	vst v16  }
0x433: {  	v17 =	vadd.f32 v17, v18;
	[tilespmem:s5+$0x6C] =	vst v16  }
0x434: {  	v16 =	vadd.f32 v21, v19;
	[tilespmem:s5+$0x5A] =	vst v20  }
0x435: {  	[tilespmem:s5+$0x6C1] =	vst v22  }
0x436: {  	[tilespmem:s5+$0x0] =	vst v22  }
0x437: {  	[tilespmem:s5+$0x24] =	vst v17  }
0x438: {  	[tilespmem:s5+$0x6D3] =	vst v16  }
0x439: {  	[tilespmem:s5+$0x6E5] =	vst v17  }
0x43a: {  	[tilespmem:s5+$0x12] =	vst v16;
	s5 =	smov.u32 s1  }
0x43b: {  	v16 =	vld [tilespmem:s24+$0x200]  }
0x43c: {  	v17 =	vld [tilespmem:s24+$0xFFFFFF00]  }
0x43d: {  	s8 =	sadd.s32 s8, s20;
	v23 =	vld [tilespmem:s24+$0x0]  }
0x43e: {  	s8 =	sand.u32 $0xFFFFFF80, s8;
	v20 =	vld [tilespmem:s24+$0x100]  }
0x43f: {  	s8 =	sor.u32 s19, s8;
	v25 =	vld [tilespmem:s24+$0x300]  }
0x440: {  	v18 =	vld [tilespmem:s8+$0x700]  }
0x441: {  	v19 =	vld [tilespmem:s8+$0x500]  }
0x442: {  	v26 =	vld [tilespmem:s8+$0x400]  }
0x443: {  	v27 =	vld [tilespmem:s8+$0x300]  }
0x444: {  	v24 =	vld [tilespmem:s8+$0x0]  }
0x445: {  	v28 =	vld [tilespmem:s8+$0x600];
	v18 =	vsub.f32 v18, v25  }
.Ltmp14:
0x446: {  	v21 =	vld [tilespmem:s8+$0x100];
	v30 =	vsub.f32 v19, v20;
	(pc) =	sbr.rel @p1 .LBB2_31-.Ltmp14, $4  }
0x447: {  	v22 =	vld [tilespmem:s24+$0xFFFFFC00];
	v26 =	vsub.f32 v26, v23;
	v31 =	vmul.f32 v18, v14  }
0x448: {  	v18 =	vld [tilespmem:s24+$0xFFFFFE00];
	v32 =	vsub.f32 v27, v17  }
0x449: {  	v27 =	vmul.f32 v30, v14;
	v19 =	vld [tilespmem:s24+$0xFFFFFD00];
	v29 =	vmul.f32 v26, v14;
	v26 =	vadd.f32 v31, v25  }
0x44a: {  	v25 =	vld [tilespmem:s8+$0x200];
	v30 =	vmul.f32 v32, v14;
	v28 =	vsub.f32 v28, v16  }
0x44b: {  	v23 =	vadd.f32 v29, v23;
	[tilespmem:s5+$0x73F] =	vst v26  }
0x44c: {  	[tilespmem:s5+$0x7E] =	vst v26  }
0x44d: {  	v20 =	vadd.f32 v27, v20;
	[tilespmem:s5+$0x709] =	vst v23  }
0x44e: {  	v17 =	vadd.f32 v30, v17;
	v26 =	vmul.f32 v28, v14;
	[tilespmem:s5+$0x48] =	vst v23  }
0x44f: {  	v24 =	vsub.f32 v24, v22;
	[tilespmem:s5+$0x71B] =	vst v20  }
0x450: {  	[tilespmem:s5+$0x6F7] =	vst v17;
	v16 =	vadd.f32 v26, v16  }
0x451: {  	[tilespmem:s5+$0x36] =	vst v17;
	v17 =	vmul.f32 v24, v14;
	v21 =	vsub.f32 v21, v19  }
0x452: {  	[tilespmem:s5+$0x72D] =	vst v16  }
0x453: {  	v23 =	vsub.f32 v25, v18;
	v17 =	vadd.f32 v17, v22;
	[tilespmem:s5+$0x6C] =	vst v16;
	v16 =	vmul.f32 v21, v14  }
0x454: {  	[tilespmem:s5+$0x5A] =	vst v20  }
0x455: {  	v22 =	vmul.f32 v23, v14;
	[tilespmem:s5+$0x6C1] =	vst v17;
	v16 =	vadd.f32 v16, v19  }
0x456: {  	[tilespmem:s5+$0x0] =	vst v17  }
0x457: {  	v18 =	vadd.f32 v22, v18;
	[tilespmem:s5+$0x6D3] =	vst v16  }
0x458: {  	[tilespmem:s5+$0x12] =	vst v16  }
0x459: {  	[tilespmem:s5+$0x24] =	vst v18  }
0x45a: {  	[tilespmem:s5+$0x6E5] =	vst v18  }
0x45b: {  	v16 =	vld [tilespmem:s22+$0x200]  }
0x45c: {  	v17 =	vld [tilespmem:s22+$0xFFFFFF00]  }
0x45d: {  	v23 =	vld [tilespmem:s22+$0x0]  }
0x45e: {  	v21 =	vld [tilespmem:s22+$0x100]  }
0x45f: {  	v25 =	vld [tilespmem:s22+$0x300]  }
0x460: {  	v18 =	vld [tilespmem:s3+$0x700]  }
0x461: {  	v19 =	vld [tilespmem:s3+$0x500]  }
0x462: {  	v26 =	vld [tilespmem:s3+$0x400]  }
0x463: {  	v27 =	vld [tilespmem:s3+$0x300]  }
0x464: {  	v24 =	vld [tilespmem:s3+$0x0]  }
0x465: {  	v28 =	vld [tilespmem:s3+$0x600];
	v18 =	vsub.f32 v18, v25  }
0x466: {  	v20 =	vld [tilespmem:s3+$0x100]  }
0x467: {  	v22 =	vld [tilespmem:s22+$0xFFFFFC00];
	v30 =	vsub.f32 v19, v21;
	v26 =	vsub.f32 v26, v23;
	v31 =	vmul.f32 v18, v15  }
0x468: {  	v32 =	vsub.f32 v27, v17;
	v19 =	vld [tilespmem:s22+$0xFFFFFD00]  }
0x469: {  	v18 =	vld [tilespmem:s22+$0xFFFFFE00];
	v29 =	vmul.f32 v26, v15;
	v27 =	vmul.f32 v30, v15;
	v26 =	vadd.f32 v31, v25  }
0x46a: {  	s1 =	simm.s32 $0xC000;
	s5 =	simm.s32 $0x810;
	v28 =	vsub.f32 v28, v16;
	v30 =	vmul.f32 v32, v15;
	v25 =	vld [tilespmem:s3+$0x200]  }
.LBB2_33:
0x46b: {  	p1 =	sne.s32 s5, $0x5810;
	v23 =	vadd.f32 v29, v23;
	v21 =	vadd.f32 v27, v21;
	[tilespmem:s2+$0x73F] =	vst v26;
	s1 =	sadd.s32 $0x90, s1;
	s22 =	sadd.s32 $0x800, s22  }
0x46c: {  	s3 =	smov.u32 s5;
	s5 =	sadd.s32 $0x800, s5;
	v24 =	vsub.f32 v24, v22;
	v17 =	vadd.f32 v30, v17;
	v27 =	vmul.f32 v28, v15;
	[tilespmem:s2+$0x7E] =	vst v26  }
0x46d: {  	[tilespmem:s2+$0x709] =	vst v23  }
0x46e: {  	v24 =	vmul.f32 v24, v15;
	[tilespmem:s2+$0x6F7] =	vst v17;
	v16 =	vadd.f32 v27, v16  }
0x46f: {  	v25 =	vsub.f32 v25, v18;
	[tilespmem:s2+$0x48] =	vst v23  }
0x470: {  	v20 =	vsub.f32 v20, v19;
	v22 =	vadd.f32 v24, v22;
	[tilespmem:s2+$0x36] =	vst v17  }
0x471: {  	v17 =	vmul.f32 v25, v15;
	[tilespmem:s2+$0x71B] =	vst v21  }
0x472: {  	v20 =	vmul.f32 v20, v15;
	[tilespmem:s2+$0x72D] =	vst v16  }
0x473: {  	v17 =	vadd.f32 v17, v18;
	[tilespmem:s2+$0x6C] =	vst v16  }
0x474: {  	v16 =	vadd.f32 v20, v19;
	[tilespmem:s2+$0x5A] =	vst v21  }
0x475: {  	[tilespmem:s2+$0x6C1] =	vst v22  }
0x476: {  	[tilespmem:s2+$0x0] =	vst v22  }
0x477: {  	[tilespmem:s2+$0x24] =	vst v17  }
0x478: {  	[tilespmem:s2+$0x6D3] =	vst v16  }
0x479: {  	[tilespmem:s2+$0x6E5] =	vst v17  }
0x47a: {  	[tilespmem:s2+$0x12] =	vst v16;
	s2 =	smov.u32 s1  }
0x47b: {  	v16 =	vld [tilespmem:s22+$0x200]  }
0x47c: {  	v17 =	vld [tilespmem:s22+$0xFFFFFF00]  }
0x47d: {  	s3 =	sadd.s32 s3, s20;
	v23 =	vld [tilespmem:s22+$0x0]  }
0x47e: {  	s3 =	sand.u32 $0xFFFFFF80, s3;
	v21 =	vld [tilespmem:s22+$0x100]  }
0x47f: {  	s3 =	sor.u32 s19, s3;
	v25 =	vld [tilespmem:s22+$0x300]  }
0x480: {  	v18 =	vld [tilespmem:s3+$0x700]  }
0x481: {  	v19 =	vld [tilespmem:s3+$0x500]  }
0x482: {  	v26 =	vld [tilespmem:s3+$0x400]  }
0x483: {  	v27 =	vld [tilespmem:s3+$0x300]  }
0x484: {  	v24 =	vld [tilespmem:s3+$0x0]  }
0x485: {  	v28 =	vld [tilespmem:s3+$0x600];
	v18 =	vsub.f32 v18, v25  }
.Ltmp15:
0x486: {  	v20 =	vld [tilespmem:s3+$0x100];
	v30 =	vsub.f32 v19, v21;
	(pc) =	sbr.rel @p1 .LBB2_33-.Ltmp15, $4  }
0x487: {  	v22 =	vld [tilespmem:s22+$0xFFFFFC00];
	v26 =	vsub.f32 v26, v23;
	v31 =	vmul.f32 v18, v15  }
0x488: {  	v18 =	vld [tilespmem:s22+$0xFFFFFE00];
	v32 =	vsub.f32 v27, v17  }
0x489: {  	v27 =	vmul.f32 v30, v15;
	v19 =	vld [tilespmem:s22+$0xFFFFFD00];
	v29 =	vmul.f32 v26, v15;
	v26 =	vadd.f32 v31, v25  }
0x48a: {  	v25 =	vld [tilespmem:s3+$0x200];
	v30 =	vmul.f32 v32, v15;
	v28 =	vsub.f32 v28, v16  }
0x48b: {  	v23 =	vadd.f32 v29, v23;
	[tilespmem:s2+$0x73F] =	vst v26  }
0x48c: {  	[tilespmem:s2+$0x7E] =	vst v26  }
0x48d: {  	v21 =	vadd.f32 v27, v21;
	[tilespmem:s2+$0x709] =	vst v23  }
0x48e: {  	v17 =	vadd.f32 v30, v17;
	v60 =	vmul.f32 v28, v15;
	[tilespmem:s2+$0x48] =	vst v23  }
0x48f: {  	v24 =	vsub.f32 v24, v22;
	[tilespmem:s2+$0x71B] =	vst v21  }
0x490: {  	[tilespmem:s2+$0x6F7] =	vst v17;
	v16 =	vadd.f32 v60, v16  }
0x491: {  	[tilespmem:s2+$0x36] =	vst v17;
	v17 =	vmul.f32 v24, v15;
	v20 =	vsub.f32 v20, v19  }
0x492: {  	[tilespmem:s2+$0x72D] =	vst v16  }
0x493: {  	v61 =	vsub.f32 v25, v18;
	v17 =	vadd.f32 v17, v22;
	[tilespmem:s2+$0x6C] =	vst v16;
	v16 =	vmul.f32 v20, v15  }
0x494: {  	[tilespmem:s2+$0x5A] =	vst v21  }
0x495: {  	v62 =	vmul.f32 v61, v15;
	[tilespmem:s2+$0x6C1] =	vst v17;
	v16 =	vadd.f32 v16, v19  }
0x496: {  	[tilespmem:s2+$0x0] =	vst v17  }
0x497: {  	v63 =	vadd.f32 v62, v18;
	[tilespmem:s2+$0x6D3] =	vst v16  }
0x498: {  	[tilespmem:s2+$0x12] =	vst v16  }
0x499: {  	s1 =	rddreg [dreg:$0x14];
	[tilespmem:s2+$0x24] =	vst v63  }
0x49a: {  	s26 =	simm.s32 $0x17E00;
	p1 =	sne.s32 s23, $0x4;
	s1 =	sadd.s32 s10, s1;
	[tilespmem:s2+$0x6E5] =	vst v63  }
0x49b: {  	[hbm4b:s1+s12] =	stream.linear.scatter [tilespmem:s26], [sflag:$0x5], $0x1000, $0x38;
	[tilespmem:$0x1B400] =	vst v63  }
.Ltmp16:
0x49c: {  	s28 =	rddreg [dreg:$0x15];
	(pc) =	sbr.rel @p1 .LBB2_2-.Ltmp16, $4  }
0x49d: {  	s29 =	simm.s32 $0x18E00;
	s30 =	rddreg [dreg:$0x16];
	s1 =	sadd.s32 s10, s28  }
0x49e: {  	[hbm4b:s1+s12] =	stream.linear.scatter [tilespmem:s29], [sflag:$0x5], $0x1000, $0x38;
	[tilespmem:$0x1B400] =	vst v63  }
0x49f: {  	s31 =	simm.s32 $0x19E00;
	p0 =	por !p0, !p0;
	s1 =	sadd.s32 s10, s30  }
0x4a0: {  	[hbm4b:s1+s12] =	stream.linear.scatter [tilespmem:s31], [sflag:$0x5], $0x1000, $0x38;
	[tilespmem:$0x1B400] =	vst v63  }
0x4a1: {  	s1 =	simm.s32 $0x4  }
0x4a2: {  	_ =	swait.ge [sflag:s1], $0x1000  }
0x4a3: {  	[sflag:s1] =	ssyncset.done $0x0  }
0x4a4: {  	[sflag:s1] =	ssyncadd.s32 $0xFFFFF000  }
0x4a5: {  	_ =	swait.ge [sflag:s1], $0x1000  }
0x4a6: {  	[sflag:s1] =	ssyncset.done $0x0  }
0x4a7: {  	[sflag:s1] =	ssyncadd.s32 $0xFFFFF000  }
0x4a8: {  	_ =	swait.ge [sflag:s1], $0x1000  }
0x4a9: {  	[sflag:s1] =	ssyncset.done $0x0  }
0x4aa: {  	s2 =	simm.s32 $0x5;
	[sflag:s1] =	ssyncadd.s32 $0xFFFFF000  }
0x4ab: {  	_ =	swait.ge [sflag:s2], $0x1000  }
0x4ac: {  	[sflag:s2] =	ssyncset.done $0x0  }
0x4ad: {  	[sflag:s2] =	ssyncadd.s32 $0xFFFFF000  }
0x4ae: {  	_ =	swait.ge [sflag:s2], $0x1000  }
0x4af: {  	[sflag:s2] =	ssyncset.done $0x0  }
0x4b0: {  	[sflag:s2] =	ssyncadd.s32 $0xFFFFF000  }
0x4b1: {  	_ =	swait.ge [sflag:s2], $0x1000  }
0x4b2: {  	s3 =	rddreg [dreg:$0x13]  }
0x4b3: {  	s31 =	rddreg [dreg:$0x12];
	s3 =	sadd.s32 $0x1, s3  }
0x4b4: {  	p0 =	sne.s32 s3, s31  }
.Ltmp17:
0x4b5: {  	_ = 	snop;
	(pc) =	sbr.rel @p0 .LBB2_1-.Ltmp17, $3  }
0x4b6: {  	_ =	sdelay $0x1  }
0x4b7: {  	[sflag:s2] =	ssyncset.done $0x0  }
0x4b8: {  	[sflag:s2] =	ssyncadd.s32 $0xFFFFF000  }
0x4b9: {  	_ =	sfence.sel $0x180000  }
0x4ba: {  	[bflag:$0x0] =	sbarrier.arrive $0xFFFF  }
0x4bb: {  	_ =	strace $0x90000047  }
0x4bc: {  	s0 =	stileid.u32;
	[bflag:$0x2] =	sbarrier.arrive $0xFFFF  }
0x4bd: {  	p0 =	sne.s32 s0, $0x0;
	s0 =	rddreg [dreg:$0x4]  }
0x4be: {  	s0 =	sadd.s32 @!p0 $0x100000, s0  }
0x4bf: {  	[sflag:s0] =	ssyncadd.tile.s32 @!p0 $0x1;
	_ =	shalt  }
.Lfunc_end2:
_tile_overlayer_lowered:
.L_overlay_start_2:
0x4c0: {  	(tag) =	ssettag $0x2  }
0x4c1: {  	s0 =	rddreg [dreg:$0x0];
	s2 =	stileid.u32  }
0x4c2: {  	s1 =	rddreg [dreg:$0x1];
	p0 =	sne.s32 s2, $0x0  }
0x4c3: {  	s3 =	rddreg [dreg:$0x2];
	[bflag:$0x3] =	sbarrier.arrive $0xFFFF;
	s2 =	simm.s32 @!p0 $0x1C06  }
0x4c4: {  	[timem:s3], [sflag:s2] =	dma.local @!p0 [hbm:s0], s1  }
0x4c5: {  	s0 =	simm.s32 @!p0 $0x6  }
0x4c6: {  	_ =	swait.ge @!p0 [sflag:s0], s1  }
0x4c7: {  	s1 =	ssub.s32 @!p0 $0x0, s1;
	[sflag:s0] =	ssyncset.done @!p0 $0x0  }
0x4c8: {  	[sflag:s0] =	ssyncadd.s32 @!p0 s1  }
0x4c9: {  	[bflag:$0x3] =	sbarrier.arrive $0xFFFF  }
0x4ca: {  	_ =	shalt  }

</sc_bundles>
